<compile_context>
chip_gen: v7x
topology: tpu7x:2x2x1
jax: 0.10.2.dev20260603
libtpu: 0.0.44.dev20260713+nightly
codegen_flags: <defaults>
</compile_context>

<pallas_src>
import functools

import jax
import jax.numpy as jnp
from jax import lax
from jax.experimental import pallas as pl
from jax.experimental.pallas import tpu as pltpu
from jax.experimental.pallas import tpu_sc as plsc

N = 10000
D = 128
E = 320000
NC = 2
NS = 16
NW = NC * NS
EPW = E // NW
K = 128
CHF = EPW // K
TAIL = EPW - CHF * K
NB = 2
NI = 6
ACC_R = 10240
RPT = ACC_R // NS
G_TAIL = N - (NS - 1) * RPT

_mesh = plsc.VectorSubcoreMesh(core_axis_name="c", subcore_axis_name="s")


@functools.partial(
    pl.kernel,
    mesh=_mesh,
    out_type=jax.ShapeDtypeStruct((NC, ACC_R), jnp.float32),
    scratch_types=[
        pltpu.VMEM((3, K), jnp.int32),
        pltpu.VMEM((16,), jnp.int32),
        pltpu.VMEM((K,), jnp.float32),
        pltpu.VMEM((640,), jnp.float32),
        pltpu.VMEM_SHARED((ACC_R,), jnp.float32),
    ] + [pltpu.SemaphoreType.DMA] * 3,
)
def _sc_degree(ei_hbm, out_hbm, idx_v, tidx_v, ones_v, init_v, dacc,
               si0, si1, si2):
    si = (si0, si1, si2)
    cid = lax.axis_index("c")
    sid = lax.axis_index("s")
    wid = sid * NC + cid
    for b in range(3):
        pltpu.async_copy(ei_hbm.at[1, wid, pl.ds(b * K, K)],
                         idx_v.at[b], si[b])
    one = jnp.float32(1.0)
    for i in range(K // 16):
        ones_v[pl.ds(16 * i, 16)] = jnp.full((16,), one, jnp.float32)
    init = jnp.where(cid == 0, one, jnp.float32(0.0))
    for i in range(640 // 16):
        init_v[pl.ds(16 * i, 16)] = jnp.full((16,), init, jnp.float32)
    pltpu.sync_copy(init_v.at[pl.ds(0, RPT)], dacc.at[pl.ds(sid * RPT, RPT)])
    plsc.subcore_barrier()

    def body(t, carry):
        j0 = 3 * t
        for u in range(3):
            j = j0 + u
            pltpu.make_async_copy(ei_hbm.at[1, wid, pl.ds(0, K)],
                                  idx_v.at[u], si[u]).wait()
            pltpu.sync_copy(ones_v, dacc.at[idx_v.at[u]], add=True)

            @pl.when(j + 3 < CHF)
            def _():
                pltpu.async_copy(ei_hbm.at[1, wid, pl.ds((j + 3) * K, K)],
                                 idx_v.at[u], si[u])
        return carry

    lax.fori_loop(0, CHF // 3, body, 0)
    pltpu.sync_copy(ei_hbm.at[1, wid, pl.ds(CHF * K, TAIL)], tidx_v)
    pltpu.sync_copy(ones_v.at[pl.ds(0, TAIL)], dacc.at[tidx_v], add=True)
    plsc.subcore_barrier()
    pltpu.sync_copy(dacc.at[pl.ds(sid * RPT, RPT)],
                    out_hbm.at[cid, pl.ds(sid * RPT, RPT)])


@functools.partial(
    pl.kernel,
    mesh=_mesh,
    out_type=jax.ShapeDtypeStruct((NC, ACC_R, D), jnp.float32),
    scratch_types=[
        pltpu.VMEM((NI, K), jnp.int32),
        pltpu.VMEM((NI, K), jnp.int32),
        pltpu.VMEM((16,), jnp.int32),
        pltpu.VMEM((16,), jnp.int32),
        pltpu.VMEM((NB, K, D), jnp.float32),
        pltpu.VMEM_SHARED((ACC_R, D), jnp.float32),
    ] + [pltpu.SemaphoreType.DMA] * (2 * NI + 2 * NB),
)
def _sc_scatter(g_hbm, ei_hbm, out_hbm,
                sidx_v, didx_v, tsrc_v, tdst_v, rows_v, acc,
                sa0, sa1, sa2, sa3, sa4, sa5,
                sb0, sb1, sb2, sb3, sb4, sb5,
                sg0, sg1, ss0, ss1):
    sa = (sa0, sa1, sa2, sa3, sa4, sa5)
    sb = (sb0, sb1, sb2, sb3, sb4, sb5)
    sg = (sg0, sg1)
    ss = (ss0, ss1)
    cid = lax.axis_index("c")
    sid = lax.axis_index("s")
    wid = sid * NC + cid

    for b in range(NI):
        pltpu.async_copy(ei_hbm.at[0, wid, pl.ds(b * K, K)],
                         sidx_v.at[b], sa[b])
        pltpu.async_copy(ei_hbm.at[1, wid, pl.ds(b * K, K)],
                         didx_v.at[b], sb[b])

    @pl.when(cid == 0)
    def _():
        @pl.when(sid < NS - 1)
        def _():
            pltpu.sync_copy(g_hbm.at[pl.ds(sid * RPT, RPT)],
                            acc.at[pl.ds(sid * RPT, RPT)])

        @pl.when(sid == NS - 1)
        def _():
            pltpu.sync_copy(g_hbm.at[pl.ds((NS - 1) * RPT, G_TAIL)],
                            acc.at[pl.ds((NS - 1) * RPT, G_TAIL)])
            pltpu.sync_copy(g_hbm.at[pl.ds(0, ACC_R - N)],
                            acc.at[pl.ds(N, ACC_R - N)])

    @pl.when(cid == 1)
    def _():
        def zrow(i, carry):
            for c in range(D // 16):
                rows_v[0, i, pl.ds(16 * c, 16)] = jnp.zeros((16,), jnp.float32)
            return carry

        lax.fori_loop(0, K, zrow, 0)
        for r in range(RPT // K):
            pltpu.sync_copy(rows_v.at[0],
                            acc.at[pl.ds(sid * RPT + r * K, K)])

    plsc.subcore_barrier()

    def body(t, carry):
        j0 = NI * t
        for u in range(NI):
            j = j0 + u
            rb = u % NB
            pb = (u - 1) % NI
            qb = (u - 2) % NI
            pltpu.make_async_copy(ei_hbm.at[0, wid, pl.ds(0, K)],
                                  sidx_v.at[u], sa[u]).wait()
            pltpu.make_async_copy(ei_hbm.at[1, wid, pl.ds(0, K)],
                                  didx_v.at[u], sb[u]).wait()

            def wait_prev_scatter():
                pltpu.make_async_copy(rows_v.at[rb],
                                      acc.at[didx_v.at[qb]], ss[rb]).wait()

            if u < 2:
                pl.when(t > 0)(wait_prev_scatter)
            else:
                wait_prev_scatter()
            pltpu.async_copy(g_hbm.at[sidx_v.at[u]], rows_v.at[rb], sg[rb])

            def service_prev():
                pltpu.make_async_copy(g_hbm.at[sidx_v.at[pb]],
                                      rows_v.at[1 - rb], sg[1 - rb]).wait()
                pltpu.async_copy(rows_v.at[1 - rb],
                                 acc.at[didx_v.at[pb]], ss[1 - rb], add=True)

            if u == 0:
                pl.when(t > 0)(service_prev)
            else:
                service_prev()

            @pl.when(jnp.logical_and(j >= 2, j + NI - 2 < CHF))
            def _():
                pltpu.async_copy(ei_hbm.at[0, wid, pl.ds((j + NI - 2) * K, K)],
                                 sidx_v.at[qb], sa[qb])
                pltpu.async_copy(ei_hbm.at[1, wid, pl.ds((j + NI - 2) * K, K)],
                                 didx_v.at[qb], sb[qb])
        return carry

    lax.fori_loop(0, CHF // NI, body, 0)
    lb = (CHF - 1) % NB
    pltpu.make_async_copy(g_hbm.at[sidx_v.at[NI - 1]],
                          rows_v.at[lb], sg[lb]).wait()
    pltpu.async_copy(rows_v.at[lb], acc.at[didx_v.at[NI - 1]], ss[lb],
                     add=True)
    pltpu.make_async_copy(rows_v.at[1 - lb],
                          acc.at[didx_v.at[NI - 2]], ss[1 - lb]).wait()
    pltpu.make_async_copy(rows_v.at[lb],
                          acc.at[didx_v.at[NI - 1]], ss[lb]).wait()
    pltpu.sync_copy(ei_hbm.at[0, wid, pl.ds(CHF * K, TAIL)], tsrc_v)
    pltpu.sync_copy(ei_hbm.at[1, wid, pl.ds(CHF * K, TAIL)], tdst_v)
    pltpu.async_copy(g_hbm.at[tsrc_v], rows_v.at[0, pl.ds(0, TAIL)],
                     sg[0]).wait()
    pltpu.sync_copy(rows_v.at[0, pl.ds(0, TAIL)], acc.at[tdst_v], add=True)
    plsc.subcore_barrier()
    pltpu.sync_copy(acc.at[pl.ds(sid * RPT, RPT)],
                    out_hbm.at[cid, pl.ds(sid * RPT, RPT)])


RB = 2000
_GRID = N // RB


def _row_spec(shape_tail):
    return pl.BlockSpec((RB,) + shape_tail, lambda i: (i,) + (0,) * len(shape_tail))


def _full_spec(shape):
    return pl.BlockSpec(shape, lambda i: (0,) * len(shape))


def _s_spec():
    return pl.BlockSpec((2, RB, D), lambda i: (0, i, 0))


def _mm_body(x_ref, w_ref, o_ref):
    o_ref[...] = jnp.dot(x_ref[...], w_ref[...],
                         preferred_element_type=jnp.float32)


def _tc_matmul(x, w):
    return pl.pallas_call(
        _mm_body,
        grid=(_GRID,),
        in_specs=[_row_spec((D,)), _full_spec((D, D))],
        out_specs=_row_spec((D,)),
        out_shape=jax.ShapeDtypeStruct((N, D), jnp.float32),
    )(x, w)


def _scale_body(p_ref, degp_ref, o_ref, dinv_ref):
    deg = degp_ref[0:1, :N] + degp_ref[1:2, :N]
    dinv = jnp.transpose(lax.rsqrt(deg), (1, 0))
    dinv_ref[...] = dinv
    o_ref[...] = p_ref[...] * dinv


def _tc_scale(p, degp):
    return pl.pallas_call(
        _scale_body,
        out_shape=(jax.ShapeDtypeStruct(p.shape, jnp.float32),
                   jax.ShapeDtypeStruct((N, 1), jnp.float32)),
    )(p, degp)


def _mid_body(s_ref, dinv_ref, b_ref, w_ref, o_ref):
    s = s_ref[0] + s_ref[1]
    h = jnp.maximum(dinv_ref[...] * s + b_ref[...], 0.0)
    o_ref[...] = dinv_ref[...] * jnp.dot(h, w_ref[...],
                                         preferred_element_type=jnp.float32)


def _tc_mid(S, dinv, b, w):
    return pl.pallas_call(
        _mid_body,
        grid=(_GRID,),
        in_specs=[_s_spec(), _row_spec((1,)), _full_spec((1, D)),
                  _full_spec((D, D))],
        out_specs=_row_spec((D,)),
        out_shape=jax.ShapeDtypeStruct((N, D), jnp.float32),
    )(S, dinv, b, w)


def _out_body(s_ref, dinv_ref, b_ref, wfc_ref, bfc_ref, o_ref):
    s = s_ref[0] + s_ref[1]
    h = jnp.maximum(dinv_ref[...] * s + b_ref[...], 0.0)
    logit = jnp.dot(h, wfc_ref[...],
                    preferred_element_type=jnp.float32) + bfc_ref[...]
    m = jnp.max(logit, axis=1, keepdims=True)
    ssum = jnp.sum(jnp.exp(logit - m), axis=1, keepdims=True)
    o_ref[...] = logit - m - jnp.log(ssum)


def _tc_out(S, dinv, b, wfc, bfc):
    return pl.pallas_call(
        _out_body,
        grid=(_GRID,),
        in_specs=[_s_spec(), _row_spec((1,)), _full_spec((1, D)),
                  _full_spec((D, 2)), _full_spec((1, 2))],
        out_specs=_row_spec((2,)),
        out_shape=jax.ShapeDtypeStruct((N, 2), jnp.float32),
    )(S, dinv, b, wfc, bfc)


def kernel(x, edge_index, W1, b1, W2, b2, Wfc, bfc):
    ei = edge_index.reshape(2, NW, EPW)

    degp = _sc_degree(ei)
    p1 = _tc_matmul(x, W1)
    g1, dinv = _tc_scale(p1, degp)
    S1 = _sc_scatter(g1, ei)
    g2 = _tc_mid(S1, dinv, b1.reshape(1, D), W2)
    S2 = _sc_scatter(g2, ei)
    return _tc_out(S2, dinv, b2.reshape(1, D), Wfc, bfc.reshape(1, 2))

# --- scband reference (transcript-rebuilt; emitter-appended) ---
"""Pipeline reference for scband-gcn-8770323219097 (READ-ONLY COPY).

The authoritative reference and input builder live on the scoring server;
editing this copy changes nothing except your own understanding.
"""

import jax, jax.numpy as jnp
import numpy as np

N_NODES = 10000
N_EDGES = 320000
D_IN = 128
D_HID = 128
D_OUT = 2


def setup_inputs(seed: int = 0) -> dict:
    key = jax.random.key(seed)
    ks = jax.random.split(key, 10)
    x = jax.random.normal(ks[0], (N_NODES, D_IN), dtype=jnp.float32)
    edge_index = jax.random.randint(ks[1], (2, N_EDGES), 0, N_NODES, dtype=jnp.int64 if jax.config.jax_enable_x64 else jnp.int32).astype(jnp.int32)
    # Glorot-style init for GCNConv weights, zeros for biases (PyG default)
    def glorot(k, fan_in, fan_out):
        limit = jnp.sqrt(6.0 / (fan_in + fan_out))
        return jax.random.uniform(k, (fan_in, fan_out), dtype=jnp.float32, minval=-limit, maxval=limit)
    W1 = glorot(ks[2], D_IN, D_HID)
    b1 = jnp.zeros((D_HID,), dtype=jnp.float32)
    W2 = glorot(ks[3], D_HID, D_HID)
    b2 = jnp.zeros((D_HID,), dtype=jnp.float32)
    # nn.Linear default init (uniform +- 1/sqrt(fan_in))
    lim = 1.0 / np.sqrt(D_HID)
    Wfc = jax.random.uniform(ks[4], (D_HID, D_OUT), dtype=jnp.float32, minval=-lim, maxval=lim)
    bfc = jax.random.uniform(ks[5], (D_OUT,), dtype=jnp.float32, minval=-lim, maxval=lim)
    return {"x": x, "edge_index": edge_index, "W1": W1, "b1": b1, "W2": W2, "b2": b2, "Wfc": Wfc, "bfc": bfc}


def _gcn_conv(x, src, dst, norm, W, b):
    # GCNConv: x' = D^-1/2 (A + I) D^-1/2 X W + b
    h = x @ W
    msgs = norm[:, None] * h[src]
    out = jnp.zeros((x.shape[0], W.shape[1]), dtype=h.dtype).at[dst].add(msgs)
    return out + b


def reference(x, edge_index, W1, b1, W2, b2, Wfc, bfc):
    N = x.shape[0]
    loops = jnp.arange(N, dtype=edge_index.dtype)
    src = jnp.concatenate([edge_index[0], loops])
    dst = jnp.concatenate([edge_index[1], loops])
    # symmetric normalization with degree computed on dst (PyG gcn_norm)
    deg = jnp.zeros((N,), dtype=jnp.float32).at[dst].add(1.0)
    dinv = jnp.where(deg > 0, 1.0 / jnp.sqrt(deg), 0.0)
    norm = dinv[src] * dinv[dst]
    h = jax.nn.relu(_gcn_conv(x, src, dst, norm, W1, b1))
    # dropout is identity in eval mode
    h = jax.nn.relu(_gcn_conv(h, src, dst, norm, W2, b2))
    logits = h @ Wfc + bfc
    return jax.nn.log_softmax(logits, axis=1)

if __name__ == "__main__":
    import jax
    _d = setup_inputs()
    print(jax.jit(kernel)(*tuple(_d.values())))

</pallas_src>

<mosaic_0001>
#map = affine_map<(d0, d1) -> (0, 0, 0)>
#map1 = affine_map<(d0, d1) -> (0, 0)>
module attributes {stable_mosaic.version = 14 : i64} {
  func.func @_sc_degree(%arg0: i32, %arg1: i32, %arg2: memref<2x32x10000xi32, #tpu.memory_space<hbm>>, %arg3: memref<2x10240xf32, #tpu.memory_space<hbm>>, %arg4: memref<3x128xi32, #tpu.memory_space<vmem>>, %arg5: memref<16xi32, #tpu.memory_space<vmem>>, %arg6: memref<128xf32, #tpu.memory_space<vmem>>, %arg7: memref<640xf32, #tpu.memory_space<vmem>>, %arg8: memref<10240xf32, #tpu.memory_space<vmem_shared>>, %arg9: memref<!tpu.dma_semaphore, #tpu.memory_space<semaphore_mem>>, %arg10: memref<!tpu.dma_semaphore, #tpu.memory_space<semaphore_mem>>, %arg11: memref<!tpu.dma_semaphore, #tpu.memory_space<semaphore_mem>>) attributes {dimension_semantics = [#tpu.dimension_semantics<core_parallel>, #tpu.dimension_semantics<subcore_parallel>], iteration_bounds = array<i64: 2, 16>, scalar_prefetch = 0 : i64, scratch_operands = 8 : i64, tpu.core_type = #tpu.core_type<sc_vector_subcore>, window_params = [{transform_indices = #map}, {transform_indices = #map1}]} {
    %mul3A = arith.constant 2 : i32
    %mul3A_0 = arith.muli %arg1, %mul3A : i32
    %add3A = arith.addi %mul3A_0, %arg0 : i32
    %dma_start3A = arith.constant 1 : i32
    %dma_start3A_1 = arith.constant 0 : i32
    %dma_start3A_2 = arith.constant 0 : i32
    %dma_start3A_3 = tpu.memref_slice %arg4[%dma_start3A_1, %dma_start3A_2] : memref<3x128xi32, #tpu.memory_space<vmem>> -> memref<1x128xi32, #tpu.memory_space<vmem>>
    %dma_start3A_4 = tpu.memref_squeeze %dma_start3A_3 : memref<1x128xi32, #tpu.memory_space<vmem>> -> memref<128xi32, #tpu.memory_space<vmem>>
    %dma_start3A_5 = arith.constant 0 : i32
    %dma_start3A_6 = tpu.memref_slice %arg2[%dma_start3A, %add3A, %dma_start3A_5] : memref<2x32x10000xi32, #tpu.memory_space<hbm>> -> memref<1x1x128xi32, #tpu.memory_space<hbm>>
    %dma_start3A_7 = tpu.memref_squeeze %dma_start3A_6 : memref<1x1x128xi32, #tpu.memory_space<hbm>> -> memref<128xi32, #tpu.memory_space<hbm>>
    %dma_start3A_8 = arith.constant 0 : i32
    %dma_start3A_9 = tpu.memref_slice %arg4[%dma_start3A_1, %dma_start3A_8] : memref<3x128xi32, #tpu.memory_space<vmem>> -> memref<1x128xi32, #tpu.memory_space<vmem>>
    %dma_start3A_10 = tpu.memref_squeeze %dma_start3A_9 : memref<1x128xi32, #tpu.memory_space<vmem>> -> memref<128xi32, #tpu.memory_space<vmem>>
    %dma_start3A_11 = arith.constant 0 : i32
    %dma_start3A_12 = tpu.memref_slice %arg2[%dma_start3A, %add3A, %dma_start3A_11] : memref<2x32x10000xi32, #tpu.memory_space<hbm>> -> memref<1x1x128xi32, #tpu.memory_space<hbm>>
    %dma_start3A_13 = tpu.memref_squeeze %dma_start3A_12 : memref<1x1x128xi32, #tpu.memory_space<hbm>> -> memref<128xi32, #tpu.memory_space<hbm>>
    tpu.enqueue_dma source(%dma_start3A_13 : memref<128xi32, #tpu.memory_space<hbm>>) target(%dma_start3A_10 : memref<128xi32, #tpu.memory_space<vmem>>) target_semaphore(%arg9 : memref<!tpu.dma_semaphore, #tpu.memory_space<semaphore_mem>>)
    %dma_start3A_14 = arith.constant 1 : i32
    %dma_start3A_15 = arith.constant 1 : i32
    %dma_start3A_16 = arith.constant 0 : i32
    %dma_start3A_17 = tpu.memref_slice %arg4[%dma_start3A_15, %dma_start3A_16] : memref<3x128xi32, #tpu.memory_space<vmem>> -> memref<1x128xi32, #tpu.memory_space<vmem>>
    %dma_start3A_18 = tpu.memref_squeeze %dma_start3A_17 : memref<1x128xi32, #tpu.memory_space<vmem>> -> memref<128xi32, #tpu.memory_space<vmem>>
    %dma_start3A_19 = arith.constant 128 : i32
    %dma_start3A_20 = tpu.memref_slice %arg2[%dma_start3A_14, %add3A, %dma_start3A_19] : memref<2x32x10000xi32, #tpu.memory_space<hbm>> -> memref<1x1x128xi32, #tpu.memory_space<hbm>>
    %dma_start3A_21 = tpu.memref_squeeze %dma_start3A_20 : memref<1x1x128xi32, #tpu.memory_space<hbm>> -> memref<128xi32, #tpu.memory_space<hbm>>
    %dma_start3A_22 = arith.constant 0 : i32
    %dma_start3A_23 = tpu.memref_slice %arg4[%dma_start3A_15, %dma_start3A_22] : memref<3x128xi32, #tpu.memory_space<vmem>> -> memref<1x128xi32, #tpu.memory_space<vmem>>
    %dma_start3A_24 = tpu.memref_squeeze %dma_start3A_23 : memref<1x128xi32, #tpu.memory_space<vmem>> -> memref<128xi32, #tpu.memory_space<vmem>>
    %dma_start3A_25 = arith.constant 128 : i32
    %dma_start3A_26 = tpu.memref_slice %arg2[%dma_start3A_14, %add3A, %dma_start3A_25] : memref<2x32x10000xi32, #tpu.memory_space<hbm>> -> memref<1x1x128xi32, #tpu.memory_space<hbm>>
    %dma_start3A_27 = tpu.memref_squeeze %dma_start3A_26 : memref<1x1x128xi32, #tpu.memory_space<hbm>> -> memref<128xi32, #tpu.memory_space<hbm>>
    tpu.enqueue_dma source(%dma_start3A_27 : memref<128xi32, #tpu.memory_space<hbm>>) target(%dma_start3A_24 : memref<128xi32, #tpu.memory_space<vmem>>) target_semaphore(%arg10 : memref<!tpu.dma_semaphore, #tpu.memory_space<semaphore_mem>>)
    %dma_start3A_28 = arith.constant 1 : i32
    %dma_start3A_29 = arith.constant 2 : i32
    %dma_start3A_30 = arith.constant 0 : i32
    %dma_start3A_31 = tpu.memref_slice %arg4[%dma_start3A_29, %dma_start3A_30] : memref<3x128xi32, #tpu.memory_space<vmem>> -> memref<1x128xi32, #tpu.memory_space<vmem>>
    %dma_start3A_32 = tpu.memref_squeeze %dma_start3A_31 : memref<1x128xi32, #tpu.memory_space<vmem>> -> memref<128xi32, #tpu.memory_space<vmem>>
    %dma_start3A_33 = arith.constant 256 : i32
    %dma_start3A_34 = tpu.memref_slice %arg2[%dma_start3A_28, %add3A, %dma_start3A_33] : memref<2x32x10000xi32, #tpu.memory_space<hbm>> -> memref<1x1x128xi32, #tpu.memory_space<hbm>>
    %dma_start3A_35 = tpu.memref_squeeze %dma_start3A_34 : memref<1x1x128xi32, #tpu.memory_space<hbm>> -> memref<128xi32, #tpu.memory_space<hbm>>
    %dma_start3A_36 = arith.constant 0 : i32
    %dma_start3A_37 = tpu.memref_slice %arg4[%dma_start3A_29, %dma_start3A_36] : memref<3x128xi32, #tpu.memory_space<vmem>> -> memref<1x128xi32, #tpu.memory_space<vmem>>
    %dma_start3A_38 = tpu.memref_squeeze %dma_start3A_37 : memref<1x128xi32, #tpu.memory_space<vmem>> -> memref<128xi32, #tpu.memory_space<vmem>>
    %dma_start3A_39 = arith.constant 256 : i32
    %dma_start3A_40 = tpu.memref_slice %arg2[%dma_start3A_28, %add3A, %dma_start3A_39] : memref<2x32x10000xi32, #tpu.memory_space<hbm>> -> memref<1x1x128xi32, #tpu.memory_space<hbm>>
    %dma_start3A_41 = tpu.memref_squeeze %dma_start3A_40 : memref<1x1x128xi32, #tpu.memory_space<hbm>> -> memref<128xi32, #tpu.memory_space<hbm>>
    tpu.enqueue_dma source(%dma_start3A_41 : memref<128xi32, #tpu.memory_space<hbm>>) target(%dma_start3A_38 : memref<128xi32, #tpu.memory_space<vmem>>) target_semaphore(%arg11 : memref<!tpu.dma_semaphore, #tpu.memory_space<semaphore_mem>>)
    %broadcast_in_dim3A = arith.constant 1.000000e+00 : f32
    %broadcast_in_dim3A_42 = vector.broadcast %broadcast_in_dim3A : f32 to vector<16xf32>
    %swap3A = arith.constant 0 : index
    %swap3A_43 = tpu.vector_load %arg6[%swap3A] {strides = array<i32>} : memref<128xf32, #tpu.memory_space<vmem>>, vector<16xf32>,
    %swap3A_44 = vector.shape_cast %swap3A_43 : vector<16xf32> to vector<16xf32>
    %swap3A_45 = vector.shape_cast %broadcast_in_dim3A_42 : vector<16xf32> to vector<16xf32>
    tpu.vector_store %arg6[%swap3A], %swap3A_45 {strides = array<i32>} : memref<128xf32, #tpu.memory_space<vmem>>, vector<16xf32>,
    %broadcast_in_dim3A_46 = arith.constant 1.000000e+00 : f32
    %broadcast_in_dim3A_47 = vector.broadcast %broadcast_in_dim3A_46 : f32 to vector<16xf32>
    %swap3A_48 = arith.constant 16 : index
    %swap3A_49 = tpu.vector_load %arg6[%swap3A_48] {strides = array<i32>} : memref<128xf32, #tpu.memory_space<vmem>>, vector<16xf32>,
    %swap3A_50 = vector.shape_cast %swap3A_49 : vector<16xf32> to vector<16xf32>
    %swap3A_51 = vector.shape_cast %broadcast_in_dim3A_47 : vector<16xf32> to vector<16xf32>
    tpu.vector_store %arg6[%swap3A_48], %swap3A_51 {strides = array<i32>} : memref<128xf32, #tpu.memory_space<vmem>>, vector<16xf32>,
    %broadcast_in_dim3A_52 = arith.constant 1.000000e+00 : f32
    %broadcast_in_dim3A_53 = vector.broadcast %broadcast_in_dim3A_52 : f32 to vector<16xf32>
    %swap3A_54 = arith.constant 32 : index
    %swap3A_55 = tpu.vector_load %arg6[%swap3A_54] {strides = array<i32>} : memref<128xf32, #tpu.memory_space<vmem>>, vector<16xf32>,
    %swap3A_56 = vector.shape_cast %swap3A_55 : vector<16xf32> to vector<16xf32>
    %swap3A_57 = vector.shape_cast %broadcast_in_dim3A_53 : vector<16xf32> to vector<16xf32>
    tpu.vector_store %arg6[%swap3A_54], %swap3A_57 {strides = array<i32>} : memref<128xf32, #tpu.memory_space<vmem>>, vector<16xf32>,
    %broadcast_in_dim3A_58 = arith.constant 1.000000e+00 : f32
    %broadcast_in_dim3A_59 = vector.broadcast %broadcast_in_dim3A_58 : f32 to vector<16xf32>
    %swap3A_60 = arith.constant 48 : index
    %swap3A_61 = tpu.vector_load %arg6[%swap3A_60] {strides = array<i32>} : memref<128xf32, #tpu.memory_space<vmem>>, vector<16xf32>,
    %swap3A_62 = vector.shape_cast %swap3A_61 : vector<16xf32> to vector<16xf32>
    %swap3A_63 = vector.shape_cast %broadcast_in_dim3A_59 : vector<16xf32> to vector<16xf32>
    tpu.vector_store %arg6[%swap3A_60], %swap3A_63 {strides = array<i32>} : memref<128xf32, #tpu.memory_space<vmem>>, vector<16xf32>,
    %broadcast_in_dim3A_64 = arith.constant 1.000000e+00 : f32
    %broadcast_in_dim3A_65 = vector.broadcast %broadcast_in_dim3A_64 : f32 to vector<16xf32>
    %swap3A_66 = arith.constant 64 : index
    %swap3A_67 = tpu.vector_load %arg6[%swap3A_66] {strides = array<i32>} : memref<128xf32, #tpu.memory_space<vmem>>, vector<16xf32>,
    %swap3A_68 = vector.shape_cast %swap3A_67 : vector<16xf32> to vector<16xf32>
    %swap3A_69 = vector.shape_cast %broadcast_in_dim3A_65 : vector<16xf32> to vector<16xf32>
    tpu.vector_store %arg6[%swap3A_66], %swap3A_69 {strides = array<i32>} : memref<128xf32, #tpu.memory_space<vmem>>, vector<16xf32>,
    %broadcast_in_dim3A_70 = arith.constant 1.000000e+00 : f32
    %broadcast_in_dim3A_71 = vector.broadcast %broadcast_in_dim3A_70 : f32 to vector<16xf32>
    %swap3A_72 = arith.constant 80 : index
    %swap3A_73 = tpu.vector_load %arg6[%swap3A_72] {strides = array<i32>} : memref<128xf32, #tpu.memory_space<vmem>>, vector<16xf32>,
    %swap3A_74 = vector.shape_cast %swap3A_73 : vector<16xf32> to vector<16xf32>
    %swap3A_75 = vector.shape_cast %broadcast_in_dim3A_71 : vector<16xf32> to vector<16xf32>
    tpu.vector_store %arg6[%swap3A_72], %swap3A_75 {strides = array<i32>} : memref<128xf32, #tpu.memory_space<vmem>>, vector<16xf32>,
    %broadcast_in_dim3A_76 = arith.constant 1.000000e+00 : f32
    %broadcast_in_dim3A_77 = vector.broadcast %broadcast_in_dim3A_76 : f32 to vector<16xf32>
    %swap3A_78 = arith.constant 96 : index
    %swap3A_79 = tpu.vector_load %arg6[%swap3A_78] {strides = array<i32>} : memref<128xf32, #tpu.memory_space<vmem>>, vector<16xf32>,
    %swap3A_80 = vector.shape_cast %swap3A_79 : vector<16xf32> to vector<16xf32>
    %swap3A_81 = vector.shape_cast %broadcast_in_dim3A_77 : vector<16xf32> to vector<16xf32>
    tpu.vector_store %arg6[%swap3A_78], %swap3A_81 {strides = array<i32>} : memref<128xf32, #tpu.memory_space<vmem>>, vector<16xf32>,
    %broadcast_in_dim3A_82 = arith.constant 1.000000e+00 : f32
    %broadcast_in_dim3A_83 = vector.broadcast %broadcast_in_dim3A_82 : f32 to vector<16xf32>
    %swap3A_84 = arith.constant 112 : index
    %swap3A_85 = tpu.vector_load %arg6[%swap3A_84] {strides = array<i32>} : memref<128xf32, #tpu.memory_space<vmem>>, vector<16xf32>,
    %swap3A_86 = vector.shape_cast %swap3A_85 : vector<16xf32> to vector<16xf32>
    %swap3A_87 = vector.shape_cast %broadcast_in_dim3A_83 : vector<16xf32> to vector<16xf32>
    tpu.vector_store %arg6[%swap3A_84], %swap3A_87 {strides = array<i32>} : memref<128xf32, #tpu.memory_space<vmem>>, vector<16xf32>,
    %eq3A = arith.constant 0 : i32
    %eq3A_88 = arith.cmpi eq, %arg0, %eq3A : i32
    %jit3A = arith.constant 1.000000e+00 : f32
    %jit3A_89 = arith.constant 0.000000e+00 : f32
    %select_n3A = arith.select %eq3A_88, %jit3A, %jit3A_89 : f32
    %broadcast_in_dim3A_90 = vector.broadcast %select_n3A : f32 to vector<16xf32>
    %swap3A_91 = arith.constant 0 : index
    %swap3A_92 = tpu.vector_load %arg7[%swap3A_91] {strides = array<i32>} : memref<640xf32, #tpu.memory_space<vmem>>, vector<16xf32>,
    %swap3A_93 = vector.shape_cast %swap3A_92 : vector<16xf32> to vector<16xf32>
    %swap3A_94 = vector.shape_cast %broadcast_in_dim3A_90 : vector<16xf32> to vector<16xf32>
    tpu.vector_store %arg7[%swap3A_91], %swap3A_94 {strides = array<i32>} : memref<640xf32, #tpu.memory_space<vmem>>, vector<16xf32>,
    %broadcast_in_dim3A_95 = vector.broadcast %select_n3A : f32 to vector<16xf32>
    %swap3A_96 = arith.constant 16 : index
    %swap3A_97 = tpu.vector_load %arg7[%swap3A_96] {strides = array<i32>} : memref<640xf32, #tpu.memory_space<vmem>>, vector<16xf32>,
    %swap3A_98 = vector.shape_cast %swap3A_97 : vector<16xf32> to vector<16xf32>
    %swap3A_99 = vector.shape_cast %broadcast_in_dim3A_95 : vector<16xf32> to vector<16xf32>
    tpu.vector_store %arg7[%swap3A_96], %swap3A_99 {strides = array<i32>} : memref<640xf32, #tpu.memory_space<vmem>>, vector<16xf32>,
    %broadcast_in_dim3A_100 = vector.broadcast %select_n3A : f32 to vector<16xf32>
    %swap3A_101 = arith.constant 32 : index
    %swap3A_102 = tpu.vector_load %arg7[%swap3A_101] {strides = array<i32>} : memref<640xf32, #tpu.memory_space<vmem>>, vector<16xf32>,
    %swap3A_103 = vector.shape_cast %swap3A_102 : vector<16xf32> to vector<16xf32>
    %swap3A_104 = vector.shape_cast %broadcast_in_dim3A_100 : vector<16xf32> to vector<16xf32>
    tpu.vector_store %arg7[%swap3A_101], %swap3A_104 {strides = array<i32>} : memref<640xf32, #tpu.memory_space<vmem>>, vector<16xf32>,
    %broadcast_in_dim3A_105 = vector.broadcast %select_n3A : f32 to vector<16xf32>
    %swap3A_106 = arith.constant 48 : index
    %swap3A_107 = tpu.vector_load %arg7[%swap3A_106] {strides = array<i32>} : memref<640xf32, #tpu.memory_space<vmem>>, vector<16xf32>,
    %swap3A_108 = vector.shape_cast %swap3A_107 : vector<16xf32> to vector<16xf32>
    %swap3A_109 = vector.shape_cast %broadcast_in_dim3A_105 : vector<16xf32> to vector<16xf32>
    tpu.vector_store %arg7[%swap3A_106], %swap3A_109 {strides = array<i32>} : memref<640xf32, #tpu.memory_space<vmem>>, vector<16xf32>,
    %broadcast_in_dim3A_110 = vector.broadcast %select_n3A : f32 to vector<16xf32>
    %swap3A_111 = arith.constant 64 : index
    %swap3A_112 = tpu.vector_load %arg7[%swap3A_111] {strides = array<i32>} : memref<640xf32, #tpu.memory_space<vmem>>, vector<16xf32>,
    %swap3A_113 = vector.shape_cast %swap3A_112 : vector<16xf32> to vector<16xf32>
    %swap3A_114 = vector.shape_cast %broadcast_in_dim3A_110 : vector<16xf32> to vector<16xf32>
    tpu.vector_store %arg7[%swap3A_111], %swap3A_114 {strides = array<i32>} : memref<640xf32, #tpu.memory_space<vmem>>, vector<16xf32>,
    %broadcast_in_dim3A_115 = vector.broadcast %select_n3A : f32 to vector<16xf32>
    %swap3A_116 = arith.constant 80 : index
    %swap3A_117 = tpu.vector_load %arg7[%swap3A_116] {strides = array<i32>} : memref<640xf32, #tpu.memory_space<vmem>>, vector<16xf32>,
    %swap3A_118 = vector.shape_cast %swap3A_117 : vector<16xf32> to vector<16xf32>
    %swap3A_119 = vector.shape_cast %broadcast_in_dim3A_115 : vector<16xf32> to vector<16xf32>
    tpu.vector_store %arg7[%swap3A_116], %swap3A_119 {strides = array<i32>} : memref<640xf32, #tpu.memory_space<vmem>>, vector<16xf32>,
    %broadcast_in_dim3A_120 = vector.broadcast %select_n3A : f32 to vector<16xf32>
    %swap3A_121 = arith.constant 96 : index
    %swap3A_122 = tpu.vector_load %arg7[%swap3A_121] {strides = array<i32>} : memref<640xf32, #tpu.memory_space<vmem>>, vector<16xf32>,
    %swap3A_123 = vector.shape_cast %swap3A_122 : vector<16xf32> to vector<16xf32>
    %swap3A_124 = vector.shape_cast %broadcast_in_dim3A_120 : vector<16xf32> to vector<16xf32>
    tpu.vector_store %arg7[%swap3A_121], %swap3A_124 {strides = array<i32>} : memref<640xf32, #tpu.memory_space<vmem>>, vector<16xf32>,
    %broadcast_in_dim3A_125 = vector.broadcast %select_n3A : f32 to vector<16xf32>
    %swap3A_126 = arith.constant 112 : index
    %swap3A_127 = tpu.vector_load %arg7[%swap3A_126] {strides = array<i32>} : memref<640xf32, #tpu.memory_space<vmem>>, vector<16xf32>,
    %swap3A_128 = vector.shape_cast %swap3A_127 : vector<16xf32> to vector<16xf32>
    %swap3A_129 = vector.shape_cast %broadcast_in_dim3A_125 : vector<16xf32> to vector<16xf32>
    tpu.vector_store %arg7[%swap3A_126], %swap3A_129 {strides = array<i32>} : memref<640xf32, #tpu.memory_space<vmem>>, vector<16xf32>,
    %broadcast_in_dim3A_130 = vector.broadcast %select_n3A : f32 to vector<16xf32>
    %swap3A_131 = arith.constant 128 : index
    %swap3A_132 = tpu.vector_load %arg7[%swap3A_131] {strides = array<i32>} : memref<640xf32, #tpu.memory_space<vmem>>, vector<16xf32>,
    %swap3A_133 = vector.shape_cast %swap3A_132 : vector<16xf32> to vector<16xf32>
    %swap3A_134 = vector.shape_cast %broadcast_in_dim3A_130 : vector<16xf32> to vector<16xf32>
    tpu.vector_store %arg7[%swap3A_131], %swap3A_134 {strides = array<i32>} : memref<640xf32, #tpu.memory_space<vmem>>, vector<16xf32>,
    %broadcast_in_dim3A_135 = vector.broadcast %select_n3A : f32 to vector<16xf32>
    %swap3A_136 = arith.constant 144 : index
    %swap3A_137 = tpu.vector_load %arg7[%swap3A_136] {strides = array<i32>} : memref<640xf32, #tpu.memory_space<vmem>>, vector<16xf32>,
    %swap3A_138 = vector.shape_cast %swap3A_137 : vector<16xf32> to vector<16xf32>
    %swap3A_139 = vector.shape_cast %broadcast_in_dim3A_135 : vector<16xf32> to vector<16xf32>
    tpu.vector_store %arg7[%swap3A_136], %swap3A_139 {strides = array<i32>} : memref<640xf32, #tpu.memory_space<vmem>>, vector<16xf32>,
    %broadcast_in_dim3A_140 = vector.broadcast %select_n3A : f32 to vector<16xf32>
    %swap3A_141 = arith.constant 160 : index
    %swap3A_142 = tpu.vector_load %arg7[%swap3A_141] {strides = array<i32>} : memref<640xf32, #tpu.memory_space<vmem>>, vector<16xf32>,
    %swap3A_143 = vector.shape_cast %swap3A_142 : vector<16xf32> to vector<16xf32>
    %swap3A_144 = vector.shape_cast %broadcast_in_dim3A_140 : vector<16xf32> to vector<16xf32>
    tpu.vector_store %arg7[%swap3A_141], %swap3A_144 {strides = array<i32>} : memref<640xf32, #tpu.memory_space<vmem>>, vector<16xf32>,
    %broadcast_in_dim3A_145 = vector.broadcast %select_n3A : f32 to vector<16xf32>
    %swap3A_146 = arith.constant 176 : index
    %swap3A_147 = tpu.vector_load %arg7[%swap3A_146] {strides = array<i32>} : memref<640xf32, #tpu.memory_space<vmem>>, vector<16xf32>,
    %swap3A_148 = vector.shape_cast %swap3A_147 : vector<16xf32> to vector<16xf32>
    %swap3A_149 = vector.shape_cast %broadcast_in_dim3A_145 : vector<16xf32> to vector<16xf32>
    tpu.vector_store %arg7[%swap3A_146], %swap3A_149 {strides = array<i32>} : memref<640xf32, #tpu.memory_space<vmem>>, vector<16xf32>,
    %broadcast_in_dim3A_150 = vector.broadcast %select_n3A : f32 to vector<16xf32>
    %swap3A_151 = arith.constant 192 : index
    %swap3A_152 = tpu.vector_load %arg7[%swap3A_151] {strides = array<i32>} : memref<640xf32, #tpu.memory_space<vmem>>, vector<16xf32>,
    %swap3A_153 = vector.shape_cast %swap3A_152 : vector<16xf32> to vector<16xf32>
    %swap3A_154 = vector.shape_cast %broadcast_in_dim3A_150 : vector<16xf32> to vector<16xf32>
    tpu.vector_store %arg7[%swap3A_151], %swap3A_154 {strides = array<i32>} : memref<640xf32, #tpu.memory_space<vmem>>, vector<16xf32>,
    %broadcast_in_dim3A_155 = vector.broadcast %select_n3A : f32 to vector<16xf32>
    %swap3A_156 = arith.constant 208 : index
    %swap3A_157 = tpu.vector_load %arg7[%swap3A_156] {strides = array<i32>} : memref<640xf32, #tpu.memory_space<vmem>>, vector<16xf32>,
    %swap3A_158 = vector.shape_cast %swap3A_157 : vector<16xf32> to vector<16xf32>
    %swap3A_159 = vector.shape_cast %broadcast_in_dim3A_155 : vector<16xf32> to vector<16xf32>
    tpu.vector_store %arg7[%swap3A_156], %swap3A_159 {strides = array<i32>} : memref<640xf32, #tpu.memory_space<vmem>>, vector<16xf32>,
    %broadcast_in_dim3A_160 = vector.broadcast %select_n3A : f32 to vector<16xf32>
    %swap3A_161 = arith.constant 224 : index
    %swap3A_162 = tpu.vector_load %arg7[%swap3A_161] {strides = array<i32>} : memref<640xf32, #tpu.memory_space<vmem>>, vector<16xf32>,
    %swap3A_163 = vector.shape_cast %swap3A_162 : vector<16xf32> to vector<16xf32>
    %swap3A_164 = vector.shape_cast %broadcast_in_dim3A_160 : vector<16xf32> to vector<16xf32>
    tpu.vector_store %arg7[%swap3A_161], %swap3A_164 {strides = array<i32>} : memref<640xf32, #tpu.memory_space<vmem>>, vector<16xf32>,
    %broadcast_in_dim3A_165 = vector.broadcast %select_n3A : f32 to vector<16xf32>
    %swap3A_166 = arith.constant 240 : index
    %swap3A_167 = tpu.vector_load %arg7[%swap3A_166] {strides = array<i32>} : memref<640xf32, #tpu.memory_space<vmem>>, vector<16xf32>,
    %swap3A_168 = vector.shape_cast %swap3A_167 : vector<16xf32> to vector<16xf32>
    %swap3A_169 = vector.shape_cast %broadcast_in_dim3A_165 : vector<16xf32> to vector<16xf32>
    tpu.vector_store %arg7[%swap3A_166], %swap3A_169 {strides = array<i32>} : memref<640xf32, #tpu.memory_space<vmem>>, vector<16xf32>,
    %broadcast_in_dim3A_170 = vector.broadcast %select_n3A : f32 to vector<16xf32>
    %swap3A_171 = arith.constant 256 : index
    %swap3A_172 = tpu.vector_load %arg7[%swap3A_171] {strides = array<i32>} : memref<640xf32, #tpu.memory_space<vmem>>, vector<16xf32>,
    %swap3A_173 = vector.shape_cast %swap3A_172 : vector<16xf32> to vector<16xf32>
    %swap3A_174 = vector.shape_cast %broadcast_in_dim3A_170 : vector<16xf32> to vector<16xf32>
    tpu.vector_store %arg7[%swap3A_171], %swap3A_174 {strides = array<i32>} : memref<640xf32, #tpu.memory_space<vmem>>, vector<16xf32>,
    %broadcast_in_dim3A_175 = vector.broadcast %select_n3A : f32 to vector<16xf32>
    %swap3A_176 = arith.constant 272 : index
    %swap3A_177 = tpu.vector_load %arg7[%swap3A_176] {strides = array<i32>} : memref<640xf32, #tpu.memory_space<vmem>>, vector<16xf32>,
    %swap3A_178 = vector.shape_cast %swap3A_177 : vector<16xf32> to vector<16xf32>
    %swap3A_179 = vector.shape_cast %broadcast_in_dim3A_175 : vector<16xf32> to vector<16xf32>
    tpu.vector_store %arg7[%swap3A_176], %swap3A_179 {strides = array<i32>} : memref<640xf32, #tpu.memory_space<vmem>>, vector<16xf32>,
    %broadcast_in_dim3A_180 = vector.broadcast %select_n3A : f32 to vector<16xf32>
    %swap3A_181 = arith.constant 288 : index
    %swap3A_182 = tpu.vector_load %arg7[%swap3A_181] {strides = array<i32>} : memref<640xf32, #tpu.memory_space<vmem>>, vector<16xf32>,
    %swap3A_183 = vector.shape_cast %swap3A_182 : vector<16xf32> to vector<16xf32>
    %swap3A_184 = vector.shape_cast %broadcast_in_dim3A_180 : vector<16xf32> to vector<16xf32>
    tpu.vector_store %arg7[%swap3A_181], %swap3A_184 {strides = array<i32>} : memref<640xf32, #tpu.memory_space<vmem>>, vector<16xf32>,
    %broadcast_in_dim3A_185 = vector.broadcast %select_n3A : f32 to vector<16xf32>
    %swap3A_186 = arith.constant 304 : index
    %swap3A_187 = tpu.vector_load %arg7[%swap3A_186] {strides = array<i32>} : memref<640xf32, #tpu.memory_space<vmem>>, vector<16xf32>,
    %swap3A_188 = vector.shape_cast %swap3A_187 : vector<16xf32> to vector<16xf32>
    %swap3A_189 = vector.shape_cast %broadcast_in_dim3A_185 : vector<16xf32> to vector<16xf32>
    tpu.vector_store %arg7[%swap3A_186], %swap3A_189 {strides = array<i32>} : memref<640xf32, #tpu.memory_space<vmem>>, vector<16xf32>,
    %broadcast_in_dim3A_190 = vector.broadcast %select_n3A : f32 to vector<16xf32>
    %swap3A_191 = arith.constant 320 : index
    %swap3A_192 = tpu.vector_load %arg7[%swap3A_191] {strides = array<i32>} : memref<640xf32, #tpu.memory_space<vmem>>, vector<16xf32>,
    %swap3A_193 = vector.shape_cast %swap3A_192 : vector<16xf32> to vector<16xf32>
    %swap3A_194 = vector.shape_cast %broadcast_in_dim3A_190 : vector<16xf32> to vector<16xf32>
    tpu.vector_store %arg7[%swap3A_191], %swap3A_194 {strides = array<i32>} : memref<640xf32, #tpu.memory_space<vmem>>, vector<16xf32>,
    %broadcast_in_dim3A_195 = vector.broadcast %select_n3A : f32 to vector<16xf32>
    %swap3A_196 = arith.constant 336 : index
    %swap3A_197 = tpu.vector_load %arg7[%swap3A_196] {strides = array<i32>} : memref<640xf32, #tpu.memory_space<vmem>>, vector<16xf32>,
    %swap3A_198 = vector.shape_cast %swap3A_197 : vector<16xf32> to vector<16xf32>
    %swap3A_199 = vector.shape_cast %broadcast_in_dim3A_195 : vector<16xf32> to vector<16xf32>
    tpu.vector_store %arg7[%swap3A_196], %swap3A_199 {strides = array<i32>} : memref<640xf32, #tpu.memory_space<vmem>>, vector<16xf32>,
    %broadcast_in_dim3A_200 = vector.broadcast %select_n3A : f32 to vector<16xf32>
    %swap3A_201 = arith.constant 352 : index
    %swap3A_202 = tpu.vector_load %arg7[%swap3A_201] {strides = array<i32>} : memref<640xf32, #tpu.memory_space<vmem>>, vector<16xf32>,
    %swap3A_203 = vector.shape_cast %swap3A_202 : vector<16xf32> to vector<16xf32>
    %swap3A_204 = vector.shape_cast %broadcast_in_dim3A_200 : vector<16xf32> to vector<16xf32>
    tpu.vector_store %arg7[%swap3A_201], %swap3A_204 {strides = array<i32>} : memref<640xf32, #tpu.memory_space<vmem>>, vector<16xf32>,
    %broadcast_in_dim3A_205 = vector.broadcast %select_n3A : f32 to vector<16xf32>
    %swap3A_206 = arith.constant 368 : index
    %swap3A_207 = tpu.vector_load %arg7[%swap3A_206] {strides = array<i32>} : memref<640xf32, #tpu.memory_space<vmem>>, vector<16xf32>,
    %swap3A_208 = vector.shape_cast %swap3A_207 : vector<16xf32> to vector<16xf32>
    %swap3A_209 = vector.shape_cast %broadcast_in_dim3A_205 : vector<16xf32> to vector<16xf32>
    tpu.vector_store %arg7[%swap3A_206], %swap3A_209 {strides = array<i32>} : memref<640xf32, #tpu.memory_space<vmem>>, vector<16xf32>,
    %broadcast_in_dim3A_210 = vector.broadcast %select_n3A : f32 to vector<16xf32>
    %swap3A_211 = arith.constant 384 : index
    %swap3A_212 = tpu.vector_load %arg7[%swap3A_211] {strides = array<i32>} : memref<640xf32, #tpu.memory_space<vmem>>, vector<16xf32>,
    %swap3A_213 = vector.shape_cast %swap3A_212 : vector<16xf32> to vector<16xf32>
    %swap3A_214 = vector.shape_cast %broadcast_in_dim3A_210 : vector<16xf32> to vector<16xf32>
    tpu.vector_store %arg7[%swap3A_211], %swap3A_214 {strides = array<i32>} : memref<640xf32, #tpu.memory_space<vmem>>, vector<16xf32>,
    %broadcast_in_dim3A_215 = vector.broadcast %select_n3A : f32 to vector<16xf32>
    %swap3A_216 = arith.constant 400 : index
    %swap3A_217 = tpu.vector_load %arg7[%swap3A_216] {strides = array<i32>} : memref<640xf32, #tpu.memory_space<vmem>>, vector<16xf32>,
    %swap3A_218 = vector.shape_cast %swap3A_217 : vector<16xf32> to vector<16xf32>
    %swap3A_219 = vector.shape_cast %broadcast_in_dim3A_215 : vector<16xf32> to vector<16xf32>
    tpu.vector_store %arg7[%swap3A_216], %swap3A_219 {strides = array<i32>} : memref<640xf32, #tpu.memory_space<vmem>>, vector<16xf32>,
    %broadcast_in_dim3A_220 = vector.broadcast %select_n3A : f32 to vector<16xf32>
    %swap3A_221 = arith.constant 416 : index
    %swap3A_222 = tpu.vector_load %arg7[%swap3A_221] {strides = array<i32>} : memref<640xf32, #tpu.memory_space<vmem>>, vector<16xf32>,
    %swap3A_223 = vector.shape_cast %swap3A_222 : vector<16xf32> to vector<16xf32>
    %swap3A_224 = vector.shape_cast %broadcast_in_dim3A_220 : vector<16xf32> to vector<16xf32>
    tpu.vector_store %arg7[%swap3A_221], %swap3A_224 {strides = array<i32>} : memref<640xf32, #tpu.memory_space<vmem>>, vector<16xf32>,
    %broadcast_in_dim3A_225 = vector.broadcast %select_n3A : f32 to vector<16xf32>
    %swap3A_226 = arith.constant 432 : index
    %swap3A_227 = tpu.vector_load %arg7[%swap3A_226] {strides = array<i32>} : memref<640xf32, #tpu.memory_space<vmem>>, vector<16xf32>,
    %swap3A_228 = vector.shape_cast %swap3A_227 : vector<16xf32> to vector<16xf32>
    %swap3A_229 = vector.shape_cast %broadcast_in_dim3A_225 : vector<16xf32> to vector<16xf32>
    tpu.vector_store %arg7[%swap3A_226], %swap3A_229 {strides = array<i32>} : memref<640xf32, #tpu.memory_space<vmem>>, vector<16xf32>,
    %broadcast_in_dim3A_230 = vector.broadcast %select_n3A : f32 to vector<16xf32>
    %swap3A_231 = arith.constant 448 : index
    %swap3A_232 = tpu.vector_load %arg7[%swap3A_231] {strides = array<i32>} : memref<640xf32, #tpu.memory_space<vmem>>, vector<16xf32>,
    %swap3A_233 = vector.shape_cast %swap3A_232 : vector<16xf32> to vector<16xf32>
    %swap3A_234 = vector.shape_cast %broadcast_in_dim3A_230 : vector<16xf32> to vector<16xf32>
    tpu.vector_store %arg7[%swap3A_231], %swap3A_234 {strides = array<i32>} : memref<640xf32, #tpu.memory_space<vmem>>, vector<16xf32>,
    %broadcast_in_dim3A_235 = vector.broadcast %select_n3A : f32 to vector<16xf32>
    %swap3A_236 = arith.constant 464 : index
    %swap3A_237 = tpu.vector_load %arg7[%swap3A_236] {strides = array<i32>} : memref<640xf32, #tpu.memory_space<vmem>>, vector<16xf32>,
    %swap3A_238 = vector.shape_cast %swap3A_237 : vector<16xf32> to vector<16xf32>
    %swap3A_239 = vector.shape_cast %broadcast_in_dim3A_235 : vector<16xf32> to vector<16xf32>
    tpu.vector_store %arg7[%swap3A_236], %swap3A_239 {strides = array<i32>} : memref<640xf32, #tpu.memory_space<vmem>>, vector<16xf32>,
    %broadcast_in_dim3A_240 = vector.broadcast %select_n3A : f32 to vector<16xf32>
    %swap3A_241 = arith.constant 480 : index
    %swap3A_242 = tpu.vector_load %arg7[%swap3A_241] {strides = array<i32>} : memref<640xf32, #tpu.memory_space<vmem>>, vector<16xf32>,
    %swap3A_243 = vector.shape_cast %swap3A_242 : vector<16xf32> to vector<16xf32>
    %swap3A_244 = vector.shape_cast %broadcast_in_dim3A_240 : vector<16xf32> to vector<16xf32>
    tpu.vector_store %arg7[%swap3A_241], %swap3A_244 {strides = array<i32>} : memref<640xf32, #tpu.memory_space<vmem>>, vector<16xf32>,
    %broadcast_in_dim3A_245 = vector.broadcast %select_n3A : f32 to vector<16xf32>
    %swap3A_246 = arith.constant 496 : index
    %swap3A_247 = tpu.vector_load %arg7[%swap3A_246] {strides = array<i32>} : memref<640xf32, #tpu.memory_space<vmem>>, vector<16xf32>,
    %swap3A_248 = vector.shape_cast %swap3A_247 : vector<16xf32> to vector<16xf32>
    %swap3A_249 = vector.shape_cast %broadcast_in_dim3A_245 : vector<16xf32> to vector<16xf32>
    tpu.vector_store %arg7[%swap3A_246], %swap3A_249 {strides = array<i32>} : memref<640xf32, #tpu.memory_space<vmem>>, vector<16xf32>,
    %broadcast_in_dim3A_250 = vector.broadcast %select_n3A : f32 to vector<16xf32>
    %swap3A_251 = arith.constant 512 : index
    %swap3A_252 = tpu.vector_load %arg7[%swap3A_251] {strides = array<i32>} : memref<640xf32, #tpu.memory_space<vmem>>, vector<16xf32>,
    %swap3A_253 = vector.shape_cast %swap3A_252 : vector<16xf32> to vector<16xf32>
    %swap3A_254 = vector.shape_cast %broadcast_in_dim3A_250 : vector<16xf32> to vector<16xf32>
    tpu.vector_store %arg7[%swap3A_251], %swap3A_254 {strides = array<i32>} : memref<640xf32, #tpu.memory_space<vmem>>, vector<16xf32>,
    %broadcast_in_dim3A_255 = vector.broadcast %select_n3A : f32 to vector<16xf32>
    %swap3A_256 = arith.constant 528 : index
    %swap3A_257 = tpu.vector_load %arg7[%swap3A_256] {strides = array<i32>} : memref<640xf32, #tpu.memory_space<vmem>>, vector<16xf32>,
    %swap3A_258 = vector.shape_cast %swap3A_257 : vector<16xf32> to vector<16xf32>
    %swap3A_259 = vector.shape_cast %broadcast_in_dim3A_255 : vector<16xf32> to vector<16xf32>
    tpu.vector_store %arg7[%swap3A_256], %swap3A_259 {strides = array<i32>} : memref<640xf32, #tpu.memory_space<vmem>>, vector<16xf32>,
    %broadcast_in_dim3A_260 = vector.broadcast %select_n3A : f32 to vector<16xf32>
    %swap3A_261 = arith.constant 544 : index
    %swap3A_262 = tpu.vector_load %arg7[%swap3A_261] {strides = array<i32>} : memref<640xf32, #tpu.memory_space<vmem>>, vector<16xf32>,
    %swap3A_263 = vector.shape_cast %swap3A_262 : vector<16xf32> to vector<16xf32>
    %swap3A_264 = vector.shape_cast %broadcast_in_dim3A_260 : vector<16xf32> to vector<16xf32>
    tpu.vector_store %arg7[%swap3A_261], %swap3A_264 {strides = array<i32>} : memref<640xf32, #tpu.memory_space<vmem>>, vector<16xf32>,
    %broadcast_in_dim3A_265 = vector.broadcast %select_n3A : f32 to vector<16xf32>
    %swap3A_266 = arith.constant 560 : index
    %swap3A_267 = tpu.vector_load %arg7[%swap3A_266] {strides = array<i32>} : memref<640xf32, #tpu.memory_space<vmem>>, vector<16xf32>,
    %swap3A_268 = vector.shape_cast %swap3A_267 : vector<16xf32> to vector<16xf32>
    %swap3A_269 = vector.shape_cast %broadcast_in_dim3A_265 : vector<16xf32> to vector<16xf32>
    tpu.vector_store %arg7[%swap3A_266], %swap3A_269 {strides = array<i32>} : memref<640xf32, #tpu.memory_space<vmem>>, vector<16xf32>,
    %broadcast_in_dim3A_270 = vector.broadcast %select_n3A : f32 to vector<16xf32>
    %swap3A_271 = arith.constant 576 : index
    %swap3A_272 = tpu.vector_load %arg7[%swap3A_271] {strides = array<i32>} : memref<640xf32, #tpu.memory_space<vmem>>, vector<16xf32>,
    %swap3A_273 = vector.shape_cast %swap3A_272 : vector<16xf32> to vector<16xf32>
    %swap3A_274 = vector.shape_cast %broadcast_in_dim3A_270 : vector<16xf32> to vector<16xf32>
    tpu.vector_store %arg7[%swap3A_271], %swap3A_274 {strides = array<i32>} : memref<640xf32, #tpu.memory_space<vmem>>, vector<16xf32>,
    %broadcast_in_dim3A_275 = vector.broadcast %select_n3A : f32 to vector<16xf32>
    %swap3A_276 = arith.constant 592 : index
    %swap3A_277 = tpu.vector_load %arg7[%swap3A_276] {strides = array<i32>} : memref<640xf32, #tpu.memory_space<vmem>>, vector<16xf32>,
    %swap3A_278 = vector.shape_cast %swap3A_277 : vector<16xf32> to vector<16xf32>
    %swap3A_279 = vector.shape_cast %broadcast_in_dim3A_275 : vector<16xf32> to vector<16xf32>
    tpu.vector_store %arg7[%swap3A_276], %swap3A_279 {strides = array<i32>} : memref<640xf32, #tpu.memory_space<vmem>>, vector<16xf32>,
    %broadcast_in_dim3A_280 = vector.broadcast %select_n3A : f32 to vector<16xf32>
    %swap3A_281 = arith.constant 608 : index
    %swap3A_282 = tpu.vector_load %arg7[%swap3A_281] {strides = array<i32>} : memref<640xf32, #tpu.memory_space<vmem>>, vector<16xf32>,
    %swap3A_283 = vector.shape_cast %swap3A_282 : vector<16xf32> to vector<16xf32>
    %swap3A_284 = vector.shape_cast %broadcast_in_dim3A_280 : vector<16xf32> to vector<16xf32>
    tpu.vector_store %arg7[%swap3A_281], %swap3A_284 {strides = array<i32>} : memref<640xf32, #tpu.memory_space<vmem>>, vector<16xf32>,
    %broadcast_in_dim3A_285 = vector.broadcast %select_n3A : f32 to vector<16xf32>
    %swap3A_286 = arith.constant 624 : index
    %swap3A_287 = tpu.vector_load %arg7[%swap3A_286] {strides = array<i32>} : memref<640xf32, #tpu.memory_space<vmem>>, vector<16xf32>,
    %swap3A_288 = vector.shape_cast %swap3A_287 : vector<16xf32> to vector<16xf32>
    %swap3A_289 = vector.shape_cast %broadcast_in_dim3A_285 : vector<16xf32> to vector<16xf32>
    tpu.vector_store %arg7[%swap3A_286], %swap3A_289 {strides = array<i32>} : memref<640xf32, #tpu.memory_space<vmem>>, vector<16xf32>,
    %mul3A_290 = arith.constant 640 : i32
    %mul3A_291 = arith.muli %arg1, %mul3A_290 : i32
    "tpu.region"() ({
      %run_scoped3A_302 = tpu.sem_alloc : memref<!tpu.dma_semaphore, #tpu.memory_space<semaphore_mem>>
      %dma_start3A_303 = arith.constant 0 : i32
      %dma_start3A_304 = tpu.memref_slice %arg7[%dma_start3A_303] : memref<640xf32, #tpu.memory_space<vmem>> -> memref<640xf32, #tpu.memory_space<vmem>>
      %dma_start3A_305 = tpu.memref_slice %arg8[%mul3A_291] : memref<10240xf32, #tpu.memory_space<vmem_shared>> -> memref<640xf32, #tpu.memory_space<vmem_shared>>
      %dma_start3A_306 = tpu.memref_slice %arg8[%mul3A_291] : memref<10240xf32, #tpu.memory_space<vmem_shared>> -> memref<640xf32, #tpu.memory_space<vmem_shared>>
      %dma_start3A_307 = arith.constant 0 : i32
      %dma_start3A_308 = tpu.memref_slice %arg7[%dma_start3A_307] : memref<640xf32, #tpu.memory_space<vmem>> -> memref<640xf32, #tpu.memory_space<vmem>>
      tpu.enqueue_dma source(%dma_start3A_308 : memref<640xf32, #tpu.memory_space<vmem>>) target(%dma_start3A_306 : memref<640xf32, #tpu.memory_space<vmem_shared>>) target_semaphore(%run_scoped3A_302 : memref<!tpu.dma_semaphore, #tpu.memory_space<semaphore_mem>>)
      %dma_wait3A = arith.constant 0 : i32
      %dma_wait3A_309 = tpu.memref_slice %arg7[%dma_wait3A] : memref<640xf32, #tpu.memory_space<vmem>> -> memref<640xf32, #tpu.memory_space<vmem>>
      %dma_wait3A_310 = tpu.memref_slice %arg8[%mul3A_291] : memref<10240xf32, #tpu.memory_space<vmem_shared>> -> memref<640xf32, #tpu.memory_space<vmem_shared>>
      %dma_wait3A_311 = tpu.memref_slice %arg8[%mul3A_291] : memref<10240xf32, #tpu.memory_space<vmem_shared>> -> memref<640xf32, #tpu.memory_space<vmem_shared>>
      %dma_wait3A_312 = arith.constant 0 : i32
      %dma_wait3A_313 = tpu.memref_slice %arg7[%dma_wait3A_312] : memref<640xf32, #tpu.memory_space<vmem>> -> memref<640xf32, #tpu.memory_space<vmem>>
      tpu.wait_dma2 semaphore(%run_scoped3A_302 : memref<!tpu.dma_semaphore, #tpu.memory_space<semaphore_mem>>) src(%dma_wait3A_313 : memref<640xf32, #tpu.memory_space<vmem>>) dst(%dma_wait3A_311 : memref<640xf32, #tpu.memory_space<vmem_shared>>)
      tpu.yield
    }) : () -> ()
    %barrier3A = arith.constant 0 : index
    tpu.barrier barrier_id(%barrier3A)
    %scan3A = arith.constant 0 : i32
    %scan3A_292 = arith.constant 0 : i32
    %scan3A_293 = arith.constant 26 : i32
    %scan3A_294 = arith.addi %scan3A_292, %scan3A_293 : i32
    %scan3A_295 = arith.constant 1 : i32
    scf.for %scan3A_302 = %scan3A_292 to %scan3A_294 step %scan3A_295  : i32 {
      %mul3A_303 = arith.constant 3 : i32
      %mul3A_304 = arith.muli %mul3A_303, %scan3A_302 : i32
      %add3A_305 = arith.constant 0 : i32
      %add3A_306 = arith.addi %mul3A_304, %add3A_305 : i32
      %dma_wait3A = arith.constant 1 : i32
      %dma_wait3A_307 = arith.constant 0 : i32
      %dma_wait3A_308 = arith.constant 0 : i32
      %dma_wait3A_309 = tpu.memref_slice %arg4[%dma_wait3A_307, %dma_wait3A_308] : memref<3x128xi32, #tpu.memory_space<vmem>> -> memref<1x128xi32, #tpu.memory_space<vmem>>
      %dma_wait3A_310 = tpu.memref_squeeze %dma_wait3A_309 : memref<1x128xi32, #tpu.memory_space<vmem>> -> memref<128xi32, #tpu.memory_space<vmem>>
      %dma_wait3A_311 = arith.constant 0 : i32
      %dma_wait3A_312 = tpu.memref_slice %arg2[%dma_wait3A, %add3A, %dma_wait3A_311] : memref<2x32x10000xi32, #tpu.memory_space<hbm>> -> memref<1x1x128xi32, #tpu.memory_space<hbm>>
      %dma_wait3A_313 = tpu.memref_squeeze %dma_wait3A_312 : memref<1x1x128xi32, #tpu.memory_space<hbm>> -> memref<128xi32, #tpu.memory_space<hbm>>
      %dma_wait3A_314 = arith.constant 0 : i32
      %dma_wait3A_315 = tpu.memref_slice %arg4[%dma_wait3A_307, %dma_wait3A_314] : memref<3x128xi32, #tpu.memory_space<vmem>> -> memref<1x128xi32, #tpu.memory_space<vmem>>
      %dma_wait3A_316 = tpu.memref_squeeze %dma_wait3A_315 : memref<1x128xi32, #tpu.memory_space<vmem>> -> memref<128xi32, #tpu.memory_space<vmem>>
      %dma_wait3A_317 = arith.constant 0 : i32
      %dma_wait3A_318 = tpu.memref_slice %arg2[%dma_wait3A, %add3A, %dma_wait3A_317] : memref<2x32x10000xi32, #tpu.memory_space<hbm>> -> memref<1x1x128xi32, #tpu.memory_space<hbm>>
      %dma_wait3A_319 = tpu.memref_squeeze %dma_wait3A_318 : memref<1x1x128xi32, #tpu.memory_space<hbm>> -> memref<128xi32, #tpu.memory_space<hbm>>
      tpu.wait_dma2 semaphore(%arg9 : memref<!tpu.dma_semaphore, #tpu.memory_space<semaphore_mem>>) src(%dma_wait3A_319 : memref<128xi32, #tpu.memory_space<hbm>>) dst(%dma_wait3A_316 : memref<128xi32, #tpu.memory_space<vmem>>)
      %run_scoped3A_320 = arith.constant 0 : i32
      "tpu.region"() ({
        %run_scoped3A_373 = tpu.sem_alloc : memref<!tpu.dma_semaphore, #tpu.memory_space<semaphore_mem>>
        %dma_start3A_374 = arith.constant 0 : i32
        %dma_start3A_375 = tpu.memref_slice %arg4[%run_scoped3A_320, %dma_start3A_374] : memref<3x128xi32, #tpu.memory_space<vmem>> -> memref<1x128xi32, #tpu.memory_space<vmem>>
        %dma_start3A_376 = tpu.memref_squeeze %dma_start3A_375 : memref<1x128xi32, #tpu.memory_space<vmem>> -> memref<128xi32, #tpu.memory_space<vmem>>
        %dma_start3A_377 = arith.constant 0 : i32
        %dma_start3A_378 = tpu.memref_slice %arg8[%dma_start3A_377] : memref<10240xf32, #tpu.memory_space<vmem_shared>> -> memref<10240xf32, #tpu.memory_space<vmem_shared>>
        tpu.enqueue_indirect_dma source(%arg6 : memref<128xf32, #tpu.memory_space<vmem>>) target(%dma_start3A_378 : memref<10240xf32, #tpu.memory_space<vmem_shared>>) offsets(%dma_start3A_376 : memref<128xi32, #tpu.memory_space<vmem>>) semaphore(%run_scoped3A_373 : memref<!tpu.dma_semaphore, #tpu.memory_space<semaphore_mem>>) {add = true}
        %dma_wait3A_379 = arith.constant 0 : i32
        %dma_wait3A_380 = tpu.memref_slice %arg4[%run_scoped3A_320, %dma_wait3A_379] : memref<3x128xi32, #tpu.memory_space<vmem>> -> memref<1x128xi32, #tpu.memory_space<vmem>>
        %dma_wait3A_381 = tpu.memref_squeeze %dma_wait3A_380 : memref<1x128xi32, #tpu.memory_space<vmem>> -> memref<128xi32, #tpu.memory_space<vmem>>
        %dma_wait3A_382 = arith.constant 0 : i32
        %dma_wait3A_383 = tpu.memref_slice %arg8[%dma_wait3A_382] : memref<10240xf32, #tpu.memory_space<vmem_shared>> -> memref<10240xf32, #tpu.memory_space<vmem_shared>>
        tpu.wait_indirect_dma semaphore(%run_scoped3A_373 : memref<!tpu.dma_semaphore, #tpu.memory_space<semaphore_mem>>) src(%arg6 : memref<128xf32, #tpu.memory_space<vmem>>) dst(%dma_wait3A_383 : memref<10240xf32, #tpu.memory_space<vmem_shared>>)
        tpu.yield
      }) : () -> ()
      %add3A_321 = arith.constant 3 : i32
      %add3A_322 = arith.addi %add3A_306, %add3A_321 : i32
      %lt3A = arith.constant 78 : i32
      %lt3A_323 = arith.cmpi slt, %add3A_322, %lt3A : i32
      %convert_element_type3A = arith.extui %lt3A_323 : i1 to i32
      %cond3A = arith.constant 0 : i32
      %cond3A_324 = arith.cmpi ne, %convert_element_type3A, %cond3A : i32
      scf.if %cond3A_324 {
        %add3A_373 = arith.constant 3 : i32
        %add3A_374 = arith.addi %add3A_306, %add3A_373 : i32
        %mul3A_375 = arith.constant 128 : i32
        %mul3A_376 = arith.muli %add3A_374, %mul3A_375 : i32
        %dma_start3A_377 = arith.constant 1 : i32
        %dma_start3A_378 = arith.constant 0 : i32
        %dma_start3A_379 = arith.constant 0 : i32
        %dma_start3A_380 = tpu.memref_slice %arg4[%dma_start3A_378, %dma_start3A_379] : memref<3x128xi32, #tpu.memory_space<vmem>> -> memref<1x128xi32, #tpu.memory_space<vmem>>
        %dma_start3A_381 = tpu.memref_squeeze %dma_start3A_380 : memref<1x128xi32, #tpu.memory_space<vmem>> -> memref<128xi32, #tpu.memory_space<vmem>>
        %dma_start3A_382 = tpu.memref_slice %arg2[%dma_start3A_377, %add3A, %mul3A_376] : memref<2x32x10000xi32, #tpu.memory_space<hbm>> -> memref<1x1x128xi32, #tpu.memory_space<hbm>>
        %dma_start3A_383 = tpu.memref_squeeze %dma_start3A_382 : memref<1x1x128xi32, #tpu.memory_space<hbm>> -> memref<128xi32, #tpu.memory_space<hbm>>
        %dma_start3A_384 = arith.constant 0 : i32
        %dma_start3A_385 = tpu.memref_slice %arg4[%dma_start3A_378, %dma_start3A_384] : memref<3x128xi32, #tpu.memory_space<vmem>> -> memref<1x128xi32, #tpu.memory_space<vmem>>
        %dma_start3A_386 = tpu.memref_squeeze %dma_start3A_385 : memref<1x128xi32, #tpu.memory_space<vmem>> -> memref<128xi32, #tpu.memory_space<vmem>>
        %dma_start3A_387 = tpu.memref_slice %arg2[%dma_start3A_377, %add3A, %mul3A_376] : memref<2x32x10000xi32, #tpu.memory_space<hbm>> -> memref<1x1x128xi32, #tpu.memory_space<hbm>>
        %dma_start3A_388 = tpu.memref_squeeze %dma_start3A_387 : memref<1x1x128xi32, #tpu.memory_space<hbm>> -> memref<128xi32, #tpu.memory_space<hbm>>
        tpu.enqueue_dma source(%dma_start3A_388 : memref<128xi32, #tpu.memory_space<hbm>>) target(%dma_start3A_386 : memref<128xi32, #tpu.memory_space<vmem>>) target_semaphore(%arg9 : memref<!tpu.dma_semaphore, #tpu.memory_space<semaphore_mem>>)
      } else {
      }
      %add3A_325 = arith.constant 1 : i32
      %add3A_326 = arith.addi %mul3A_304, %add3A_325 : i32
      %dma_wait3A_327 = arith.constant 1 : i32
      %dma_wait3A_328 = arith.constant 1 : i32
      %dma_wait3A_329 = arith.constant 0 : i32
      %dma_wait3A_330 = tpu.memref_slice %arg4[%dma_wait3A_328, %dma_wait3A_329] : memref<3x128xi32, #tpu.memory_space<vmem>> -> memref<1x128xi32, #tpu.memory_space<vmem>>
      %dma_wait3A_331 = tpu.memref_squeeze %dma_wait3A_330 : memref<1x128xi32, #tpu.memory_space<vmem>> -> memref<128xi32, #tpu.memory_space<vmem>>
      %dma_wait3A_332 = arith.constant 0 : i32
      %dma_wait3A_333 = tpu.memref_slice %arg2[%dma_wait3A_327, %add3A, %dma_wait3A_332] : memref<2x32x10000xi32, #tpu.memory_space<hbm>> -> memref<1x1x128xi32, #tpu.memory_space<hbm>>
      %dma_wait3A_334 = tpu.memref_squeeze %dma_wait3A_333 : memref<1x1x128xi32, #tpu.memory_space<hbm>> -> memref<128xi32, #tpu.memory_space<hbm>>
      %dma_wait3A_335 = arith.constant 0 : i32
      %dma_wait3A_336 = tpu.memref_slice %arg4[%dma_wait3A_328, %dma_wait3A_335] : memref<3x128xi32, #tpu.memory_space<vmem>> -> memref<1x128xi32, #tpu.memory_space<vmem>>
      %dma_wait3A_337 = tpu.memref_squeeze %dma_wait3A_336 : memref<1x128xi32, #tpu.memory_space<vmem>> -> memref<128xi32, #tpu.memory_space<vmem>>
      %dma_wait3A_338 = arith.constant 0 : i32
      %dma_wait3A_339 = tpu.memref_slice %arg2[%dma_wait3A_327, %add3A, %dma_wait3A_338] : memref<2x32x10000xi32, #tpu.memory_space<hbm>> -> memref<1x1x128xi32, #tpu.memory_space<hbm>>
      %dma_wait3A_340 = tpu.memref_squeeze %dma_wait3A_339 : memref<1x1x128xi32, #tpu.memory_space<hbm>> -> memref<128xi32, #tpu.memory_space<hbm>>
      tpu.wait_dma2 semaphore(%arg10 : memref<!tpu.dma_semaphore, #tpu.memory_space<semaphore_mem>>) src(%dma_wait3A_340 : memref<128xi32, #tpu.memory_space<hbm>>) dst(%dma_wait3A_337 : memref<128xi32, #tpu.memory_space<vmem>>)
      %run_scoped3A_341 = arith.constant 1 : i32
      "tpu.region"() ({
        %run_scoped3A_373 = tpu.sem_alloc : memref<!tpu.dma_semaphore, #tpu.memory_space<semaphore_mem>>
        %dma_start3A_374 = arith.constant 0 : i32
        %dma_start3A_375 = tpu.memref_slice %arg4[%run_scoped3A_341, %dma_start3A_374] : memref<3x128xi32, #tpu.memory_space<vmem>> -> memref<1x128xi32, #tpu.memory_space<vmem>>
        %dma_start3A_376 = tpu.memref_squeeze %dma_start3A_375 : memref<1x128xi32, #tpu.memory_space<vmem>> -> memref<128xi32, #tpu.memory_space<vmem>>
        %dma_start3A_377 = arith.constant 0 : i32
        %dma_start3A_378 = tpu.memref_slice %arg8[%dma_start3A_377] : memref<10240xf32, #tpu.memory_space<vmem_shared>> -> memref<10240xf32, #tpu.memory_space<vmem_shared>>
        tpu.enqueue_indirect_dma source(%arg6 : memref<128xf32, #tpu.memory_space<vmem>>) target(%dma_start3A_378 : memref<10240xf32, #tpu.memory_space<vmem_shared>>) offsets(%dma_start3A_376 : memref<128xi32, #tpu.memory_space<vmem>>) semaphore(%run_scoped3A_373 : memref<!tpu.dma_semaphore, #tpu.memory_space<semaphore_mem>>) {add = true}
        %dma_wait3A_379 = arith.constant 0 : i32
        %dma_wait3A_380 = tpu.memref_slice %arg4[%run_scoped3A_341, %dma_wait3A_379] : memref<3x128xi32, #tpu.memory_space<vmem>> -> memref<1x128xi32, #tpu.memory_space<vmem>>
        %dma_wait3A_381 = tpu.memref_squeeze %dma_wait3A_380 : memref<1x128xi32, #tpu.memory_space<vmem>> -> memref<128xi32, #tpu.memory_space<vmem>>
        %dma_wait3A_382 = arith.constant 0 : i32
        %dma_wait3A_383 = tpu.memref_slice %arg8[%dma_wait3A_382] : memref<10240xf32, #tpu.memory_space<vmem_shared>> -> memref<10240xf32, #tpu.memory_space<vmem_shared>>
        tpu.wait_indirect_dma semaphore(%run_scoped3A_373 : memref<!tpu.dma_semaphore, #tpu.memory_space<semaphore_mem>>) src(%arg6 : memref<128xf32, #tpu.memory_space<vmem>>) dst(%dma_wait3A_383 : memref<10240xf32, #tpu.memory_space<vmem_shared>>)
        tpu.yield
      }) : () -> ()
      %add3A_342 = arith.constant 3 : i32
      %add3A_343 = arith.addi %add3A_326, %add3A_342 : i32
      %lt3A_344 = arith.constant 78 : i32
      %lt3A_345 = arith.cmpi slt, %add3A_343, %lt3A_344 : i32
      %convert_element_type3A_346 = arith.extui %lt3A_345 : i1 to i32
      %cond3A_347 = arith.constant 0 : i32
      %cond3A_348 = arith.cmpi ne, %convert_element_type3A_346, %cond3A_347 : i32
      scf.if %cond3A_348 {
        %add3A_373 = arith.constant 3 : i32
        %add3A_374 = arith.addi %add3A_326, %add3A_373 : i32
        %mul3A_375 = arith.constant 128 : i32
        %mul3A_376 = arith.muli %add3A_374, %mul3A_375 : i32
        %dma_start3A_377 = arith.constant 1 : i32
        %dma_start3A_378 = arith.constant 1 : i32
        %dma_start3A_379 = arith.constant 0 : i32
        %dma_start3A_380 = tpu.memref_slice %arg4[%dma_start3A_378, %dma_start3A_379] : memref<3x128xi32, #tpu.memory_space<vmem>> -> memref<1x128xi32, #tpu.memory_space<vmem>>
        %dma_start3A_381 = tpu.memref_squeeze %dma_start3A_380 : memref<1x128xi32, #tpu.memory_space<vmem>> -> memref<128xi32, #tpu.memory_space<vmem>>
        %dma_start3A_382 = tpu.memref_slice %arg2[%dma_start3A_377, %add3A, %mul3A_376] : memref<2x32x10000xi32, #tpu.memory_space<hbm>> -> memref<1x1x128xi32, #tpu.memory_space<hbm>>
        %dma_start3A_383 = tpu.memref_squeeze %dma_start3A_382 : memref<1x1x128xi32, #tpu.memory_space<hbm>> -> memref<128xi32, #tpu.memory_space<hbm>>
        %dma_start3A_384 = arith.constant 0 : i32
        %dma_start3A_385 = tpu.memref_slice %arg4[%dma_start3A_378, %dma_start3A_384] : memref<3x128xi32, #tpu.memory_space<vmem>> -> memref<1x128xi32, #tpu.memory_space<vmem>>
        %dma_start3A_386 = tpu.memref_squeeze %dma_start3A_385 : memref<1x128xi32, #tpu.memory_space<vmem>> -> memref<128xi32, #tpu.memory_space<vmem>>
        %dma_start3A_387 = tpu.memref_slice %arg2[%dma_start3A_377, %add3A, %mul3A_376] : memref<2x32x10000xi32, #tpu.memory_space<hbm>> -> memref<1x1x128xi32, #tpu.memory_space<hbm>>
        %dma_start3A_388 = tpu.memref_squeeze %dma_start3A_387 : memref<1x1x128xi32, #tpu.memory_space<hbm>> -> memref<128xi32, #tpu.memory_space<hbm>>
        tpu.enqueue_dma source(%dma_start3A_388 : memref<128xi32, #tpu.memory_space<hbm>>) target(%dma_start3A_386 : memref<128xi32, #tpu.memory_space<vmem>>) target_semaphore(%arg10 : memref<!tpu.dma_semaphore, #tpu.memory_space<semaphore_mem>>)
      } else {
      }
      %add3A_349 = arith.constant 2 : i32
      %add3A_350 = arith.addi %mul3A_304, %add3A_349 : i32
      %dma_wait3A_351 = arith.constant 1 : i32
      %dma_wait3A_352 = arith.constant 2 : i32
      %dma_wait3A_353 = arith.constant 0 : i32
      %dma_wait3A_354 = tpu.memref_slice %arg4[%dma_wait3A_352, %dma_wait3A_353] : memref<3x128xi32, #tpu.memory_space<vmem>> -> memref<1x128xi32, #tpu.memory_space<vmem>>
      %dma_wait3A_355 = tpu.memref_squeeze %dma_wait3A_354 : memref<1x128xi32, #tpu.memory_space<vmem>> -> memref<128xi32, #tpu.memory_space<vmem>>
      %dma_wait3A_356 = arith.constant 0 : i32
      %dma_wait3A_357 = tpu.memref_slice %arg2[%dma_wait3A_351, %add3A, %dma_wait3A_356] : memref<2x32x10000xi32, #tpu.memory_space<hbm>> -> memref<1x1x128xi32, #tpu.memory_space<hbm>>
      %dma_wait3A_358 = tpu.memref_squeeze %dma_wait3A_357 : memref<1x1x128xi32, #tpu.memory_space<hbm>> -> memref<128xi32, #tpu.memory_space<hbm>>
      %dma_wait3A_359 = arith.constant 0 : i32
      %dma_wait3A_360 = tpu.memref_slice %arg4[%dma_wait3A_352, %dma_wait3A_359] : memref<3x128xi32, #tpu.memory_space<vmem>> -> memref<1x128xi32, #tpu.memory_space<vmem>>
      %dma_wait3A_361 = tpu.memref_squeeze %dma_wait3A_360 : memref<1x128xi32, #tpu.memory_space<vmem>> -> memref<128xi32, #tpu.memory_space<vmem>>
      %dma_wait3A_362 = arith.constant 0 : i32
      %dma_wait3A_363 = tpu.memref_slice %arg2[%dma_wait3A_351, %add3A, %dma_wait3A_362] : memref<2x32x10000xi32, #tpu.memory_space<hbm>> -> memref<1x1x128xi32, #tpu.memory_space<hbm>>
      %dma_wait3A_364 = tpu.memref_squeeze %dma_wait3A_363 : memref<1x1x128xi32, #tpu.memory_space<hbm>> -> memref<128xi32, #tpu.memory_space<hbm>>
      tpu.wait_dma2 semaphore(%arg11 : memref<!tpu.dma_semaphore, #tpu.memory_space<semaphore_mem>>) src(%dma_wait3A_364 : memref<128xi32, #tpu.memory_space<hbm>>) dst(%dma_wait3A_361 : memref<128xi32, #tpu.memory_space<vmem>>)
      %run_scoped3A_365 = arith.constant 2 : i32
      "tpu.region"() ({
        %run_scoped3A_373 = tpu.sem_alloc : memref<!tpu.dma_semaphore, #tpu.memory_space<semaphore_mem>>
        %dma_start3A_374 = arith.constant 0 : i32
        %dma_start3A_375 = tpu.memref_slice %arg4[%run_scoped3A_365, %dma_start3A_374] : memref<3x128xi32, #tpu.memory_space<vmem>> -> memref<1x128xi32, #tpu.memory_space<vmem>>
        %dma_start3A_376 = tpu.memref_squeeze %dma_start3A_375 : memref<1x128xi32, #tpu.memory_space<vmem>> -> memref<128xi32, #tpu.memory_space<vmem>>
        %dma_start3A_377 = arith.constant 0 : i32
        %dma_start3A_378 = tpu.memref_slice %arg8[%dma_start3A_377] : memref<10240xf32, #tpu.memory_space<vmem_shared>> -> memref<10240xf32, #tpu.memory_space<vmem_shared>>
        tpu.enqueue_indirect_dma source(%arg6 : memref<128xf32, #tpu.memory_space<vmem>>) target(%dma_start3A_378 : memref<10240xf32, #tpu.memory_space<vmem_shared>>) offsets(%dma_start3A_376 : memref<128xi32, #tpu.memory_space<vmem>>) semaphore(%run_scoped3A_373 : memref<!tpu.dma_semaphore, #tpu.memory_space<semaphore_mem>>) {add = true}
        %dma_wait3A_379 = arith.constant 0 : i32
        %dma_wait3A_380 = tpu.memref_slice %arg4[%run_scoped3A_365, %dma_wait3A_379] : memref<3x128xi32, #tpu.memory_space<vmem>> -> memref<1x128xi32, #tpu.memory_space<vmem>>
        %dma_wait3A_381 = tpu.memref_squeeze %dma_wait3A_380 : memref<1x128xi32, #tpu.memory_space<vmem>> -> memref<128xi32, #tpu.memory_space<vmem>>
        %dma_wait3A_382 = arith.constant 0 : i32
        %dma_wait3A_383 = tpu.memref_slice %arg8[%dma_wait3A_382] : memref<10240xf32, #tpu.memory_space<vmem_shared>> -> memref<10240xf32, #tpu.memory_space<vmem_shared>>
        tpu.wait_indirect_dma semaphore(%run_scoped3A_373 : memref<!tpu.dma_semaphore, #tpu.memory_space<semaphore_mem>>) src(%arg6 : memref<128xf32, #tpu.memory_space<vmem>>) dst(%dma_wait3A_383 : memref<10240xf32, #tpu.memory_space<vmem_shared>>)
        tpu.yield
      }) : () -> ()
      %add3A_366 = arith.constant 3 : i32
      %add3A_367 = arith.addi %add3A_350, %add3A_366 : i32
      %lt3A_368 = arith.constant 78 : i32
      %lt3A_369 = arith.cmpi slt, %add3A_367, %lt3A_368 : i32
      %convert_element_type3A_370 = arith.extui %lt3A_369 : i1 to i32
      %cond3A_371 = arith.constant 0 : i32
      %cond3A_372 = arith.cmpi ne, %convert_element_type3A_370, %cond3A_371 : i32
      scf.if %cond3A_372 {
        %add3A_373 = arith.constant 3 : i32
        %add3A_374 = arith.addi %add3A_350, %add3A_373 : i32
        %mul3A_375 = arith.constant 128 : i32
        %mul3A_376 = arith.muli %add3A_374, %mul3A_375 : i32
        %dma_start3A_377 = arith.constant 1 : i32
        %dma_start3A_378 = arith.constant 2 : i32
        %dma_start3A_379 = arith.constant 0 : i32
        %dma_start3A_380 = tpu.memref_slice %arg4[%dma_start3A_378, %dma_start3A_379] : memref<3x128xi32, #tpu.memory_space<vmem>> -> memref<1x128xi32, #tpu.memory_space<vmem>>
        %dma_start3A_381 = tpu.memref_squeeze %dma_start3A_380 : memref<1x128xi32, #tpu.memory_space<vmem>> -> memref<128xi32, #tpu.memory_space<vmem>>
        %dma_start3A_382 = tpu.memref_slice %arg2[%dma_start3A_377, %add3A, %mul3A_376] : memref<2x32x10000xi32, #tpu.memory_space<hbm>> -> memref<1x1x128xi32, #tpu.memory_space<hbm>>
        %dma_start3A_383 = tpu.memref_squeeze %dma_start3A_382 : memref<1x1x128xi32, #tpu.memory_space<hbm>> -> memref<128xi32, #tpu.memory_space<hbm>>
        %dma_start3A_384 = arith.constant 0 : i32
        %dma_start3A_385 = tpu.memref_slice %arg4[%dma_start3A_378, %dma_start3A_384] : memref<3x128xi32, #tpu.memory_space<vmem>> -> memref<1x128xi32, #tpu.memory_space<vmem>>
        %dma_start3A_386 = tpu.memref_squeeze %dma_start3A_385 : memref<1x128xi32, #tpu.memory_space<vmem>> -> memref<128xi32, #tpu.memory_space<vmem>>
        %dma_start3A_387 = tpu.memref_slice %arg2[%dma_start3A_377, %add3A, %mul3A_376] : memref<2x32x10000xi32, #tpu.memory_space<hbm>> -> memref<1x1x128xi32, #tpu.memory_space<hbm>>
        %dma_start3A_388 = tpu.memref_squeeze %dma_start3A_387 : memref<1x1x128xi32, #tpu.memory_space<hbm>> -> memref<128xi32, #tpu.memory_space<hbm>>
        tpu.enqueue_dma source(%dma_start3A_388 : memref<128xi32, #tpu.memory_space<hbm>>) target(%dma_start3A_386 : memref<128xi32, #tpu.memory_space<vmem>>) target_semaphore(%arg11 : memref<!tpu.dma_semaphore, #tpu.memory_space<semaphore_mem>>)
      } else {
      }
    }
    %scan3A_296 = arith.constant 26 : i32
    %run_scoped3A = arith.constant 1 : i32
    "tpu.region"() ({
      %run_scoped3A_302 = tpu.sem_alloc : memref<!tpu.dma_semaphore, #tpu.memory_space<semaphore_mem>>
      %dma_start3A_303 = arith.constant 9984 : i32
      %dma_start3A_304 = tpu.memref_slice %arg2[%run_scoped3A, %add3A, %dma_start3A_303] : memref<2x32x10000xi32, #tpu.memory_space<hbm>> -> memref<1x1x16xi32, #tpu.memory_space<hbm>>
      %dma_start3A_305 = tpu.memref_squeeze %dma_start3A_304 : memref<1x1x16xi32, #tpu.memory_space<hbm>> -> memref<16xi32, #tpu.memory_space<hbm>>
      %dma_start3A_306 = arith.constant 9984 : i32
      %dma_start3A_307 = tpu.memref_slice %arg2[%run_scoped3A, %add3A, %dma_start3A_306] : memref<2x32x10000xi32, #tpu.memory_space<hbm>> -> memref<1x1x16xi32, #tpu.memory_space<hbm>>
      %dma_start3A_308 = tpu.memref_squeeze %dma_start3A_307 : memref<1x1x16xi32, #tpu.memory_space<hbm>> -> memref<16xi32, #tpu.memory_space<hbm>>
      tpu.enqueue_dma source(%dma_start3A_308 : memref<16xi32, #tpu.memory_space<hbm>>) target(%arg5 : memref<16xi32, #tpu.memory_space<vmem>>) target_semaphore(%run_scoped3A_302 : memref<!tpu.dma_semaphore, #tpu.memory_space<semaphore_mem>>)
      %dma_wait3A = arith.constant 9984 : i32
      %dma_wait3A_309 = tpu.memref_slice %arg2[%run_scoped3A, %add3A, %dma_wait3A] : memref<2x32x10000xi32, #tpu.memory_space<hbm>> -> memref<1x1x16xi32, #tpu.memory_space<hbm>>
      %dma_wait3A_310 = tpu.memref_squeeze %dma_wait3A_309 : memref<1x1x16xi32, #tpu.memory_space<hbm>> -> memref<16xi32, #tpu.memory_space<hbm>>
      %dma_wait3A_311 = arith.constant 9984 : i32
      %dma_wait3A_312 = tpu.memref_slice %arg2[%run_scoped3A, %add3A, %dma_wait3A_311] : memref<2x32x10000xi32, #tpu.memory_space<hbm>> -> memref<1x1x16xi32, #tpu.memory_space<hbm>>
      %dma_wait3A_313 = tpu.memref_squeeze %dma_wait3A_312 : memref<1x1x16xi32, #tpu.memory_space<hbm>> -> memref<16xi32, #tpu.memory_space<hbm>>
      tpu.wait_dma2 semaphore(%run_scoped3A_302 : memref<!tpu.dma_semaphore, #tpu.memory_space<semaphore_mem>>) src(%dma_wait3A_313 : memref<16xi32, #tpu.memory_space<hbm>>) dst(%arg5 : memref<16xi32, #tpu.memory_space<vmem>>)
      tpu.yield
    }) : () -> ()
    "tpu.region"() ({
      %run_scoped3A_302 = tpu.sem_alloc : memref<!tpu.dma_semaphore, #tpu.memory_space<semaphore_mem>>
      %dma_start3A_303 = arith.constant 0 : i32
      %dma_start3A_304 = tpu.memref_slice %arg6[%dma_start3A_303] : memref<128xf32, #tpu.memory_space<vmem>> -> memref<16xf32, #tpu.memory_space<vmem>>
      %dma_start3A_305 = arith.constant 0 : i32
      %dma_start3A_306 = tpu.memref_slice %arg8[%dma_start3A_305] : memref<10240xf32, #tpu.memory_space<vmem_shared>> -> memref<10240xf32, #tpu.memory_space<vmem_shared>>
      tpu.enqueue_indirect_dma source(%dma_start3A_304 : memref<16xf32, #tpu.memory_space<vmem>>) target(%dma_start3A_306 : memref<10240xf32, #tpu.memory_space<vmem_shared>>) offsets(%arg5 : memref<16xi32, #tpu.memory_space<vmem>>) semaphore(%run_scoped3A_302 : memref<!tpu.dma_semaphore, #tpu.memory_space<semaphore_mem>>) {add = true}
      %dma_wait3A = arith.constant 0 : i32
      %dma_wait3A_307 = tpu.memref_slice %arg6[%dma_wait3A] : memref<128xf32, #tpu.memory_space<vmem>> -> memref<16xf32, #tpu.memory_space<vmem>>
      %dma_wait3A_308 = arith.constant 0 : i32
      %dma_wait3A_309 = tpu.memref_slice %arg8[%dma_wait3A_308] : memref<10240xf32, #tpu.memory_space<vmem_shared>> -> memref<10240xf32, #tpu.memory_space<vmem_shared>>
      tpu.wait_indirect_dma semaphore(%run_scoped3A_302 : memref<!tpu.dma_semaphore, #tpu.memory_space<semaphore_mem>>) src(%dma_wait3A_307 : memref<16xf32, #tpu.memory_space<vmem>>) dst(%dma_wait3A_309 : memref<10240xf32, #tpu.memory_space<vmem_shared>>)
      tpu.yield
    }) : () -> ()
    %barrier3A_297 = arith.constant 0 : index
    tpu.barrier barrier_id(%barrier3A_297)
    %mul3A_298 = arith.constant 640 : i32
    %mul3A_299 = arith.muli %arg1, %mul3A_298 : i32
    %mul3A_300 = arith.constant 640 : i32
    %mul3A_301 = arith.muli %arg1, %mul3A_300 : i32
    "tpu.region"() ({
      %run_scoped3A_302 = tpu.sem_alloc : memref<!tpu.dma_semaphore, #tpu.memory_space<semaphore_mem>>
      %dma_start3A_303 = tpu.memref_slice %arg3[%arg0, %mul3A_301] : memref<2x10240xf32, #tpu.memory_space<hbm>> -> memref<1x640xf32, #tpu.memory_space<hbm>>
      %dma_start3A_304 = tpu.memref_squeeze %dma_start3A_303 : memref<1x640xf32, #tpu.memory_space<hbm>> -> memref<640xf32, #tpu.memory_space<hbm>>
      %dma_start3A_305 = tpu.memref_slice %arg8[%mul3A_299] : memref<10240xf32, #tpu.memory_space<vmem_shared>> -> memref<640xf32, #tpu.memory_space<vmem_shared>>
      tpu.enqueue_dma source(%dma_start3A_305 : memref<640xf32, #tpu.memory_space<vmem_shared>>) target(%dma_start3A_304 : memref<640xf32, #tpu.memory_space<hbm>>) target_semaphore(%run_scoped3A_302 : memref<!tpu.dma_semaphore, #tpu.memory_space<semaphore_mem>>)
      %dma_wait3A = tpu.memref_slice %arg3[%arg0, %mul3A_301] : memref<2x10240xf32, #tpu.memory_space<hbm>> -> memref<1x640xf32, #tpu.memory_space<hbm>>
      %dma_wait3A_306 = tpu.memref_squeeze %dma_wait3A : memref<1x640xf32, #tpu.memory_space<hbm>> -> memref<640xf32, #tpu.memory_space<hbm>>
      %dma_wait3A_307 = tpu.memref_slice %arg8[%mul3A_299] : memref<10240xf32, #tpu.memory_space<vmem_shared>> -> memref<640xf32, #tpu.memory_space<vmem_shared>>
      tpu.wait_dma2 semaphore(%run_scoped3A_302 : memref<!tpu.dma_semaphore, #tpu.memory_space<semaphore_mem>>) src(%dma_wait3A_307 : memref<640xf32, #tpu.memory_space<vmem_shared>>) dst(%dma_wait3A_306 : memref<640xf32, #tpu.memory_space<hbm>>)
      tpu.yield
    }) : () -> ()
    return
  }
}

#map = affine_map<(d0, d1) -> (0, 0)>
#map1 = affine_map<(d0, d1) -> (0, 0, 0)>
module attributes {stable_mosaic.version = 14 : i64} {
  func.func @_sc_scatter(%arg0: i32, %arg1: i32, %arg2: memref<10000x128xf32, #tpu.memory_space<hbm>>, %arg3: memref<2x32x10000xi32, #tpu.memory_space<hbm>>, %arg4: memref<2x10240x128xf32, #tpu.memory_space<hbm>>, %arg5: memref<6x128xi32, #tpu.memory_space<vmem>>, %arg6: memref<6x128xi32, #tpu.memory_space<vmem>>, %arg7: memref<16xi32, #tpu.memory_space<vmem>>, %arg8: memref<16xi32, #tpu.memory_space<vmem>>, %arg9: memref<2x128x128xf32, #tpu.memory_space<vmem>>, %arg10: memref<10240x128xf32, #tpu.memory_space<vmem_shared>>, %arg11: memref<!tpu.dma_semaphore, #tpu.memory_space<semaphore_mem>>, %arg12: memref<!tpu.dma_semaphore, #tpu.memory_space<semaphore_mem>>, %arg13: memref<!tpu.dma_semaphore, #tpu.memory_space<semaphore_mem>>, %arg14: memref<!tpu.dma_semaphore, #tpu.memory_space<semaphore_mem>>, %arg15: memref<!tpu.dma_semaphore, #tpu.memory_space<semaphore_mem>>, %arg16: memref<!tpu.dma_semaphore, #tpu.memory_space<semaphore_mem>>, %arg17: memref<!tpu.dma_semaphore, #tpu.memory_space<semaphore_mem>>, %arg18: memref<!tpu.dma_semaphore, #tpu.memory_space<semaphore_mem>>, %arg19: memref<!tpu.dma_semaphore, #tpu.memory_space<semaphore_mem>>, %arg20: memref<!tpu.dma_semaphore, #tpu.memory_space<semaphore_mem>>, %arg21: memref<!tpu.dma_semaphore, #tpu.memory_space<semaphore_mem>>, %arg22: memref<!tpu.dma_semaphore, #tpu.memory_space<semaphore_mem>>, %arg23: memref<!tpu.dma_semaphore, #tpu.memory_space<semaphore_mem>>, %arg24: memref<!tpu.dma_semaphore, #tpu.memory_space<semaphore_mem>>, %arg25: memref<!tpu.dma_semaphore, #tpu.memory_space<semaphore_mem>>, %arg26: memref<!tpu.dma_semaphore, #tpu.memory_space<semaphore_mem>>) attributes {dimension_semantics = [#tpu.dimension_semantics<core_parallel>, #tpu.dimension_semantics<subcore_parallel>], iteration_bounds = array<i64: 2, 16>, scalar_prefetch = 0 : i64, scratch_operands = 22 : i64, tpu.core_type = #tpu.core_type<sc_vector_subcore>, window_params = [{transform_indices = #map}, {transform_indices = #map1}, {transform_indices = #map1}]} {
    %mul3A = arith.constant 2 : i32
    %mul3A_0 = arith.muli %arg1, %mul3A : i32
    %add3A = arith.addi %mul3A_0, %arg0 : i32
    %dma_start3A = arith.constant 0 : i32
    %dma_start3A_1 = arith.constant 0 : i32
    %dma_start3A_2 = arith.constant 0 : i32
    %dma_start3A_3 = tpu.memref_slice %arg5[%dma_start3A_1, %dma_start3A_2] : memref<6x128xi32, #tpu.memory_space<vmem>> -> memref<1x128xi32, #tpu.memory_space<vmem>>
    %dma_start3A_4 = tpu.memref_squeeze %dma_start3A_3 : memref<1x128xi32, #tpu.memory_space<vmem>> -> memref<128xi32, #tpu.memory_space<vmem>>
    %dma_start3A_5 = arith.constant 0 : i32
    %dma_start3A_6 = tpu.memref_slice %arg3[%dma_start3A, %add3A, %dma_start3A_5] : memref<2x32x10000xi32, #tpu.memory_space<hbm>> -> memref<1x1x128xi32, #tpu.memory_space<hbm>>
    %dma_start3A_7 = tpu.memref_squeeze %dma_start3A_6 : memref<1x1x128xi32, #tpu.memory_space<hbm>> -> memref<128xi32, #tpu.memory_space<hbm>>
    %dma_start3A_8 = arith.constant 0 : i32
    %dma_start3A_9 = tpu.memref_slice %arg5[%dma_start3A_1, %dma_start3A_8] : memref<6x128xi32, #tpu.memory_space<vmem>> -> memref<1x128xi32, #tpu.memory_space<vmem>>
    %dma_start3A_10 = tpu.memref_squeeze %dma_start3A_9 : memref<1x128xi32, #tpu.memory_space<vmem>> -> memref<128xi32, #tpu.memory_space<vmem>>
    %dma_start3A_11 = arith.constant 0 : i32
    %dma_start3A_12 = tpu.memref_slice %arg3[%dma_start3A, %add3A, %dma_start3A_11] : memref<2x32x10000xi32, #tpu.memory_space<hbm>> -> memref<1x1x128xi32, #tpu.memory_space<hbm>>
    %dma_start3A_13 = tpu.memref_squeeze %dma_start3A_12 : memref<1x1x128xi32, #tpu.memory_space<hbm>> -> memref<128xi32, #tpu.memory_space<hbm>>
    tpu.enqueue_dma source(%dma_start3A_13 : memref<128xi32, #tpu.memory_space<hbm>>) target(%dma_start3A_10 : memref<128xi32, #tpu.memory_space<vmem>>) target_semaphore(%arg11 : memref<!tpu.dma_semaphore, #tpu.memory_space<semaphore_mem>>)
    %dma_start3A_14 = arith.constant 1 : i32
    %dma_start3A_15 = arith.constant 0 : i32
    %dma_start3A_16 = arith.constant 0 : i32
    %dma_start3A_17 = tpu.memref_slice %arg6[%dma_start3A_15, %dma_start3A_16] : memref<6x128xi32, #tpu.memory_space<vmem>> -> memref<1x128xi32, #tpu.memory_space<vmem>>
    %dma_start3A_18 = tpu.memref_squeeze %dma_start3A_17 : memref<1x128xi32, #tpu.memory_space<vmem>> -> memref<128xi32, #tpu.memory_space<vmem>>
    %dma_start3A_19 = arith.constant 0 : i32
    %dma_start3A_20 = tpu.memref_slice %arg3[%dma_start3A_14, %add3A, %dma_start3A_19] : memref<2x32x10000xi32, #tpu.memory_space<hbm>> -> memref<1x1x128xi32, #tpu.memory_space<hbm>>
    %dma_start3A_21 = tpu.memref_squeeze %dma_start3A_20 : memref<1x1x128xi32, #tpu.memory_space<hbm>> -> memref<128xi32, #tpu.memory_space<hbm>>
    %dma_start3A_22 = arith.constant 0 : i32
    %dma_start3A_23 = tpu.memref_slice %arg6[%dma_start3A_15, %dma_start3A_22] : memref<6x128xi32, #tpu.memory_space<vmem>> -> memref<1x128xi32, #tpu.memory_space<vmem>>
    %dma_start3A_24 = tpu.memref_squeeze %dma_start3A_23 : memref<1x128xi32, #tpu.memory_space<vmem>> -> memref<128xi32, #tpu.memory_space<vmem>>
    %dma_start3A_25 = arith.constant 0 : i32
    %dma_start3A_26 = tpu.memref_slice %arg3[%dma_start3A_14, %add3A, %dma_start3A_25] : memref<2x32x10000xi32, #tpu.memory_space<hbm>> -> memref<1x1x128xi32, #tpu.memory_space<hbm>>
    %dma_start3A_27 = tpu.memref_squeeze %dma_start3A_26 : memref<1x1x128xi32, #tpu.memory_space<hbm>> -> memref<128xi32, #tpu.memory_space<hbm>>
    tpu.enqueue_dma source(%dma_start3A_27 : memref<128xi32, #tpu.memory_space<hbm>>) target(%dma_start3A_24 : memref<128xi32, #tpu.memory_space<vmem>>) target_semaphore(%arg17 : memref<!tpu.dma_semaphore, #tpu.memory_space<semaphore_mem>>)
    %dma_start3A_28 = arith.constant 0 : i32
    %dma_start3A_29 = arith.constant 1 : i32
    %dma_start3A_30 = arith.constant 0 : i32
    %dma_start3A_31 = tpu.memref_slice %arg5[%dma_start3A_29, %dma_start3A_30] : memref<6x128xi32, #tpu.memory_space<vmem>> -> memref<1x128xi32, #tpu.memory_space<vmem>>
    %dma_start3A_32 = tpu.memref_squeeze %dma_start3A_31 : memref<1x128xi32, #tpu.memory_space<vmem>> -> memref<128xi32, #tpu.memory_space<vmem>>
    %dma_start3A_33 = arith.constant 128 : i32
    %dma_start3A_34 = tpu.memref_slice %arg3[%dma_start3A_28, %add3A, %dma_start3A_33] : memref<2x32x10000xi32, #tpu.memory_space<hbm>> -> memref<1x1x128xi32, #tpu.memory_space<hbm>>
    %dma_start3A_35 = tpu.memref_squeeze %dma_start3A_34 : memref<1x1x128xi32, #tpu.memory_space<hbm>> -> memref<128xi32, #tpu.memory_space<hbm>>
    %dma_start3A_36 = arith.constant 0 : i32
    %dma_start3A_37 = tpu.memref_slice %arg5[%dma_start3A_29, %dma_start3A_36] : memref<6x128xi32, #tpu.memory_space<vmem>> -> memref<1x128xi32, #tpu.memory_space<vmem>>
    %dma_start3A_38 = tpu.memref_squeeze %dma_start3A_37 : memref<1x128xi32, #tpu.memory_space<vmem>> -> memref<128xi32, #tpu.memory_space<vmem>>
    %dma_start3A_39 = arith.constant 128 : i32
    %dma_start3A_40 = tpu.memref_slice %arg3[%dma_start3A_28, %add3A, %dma_start3A_39] : memref<2x32x10000xi32, #tpu.memory_space<hbm>> -> memref<1x1x128xi32, #tpu.memory_space<hbm>>
    %dma_start3A_41 = tpu.memref_squeeze %dma_start3A_40 : memref<1x1x128xi32, #tpu.memory_space<hbm>> -> memref<128xi32, #tpu.memory_space<hbm>>
    tpu.enqueue_dma source(%dma_start3A_41 : memref<128xi32, #tpu.memory_space<hbm>>) target(%dma_start3A_38 : memref<128xi32, #tpu.memory_space<vmem>>) target_semaphore(%arg12 : memref<!tpu.dma_semaphore, #tpu.memory_space<semaphore_mem>>)
    %dma_start3A_42 = arith.constant 1 : i32
    %dma_start3A_43 = arith.constant 1 : i32
    %dma_start3A_44 = arith.constant 0 : i32
    %dma_start3A_45 = tpu.memref_slice %arg6[%dma_start3A_43, %dma_start3A_44] : memref<6x128xi32, #tpu.memory_space<vmem>> -> memref<1x128xi32, #tpu.memory_space<vmem>>
    %dma_start3A_46 = tpu.memref_squeeze %dma_start3A_45 : memref<1x128xi32, #tpu.memory_space<vmem>> -> memref<128xi32, #tpu.memory_space<vmem>>
    %dma_start3A_47 = arith.constant 128 : i32
    %dma_start3A_48 = tpu.memref_slice %arg3[%dma_start3A_42, %add3A, %dma_start3A_47] : memref<2x32x10000xi32, #tpu.memory_space<hbm>> -> memref<1x1x128xi32, #tpu.memory_space<hbm>>
    %dma_start3A_49 = tpu.memref_squeeze %dma_start3A_48 : memref<1x1x128xi32, #tpu.memory_space<hbm>> -> memref<128xi32, #tpu.memory_space<hbm>>
    %dma_start3A_50 = arith.constant 0 : i32
    %dma_start3A_51 = tpu.memref_slice %arg6[%dma_start3A_43, %dma_start3A_50] : memref<6x128xi32, #tpu.memory_space<vmem>> -> memref<1x128xi32, #tpu.memory_space<vmem>>
    %dma_start3A_52 = tpu.memref_squeeze %dma_start3A_51 : memref<1x128xi32, #tpu.memory_space<vmem>> -> memref<128xi32, #tpu.memory_space<vmem>>
    %dma_start3A_53 = arith.constant 128 : i32
    %dma_start3A_54 = tpu.memref_slice %arg3[%dma_start3A_42, %add3A, %dma_start3A_53] : memref<2x32x10000xi32, #tpu.memory_space<hbm>> -> memref<1x1x128xi32, #tpu.memory_space<hbm>>
    %dma_start3A_55 = tpu.memref_squeeze %dma_start3A_54 : memref<1x1x128xi32, #tpu.memory_space<hbm>> -> memref<128xi32, #tpu.memory_space<hbm>>
    tpu.enqueue_dma source(%dma_start3A_55 : memref<128xi32, #tpu.memory_space<hbm>>) target(%dma_start3A_52 : memref<128xi32, #tpu.memory_space<vmem>>) target_semaphore(%arg18 : memref<!tpu.dma_semaphore, #tpu.memory_space<semaphore_mem>>)
    %dma_start3A_56 = arith.constant 0 : i32
    %dma_start3A_57 = arith.constant 2 : i32
    %dma_start3A_58 = arith.constant 0 : i32
    %dma_start3A_59 = tpu.memref_slice %arg5[%dma_start3A_57, %dma_start3A_58] : memref<6x128xi32, #tpu.memory_space<vmem>> -> memref<1x128xi32, #tpu.memory_space<vmem>>
    %dma_start3A_60 = tpu.memref_squeeze %dma_start3A_59 : memref<1x128xi32, #tpu.memory_space<vmem>> -> memref<128xi32, #tpu.memory_space<vmem>>
    %dma_start3A_61 = arith.constant 256 : i32
    %dma_start3A_62 = tpu.memref_slice %arg3[%dma_start3A_56, %add3A, %dma_start3A_61] : memref<2x32x10000xi32, #tpu.memory_space<hbm>> -> memref<1x1x128xi32, #tpu.memory_space<hbm>>
    %dma_start3A_63 = tpu.memref_squeeze %dma_start3A_62 : memref<1x1x128xi32, #tpu.memory_space<hbm>> -> memref<128xi32, #tpu.memory_space<hbm>>
    %dma_start3A_64 = arith.constant 0 : i32
    %dma_start3A_65 = tpu.memref_slice %arg5[%dma_start3A_57, %dma_start3A_64] : memref<6x128xi32, #tpu.memory_space<vmem>> -> memref<1x128xi32, #tpu.memory_space<vmem>>
    %dma_start3A_66 = tpu.memref_squeeze %dma_start3A_65 : memref<1x128xi32, #tpu.memory_space<vmem>> -> memref<128xi32, #tpu.memory_space<vmem>>
    %dma_start3A_67 = arith.constant 256 : i32
    %dma_start3A_68 = tpu.memref_slice %arg3[%dma_start3A_56, %add3A, %dma_start3A_67] : memref<2x32x10000xi32, #tpu.memory_space<hbm>> -> memref<1x1x128xi32, #tpu.memory_space<hbm>>
    %dma_start3A_69 = tpu.memref_squeeze %dma_start3A_68 : memref<1x1x128xi32, #tpu.memory_space<hbm>> -> memref<128xi32, #tpu.memory_space<hbm>>
    tpu.enqueue_dma source(%dma_start3A_69 : memref<128xi32, #tpu.memory_space<hbm>>) target(%dma_start3A_66 : memref<128xi32, #tpu.memory_space<vmem>>) target_semaphore(%arg13 : memref<!tpu.dma_semaphore, #tpu.memory_space<semaphore_mem>>)
    %dma_start3A_70 = arith.constant 1 : i32
    %dma_start3A_71 = arith.constant 2 : i32
    %dma_start3A_72 = arith.constant 0 : i32
    %dma_start3A_73 = tpu.memref_slice %arg6[%dma_start3A_71, %dma_start3A_72] : memref<6x128xi32, #tpu.memory_space<vmem>> -> memref<1x128xi32, #tpu.memory_space<vmem>>
    %dma_start3A_74 = tpu.memref_squeeze %dma_start3A_73 : memref<1x128xi32, #tpu.memory_space<vmem>> -> memref<128xi32, #tpu.memory_space<vmem>>
    %dma_start3A_75 = arith.constant 256 : i32
    %dma_start3A_76 = tpu.memref_slice %arg3[%dma_start3A_70, %add3A, %dma_start3A_75] : memref<2x32x10000xi32, #tpu.memory_space<hbm>> -> memref<1x1x128xi32, #tpu.memory_space<hbm>>
    %dma_start3A_77 = tpu.memref_squeeze %dma_start3A_76 : memref<1x1x128xi32, #tpu.memory_space<hbm>> -> memref<128xi32, #tpu.memory_space<hbm>>
    %dma_start3A_78 = arith.constant 0 : i32
    %dma_start3A_79 = tpu.memref_slice %arg6[%dma_start3A_71, %dma_start3A_78] : memref<6x128xi32, #tpu.memory_space<vmem>> -> memref<1x128xi32, #tpu.memory_space<vmem>>
    %dma_start3A_80 = tpu.memref_squeeze %dma_start3A_79 : memref<1x128xi32, #tpu.memory_space<vmem>> -> memref<128xi32, #tpu.memory_space<vmem>>
    %dma_start3A_81 = arith.constant 256 : i32
    %dma_start3A_82 = tpu.memref_slice %arg3[%dma_start3A_70, %add3A, %dma_start3A_81] : memref<2x32x10000xi32, #tpu.memory_space<hbm>> -> memref<1x1x128xi32, #tpu.memory_space<hbm>>
    %dma_start3A_83 = tpu.memref_squeeze %dma_start3A_82 : memref<1x1x128xi32, #tpu.memory_space<hbm>> -> memref<128xi32, #tpu.memory_space<hbm>>
    tpu.enqueue_dma source(%dma_start3A_83 : memref<128xi32, #tpu.memory_space<hbm>>) target(%dma_start3A_80 : memref<128xi32, #tpu.memory_space<vmem>>) target_semaphore(%arg19 : memref<!tpu.dma_semaphore, #tpu.memory_space<semaphore_mem>>)
    %dma_start3A_84 = arith.constant 0 : i32
    %dma_start3A_85 = arith.constant 3 : i32
    %dma_start3A_86 = arith.constant 0 : i32
    %dma_start3A_87 = tpu.memref_slice %arg5[%dma_start3A_85, %dma_start3A_86] : memref<6x128xi32, #tpu.memory_space<vmem>> -> memref<1x128xi32, #tpu.memory_space<vmem>>
    %dma_start3A_88 = tpu.memref_squeeze %dma_start3A_87 : memref<1x128xi32, #tpu.memory_space<vmem>> -> memref<128xi32, #tpu.memory_space<vmem>>
    %dma_start3A_89 = arith.constant 384 : i32
    %dma_start3A_90 = tpu.memref_slice %arg3[%dma_start3A_84, %add3A, %dma_start3A_89] : memref<2x32x10000xi32, #tpu.memory_space<hbm>> -> memref<1x1x128xi32, #tpu.memory_space<hbm>>
    %dma_start3A_91 = tpu.memref_squeeze %dma_start3A_90 : memref<1x1x128xi32, #tpu.memory_space<hbm>> -> memref<128xi32, #tpu.memory_space<hbm>>
    %dma_start3A_92 = arith.constant 0 : i32
    %dma_start3A_93 = tpu.memref_slice %arg5[%dma_start3A_85, %dma_start3A_92] : memref<6x128xi32, #tpu.memory_space<vmem>> -> memref<1x128xi32, #tpu.memory_space<vmem>>
    %dma_start3A_94 = tpu.memref_squeeze %dma_start3A_93 : memref<1x128xi32, #tpu.memory_space<vmem>> -> memref<128xi32, #tpu.memory_space<vmem>>
    %dma_start3A_95 = arith.constant 384 : i32
    %dma_start3A_96 = tpu.memref_slice %arg3[%dma_start3A_84, %add3A, %dma_start3A_95] : memref<2x32x10000xi32, #tpu.memory_space<hbm>> -> memref<1x1x128xi32, #tpu.memory_space<hbm>>
    %dma_start3A_97 = tpu.memref_squeeze %dma_start3A_96 : memref<1x1x128xi32, #tpu.memory_space<hbm>> -> memref<128xi32, #tpu.memory_space<hbm>>
    tpu.enqueue_dma source(%dma_start3A_97 : memref<128xi32, #tpu.memory_space<hbm>>) target(%dma_start3A_94 : memref<128xi32, #tpu.memory_space<vmem>>) target_semaphore(%arg14 : memref<!tpu.dma_semaphore, #tpu.memory_space<semaphore_mem>>)
    %dma_start3A_98 = arith.constant 1 : i32
    %dma_start3A_99 = arith.constant 3 : i32
    %dma_start3A_100 = arith.constant 0 : i32
    %dma_start3A_101 = tpu.memref_slice %arg6[%dma_start3A_99, %dma_start3A_100] : memref<6x128xi32, #tpu.memory_space<vmem>> -> memref<1x128xi32, #tpu.memory_space<vmem>>
    %dma_start3A_102 = tpu.memref_squeeze %dma_start3A_101 : memref<1x128xi32, #tpu.memory_space<vmem>> -> memref<128xi32, #tpu.memory_space<vmem>>
    %dma_start3A_103 = arith.constant 384 : i32
    %dma_start3A_104 = tpu.memref_slice %arg3[%dma_start3A_98, %add3A, %dma_start3A_103] : memref<2x32x10000xi32, #tpu.memory_space<hbm>> -> memref<1x1x128xi32, #tpu.memory_space<hbm>>
    %dma_start3A_105 = tpu.memref_squeeze %dma_start3A_104 : memref<1x1x128xi32, #tpu.memory_space<hbm>> -> memref<128xi32, #tpu.memory_space<hbm>>
    %dma_start3A_106 = arith.constant 0 : i32
    %dma_start3A_107 = tpu.memref_slice %arg6[%dma_start3A_99, %dma_start3A_106] : memref<6x128xi32, #tpu.memory_space<vmem>> -> memref<1x128xi32, #tpu.memory_space<vmem>>
    %dma_start3A_108 = tpu.memref_squeeze %dma_start3A_107 : memref<1x128xi32, #tpu.memory_space<vmem>> -> memref<128xi32, #tpu.memory_space<vmem>>
    %dma_start3A_109 = arith.constant 384 : i32
    %dma_start3A_110 = tpu.memref_slice %arg3[%dma_start3A_98, %add3A, %dma_start3A_109] : memref<2x32x10000xi32, #tpu.memory_space<hbm>> -> memref<1x1x128xi32, #tpu.memory_space<hbm>>
    %dma_start3A_111 = tpu.memref_squeeze %dma_start3A_110 : memref<1x1x128xi32, #tpu.memory_space<hbm>> -> memref<128xi32, #tpu.memory_space<hbm>>
    tpu.enqueue_dma source(%dma_start3A_111 : memref<128xi32, #tpu.memory_space<hbm>>) target(%dma_start3A_108 : memref<128xi32, #tpu.memory_space<vmem>>) target_semaphore(%arg20 : memref<!tpu.dma_semaphore, #tpu.memory_space<semaphore_mem>>)
    %dma_start3A_112 = arith.constant 0 : i32
    %dma_start3A_113 = arith.constant 4 : i32
    %dma_start3A_114 = arith.constant 0 : i32
    %dma_start3A_115 = tpu.memref_slice %arg5[%dma_start3A_113, %dma_start3A_114] : memref<6x128xi32, #tpu.memory_space<vmem>> -> memref<1x128xi32, #tpu.memory_space<vmem>>
    %dma_start3A_116 = tpu.memref_squeeze %dma_start3A_115 : memref<1x128xi32, #tpu.memory_space<vmem>> -> memref<128xi32, #tpu.memory_space<vmem>>
    %dma_start3A_117 = arith.constant 512 : i32
    %dma_start3A_118 = tpu.memref_slice %arg3[%dma_start3A_112, %add3A, %dma_start3A_117] : memref<2x32x10000xi32, #tpu.memory_space<hbm>> -> memref<1x1x128xi32, #tpu.memory_space<hbm>>
    %dma_start3A_119 = tpu.memref_squeeze %dma_start3A_118 : memref<1x1x128xi32, #tpu.memory_space<hbm>> -> memref<128xi32, #tpu.memory_space<hbm>>
    %dma_start3A_120 = arith.constant 0 : i32
    %dma_start3A_121 = tpu.memref_slice %arg5[%dma_start3A_113, %dma_start3A_120] : memref<6x128xi32, #tpu.memory_space<vmem>> -> memref<1x128xi32, #tpu.memory_space<vmem>>
    %dma_start3A_122 = tpu.memref_squeeze %dma_start3A_121 : memref<1x128xi32, #tpu.memory_space<vmem>> -> memref<128xi32, #tpu.memory_space<vmem>>
    %dma_start3A_123 = arith.constant 512 : i32
    %dma_start3A_124 = tpu.memref_slice %arg3[%dma_start3A_112, %add3A, %dma_start3A_123] : memref<2x32x10000xi32, #tpu.memory_space<hbm>> -> memref<1x1x128xi32, #tpu.memory_space<hbm>>
    %dma_start3A_125 = tpu.memref_squeeze %dma_start3A_124 : memref<1x1x128xi32, #tpu.memory_space<hbm>> -> memref<128xi32, #tpu.memory_space<hbm>>
    tpu.enqueue_dma source(%dma_start3A_125 : memref<128xi32, #tpu.memory_space<hbm>>) target(%dma_start3A_122 : memref<128xi32, #tpu.memory_space<vmem>>) target_semaphore(%arg15 : memref<!tpu.dma_semaphore, #tpu.memory_space<semaphore_mem>>)
    %dma_start3A_126 = arith.constant 1 : i32
    %dma_start3A_127 = arith.constant 4 : i32
    %dma_start3A_128 = arith.constant 0 : i32
    %dma_start3A_129 = tpu.memref_slice %arg6[%dma_start3A_127, %dma_start3A_128] : memref<6x128xi32, #tpu.memory_space<vmem>> -> memref<1x128xi32, #tpu.memory_space<vmem>>
    %dma_start3A_130 = tpu.memref_squeeze %dma_start3A_129 : memref<1x128xi32, #tpu.memory_space<vmem>> -> memref<128xi32, #tpu.memory_space<vmem>>
    %dma_start3A_131 = arith.constant 512 : i32
    %dma_start3A_132 = tpu.memref_slice %arg3[%dma_start3A_126, %add3A, %dma_start3A_131] : memref<2x32x10000xi32, #tpu.memory_space<hbm>> -> memref<1x1x128xi32, #tpu.memory_space<hbm>>
    %dma_start3A_133 = tpu.memref_squeeze %dma_start3A_132 : memref<1x1x128xi32, #tpu.memory_space<hbm>> -> memref<128xi32, #tpu.memory_space<hbm>>
    %dma_start3A_134 = arith.constant 0 : i32
    %dma_start3A_135 = tpu.memref_slice %arg6[%dma_start3A_127, %dma_start3A_134] : memref<6x128xi32, #tpu.memory_space<vmem>> -> memref<1x128xi32, #tpu.memory_space<vmem>>
    %dma_start3A_136 = tpu.memref_squeeze %dma_start3A_135 : memref<1x128xi32, #tpu.memory_space<vmem>> -> memref<128xi32, #tpu.memory_space<vmem>>
    %dma_start3A_137 = arith.constant 512 : i32
    %dma_start3A_138 = tpu.memref_slice %arg3[%dma_start3A_126, %add3A, %dma_start3A_137] : memref<2x32x10000xi32, #tpu.memory_space<hbm>> -> memref<1x1x128xi32, #tpu.memory_space<hbm>>
    %dma_start3A_139 = tpu.memref_squeeze %dma_start3A_138 : memref<1x1x128xi32, #tpu.memory_space<hbm>> -> memref<128xi32, #tpu.memory_space<hbm>>
    tpu.enqueue_dma source(%dma_start3A_139 : memref<128xi32, #tpu.memory_space<hbm>>) target(%dma_start3A_136 : memref<128xi32, #tpu.memory_space<vmem>>) target_semaphore(%arg21 : memref<!tpu.dma_semaphore, #tpu.memory_space<semaphore_mem>>)
    %dma_start3A_140 = arith.constant 0 : i32
    %dma_start3A_141 = arith.constant 5 : i32
    %dma_start3A_142 = arith.constant 0 : i32
    %dma_start3A_143 = tpu.memref_slice %arg5[%dma_start3A_141, %dma_start3A_142] : memref<6x128xi32, #tpu.memory_space<vmem>> -> memref<1x128xi32, #tpu.memory_space<vmem>>
    %dma_start3A_144 = tpu.memref_squeeze %dma_start3A_143 : memref<1x128xi32, #tpu.memory_space<vmem>> -> memref<128xi32, #tpu.memory_space<vmem>>
    %dma_start3A_145 = arith.constant 640 : i32
    %dma_start3A_146 = tpu.memref_slice %arg3[%dma_start3A_140, %add3A, %dma_start3A_145] : memref<2x32x10000xi32, #tpu.memory_space<hbm>> -> memref<1x1x128xi32, #tpu.memory_space<hbm>>
    %dma_start3A_147 = tpu.memref_squeeze %dma_start3A_146 : memref<1x1x128xi32, #tpu.memory_space<hbm>> -> memref<128xi32, #tpu.memory_space<hbm>>
    %dma_start3A_148 = arith.constant 0 : i32
    %dma_start3A_149 = tpu.memref_slice %arg5[%dma_start3A_141, %dma_start3A_148] : memref<6x128xi32, #tpu.memory_space<vmem>> -> memref<1x128xi32, #tpu.memory_space<vmem>>
    %dma_start3A_150 = tpu.memref_squeeze %dma_start3A_149 : memref<1x128xi32, #tpu.memory_space<vmem>> -> memref<128xi32, #tpu.memory_space<vmem>>
    %dma_start3A_151 = arith.constant 640 : i32
    %dma_start3A_152 = tpu.memref_slice %arg3[%dma_start3A_140, %add3A, %dma_start3A_151] : memref<2x32x10000xi32, #tpu.memory_space<hbm>> -> memref<1x1x128xi32, #tpu.memory_space<hbm>>
    %dma_start3A_153 = tpu.memref_squeeze %dma_start3A_152 : memref<1x1x128xi32, #tpu.memory_space<hbm>> -> memref<128xi32, #tpu.memory_space<hbm>>
    tpu.enqueue_dma source(%dma_start3A_153 : memref<128xi32, #tpu.memory_space<hbm>>) target(%dma_start3A_150 : memref<128xi32, #tpu.memory_space<vmem>>) target_semaphore(%arg16 : memref<!tpu.dma_semaphore, #tpu.memory_space<semaphore_mem>>)
    %dma_start3A_154 = arith.constant 1 : i32
    %dma_start3A_155 = arith.constant 5 : i32
    %dma_start3A_156 = arith.constant 0 : i32
    %dma_start3A_157 = tpu.memref_slice %arg6[%dma_start3A_155, %dma_start3A_156] : memref<6x128xi32, #tpu.memory_space<vmem>> -> memref<1x128xi32, #tpu.memory_space<vmem>>
    %dma_start3A_158 = tpu.memref_squeeze %dma_start3A_157 : memref<1x128xi32, #tpu.memory_space<vmem>> -> memref<128xi32, #tpu.memory_space<vmem>>
    %dma_start3A_159 = arith.constant 640 : i32
    %dma_start3A_160 = tpu.memref_slice %arg3[%dma_start3A_154, %add3A, %dma_start3A_159] : memref<2x32x10000xi32, #tpu.memory_space<hbm>> -> memref<1x1x128xi32, #tpu.memory_space<hbm>>
    %dma_start3A_161 = tpu.memref_squeeze %dma_start3A_160 : memref<1x1x128xi32, #tpu.memory_space<hbm>> -> memref<128xi32, #tpu.memory_space<hbm>>
    %dma_start3A_162 = arith.constant 0 : i32
    %dma_start3A_163 = tpu.memref_slice %arg6[%dma_start3A_155, %dma_start3A_162] : memref<6x128xi32, #tpu.memory_space<vmem>> -> memref<1x128xi32, #tpu.memory_space<vmem>>
    %dma_start3A_164 = tpu.memref_squeeze %dma_start3A_163 : memref<1x128xi32, #tpu.memory_space<vmem>> -> memref<128xi32, #tpu.memory_space<vmem>>
    %dma_start3A_165 = arith.constant 640 : i32
    %dma_start3A_166 = tpu.memref_slice %arg3[%dma_start3A_154, %add3A, %dma_start3A_165] : memref<2x32x10000xi32, #tpu.memory_space<hbm>> -> memref<1x1x128xi32, #tpu.memory_space<hbm>>
    %dma_start3A_167 = tpu.memref_squeeze %dma_start3A_166 : memref<1x1x128xi32, #tpu.memory_space<hbm>> -> memref<128xi32, #tpu.memory_space<hbm>>
    tpu.enqueue_dma source(%dma_start3A_167 : memref<128xi32, #tpu.memory_space<hbm>>) target(%dma_start3A_164 : memref<128xi32, #tpu.memory_space<vmem>>) target_semaphore(%arg22 : memref<!tpu.dma_semaphore, #tpu.memory_space<semaphore_mem>>)
    %eq3A = arith.constant 0 : i32
    %eq3A_168 = arith.cmpi eq, %arg0, %eq3A : i32
    %convert_element_type3A = arith.extui %eq3A_168 : i1 to i32
    %cond3A = arith.constant 0 : i32
    %cond3A_169 = arith.cmpi ne, %convert_element_type3A, %cond3A : i32
    scf.if %cond3A_169 {
      %lt3A = arith.constant 15 : i32
      %lt3A_250 = arith.cmpi slt, %arg1, %lt3A : i32
      %convert_element_type3A_251 = arith.extui %lt3A_250 : i1 to i32
      %cond3A_252 = arith.constant 0 : i32
      %cond3A_253 = arith.cmpi ne, %convert_element_type3A_251, %cond3A_252 : i32
      scf.if %cond3A_253 {
        %mul3A_259 = arith.constant 640 : i32
        %mul3A_260 = arith.muli %arg1, %mul3A_259 : i32
        %mul3A_261 = arith.constant 640 : i32
        %mul3A_262 = arith.muli %arg1, %mul3A_261 : i32
        "tpu.region"() ({
          %run_scoped3A_263 = tpu.sem_alloc : memref<!tpu.dma_semaphore, #tpu.memory_space<semaphore_mem>>
          %dma_start3A_264 = arith.constant 0 : i32
          %dma_start3A_265 = tpu.memref_slice %arg10[%mul3A_262, %dma_start3A_264] : memref<10240x128xf32, #tpu.memory_space<vmem_shared>> -> memref<640x128xf32, #tpu.memory_space<vmem_shared>>
          %dma_start3A_266 = arith.constant 0 : i32
          %dma_start3A_267 = tpu.memref_slice %arg2[%mul3A_260, %dma_start3A_266] : memref<10000x128xf32, #tpu.memory_space<hbm>> -> memref<640x128xf32, #tpu.memory_space<hbm>>
          tpu.enqueue_dma source(%dma_start3A_267 : memref<640x128xf32, #tpu.memory_space<hbm>>) target(%dma_start3A_265 : memref<640x128xf32, #tpu.memory_space<vmem_shared>>) target_semaphore(%run_scoped3A_263 : memref<!tpu.dma_semaphore, #tpu.memory_space<semaphore_mem>>)
          %dma_wait3A_268 = arith.constant 0 : i32
          %dma_wait3A_269 = tpu.memref_slice %arg10[%mul3A_262, %dma_wait3A_268] : memref<10240x128xf32, #tpu.memory_space<vmem_shared>> -> memref<640x128xf32, #tpu.memory_space<vmem_shared>>
          %dma_wait3A_270 = arith.constant 0 : i32
          %dma_wait3A_271 = tpu.memref_slice %arg2[%mul3A_260, %dma_wait3A_270] : memref<10000x128xf32, #tpu.memory_space<hbm>> -> memref<640x128xf32, #tpu.memory_space<hbm>>
          tpu.wait_dma2 semaphore(%run_scoped3A_263 : memref<!tpu.dma_semaphore, #tpu.memory_space<semaphore_mem>>) src(%dma_wait3A_271 : memref<640x128xf32, #tpu.memory_space<hbm>>) dst(%dma_wait3A_269 : memref<640x128xf32, #tpu.memory_space<vmem_shared>>)
          tpu.yield
        }) : () -> ()
      } else {
      }
      %eq3A_254 = arith.constant 15 : i32
      %eq3A_255 = arith.cmpi eq, %arg1, %eq3A_254 : i32
      %convert_element_type3A_256 = arith.extui %eq3A_255 : i1 to i32
      %cond3A_257 = arith.constant 0 : i32
      %cond3A_258 = arith.cmpi ne, %convert_element_type3A_256, %cond3A_257 : i32
      scf.if %cond3A_258 {
        "tpu.region"() ({
          %run_scoped3A_259 = tpu.sem_alloc : memref<!tpu.dma_semaphore, #tpu.memory_space<semaphore_mem>>
          %dma_start3A_260 = arith.constant 9600 : i32
          %dma_start3A_261 = arith.constant 0 : i32
          %dma_start3A_262 = tpu.memref_slice %arg10[%dma_start3A_260, %dma_start3A_261] : memref<10240x128xf32, #tpu.memory_space<vmem_shared>> -> memref<400x128xf32, #tpu.memory_space<vmem_shared>>
          %dma_start3A_263 = arith.constant 9600 : i32
          %dma_start3A_264 = arith.constant 0 : i32
          %dma_start3A_265 = tpu.memref_slice %arg2[%dma_start3A_263, %dma_start3A_264] : memref<10000x128xf32, #tpu.memory_space<hbm>> -> memref<400x128xf32, #tpu.memory_space<hbm>>
          tpu.enqueue_dma source(%dma_start3A_265 : memref<400x128xf32, #tpu.memory_space<hbm>>) target(%dma_start3A_262 : memref<400x128xf32, #tpu.memory_space<vmem_shared>>) target_semaphore(%run_scoped3A_259 : memref<!tpu.dma_semaphore, #tpu.memory_space<semaphore_mem>>)
          %dma_wait3A_266 = arith.constant 9600 : i32
          %dma_wait3A_267 = arith.constant 0 : i32
          %dma_wait3A_268 = tpu.memref_slice %arg10[%dma_wait3A_266, %dma_wait3A_267] : memref<10240x128xf32, #tpu.memory_space<vmem_shared>> -> memref<400x128xf32, #tpu.memory_space<vmem_shared>>
          %dma_wait3A_269 = arith.constant 9600 : i32
          %dma_wait3A_270 = arith.constant 0 : i32
          %dma_wait3A_271 = tpu.memref_slice %arg2[%dma_wait3A_269, %dma_wait3A_270] : memref<10000x128xf32, #tpu.memory_space<hbm>> -> memref<400x128xf32, #tpu.memory_space<hbm>>
          tpu.wait_dma2 semaphore(%run_scoped3A_259 : memref<!tpu.dma_semaphore, #tpu.memory_space<semaphore_mem>>) src(%dma_wait3A_271 : memref<400x128xf32, #tpu.memory_space<hbm>>) dst(%dma_wait3A_268 : memref<400x128xf32, #tpu.memory_space<vmem_shared>>)
          tpu.yield
        }) : () -> ()
        "tpu.region"() ({
          %run_scoped3A_259 = tpu.sem_alloc : memref<!tpu.dma_semaphore, #tpu.memory_space<semaphore_mem>>
          %dma_start3A_260 = arith.constant 10000 : i32
          %dma_start3A_261 = arith.constant 0 : i32
          %dma_start3A_262 = tpu.memref_slice %arg10[%dma_start3A_260, %dma_start3A_261] : memref<10240x128xf32, #tpu.memory_space<vmem_shared>> -> memref<240x128xf32, #tpu.memory_space<vmem_shared>>
          %dma_start3A_263 = arith.constant 0 : i32
          %dma_start3A_264 = arith.constant 0 : i32
          %dma_start3A_265 = tpu.memref_slice %arg2[%dma_start3A_263, %dma_start3A_264] : memref<10000x128xf32, #tpu.memory_space<hbm>> -> memref<240x128xf32, #tpu.memory_space<hbm>>
          tpu.enqueue_dma source(%dma_start3A_265 : memref<240x128xf32, #tpu.memory_space<hbm>>) target(%dma_start3A_262 : memref<240x128xf32, #tpu.memory_space<vmem_shared>>) target_semaphore(%run_scoped3A_259 : memref<!tpu.dma_semaphore, #tpu.memory_space<semaphore_mem>>)
          %dma_wait3A_266 = arith.constant 10000 : i32
          %dma_wait3A_267 = arith.constant 0 : i32
          %dma_wait3A_268 = tpu.memref_slice %arg10[%dma_wait3A_266, %dma_wait3A_267] : memref<10240x128xf32, #tpu.memory_space<vmem_shared>> -> memref<240x128xf32, #tpu.memory_space<vmem_shared>>
          %dma_wait3A_269 = arith.constant 0 : i32
          %dma_wait3A_270 = arith.constant 0 : i32
          %dma_wait3A_271 = tpu.memref_slice %arg2[%dma_wait3A_269, %dma_wait3A_270] : memref<10000x128xf32, #tpu.memory_space<hbm>> -> memref<240x128xf32, #tpu.memory_space<hbm>>
          tpu.wait_dma2 semaphore(%run_scoped3A_259 : memref<!tpu.dma_semaphore, #tpu.memory_space<semaphore_mem>>) src(%dma_wait3A_271 : memref<240x128xf32, #tpu.memory_space<hbm>>) dst(%dma_wait3A_268 : memref<240x128xf32, #tpu.memory_space<vmem_shared>>)
          tpu.yield
        }) : () -> ()
      } else {
      }
    } else {
    }
    %eq3A_170 = arith.constant 1 : i32
    %eq3A_171 = arith.cmpi eq, %arg0, %eq3A_170 : i32
    %convert_element_type3A_172 = arith.extui %eq3A_171 : i1 to i32
    %cond3A_173 = arith.constant 0 : i32
    %cond3A_174 = arith.cmpi ne, %convert_element_type3A_172, %cond3A_173 : i32
    scf.if %cond3A_174 {
      %scan3A_250 = arith.constant 0 : i32
      %scan3A_251 = arith.constant 0 : i32
      %scan3A_252 = arith.constant 128 : i32
      %scan3A_253 = arith.addi %scan3A_251, %scan3A_252 : i32
      %scan3A_254 = arith.constant 1 : i32
      scf.for %scan3A_281 = %scan3A_251 to %scan3A_253 step %scan3A_254  : i32 {
        %broadcast_in_dim3A = arith.constant 0.000000e+00 : f32
        %broadcast_in_dim3A_282 = vector.broadcast %broadcast_in_dim3A : f32 to vector<16xf32>
        %swap3A = arith.constant 0 : i32
        %swap3A_283 = arith.index_cast %swap3A : i32 to index
        %swap3A_284 = arith.index_cast %scan3A_281 : i32 to index
        %swap3A_285 = arith.constant 0 : index
        %swap3A_286 = tpu.vector_load %arg9[%swap3A_283, %swap3A_284, %swap3A_285] {strides = array<i32>} : memref<2x128x128xf32, #tpu.memory_space<vmem>>, vector<1x1x16xf32>,
        %swap3A_287 = vector.shape_cast %swap3A_286 : vector<1x1x16xf32> to vector<16xf32>
        %swap3A_288 = vector.shape_cast %broadcast_in_dim3A_282 : vector<16xf32> to vector<1x1x16xf32>
        tpu.vector_store %arg9[%swap3A_283, %swap3A_284, %swap3A_285], %swap3A_288 {strides = array<i32>} : memref<2x128x128xf32, #tpu.memory_space<vmem>>, vector<1x1x16xf32>,
        %broadcast_in_dim3A_289 = arith.constant 0.000000e+00 : f32
        %broadcast_in_dim3A_290 = vector.broadcast %broadcast_in_dim3A_289 : f32 to vector<16xf32>
        %swap3A_291 = arith.constant 0 : i32
        %swap3A_292 = arith.index_cast %swap3A_291 : i32 to index
        %swap3A_293 = arith.index_cast %scan3A_281 : i32 to index
        %swap3A_294 = arith.constant 16 : index
        %swap3A_295 = tpu.vector_load %arg9[%swap3A_292, %swap3A_293, %swap3A_294] {strides = array<i32>} : memref<2x128x128xf32, #tpu.memory_space<vmem>>, vector<1x1x16xf32>,
        %swap3A_296 = vector.shape_cast %swap3A_295 : vector<1x1x16xf32> to vector<16xf32>
        %swap3A_297 = vector.shape_cast %broadcast_in_dim3A_290 : vector<16xf32> to vector<1x1x16xf32>
        tpu.vector_store %arg9[%swap3A_292, %swap3A_293, %swap3A_294], %swap3A_297 {strides = array<i32>} : memref<2x128x128xf32, #tpu.memory_space<vmem>>, vector<1x1x16xf32>,
        %broadcast_in_dim3A_298 = arith.constant 0.000000e+00 : f32
        %broadcast_in_dim3A_299 = vector.broadcast %broadcast_in_dim3A_298 : f32 to vector<16xf32>
        %swap3A_300 = arith.constant 0 : i32
        %swap3A_301 = arith.index_cast %swap3A_300 : i32 to index
        %swap3A_302 = arith.index_cast %scan3A_281 : i32 to index
        %swap3A_303 = arith.constant 32 : index
        %swap3A_304 = tpu.vector_load %arg9[%swap3A_301, %swap3A_302, %swap3A_303] {strides = array<i32>} : memref<2x128x128xf32, #tpu.memory_space<vmem>>, vector<1x1x16xf32>,
        %swap3A_305 = vector.shape_cast %swap3A_304 : vector<1x1x16xf32> to vector<16xf32>
        %swap3A_306 = vector.shape_cast %broadcast_in_dim3A_299 : vector<16xf32> to vector<1x1x16xf32>
        tpu.vector_store %arg9[%swap3A_301, %swap3A_302, %swap3A_303], %swap3A_306 {strides = array<i32>} : memref<2x128x128xf32, #tpu.memory_space<vmem>>, vector<1x1x16xf32>,
        %broadcast_in_dim3A_307 = arith.constant 0.000000e+00 : f32
        %broadcast_in_dim3A_308 = vector.broadcast %broadcast_in_dim3A_307 : f32 to vector<16xf32>
        %swap3A_309 = arith.constant 0 : i32
        %swap3A_310 = arith.index_cast %swap3A_309 : i32 to index
        %swap3A_311 = arith.index_cast %scan3A_281 : i32 to index
        %swap3A_312 = arith.constant 48 : index
        %swap3A_313 = tpu.vector_load %arg9[%swap3A_310, %swap3A_311, %swap3A_312] {strides = array<i32>} : memref<2x128x128xf32, #tpu.memory_space<vmem>>, vector<1x1x16xf32>,
        %swap3A_314 = vector.shape_cast %swap3A_313 : vector<1x1x16xf32> to vector<16xf32>
        %swap3A_315 = vector.shape_cast %broadcast_in_dim3A_308 : vector<16xf32> to vector<1x1x16xf32>
        tpu.vector_store %arg9[%swap3A_310, %swap3A_311, %swap3A_312], %swap3A_315 {strides = array<i32>} : memref<2x128x128xf32, #tpu.memory_space<vmem>>, vector<1x1x16xf32>,
        %broadcast_in_dim3A_316 = arith.constant 0.000000e+00 : f32
        %broadcast_in_dim3A_317 = vector.broadcast %broadcast_in_dim3A_316 : f32 to vector<16xf32>
        %swap3A_318 = arith.constant 0 : i32
        %swap3A_319 = arith.index_cast %swap3A_318 : i32 to index
        %swap3A_320 = arith.index_cast %scan3A_281 : i32 to index
        %swap3A_321 = arith.constant 64 : index
        %swap3A_322 = tpu.vector_load %arg9[%swap3A_319, %swap3A_320, %swap3A_321] {strides = array<i32>} : memref<2x128x128xf32, #tpu.memory_space<vmem>>, vector<1x1x16xf32>,
        %swap3A_323 = vector.shape_cast %swap3A_322 : vector<1x1x16xf32> to vector<16xf32>
        %swap3A_324 = vector.shape_cast %broadcast_in_dim3A_317 : vector<16xf32> to vector<1x1x16xf32>
        tpu.vector_store %arg9[%swap3A_319, %swap3A_320, %swap3A_321], %swap3A_324 {strides = array<i32>} : memref<2x128x128xf32, #tpu.memory_space<vmem>>, vector<1x1x16xf32>,
        %broadcast_in_dim3A_325 = arith.constant 0.000000e+00 : f32
        %broadcast_in_dim3A_326 = vector.broadcast %broadcast_in_dim3A_325 : f32 to vector<16xf32>
        %swap3A_327 = arith.constant 0 : i32
        %swap3A_328 = arith.index_cast %swap3A_327 : i32 to index
        %swap3A_329 = arith.index_cast %scan3A_281 : i32 to index
        %swap3A_330 = arith.constant 80 : index
        %swap3A_331 = tpu.vector_load %arg9[%swap3A_328, %swap3A_329, %swap3A_330] {strides = array<i32>} : memref<2x128x128xf32, #tpu.memory_space<vmem>>, vector<1x1x16xf32>,
        %swap3A_332 = vector.shape_cast %swap3A_331 : vector<1x1x16xf32> to vector<16xf32>
        %swap3A_333 = vector.shape_cast %broadcast_in_dim3A_326 : vector<16xf32> to vector<1x1x16xf32>
        tpu.vector_store %arg9[%swap3A_328, %swap3A_329, %swap3A_330], %swap3A_333 {strides = array<i32>} : memref<2x128x128xf32, #tpu.memory_space<vmem>>, vector<1x1x16xf32>,
        %broadcast_in_dim3A_334 = arith.constant 0.000000e+00 : f32
        %broadcast_in_dim3A_335 = vector.broadcast %broadcast_in_dim3A_334 : f32 to vector<16xf32>
        %swap3A_336 = arith.constant 0 : i32
        %swap3A_337 = arith.index_cast %swap3A_336 : i32 to index
        %swap3A_338 = arith.index_cast %scan3A_281 : i32 to index
        %swap3A_339 = arith.constant 96 : index
        %swap3A_340 = tpu.vector_load %arg9[%swap3A_337, %swap3A_338, %swap3A_339] {strides = array<i32>} : memref<2x128x128xf32, #tpu.memory_space<vmem>>, vector<1x1x16xf32>,
        %swap3A_341 = vector.shape_cast %swap3A_340 : vector<1x1x16xf32> to vector<16xf32>
        %swap3A_342 = vector.shape_cast %broadcast_in_dim3A_335 : vector<16xf32> to vector<1x1x16xf32>
        tpu.vector_store %arg9[%swap3A_337, %swap3A_338, %swap3A_339], %swap3A_342 {strides = array<i32>} : memref<2x128x128xf32, #tpu.memory_space<vmem>>, vector<1x1x16xf32>,
        %broadcast_in_dim3A_343 = arith.constant 0.000000e+00 : f32
        %broadcast_in_dim3A_344 = vector.broadcast %broadcast_in_dim3A_343 : f32 to vector<16xf32>
        %swap3A_345 = arith.constant 0 : i32
        %swap3A_346 = arith.index_cast %swap3A_345 : i32 to index
        %swap3A_347 = arith.index_cast %scan3A_281 : i32 to index
        %swap3A_348 = arith.constant 112 : index
        %swap3A_349 = tpu.vector_load %arg9[%swap3A_346, %swap3A_347, %swap3A_348] {strides = array<i32>} : memref<2x128x128xf32, #tpu.memory_space<vmem>>, vector<1x1x16xf32>,
        %swap3A_350 = vector.shape_cast %swap3A_349 : vector<1x1x16xf32> to vector<16xf32>
        %swap3A_351 = vector.shape_cast %broadcast_in_dim3A_344 : vector<16xf32> to vector<1x1x16xf32>
        tpu.vector_store %arg9[%swap3A_346, %swap3A_347, %swap3A_348], %swap3A_351 {strides = array<i32>} : memref<2x128x128xf32, #tpu.memory_space<vmem>>, vector<1x1x16xf32>,
      }
      %scan3A_255 = arith.constant 128 : i32
      %mul3A_256 = arith.constant 640 : i32
      %mul3A_257 = arith.muli %arg1, %mul3A_256 : i32
      %add3A_258 = arith.constant 0 : i32
      %add3A_259 = arith.addi %mul3A_257, %add3A_258 : i32
      %run_scoped3A_260 = arith.constant 0 : i32
      "tpu.region"() ({
        %run_scoped3A_281 = tpu.sem_alloc : memref<!tpu.dma_semaphore, #tpu.memory_space<semaphore_mem>>
        %dma_start3A_282 = arith.constant 0 : i32
        %dma_start3A_283 = arith.constant 0 : i32
        %dma_start3A_284 = tpu.memref_slice %arg9[%run_scoped3A_260, %dma_start3A_282, %dma_start3A_283] : memref<2x128x128xf32, #tpu.memory_space<vmem>> -> memref<1x128x128xf32, #tpu.memory_space<vmem>>
        %dma_start3A_285 = tpu.memref_squeeze %dma_start3A_284 : memref<1x128x128xf32, #tpu.memory_space<vmem>> -> memref<128x128xf32, #tpu.memory_space<vmem>>
        %dma_start3A_286 = arith.constant 0 : i32
        %dma_start3A_287 = tpu.memref_slice %arg10[%add3A_259, %dma_start3A_286] : memref<10240x128xf32, #tpu.memory_space<vmem_shared>> -> memref<128x128xf32, #tpu.memory_space<vmem_shared>>
        %dma_start3A_288 = arith.constant 0 : i32
        %dma_start3A_289 = tpu.memref_slice %arg10[%add3A_259, %dma_start3A_288] : memref<10240x128xf32, #tpu.memory_space<vmem_shared>> -> memref<128x128xf32, #tpu.memory_space<vmem_shared>>
        %dma_start3A_290 = arith.constant 0 : i32
        %dma_start3A_291 = arith.constant 0 : i32
        %dma_start3A_292 = tpu.memref_slice %arg9[%run_scoped3A_260, %dma_start3A_290, %dma_start3A_291] : memref<2x128x128xf32, #tpu.memory_space<vmem>> -> memref<1x128x128xf32, #tpu.memory_space<vmem>>
        %dma_start3A_293 = tpu.memref_squeeze %dma_start3A_292 : memref<1x128x128xf32, #tpu.memory_space<vmem>> -> memref<128x128xf32, #tpu.memory_space<vmem>>
        tpu.enqueue_dma source(%dma_start3A_293 : memref<128x128xf32, #tpu.memory_space<vmem>>) target(%dma_start3A_289 : memref<128x128xf32, #tpu.memory_space<vmem_shared>>) target_semaphore(%run_scoped3A_281 : memref<!tpu.dma_semaphore, #tpu.memory_space<semaphore_mem>>)
        %dma_wait3A_294 = arith.constant 0 : i32
        %dma_wait3A_295 = arith.constant 0 : i32
        %dma_wait3A_296 = tpu.memref_slice %arg9[%run_scoped3A_260, %dma_wait3A_294, %dma_wait3A_295] : memref<2x128x128xf32, #tpu.memory_space<vmem>> -> memref<1x128x128xf32, #tpu.memory_space<vmem>>
        %dma_wait3A_297 = tpu.memref_squeeze %dma_wait3A_296 : memref<1x128x128xf32, #tpu.memory_space<vmem>> -> memref<128x128xf32, #tpu.memory_space<vmem>>
        %dma_wait3A_298 = arith.constant 0 : i32
        %dma_wait3A_299 = tpu.memref_slice %arg10[%add3A_259, %dma_wait3A_298] : memref<10240x128xf32, #tpu.memory_space<vmem_shared>> -> memref<128x128xf32, #tpu.memory_space<vmem_shared>>
        %dma_wait3A_300 = arith.constant 0 : i32
        %dma_wait3A_301 = tpu.memref_slice %arg10[%add3A_259, %dma_wait3A_300] : memref<10240x128xf32, #tpu.memory_space<vmem_shared>> -> memref<128x128xf32, #tpu.memory_space<vmem_shared>>
        %dma_wait3A_302 = arith.constant 0 : i32
        %dma_wait3A_303 = arith.constant 0 : i32
        %dma_wait3A_304 = tpu.memref_slice %arg9[%run_scoped3A_260, %dma_wait3A_302, %dma_wait3A_303] : memref<2x128x128xf32, #tpu.memory_space<vmem>> -> memref<1x128x128xf32, #tpu.memory_space<vmem>>
        %dma_wait3A_305 = tpu.memref_squeeze %dma_wait3A_304 : memref<1x128x128xf32, #tpu.memory_space<vmem>> -> memref<128x128xf32, #tpu.memory_space<vmem>>
        tpu.wait_dma2 semaphore(%run_scoped3A_281 : memref<!tpu.dma_semaphore, #tpu.memory_space<semaphore_mem>>) src(%dma_wait3A_305 : memref<128x128xf32, #tpu.memory_space<vmem>>) dst(%dma_wait3A_301 : memref<128x128xf32, #tpu.memory_space<vmem_shared>>)
        tpu.yield
      }) : () -> ()
      %mul3A_261 = arith.constant 640 : i32
      %mul3A_262 = arith.muli %arg1, %mul3A_261 : i32
      %add3A_263 = arith.constant 128 : i32
      %add3A_264 = arith.addi %mul3A_262, %add3A_263 : i32
      %run_scoped3A_265 = arith.constant 0 : i32
      "tpu.region"() ({
        %run_scoped3A_281 = tpu.sem_alloc : memref<!tpu.dma_semaphore, #tpu.memory_space<semaphore_mem>>
        %dma_start3A_282 = arith.constant 0 : i32
        %dma_start3A_283 = arith.constant 0 : i32
        %dma_start3A_284 = tpu.memref_slice %arg9[%run_scoped3A_265, %dma_start3A_282, %dma_start3A_283] : memref<2x128x128xf32, #tpu.memory_space<vmem>> -> memref<1x128x128xf32, #tpu.memory_space<vmem>>
        %dma_start3A_285 = tpu.memref_squeeze %dma_start3A_284 : memref<1x128x128xf32, #tpu.memory_space<vmem>> -> memref<128x128xf32, #tpu.memory_space<vmem>>
        %dma_start3A_286 = arith.constant 0 : i32
        %dma_start3A_287 = tpu.memref_slice %arg10[%add3A_264, %dma_start3A_286] : memref<10240x128xf32, #tpu.memory_space<vmem_shared>> -> memref<128x128xf32, #tpu.memory_space<vmem_shared>>
        %dma_start3A_288 = arith.constant 0 : i32
        %dma_start3A_289 = tpu.memref_slice %arg10[%add3A_264, %dma_start3A_288] : memref<10240x128xf32, #tpu.memory_space<vmem_shared>> -> memref<128x128xf32, #tpu.memory_space<vmem_shared>>
        %dma_start3A_290 = arith.constant 0 : i32
        %dma_start3A_291 = arith.constant 0 : i32
        %dma_start3A_292 = tpu.memref_slice %arg9[%run_scoped3A_265, %dma_start3A_290, %dma_start3A_291] : memref<2x128x128xf32, #tpu.memory_space<vmem>> -> memref<1x128x128xf32, #tpu.memory_space<vmem>>
        %dma_start3A_293 = tpu.memref_squeeze %dma_start3A_292 : memref<1x128x128xf32, #tpu.memory_space<vmem>> -> memref<128x128xf32, #tpu.memory_space<vmem>>
        tpu.enqueue_dma source(%dma_start3A_293 : memref<128x128xf32, #tpu.memory_space<vmem>>) target(%dma_start3A_289 : memref<128x128xf32, #tpu.memory_space<vmem_shared>>) target_semaphore(%run_scoped3A_281 : memref<!tpu.dma_semaphore, #tpu.memory_space<semaphore_mem>>)
        %dma_wait3A_294 = arith.constant 0 : i32
        %dma_wait3A_295 = arith.constant 0 : i32
        %dma_wait3A_296 = tpu.memref_slice %arg9[%run_scoped3A_265, %dma_wait3A_294, %dma_wait3A_295] : memref<2x128x128xf32, #tpu.memory_space<vmem>> -> memref<1x128x128xf32, #tpu.memory_space<vmem>>
        %dma_wait3A_297 = tpu.memref_squeeze %dma_wait3A_296 : memref<1x128x128xf32, #tpu.memory_space<vmem>> -> memref<128x128xf32, #tpu.memory_space<vmem>>
        %dma_wait3A_298 = arith.constant 0 : i32
        %dma_wait3A_299 = tpu.memref_slice %arg10[%add3A_264, %dma_wait3A_298] : memref<10240x128xf32, #tpu.memory_space<vmem_shared>> -> memref<128x128xf32, #tpu.memory_space<vmem_shared>>
        %dma_wait3A_300 = arith.constant 0 : i32
        %dma_wait3A_301 = tpu.memref_slice %arg10[%add3A_264, %dma_wait3A_300] : memref<10240x128xf32, #tpu.memory_space<vmem_shared>> -> memref<128x128xf32, #tpu.memory_space<vmem_shared>>
        %dma_wait3A_302 = arith.constant 0 : i32
        %dma_wait3A_303 = arith.constant 0 : i32
        %dma_wait3A_304 = tpu.memref_slice %arg9[%run_scoped3A_265, %dma_wait3A_302, %dma_wait3A_303] : memref<2x128x128xf32, #tpu.memory_space<vmem>> -> memref<1x128x128xf32, #tpu.memory_space<vmem>>
        %dma_wait3A_305 = tpu.memref_squeeze %dma_wait3A_304 : memref<1x128x128xf32, #tpu.memory_space<vmem>> -> memref<128x128xf32, #tpu.memory_space<vmem>>
        tpu.wait_dma2 semaphore(%run_scoped3A_281 : memref<!tpu.dma_semaphore, #tpu.memory_space<semaphore_mem>>) src(%dma_wait3A_305 : memref<128x128xf32, #tpu.memory_space<vmem>>) dst(%dma_wait3A_301 : memref<128x128xf32, #tpu.memory_space<vmem_shared>>)
        tpu.yield
      }) : () -> ()
      %mul3A_266 = arith.constant 640 : i32
      %mul3A_267 = arith.muli %arg1, %mul3A_266 : i32
      %add3A_268 = arith.constant 256 : i32
      %add3A_269 = arith.addi %mul3A_267, %add3A_268 : i32
      %run_scoped3A_270 = arith.constant 0 : i32
      "tpu.region"() ({
        %run_scoped3A_281 = tpu.sem_alloc : memref<!tpu.dma_semaphore, #tpu.memory_space<semaphore_mem>>
        %dma_start3A_282 = arith.constant 0 : i32
        %dma_start3A_283 = arith.constant 0 : i32
        %dma_start3A_284 = tpu.memref_slice %arg9[%run_scoped3A_270, %dma_start3A_282, %dma_start3A_283] : memref<2x128x128xf32, #tpu.memory_space<vmem>> -> memref<1x128x128xf32, #tpu.memory_space<vmem>>
        %dma_start3A_285 = tpu.memref_squeeze %dma_start3A_284 : memref<1x128x128xf32, #tpu.memory_space<vmem>> -> memref<128x128xf32, #tpu.memory_space<vmem>>
        %dma_start3A_286 = arith.constant 0 : i32
        %dma_start3A_287 = tpu.memref_slice %arg10[%add3A_269, %dma_start3A_286] : memref<10240x128xf32, #tpu.memory_space<vmem_shared>> -> memref<128x128xf32, #tpu.memory_space<vmem_shared>>
        %dma_start3A_288 = arith.constant 0 : i32
        %dma_start3A_289 = tpu.memref_slice %arg10[%add3A_269, %dma_start3A_288] : memref<10240x128xf32, #tpu.memory_space<vmem_shared>> -> memref<128x128xf32, #tpu.memory_space<vmem_shared>>
        %dma_start3A_290 = arith.constant 0 : i32
        %dma_start3A_291 = arith.constant 0 : i32
        %dma_start3A_292 = tpu.memref_slice %arg9[%run_scoped3A_270, %dma_start3A_290, %dma_start3A_291] : memref<2x128x128xf32, #tpu.memory_space<vmem>> -> memref<1x128x128xf32, #tpu.memory_space<vmem>>
        %dma_start3A_293 = tpu.memref_squeeze %dma_start3A_292 : memref<1x128x128xf32, #tpu.memory_space<vmem>> -> memref<128x128xf32, #tpu.memory_space<vmem>>
        tpu.enqueue_dma source(%dma_start3A_293 : memref<128x128xf32, #tpu.memory_space<vmem>>) target(%dma_start3A_289 : memref<128x128xf32, #tpu.memory_space<vmem_shared>>) target_semaphore(%run_scoped3A_281 : memref<!tpu.dma_semaphore, #tpu.memory_space<semaphore_mem>>)
        %dma_wait3A_294 = arith.constant 0 : i32
        %dma_wait3A_295 = arith.constant 0 : i32
        %dma_wait3A_296 = tpu.memref_slice %arg9[%run_scoped3A_270, %dma_wait3A_294, %dma_wait3A_295] : memref<2x128x128xf32, #tpu.memory_space<vmem>> -> memref<1x128x128xf32, #tpu.memory_space<vmem>>
        %dma_wait3A_297 = tpu.memref_squeeze %dma_wait3A_296 : memref<1x128x128xf32, #tpu.memory_space<vmem>> -> memref<128x128xf32, #tpu.memory_space<vmem>>
        %dma_wait3A_298 = arith.constant 0 : i32
        %dma_wait3A_299 = tpu.memref_slice %arg10[%add3A_269, %dma_wait3A_298] : memref<10240x128xf32, #tpu.memory_space<vmem_shared>> -> memref<128x128xf32, #tpu.memory_space<vmem_shared>>
        %dma_wait3A_300 = arith.constant 0 : i32
        %dma_wait3A_301 = tpu.memref_slice %arg10[%add3A_269, %dma_wait3A_300] : memref<10240x128xf32, #tpu.memory_space<vmem_shared>> -> memref<128x128xf32, #tpu.memory_space<vmem_shared>>
        %dma_wait3A_302 = arith.constant 0 : i32
        %dma_wait3A_303 = arith.constant 0 : i32
        %dma_wait3A_304 = tpu.memref_slice %arg9[%run_scoped3A_270, %dma_wait3A_302, %dma_wait3A_303] : memref<2x128x128xf32, #tpu.memory_space<vmem>> -> memref<1x128x128xf32, #tpu.memory_space<vmem>>
        %dma_wait3A_305 = tpu.memref_squeeze %dma_wait3A_304 : memref<1x128x128xf32, #tpu.memory_space<vmem>> -> memref<128x128xf32, #tpu.memory_space<vmem>>
        tpu.wait_dma2 semaphore(%run_scoped3A_281 : memref<!tpu.dma_semaphore, #tpu.memory_space<semaphore_mem>>) src(%dma_wait3A_305 : memref<128x128xf32, #tpu.memory_space<vmem>>) dst(%dma_wait3A_301 : memref<128x128xf32, #tpu.memory_space<vmem_shared>>)
        tpu.yield
      }) : () -> ()
      %mul3A_271 = arith.constant 640 : i32
      %mul3A_272 = arith.muli %arg1, %mul3A_271 : i32
      %add3A_273 = arith.constant 384 : i32
      %add3A_274 = arith.addi %mul3A_272, %add3A_273 : i32
      %run_scoped3A_275 = arith.constant 0 : i32
      "tpu.region"() ({
        %run_scoped3A_281 = tpu.sem_alloc : memref<!tpu.dma_semaphore, #tpu.memory_space<semaphore_mem>>
        %dma_start3A_282 = arith.constant 0 : i32
        %dma_start3A_283 = arith.constant 0 : i32
        %dma_start3A_284 = tpu.memref_slice %arg9[%run_scoped3A_275, %dma_start3A_282, %dma_start3A_283] : memref<2x128x128xf32, #tpu.memory_space<vmem>> -> memref<1x128x128xf32, #tpu.memory_space<vmem>>
        %dma_start3A_285 = tpu.memref_squeeze %dma_start3A_284 : memref<1x128x128xf32, #tpu.memory_space<vmem>> -> memref<128x128xf32, #tpu.memory_space<vmem>>
        %dma_start3A_286 = arith.constant 0 : i32
        %dma_start3A_287 = tpu.memref_slice %arg10[%add3A_274, %dma_start3A_286] : memref<10240x128xf32, #tpu.memory_space<vmem_shared>> -> memref<128x128xf32, #tpu.memory_space<vmem_shared>>
        %dma_start3A_288 = arith.constant 0 : i32
        %dma_start3A_289 = tpu.memref_slice %arg10[%add3A_274, %dma_start3A_288] : memref<10240x128xf32, #tpu.memory_space<vmem_shared>> -> memref<128x128xf32, #tpu.memory_space<vmem_shared>>
        %dma_start3A_290 = arith.constant 0 : i32
        %dma_start3A_291 = arith.constant 0 : i32
        %dma_start3A_292 = tpu.memref_slice %arg9[%run_scoped3A_275, %dma_start3A_290, %dma_start3A_291] : memref<2x128x128xf32, #tpu.memory_space<vmem>> -> memref<1x128x128xf32, #tpu.memory_space<vmem>>
        %dma_start3A_293 = tpu.memref_squeeze %dma_start3A_292 : memref<1x128x128xf32, #tpu.memory_space<vmem>> -> memref<128x128xf32, #tpu.memory_space<vmem>>
        tpu.enqueue_dma source(%dma_start3A_293 : memref<128x128xf32, #tpu.memory_space<vmem>>) target(%dma_start3A_289 : memref<128x128xf32, #tpu.memory_space<vmem_shared>>) target_semaphore(%run_scoped3A_281 : memref<!tpu.dma_semaphore, #tpu.memory_space<semaphore_mem>>)
        %dma_wait3A_294 = arith.constant 0 : i32
        %dma_wait3A_295 = arith.constant 0 : i32
        %dma_wait3A_296 = tpu.memref_slice %arg9[%run_scoped3A_275, %dma_wait3A_294, %dma_wait3A_295] : memref<2x128x128xf32, #tpu.memory_space<vmem>> -> memref<1x128x128xf32, #tpu.memory_space<vmem>>
        %dma_wait3A_297 = tpu.memref_squeeze %dma_wait3A_296 : memref<1x128x128xf32, #tpu.memory_space<vmem>> -> memref<128x128xf32, #tpu.memory_space<vmem>>
        %dma_wait3A_298 = arith.constant 0 : i32
        %dma_wait3A_299 = tpu.memref_slice %arg10[%add3A_274, %dma_wait3A_298] : memref<10240x128xf32, #tpu.memory_space<vmem_shared>> -> memref<128x128xf32, #tpu.memory_space<vmem_shared>>
        %dma_wait3A_300 = arith.constant 0 : i32
        %dma_wait3A_301 = tpu.memref_slice %arg10[%add3A_274, %dma_wait3A_300] : memref<10240x128xf32, #tpu.memory_space<vmem_shared>> -> memref<128x128xf32, #tpu.memory_space<vmem_shared>>
        %dma_wait3A_302 = arith.constant 0 : i32
        %dma_wait3A_303 = arith.constant 0 : i32
        %dma_wait3A_304 = tpu.memref_slice %arg9[%run_scoped3A_275, %dma_wait3A_302, %dma_wait3A_303] : memref<2x128x128xf32, #tpu.memory_space<vmem>> -> memref<1x128x128xf32, #tpu.memory_space<vmem>>
        %dma_wait3A_305 = tpu.memref_squeeze %dma_wait3A_304 : memref<1x128x128xf32, #tpu.memory_space<vmem>> -> memref<128x128xf32, #tpu.memory_space<vmem>>
        tpu.wait_dma2 semaphore(%run_scoped3A_281 : memref<!tpu.dma_semaphore, #tpu.memory_space<semaphore_mem>>) src(%dma_wait3A_305 : memref<128x128xf32, #tpu.memory_space<vmem>>) dst(%dma_wait3A_301 : memref<128x128xf32, #tpu.memory_space<vmem_shared>>)
        tpu.yield
      }) : () -> ()
      %mul3A_276 = arith.constant 640 : i32
      %mul3A_277 = arith.muli %arg1, %mul3A_276 : i32
      %add3A_278 = arith.constant 512 : i32
      %add3A_279 = arith.addi %mul3A_277, %add3A_278 : i32
      %run_scoped3A_280 = arith.constant 0 : i32
      "tpu.region"() ({
        %run_scoped3A_281 = tpu.sem_alloc : memref<!tpu.dma_semaphore, #tpu.memory_space<semaphore_mem>>
        %dma_start3A_282 = arith.constant 0 : i32
        %dma_start3A_283 = arith.constant 0 : i32
        %dma_start3A_284 = tpu.memref_slice %arg9[%run_scoped3A_280, %dma_start3A_282, %dma_start3A_283] : memref<2x128x128xf32, #tpu.memory_space<vmem>> -> memref<1x128x128xf32, #tpu.memory_space<vmem>>
        %dma_start3A_285 = tpu.memref_squeeze %dma_start3A_284 : memref<1x128x128xf32, #tpu.memory_space<vmem>> -> memref<128x128xf32, #tpu.memory_space<vmem>>
        %dma_start3A_286 = arith.constant 0 : i32
        %dma_start3A_287 = tpu.memref_slice %arg10[%add3A_279, %dma_start3A_286] : memref<10240x128xf32, #tpu.memory_space<vmem_shared>> -> memref<128x128xf32, #tpu.memory_space<vmem_shared>>
        %dma_start3A_288 = arith.constant 0 : i32
        %dma_start3A_289 = tpu.memref_slice %arg10[%add3A_279, %dma_start3A_288] : memref<10240x128xf32, #tpu.memory_space<vmem_shared>> -> memref<128x128xf32, #tpu.memory_space<vmem_shared>>
        %dma_start3A_290 = arith.constant 0 : i32
        %dma_start3A_291 = arith.constant 0 : i32
        %dma_start3A_292 = tpu.memref_slice %arg9[%run_scoped3A_280, %dma_start3A_290, %dma_start3A_291] : memref<2x128x128xf32, #tpu.memory_space<vmem>> -> memref<1x128x128xf32, #tpu.memory_space<vmem>>
        %dma_start3A_293 = tpu.memref_squeeze %dma_start3A_292 : memref<1x128x128xf32, #tpu.memory_space<vmem>> -> memref<128x128xf32, #tpu.memory_space<vmem>>
        tpu.enqueue_dma source(%dma_start3A_293 : memref<128x128xf32, #tpu.memory_space<vmem>>) target(%dma_start3A_289 : memref<128x128xf32, #tpu.memory_space<vmem_shared>>) target_semaphore(%run_scoped3A_281 : memref<!tpu.dma_semaphore, #tpu.memory_space<semaphore_mem>>)
        %dma_wait3A_294 = arith.constant 0 : i32
        %dma_wait3A_295 = arith.constant 0 : i32
        %dma_wait3A_296 = tpu.memref_slice %arg9[%run_scoped3A_280, %dma_wait3A_294, %dma_wait3A_295] : memref<2x128x128xf32, #tpu.memory_space<vmem>> -> memref<1x128x128xf32, #tpu.memory_space<vmem>>
        %dma_wait3A_297 = tpu.memref_squeeze %dma_wait3A_296 : memref<1x128x128xf32, #tpu.memory_space<vmem>> -> memref<128x128xf32, #tpu.memory_space<vmem>>
        %dma_wait3A_298 = arith.constant 0 : i32
        %dma_wait3A_299 = tpu.memref_slice %arg10[%add3A_279, %dma_wait3A_298] : memref<10240x128xf32, #tpu.memory_space<vmem_shared>> -> memref<128x128xf32, #tpu.memory_space<vmem_shared>>
        %dma_wait3A_300 = arith.constant 0 : i32
        %dma_wait3A_301 = tpu.memref_slice %arg10[%add3A_279, %dma_wait3A_300] : memref<10240x128xf32, #tpu.memory_space<vmem_shared>> -> memref<128x128xf32, #tpu.memory_space<vmem_shared>>
        %dma_wait3A_302 = arith.constant 0 : i32
        %dma_wait3A_303 = arith.constant 0 : i32
        %dma_wait3A_304 = tpu.memref_slice %arg9[%run_scoped3A_280, %dma_wait3A_302, %dma_wait3A_303] : memref<2x128x128xf32, #tpu.memory_space<vmem>> -> memref<1x128x128xf32, #tpu.memory_space<vmem>>
        %dma_wait3A_305 = tpu.memref_squeeze %dma_wait3A_304 : memref<1x128x128xf32, #tpu.memory_space<vmem>> -> memref<128x128xf32, #tpu.memory_space<vmem>>
        tpu.wait_dma2 semaphore(%run_scoped3A_281 : memref<!tpu.dma_semaphore, #tpu.memory_space<semaphore_mem>>) src(%dma_wait3A_305 : memref<128x128xf32, #tpu.memory_space<vmem>>) dst(%dma_wait3A_301 : memref<128x128xf32, #tpu.memory_space<vmem_shared>>)
        tpu.yield
      }) : () -> ()
    } else {
    }
    %barrier3A = arith.constant 0 : index
    tpu.barrier barrier_id(%barrier3A)
    %scan3A = arith.constant 0 : i32
    %scan3A_175 = arith.constant 0 : i32
    %scan3A_176 = arith.constant 13 : i32
    %scan3A_177 = arith.addi %scan3A_175, %scan3A_176 : i32
    %scan3A_178 = arith.constant 1 : i32
    scf.for %scan3A_250 = %scan3A_175 to %scan3A_177 step %scan3A_178  : i32 {
      %mul3A_251 = arith.constant 6 : i32
      %mul3A_252 = arith.muli %mul3A_251, %scan3A_250 : i32
      %add3A_253 = arith.constant 0 : i32
      %add3A_254 = arith.addi %mul3A_252, %add3A_253 : i32
      %dma_wait3A_255 = arith.constant 0 : i32
      %dma_wait3A_256 = arith.constant 0 : i32
      %dma_wait3A_257 = arith.constant 0 : i32
      %dma_wait3A_258 = tpu.memref_slice %arg5[%dma_wait3A_256, %dma_wait3A_257] : memref<6x128xi32, #tpu.memory_space<vmem>> -> memref<1x128xi32, #tpu.memory_space<vmem>>
      %dma_wait3A_259 = tpu.memref_squeeze %dma_wait3A_258 : memref<1x128xi32, #tpu.memory_space<vmem>> -> memref<128xi32, #tpu.memory_space<vmem>>
      %dma_wait3A_260 = arith.constant 0 : i32
      %dma_wait3A_261 = tpu.memref_slice %arg3[%dma_wait3A_255, %add3A, %dma_wait3A_260] : memref<2x32x10000xi32, #tpu.memory_space<hbm>> -> memref<1x1x128xi32, #tpu.memory_space<hbm>>
      %dma_wait3A_262 = tpu.memref_squeeze %dma_wait3A_261 : memref<1x1x128xi32, #tpu.memory_space<hbm>> -> memref<128xi32, #tpu.memory_space<hbm>>
      %dma_wait3A_263 = arith.constant 0 : i32
      %dma_wait3A_264 = tpu.memref_slice %arg5[%dma_wait3A_256, %dma_wait3A_263] : memref<6x128xi32, #tpu.memory_space<vmem>> -> memref<1x128xi32, #tpu.memory_space<vmem>>
      %dma_wait3A_265 = tpu.memref_squeeze %dma_wait3A_264 : memref<1x128xi32, #tpu.memory_space<vmem>> -> memref<128xi32, #tpu.memory_space<vmem>>
      %dma_wait3A_266 = arith.constant 0 : i32
      %dma_wait3A_267 = tpu.memref_slice %arg3[%dma_wait3A_255, %add3A, %dma_wait3A_266] : memref<2x32x10000xi32, #tpu.memory_space<hbm>> -> memref<1x1x128xi32, #tpu.memory_space<hbm>>
      %dma_wait3A_268 = tpu.memref_squeeze %dma_wait3A_267 : memref<1x1x128xi32, #tpu.memory_space<hbm>> -> memref<128xi32, #tpu.memory_space<hbm>>
      tpu.wait_dma2 semaphore(%arg11 : memref<!tpu.dma_semaphore, #tpu.memory_space<semaphore_mem>>) src(%dma_wait3A_268 : memref<128xi32, #tpu.memory_space<hbm>>) dst(%dma_wait3A_265 : memref<128xi32, #tpu.memory_space<vmem>>)
      %dma_wait3A_269 = arith.constant 1 : i32
      %dma_wait3A_270 = arith.constant 0 : i32
      %dma_wait3A_271 = arith.constant 0 : i32
      %dma_wait3A_272 = tpu.memref_slice %arg6[%dma_wait3A_270, %dma_wait3A_271] : memref<6x128xi32, #tpu.memory_space<vmem>> -> memref<1x128xi32, #tpu.memory_space<vmem>>
      %dma_wait3A_273 = tpu.memref_squeeze %dma_wait3A_272 : memref<1x128xi32, #tpu.memory_space<vmem>> -> memref<128xi32, #tpu.memory_space<vmem>>
      %dma_wait3A_274 = arith.constant 0 : i32
      %dma_wait3A_275 = tpu.memref_slice %arg3[%dma_wait3A_269, %add3A, %dma_wait3A_274] : memref<2x32x10000xi32, #tpu.memory_space<hbm>> -> memref<1x1x128xi32, #tpu.memory_space<hbm>>
      %dma_wait3A_276 = tpu.memref_squeeze %dma_wait3A_275 : memref<1x1x128xi32, #tpu.memory_space<hbm>> -> memref<128xi32, #tpu.memory_space<hbm>>
      %dma_wait3A_277 = arith.constant 0 : i32
      %dma_wait3A_278 = tpu.memref_slice %arg6[%dma_wait3A_270, %dma_wait3A_277] : memref<6x128xi32, #tpu.memory_space<vmem>> -> memref<1x128xi32, #tpu.memory_space<vmem>>
      %dma_wait3A_279 = tpu.memref_squeeze %dma_wait3A_278 : memref<1x128xi32, #tpu.memory_space<vmem>> -> memref<128xi32, #tpu.memory_space<vmem>>
      %dma_wait3A_280 = arith.constant 0 : i32
      %dma_wait3A_281 = tpu.memref_slice %arg3[%dma_wait3A_269, %add3A, %dma_wait3A_280] : memref<2x32x10000xi32, #tpu.memory_space<hbm>> -> memref<1x1x128xi32, #tpu.memory_space<hbm>>
      %dma_wait3A_282 = tpu.memref_squeeze %dma_wait3A_281 : memref<1x1x128xi32, #tpu.memory_space<hbm>> -> memref<128xi32, #tpu.memory_space<hbm>>
      tpu.wait_dma2 semaphore(%arg17 : memref<!tpu.dma_semaphore, #tpu.memory_space<semaphore_mem>>) src(%dma_wait3A_282 : memref<128xi32, #tpu.memory_space<hbm>>) dst(%dma_wait3A_279 : memref<128xi32, #tpu.memory_space<vmem>>)
      %gt3A = arith.constant 0 : i32
      %gt3A_283 = arith.cmpi sgt, %scan3A_250, %gt3A : i32
      %convert_element_type3A_284 = arith.extui %gt3A_283 : i1 to i32
      %cond3A_285 = arith.constant 0 : i32
      %cond3A_286 = arith.cmpi ne, %convert_element_type3A_284, %cond3A_285 : i32
      scf.if %cond3A_286 {
        %dma_wait3A_755 = arith.constant 0 : i32
        %dma_wait3A_756 = arith.constant 4 : i32
        %dma_wait3A_757 = arith.constant 0 : i32
        %dma_wait3A_758 = arith.constant 0 : i32
        %dma_wait3A_759 = tpu.memref_slice %arg9[%dma_wait3A_755, %dma_wait3A_757, %dma_wait3A_758] : memref<2x128x128xf32, #tpu.memory_space<vmem>> -> memref<1x128x128xf32, #tpu.memory_space<vmem>>
        %dma_wait3A_760 = tpu.memref_squeeze %dma_wait3A_759 : memref<1x128x128xf32, #tpu.memory_space<vmem>> -> memref<128x128xf32, #tpu.memory_space<vmem>>
        %dma_wait3A_761 = arith.constant 0 : i32
        %dma_wait3A_762 = tpu.memref_slice %arg6[%dma_wait3A_756, %dma_wait3A_761] : memref<6x128xi32, #tpu.memory_space<vmem>> -> memref<1x128xi32, #tpu.memory_space<vmem>>
        %dma_wait3A_763 = tpu.memref_squeeze %dma_wait3A_762 : memref<1x128xi32, #tpu.memory_space<vmem>> -> memref<128xi32, #tpu.memory_space<vmem>>
        %dma_wait3A_764 = arith.constant 0 : i32
        %dma_wait3A_765 = arith.constant 0 : i32
        %dma_wait3A_766 = tpu.memref_slice %arg10[%dma_wait3A_764, %dma_wait3A_765] : memref<10240x128xf32, #tpu.memory_space<vmem_shared>> -> memref<10240x128xf32, #tpu.memory_space<vmem_shared>>
        tpu.wait_indirect_dma semaphore(%arg25 : memref<!tpu.dma_semaphore, #tpu.memory_space<semaphore_mem>>) src(%dma_wait3A_760 : memref<128x128xf32, #tpu.memory_space<vmem>>) dst(%dma_wait3A_766 : memref<10240x128xf32, #tpu.memory_space<vmem_shared>>)
      } else {
      }
      %dma_start3A_287 = arith.constant 0 : i32
      %dma_start3A_288 = arith.constant 0 : i32
      %dma_start3A_289 = arith.constant 0 : i32
      %dma_start3A_290 = arith.constant 0 : i32
      %dma_start3A_291 = tpu.memref_slice %arg9[%dma_start3A_288, %dma_start3A_289, %dma_start3A_290] : memref<2x128x128xf32, #tpu.memory_space<vmem>> -> memref<1x128x128xf32, #tpu.memory_space<vmem>>
      %dma_start3A_292 = tpu.memref_squeeze %dma_start3A_291 : memref<1x128x128xf32, #tpu.memory_space<vmem>> -> memref<128x128xf32, #tpu.memory_space<vmem>>
      %dma_start3A_293 = arith.constant 0 : i32
      %dma_start3A_294 = tpu.memref_slice %arg5[%dma_start3A_287, %dma_start3A_293] : memref<6x128xi32, #tpu.memory_space<vmem>> -> memref<1x128xi32, #tpu.memory_space<vmem>>
      %dma_start3A_295 = tpu.memref_squeeze %dma_start3A_294 : memref<1x128xi32, #tpu.memory_space<vmem>> -> memref<128xi32, #tpu.memory_space<vmem>>
      %dma_start3A_296 = arith.constant 0 : i32
      %dma_start3A_297 = arith.constant 0 : i32
      %dma_start3A_298 = tpu.memref_slice %arg2[%dma_start3A_296, %dma_start3A_297] : memref<10000x128xf32, #tpu.memory_space<hbm>> -> memref<10000x128xf32, #tpu.memory_space<hbm>>
      tpu.enqueue_indirect_dma source(%dma_start3A_298 : memref<10000x128xf32, #tpu.memory_space<hbm>>) target(%dma_start3A_292 : memref<128x128xf32, #tpu.memory_space<vmem>>) offsets(%dma_start3A_295 : memref<128xi32, #tpu.memory_space<vmem>>) semaphore(%arg23 : memref<!tpu.dma_semaphore, #tpu.memory_space<semaphore_mem>>)
      %gt3A_299 = arith.constant 0 : i32
      %gt3A_300 = arith.cmpi sgt, %scan3A_250, %gt3A_299 : i32
      %convert_element_type3A_301 = arith.extui %gt3A_300 : i1 to i32
      %cond3A_302 = arith.constant 0 : i32
      %cond3A_303 = arith.cmpi ne, %convert_element_type3A_301, %cond3A_302 : i32
      scf.if %cond3A_303 {
        %dma_wait3A_755 = arith.constant 5 : i32
        %dma_wait3A_756 = arith.constant 1 : i32
        %dma_wait3A_757 = arith.constant 0 : i32
        %dma_wait3A_758 = arith.constant 0 : i32
        %dma_wait3A_759 = tpu.memref_slice %arg9[%dma_wait3A_756, %dma_wait3A_757, %dma_wait3A_758] : memref<2x128x128xf32, #tpu.memory_space<vmem>> -> memref<1x128x128xf32, #tpu.memory_space<vmem>>
        %dma_wait3A_760 = tpu.memref_squeeze %dma_wait3A_759 : memref<1x128x128xf32, #tpu.memory_space<vmem>> -> memref<128x128xf32, #tpu.memory_space<vmem>>
        %dma_wait3A_761 = arith.constant 0 : i32
        %dma_wait3A_762 = tpu.memref_slice %arg5[%dma_wait3A_755, %dma_wait3A_761] : memref<6x128xi32, #tpu.memory_space<vmem>> -> memref<1x128xi32, #tpu.memory_space<vmem>>
        %dma_wait3A_763 = tpu.memref_squeeze %dma_wait3A_762 : memref<1x128xi32, #tpu.memory_space<vmem>> -> memref<128xi32, #tpu.memory_space<vmem>>
        %dma_wait3A_764 = arith.constant 0 : i32
        %dma_wait3A_765 = arith.constant 0 : i32
        %dma_wait3A_766 = tpu.memref_slice %arg2[%dma_wait3A_764, %dma_wait3A_765] : memref<10000x128xf32, #tpu.memory_space<hbm>> -> memref<10000x128xf32, #tpu.memory_space<hbm>>
        tpu.wait_indirect_dma semaphore(%arg24 : memref<!tpu.dma_semaphore, #tpu.memory_space<semaphore_mem>>) src(%dma_wait3A_766 : memref<10000x128xf32, #tpu.memory_space<hbm>>) dst(%dma_wait3A_760 : memref<128x128xf32, #tpu.memory_space<vmem>>)
        %dma_start3A_767 = arith.constant 1 : i32
        %dma_start3A_768 = arith.constant 5 : i32
        %dma_start3A_769 = arith.constant 0 : i32
        %dma_start3A_770 = arith.constant 0 : i32
        %dma_start3A_771 = tpu.memref_slice %arg9[%dma_start3A_767, %dma_start3A_769, %dma_start3A_770] : memref<2x128x128xf32, #tpu.memory_space<vmem>> -> memref<1x128x128xf32, #tpu.memory_space<vmem>>
        %dma_start3A_772 = tpu.memref_squeeze %dma_start3A_771 : memref<1x128x128xf32, #tpu.memory_space<vmem>> -> memref<128x128xf32, #tpu.memory_space<vmem>>
        %dma_start3A_773 = arith.constant 0 : i32
        %dma_start3A_774 = tpu.memref_slice %arg6[%dma_start3A_768, %dma_start3A_773] : memref<6x128xi32, #tpu.memory_space<vmem>> -> memref<1x128xi32, #tpu.memory_space<vmem>>
        %dma_start3A_775 = tpu.memref_squeeze %dma_start3A_774 : memref<1x128xi32, #tpu.memory_space<vmem>> -> memref<128xi32, #tpu.memory_space<vmem>>
        %dma_start3A_776 = arith.constant 0 : i32
        %dma_start3A_777 = arith.constant 0 : i32
        %dma_start3A_778 = tpu.memref_slice %arg10[%dma_start3A_776, %dma_start3A_777] : memref<10240x128xf32, #tpu.memory_space<vmem_shared>> -> memref<10240x128xf32, #tpu.memory_space<vmem_shared>>
        tpu.enqueue_indirect_dma source(%dma_start3A_772 : memref<128x128xf32, #tpu.memory_space<vmem>>) target(%dma_start3A_778 : memref<10240x128xf32, #tpu.memory_space<vmem_shared>>) offsets(%dma_start3A_775 : memref<128xi32, #tpu.memory_space<vmem>>) semaphore(%arg26 : memref<!tpu.dma_semaphore, #tpu.memory_space<semaphore_mem>>) {add = true}
      } else {
      }
      %ge3A = arith.constant 2 : i32
      %ge3A_304 = arith.cmpi sge, %add3A_254, %ge3A : i32
      %add3A_305 = arith.constant 6 : i32
      %add3A_306 = arith.addi %add3A_254, %add3A_305 : i32
      %sub3A = arith.constant 2 : i32
      %sub3A_307 = arith.subi %add3A_306, %sub3A : i32
      %lt3A = arith.constant 78 : i32
      %lt3A_308 = arith.cmpi slt, %sub3A_307, %lt3A : i32
      %and3A = arith.andi %ge3A_304, %lt3A_308 : i1
      %convert_element_type3A_309 = arith.extui %and3A : i1 to i32
      %cond3A_310 = arith.constant 0 : i32
      %cond3A_311 = arith.cmpi ne, %convert_element_type3A_309, %cond3A_310 : i32
      scf.if %cond3A_311 {
        %add3A_755 = arith.constant 6 : i32
        %add3A_756 = arith.addi %add3A_254, %add3A_755 : i32
        %sub3A_757 = arith.constant 2 : i32
        %sub3A_758 = arith.subi %add3A_756, %sub3A_757 : i32
        %mul3A_759 = arith.constant 128 : i32
        %mul3A_760 = arith.muli %sub3A_758, %mul3A_759 : i32
        %dma_start3A_761 = arith.constant 0 : i32
        %dma_start3A_762 = arith.constant 4 : i32
        %dma_start3A_763 = arith.constant 0 : i32
        %dma_start3A_764 = tpu.memref_slice %arg5[%dma_start3A_762, %dma_start3A_763] : memref<6x128xi32, #tpu.memory_space<vmem>> -> memref<1x128xi32, #tpu.memory_space<vmem>>
        %dma_start3A_765 = tpu.memref_squeeze %dma_start3A_764 : memref<1x128xi32, #tpu.memory_space<vmem>> -> memref<128xi32, #tpu.memory_space<vmem>>
        %dma_start3A_766 = tpu.memref_slice %arg3[%dma_start3A_761, %add3A, %mul3A_760] : memref<2x32x10000xi32, #tpu.memory_space<hbm>> -> memref<1x1x128xi32, #tpu.memory_space<hbm>>
        %dma_start3A_767 = tpu.memref_squeeze %dma_start3A_766 : memref<1x1x128xi32, #tpu.memory_space<hbm>> -> memref<128xi32, #tpu.memory_space<hbm>>
        %dma_start3A_768 = arith.constant 0 : i32
        %dma_start3A_769 = tpu.memref_slice %arg5[%dma_start3A_762, %dma_start3A_768] : memref<6x128xi32, #tpu.memory_space<vmem>> -> memref<1x128xi32, #tpu.memory_space<vmem>>
        %dma_start3A_770 = tpu.memref_squeeze %dma_start3A_769 : memref<1x128xi32, #tpu.memory_space<vmem>> -> memref<128xi32, #tpu.memory_space<vmem>>
        %dma_start3A_771 = tpu.memref_slice %arg3[%dma_start3A_761, %add3A, %mul3A_760] : memref<2x32x10000xi32, #tpu.memory_space<hbm>> -> memref<1x1x128xi32, #tpu.memory_space<hbm>>
        %dma_start3A_772 = tpu.memref_squeeze %dma_start3A_771 : memref<1x1x128xi32, #tpu.memory_space<hbm>> -> memref<128xi32, #tpu.memory_space<hbm>>
        tpu.enqueue_dma source(%dma_start3A_772 : memref<128xi32, #tpu.memory_space<hbm>>) target(%dma_start3A_770 : memref<128xi32, #tpu.memory_space<vmem>>) target_semaphore(%arg15 : memref<!tpu.dma_semaphore, #tpu.memory_space<semaphore_mem>>)
        %add3A_773 = arith.constant 6 : i32
        %add3A_774 = arith.addi %add3A_254, %add3A_773 : i32
        %sub3A_775 = arith.constant 2 : i32
        %sub3A_776 = arith.subi %add3A_774, %sub3A_775 : i32
        %mul3A_777 = arith.constant 128 : i32
        %mul3A_778 = arith.muli %sub3A_776, %mul3A_777 : i32
        %dma_start3A_779 = arith.constant 1 : i32
        %dma_start3A_780 = arith.constant 4 : i32
        %dma_start3A_781 = arith.constant 0 : i32
        %dma_start3A_782 = tpu.memref_slice %arg6[%dma_start3A_780, %dma_start3A_781] : memref<6x128xi32, #tpu.memory_space<vmem>> -> memref<1x128xi32, #tpu.memory_space<vmem>>
        %dma_start3A_783 = tpu.memref_squeeze %dma_start3A_782 : memref<1x128xi32, #tpu.memory_space<vmem>> -> memref<128xi32, #tpu.memory_space<vmem>>
        %dma_start3A_784 = tpu.memref_slice %arg3[%dma_start3A_779, %add3A, %mul3A_778] : memref<2x32x10000xi32, #tpu.memory_space<hbm>> -> memref<1x1x128xi32, #tpu.memory_space<hbm>>
        %dma_start3A_785 = tpu.memref_squeeze %dma_start3A_784 : memref<1x1x128xi32, #tpu.memory_space<hbm>> -> memref<128xi32, #tpu.memory_space<hbm>>
        %dma_start3A_786 = arith.constant 0 : i32
        %dma_start3A_787 = tpu.memref_slice %arg6[%dma_start3A_780, %dma_start3A_786] : memref<6x128xi32, #tpu.memory_space<vmem>> -> memref<1x128xi32, #tpu.memory_space<vmem>>
        %dma_start3A_788 = tpu.memref_squeeze %dma_start3A_787 : memref<1x128xi32, #tpu.memory_space<vmem>> -> memref<128xi32, #tpu.memory_space<vmem>>
        %dma_start3A_789 = tpu.memref_slice %arg3[%dma_start3A_779, %add3A, %mul3A_778] : memref<2x32x10000xi32, #tpu.memory_space<hbm>> -> memref<1x1x128xi32, #tpu.memory_space<hbm>>
        %dma_start3A_790 = tpu.memref_squeeze %dma_start3A_789 : memref<1x1x128xi32, #tpu.memory_space<hbm>> -> memref<128xi32, #tpu.memory_space<hbm>>
        tpu.enqueue_dma source(%dma_start3A_790 : memref<128xi32, #tpu.memory_space<hbm>>) target(%dma_start3A_788 : memref<128xi32, #tpu.memory_space<vmem>>) target_semaphore(%arg21 : memref<!tpu.dma_semaphore, #tpu.memory_space<semaphore_mem>>)
      } else {
      }
      %add3A_312 = arith.constant 1 : i32
      %add3A_313 = arith.addi %mul3A_252, %add3A_312 : i32
      %dma_wait3A_314 = arith.constant 0 : i32
      %dma_wait3A_315 = arith.constant 1 : i32
      %dma_wait3A_316 = arith.constant 0 : i32
      %dma_wait3A_317 = tpu.memref_slice %arg5[%dma_wait3A_315, %dma_wait3A_316] : memref<6x128xi32, #tpu.memory_space<vmem>> -> memref<1x128xi32, #tpu.memory_space<vmem>>
      %dma_wait3A_318 = tpu.memref_squeeze %dma_wait3A_317 : memref<1x128xi32, #tpu.memory_space<vmem>> -> memref<128xi32, #tpu.memory_space<vmem>>
      %dma_wait3A_319 = arith.constant 0 : i32
      %dma_wait3A_320 = tpu.memref_slice %arg3[%dma_wait3A_314, %add3A, %dma_wait3A_319] : memref<2x32x10000xi32, #tpu.memory_space<hbm>> -> memref<1x1x128xi32, #tpu.memory_space<hbm>>
      %dma_wait3A_321 = tpu.memref_squeeze %dma_wait3A_320 : memref<1x1x128xi32, #tpu.memory_space<hbm>> -> memref<128xi32, #tpu.memory_space<hbm>>
      %dma_wait3A_322 = arith.constant 0 : i32
      %dma_wait3A_323 = tpu.memref_slice %arg5[%dma_wait3A_315, %dma_wait3A_322] : memref<6x128xi32, #tpu.memory_space<vmem>> -> memref<1x128xi32, #tpu.memory_space<vmem>>
      %dma_wait3A_324 = tpu.memref_squeeze %dma_wait3A_323 : memref<1x128xi32, #tpu.memory_space<vmem>> -> memref<128xi32, #tpu.memory_space<vmem>>
      %dma_wait3A_325 = arith.constant 0 : i32
      %dma_wait3A_326 = tpu.memref_slice %arg3[%dma_wait3A_314, %add3A, %dma_wait3A_325] : memref<2x32x10000xi32, #tpu.memory_space<hbm>> -> memref<1x1x128xi32, #tpu.memory_space<hbm>>
      %dma_wait3A_327 = tpu.memref_squeeze %dma_wait3A_326 : memref<1x1x128xi32, #tpu.memory_space<hbm>> -> memref<128xi32, #tpu.memory_space<hbm>>
      tpu.wait_dma2 semaphore(%arg12 : memref<!tpu.dma_semaphore, #tpu.memory_space<semaphore_mem>>) src(%dma_wait3A_327 : memref<128xi32, #tpu.memory_space<hbm>>) dst(%dma_wait3A_324 : memref<128xi32, #tpu.memory_space<vmem>>)
      %dma_wait3A_328 = arith.constant 1 : i32
      %dma_wait3A_329 = arith.constant 1 : i32
      %dma_wait3A_330 = arith.constant 0 : i32
      %dma_wait3A_331 = tpu.memref_slice %arg6[%dma_wait3A_329, %dma_wait3A_330] : memref<6x128xi32, #tpu.memory_space<vmem>> -> memref<1x128xi32, #tpu.memory_space<vmem>>
      %dma_wait3A_332 = tpu.memref_squeeze %dma_wait3A_331 : memref<1x128xi32, #tpu.memory_space<vmem>> -> memref<128xi32, #tpu.memory_space<vmem>>
      %dma_wait3A_333 = arith.constant 0 : i32
      %dma_wait3A_334 = tpu.memref_slice %arg3[%dma_wait3A_328, %add3A, %dma_wait3A_333] : memref<2x32x10000xi32, #tpu.memory_space<hbm>> -> memref<1x1x128xi32, #tpu.memory_space<hbm>>
      %dma_wait3A_335 = tpu.memref_squeeze %dma_wait3A_334 : memref<1x1x128xi32, #tpu.memory_space<hbm>> -> memref<128xi32, #tpu.memory_space<hbm>>
      %dma_wait3A_336 = arith.constant 0 : i32
      %dma_wait3A_337 = tpu.memref_slice %arg6[%dma_wait3A_329, %dma_wait3A_336] : memref<6x128xi32, #tpu.memory_space<vmem>> -> memref<1x128xi32, #tpu.memory_space<vmem>>
      %dma_wait3A_338 = tpu.memref_squeeze %dma_wait3A_337 : memref<1x128xi32, #tpu.memory_space<vmem>> -> memref<128xi32, #tpu.memory_space<vmem>>
      %dma_wait3A_339 = arith.constant 0 : i32
      %dma_wait3A_340 = tpu.memref_slice %arg3[%dma_wait3A_328, %add3A, %dma_wait3A_339] : memref<2x32x10000xi32, #tpu.memory_space<hbm>> -> memref<1x1x128xi32, #tpu.memory_space<hbm>>
      %dma_wait3A_341 = tpu.memref_squeeze %dma_wait3A_340 : memref<1x1x128xi32, #tpu.memory_space<hbm>> -> memref<128xi32, #tpu.memory_space<hbm>>
      tpu.wait_dma2 semaphore(%arg18 : memref<!tpu.dma_semaphore, #tpu.memory_space<semaphore_mem>>) src(%dma_wait3A_341 : memref<128xi32, #tpu.memory_space<hbm>>) dst(%dma_wait3A_338 : memref<128xi32, #tpu.memory_space<vmem>>)
      %gt3A_342 = arith.constant 0 : i32
      %gt3A_343 = arith.cmpi sgt, %scan3A_250, %gt3A_342 : i32
      %convert_element_type3A_344 = arith.extui %gt3A_343 : i1 to i32
      %cond3A_345 = arith.constant 0 : i32
      %cond3A_346 = arith.cmpi ne, %convert_element_type3A_344, %cond3A_345 : i32
      scf.if %cond3A_346 {
        %dma_wait3A_755 = arith.constant 1 : i32
        %dma_wait3A_756 = arith.constant 5 : i32
        %dma_wait3A_757 = arith.constant 0 : i32
        %dma_wait3A_758 = arith.constant 0 : i32
        %dma_wait3A_759 = tpu.memref_slice %arg9[%dma_wait3A_755, %dma_wait3A_757, %dma_wait3A_758] : memref<2x128x128xf32, #tpu.memory_space<vmem>> -> memref<1x128x128xf32, #tpu.memory_space<vmem>>
        %dma_wait3A_760 = tpu.memref_squeeze %dma_wait3A_759 : memref<1x128x128xf32, #tpu.memory_space<vmem>> -> memref<128x128xf32, #tpu.memory_space<vmem>>
        %dma_wait3A_761 = arith.constant 0 : i32
        %dma_wait3A_762 = tpu.memref_slice %arg6[%dma_wait3A_756, %dma_wait3A_761] : memref<6x128xi32, #tpu.memory_space<vmem>> -> memref<1x128xi32, #tpu.memory_space<vmem>>
        %dma_wait3A_763 = tpu.memref_squeeze %dma_wait3A_762 : memref<1x128xi32, #tpu.memory_space<vmem>> -> memref<128xi32, #tpu.memory_space<vmem>>
        %dma_wait3A_764 = arith.constant 0 : i32
        %dma_wait3A_765 = arith.constant 0 : i32
        %dma_wait3A_766 = tpu.memref_slice %arg10[%dma_wait3A_764, %dma_wait3A_765] : memref<10240x128xf32, #tpu.memory_space<vmem_shared>> -> memref<10240x128xf32, #tpu.memory_space<vmem_shared>>
        tpu.wait_indirect_dma semaphore(%arg26 : memref<!tpu.dma_semaphore, #tpu.memory_space<semaphore_mem>>) src(%dma_wait3A_760 : memref<128x128xf32, #tpu.memory_space<vmem>>) dst(%dma_wait3A_766 : memref<10240x128xf32, #tpu.memory_space<vmem_shared>>)
      } else {
      }
      %dma_start3A_347 = arith.constant 1 : i32
      %dma_start3A_348 = arith.constant 1 : i32
      %dma_start3A_349 = arith.constant 0 : i32
      %dma_start3A_350 = arith.constant 0 : i32
      %dma_start3A_351 = tpu.memref_slice %arg9[%dma_start3A_348, %dma_start3A_349, %dma_start3A_350] : memref<2x128x128xf32, #tpu.memory_space<vmem>> -> memref<1x128x128xf32, #tpu.memory_space<vmem>>
      %dma_start3A_352 = tpu.memref_squeeze %dma_start3A_351 : memref<1x128x128xf32, #tpu.memory_space<vmem>> -> memref<128x128xf32, #tpu.memory_space<vmem>>
      %dma_start3A_353 = arith.constant 0 : i32
      %dma_start3A_354 = tpu.memref_slice %arg5[%dma_start3A_347, %dma_start3A_353] : memref<6x128xi32, #tpu.memory_space<vmem>> -> memref<1x128xi32, #tpu.memory_space<vmem>>
      %dma_start3A_355 = tpu.memref_squeeze %dma_start3A_354 : memref<1x128xi32, #tpu.memory_space<vmem>> -> memref<128xi32, #tpu.memory_space<vmem>>
      %dma_start3A_356 = arith.constant 0 : i32
      %dma_start3A_357 = arith.constant 0 : i32
      %dma_start3A_358 = tpu.memref_slice %arg2[%dma_start3A_356, %dma_start3A_357] : memref<10000x128xf32, #tpu.memory_space<hbm>> -> memref<10000x128xf32, #tpu.memory_space<hbm>>
      tpu.enqueue_indirect_dma source(%dma_start3A_358 : memref<10000x128xf32, #tpu.memory_space<hbm>>) target(%dma_start3A_352 : memref<128x128xf32, #tpu.memory_space<vmem>>) offsets(%dma_start3A_355 : memref<128xi32, #tpu.memory_space<vmem>>) semaphore(%arg24 : memref<!tpu.dma_semaphore, #tpu.memory_space<semaphore_mem>>)
      %dma_wait3A_359 = arith.constant 0 : i32
      %dma_wait3A_360 = arith.constant 0 : i32
      %dma_wait3A_361 = arith.constant 0 : i32
      %dma_wait3A_362 = arith.constant 0 : i32
      %dma_wait3A_363 = tpu.memref_slice %arg9[%dma_wait3A_360, %dma_wait3A_361, %dma_wait3A_362] : memref<2x128x128xf32, #tpu.memory_space<vmem>> -> memref<1x128x128xf32, #tpu.memory_space<vmem>>
      %dma_wait3A_364 = tpu.memref_squeeze %dma_wait3A_363 : memref<1x128x128xf32, #tpu.memory_space<vmem>> -> memref<128x128xf32, #tpu.memory_space<vmem>>
      %dma_wait3A_365 = arith.constant 0 : i32
      %dma_wait3A_366 = tpu.memref_slice %arg5[%dma_wait3A_359, %dma_wait3A_365] : memref<6x128xi32, #tpu.memory_space<vmem>> -> memref<1x128xi32, #tpu.memory_space<vmem>>
      %dma_wait3A_367 = tpu.memref_squeeze %dma_wait3A_366 : memref<1x128xi32, #tpu.memory_space<vmem>> -> memref<128xi32, #tpu.memory_space<vmem>>
      %dma_wait3A_368 = arith.constant 0 : i32
      %dma_wait3A_369 = arith.constant 0 : i32
      %dma_wait3A_370 = tpu.memref_slice %arg2[%dma_wait3A_368, %dma_wait3A_369] : memref<10000x128xf32, #tpu.memory_space<hbm>> -> memref<10000x128xf32, #tpu.memory_space<hbm>>
      tpu.wait_indirect_dma semaphore(%arg23 : memref<!tpu.dma_semaphore, #tpu.memory_space<semaphore_mem>>) src(%dma_wait3A_370 : memref<10000x128xf32, #tpu.memory_space<hbm>>) dst(%dma_wait3A_364 : memref<128x128xf32, #tpu.memory_space<vmem>>)
      %dma_start3A_371 = arith.constant 0 : i32
      %dma_start3A_372 = arith.constant 0 : i32
      %dma_start3A_373 = arith.constant 0 : i32
      %dma_start3A_374 = arith.constant 0 : i32
      %dma_start3A_375 = tpu.memref_slice %arg9[%dma_start3A_371, %dma_start3A_373, %dma_start3A_374] : memref<2x128x128xf32, #tpu.memory_space<vmem>> -> memref<1x128x128xf32, #tpu.memory_space<vmem>>
      %dma_start3A_376 = tpu.memref_squeeze %dma_start3A_375 : memref<1x128x128xf32, #tpu.memory_space<vmem>> -> memref<128x128xf32, #tpu.memory_space<vmem>>
      %dma_start3A_377 = arith.constant 0 : i32
      %dma_start3A_378 = tpu.memref_slice %arg6[%dma_start3A_372, %dma_start3A_377] : memref<6x128xi32, #tpu.memory_space<vmem>> -> memref<1x128xi32, #tpu.memory_space<vmem>>
      %dma_start3A_379 = tpu.memref_squeeze %dma_start3A_378 : memref<1x128xi32, #tpu.memory_space<vmem>> -> memref<128xi32, #tpu.memory_space<vmem>>
      %dma_start3A_380 = arith.constant 0 : i32
      %dma_start3A_381 = arith.constant 0 : i32
      %dma_start3A_382 = tpu.memref_slice %arg10[%dma_start3A_380, %dma_start3A_381] : memref<10240x128xf32, #tpu.memory_space<vmem_shared>> -> memref<10240x128xf32, #tpu.memory_space<vmem_shared>>
      tpu.enqueue_indirect_dma source(%dma_start3A_376 : memref<128x128xf32, #tpu.memory_space<vmem>>) target(%dma_start3A_382 : memref<10240x128xf32, #tpu.memory_space<vmem_shared>>) offsets(%dma_start3A_379 : memref<128xi32, #tpu.memory_space<vmem>>) semaphore(%arg25 : memref<!tpu.dma_semaphore, #tpu.memory_space<semaphore_mem>>) {add = true}
      %ge3A_383 = arith.constant 2 : i32
      %ge3A_384 = arith.cmpi sge, %add3A_313, %ge3A_383 : i32
      %add3A_385 = arith.constant 6 : i32
      %add3A_386 = arith.addi %add3A_313, %add3A_385 : i32
      %sub3A_387 = arith.constant 2 : i32
      %sub3A_388 = arith.subi %add3A_386, %sub3A_387 : i32
      %lt3A_389 = arith.constant 78 : i32
      %lt3A_390 = arith.cmpi slt, %sub3A_388, %lt3A_389 : i32
      %and3A_391 = arith.andi %ge3A_384, %lt3A_390 : i1
      %convert_element_type3A_392 = arith.extui %and3A_391 : i1 to i32
      %cond3A_393 = arith.constant 0 : i32
      %cond3A_394 = arith.cmpi ne, %convert_element_type3A_392, %cond3A_393 : i32
      scf.if %cond3A_394 {
        %add3A_755 = arith.constant 6 : i32
        %add3A_756 = arith.addi %add3A_313, %add3A_755 : i32
        %sub3A_757 = arith.constant 2 : i32
        %sub3A_758 = arith.subi %add3A_756, %sub3A_757 : i32
        %mul3A_759 = arith.constant 128 : i32
        %mul3A_760 = arith.muli %sub3A_758, %mul3A_759 : i32
        %dma_start3A_761 = arith.constant 0 : i32
        %dma_start3A_762 = arith.constant 5 : i32
        %dma_start3A_763 = arith.constant 0 : i32
        %dma_start3A_764 = tpu.memref_slice %arg5[%dma_start3A_762, %dma_start3A_763] : memref<6x128xi32, #tpu.memory_space<vmem>> -> memref<1x128xi32, #tpu.memory_space<vmem>>
        %dma_start3A_765 = tpu.memref_squeeze %dma_start3A_764 : memref<1x128xi32, #tpu.memory_space<vmem>> -> memref<128xi32, #tpu.memory_space<vmem>>
        %dma_start3A_766 = tpu.memref_slice %arg3[%dma_start3A_761, %add3A, %mul3A_760] : memref<2x32x10000xi32, #tpu.memory_space<hbm>> -> memref<1x1x128xi32, #tpu.memory_space<hbm>>
        %dma_start3A_767 = tpu.memref_squeeze %dma_start3A_766 : memref<1x1x128xi32, #tpu.memory_space<hbm>> -> memref<128xi32, #tpu.memory_space<hbm>>
        %dma_start3A_768 = arith.constant 0 : i32
        %dma_start3A_769 = tpu.memref_slice %arg5[%dma_start3A_762, %dma_start3A_768] : memref<6x128xi32, #tpu.memory_space<vmem>> -> memref<1x128xi32, #tpu.memory_space<vmem>>
        %dma_start3A_770 = tpu.memref_squeeze %dma_start3A_769 : memref<1x128xi32, #tpu.memory_space<vmem>> -> memref<128xi32, #tpu.memory_space<vmem>>
        %dma_start3A_771 = tpu.memref_slice %arg3[%dma_start3A_761, %add3A, %mul3A_760] : memref<2x32x10000xi32, #tpu.memory_space<hbm>> -> memref<1x1x128xi32, #tpu.memory_space<hbm>>
        %dma_start3A_772 = tpu.memref_squeeze %dma_start3A_771 : memref<1x1x128xi32, #tpu.memory_space<hbm>> -> memref<128xi32, #tpu.memory_space<hbm>>
        tpu.enqueue_dma source(%dma_start3A_772 : memref<128xi32, #tpu.memory_space<hbm>>) target(%dma_start3A_770 : memref<128xi32, #tpu.memory_space<vmem>>) target_semaphore(%arg16 : memref<!tpu.dma_semaphore, #tpu.memory_space<semaphore_mem>>)
        %add3A_773 = arith.constant 6 : i32
        %add3A_774 = arith.addi %add3A_313, %add3A_773 : i32
        %sub3A_775 = arith.constant 2 : i32
        %sub3A_776 = arith.subi %add3A_774, %sub3A_775 : i32
        %mul3A_777 = arith.constant 128 : i32
        %mul3A_778 = arith.muli %sub3A_776, %mul3A_777 : i32
        %dma_start3A_779 = arith.constant 1 : i32
        %dma_start3A_780 = arith.constant 5 : i32
        %dma_start3A_781 = arith.constant 0 : i32
        %dma_start3A_782 = tpu.memref_slice %arg6[%dma_start3A_780, %dma_start3A_781] : memref<6x128xi32, #tpu.memory_space<vmem>> -> memref<1x128xi32, #tpu.memory_space<vmem>>
        %dma_start3A_783 = tpu.memref_squeeze %dma_start3A_782 : memref<1x128xi32, #tpu.memory_space<vmem>> -> memref<128xi32, #tpu.memory_space<vmem>>
        %dma_start3A_784 = tpu.memref_slice %arg3[%dma_start3A_779, %add3A, %mul3A_778] : memref<2x32x10000xi32, #tpu.memory_space<hbm>> -> memref<1x1x128xi32, #tpu.memory_space<hbm>>
        %dma_start3A_785 = tpu.memref_squeeze %dma_start3A_784 : memref<1x1x128xi32, #tpu.memory_space<hbm>> -> memref<128xi32, #tpu.memory_space<hbm>>
        %dma_start3A_786 = arith.constant 0 : i32
        %dma_start3A_787 = tpu.memref_slice %arg6[%dma_start3A_780, %dma_start3A_786] : memref<6x128xi32, #tpu.memory_space<vmem>> -> memref<1x128xi32, #tpu.memory_space<vmem>>
        %dma_start3A_788 = tpu.memref_squeeze %dma_start3A_787 : memref<1x128xi32, #tpu.memory_space<vmem>> -> memref<128xi32, #tpu.memory_space<vmem>>
        %dma_start3A_789 = tpu.memref_slice %arg3[%dma_start3A_779, %add3A, %mul3A_778] : memref<2x32x10000xi32, #tpu.memory_space<hbm>> -> memref<1x1x128xi32, #tpu.memory_space<hbm>>
        %dma_start3A_790 = tpu.memref_squeeze %dma_start3A_789 : memref<1x1x128xi32, #tpu.memory_space<hbm>> -> memref<128xi32, #tpu.memory_space<hbm>>
        tpu.enqueue_dma source(%dma_start3A_790 : memref<128xi32, #tpu.memory_space<hbm>>) target(%dma_start3A_788 : memref<128xi32, #tpu.memory_space<vmem>>) target_semaphore(%arg22 : memref<!tpu.dma_semaphore, #tpu.memory_space<semaphore_mem>>)
      } else {
      }
      %add3A_395 = arith.constant 2 : i32
      %add3A_396 = arith.addi %mul3A_252, %add3A_395 : i32
      %dma_wait3A_397 = arith.constant 0 : i32
      %dma_wait3A_398 = arith.constant 2 : i32
      %dma_wait3A_399 = arith.constant 0 : i32
      %dma_wait3A_400 = tpu.memref_slice %arg5[%dma_wait3A_398, %dma_wait3A_399] : memref<6x128xi32, #tpu.memory_space<vmem>> -> memref<1x128xi32, #tpu.memory_space<vmem>>
      %dma_wait3A_401 = tpu.memref_squeeze %dma_wait3A_400 : memref<1x128xi32, #tpu.memory_space<vmem>> -> memref<128xi32, #tpu.memory_space<vmem>>
      %dma_wait3A_402 = arith.constant 0 : i32
      %dma_wait3A_403 = tpu.memref_slice %arg3[%dma_wait3A_397, %add3A, %dma_wait3A_402] : memref<2x32x10000xi32, #tpu.memory_space<hbm>> -> memref<1x1x128xi32, #tpu.memory_space<hbm>>
      %dma_wait3A_404 = tpu.memref_squeeze %dma_wait3A_403 : memref<1x1x128xi32, #tpu.memory_space<hbm>> -> memref<128xi32, #tpu.memory_space<hbm>>
      %dma_wait3A_405 = arith.constant 0 : i32
      %dma_wait3A_406 = tpu.memref_slice %arg5[%dma_wait3A_398, %dma_wait3A_405] : memref<6x128xi32, #tpu.memory_space<vmem>> -> memref<1x128xi32, #tpu.memory_space<vmem>>
      %dma_wait3A_407 = tpu.memref_squeeze %dma_wait3A_406 : memref<1x128xi32, #tpu.memory_space<vmem>> -> memref<128xi32, #tpu.memory_space<vmem>>
      %dma_wait3A_408 = arith.constant 0 : i32
      %dma_wait3A_409 = tpu.memref_slice %arg3[%dma_wait3A_397, %add3A, %dma_wait3A_408] : memref<2x32x10000xi32, #tpu.memory_space<hbm>> -> memref<1x1x128xi32, #tpu.memory_space<hbm>>
      %dma_wait3A_410 = tpu.memref_squeeze %dma_wait3A_409 : memref<1x1x128xi32, #tpu.memory_space<hbm>> -> memref<128xi32, #tpu.memory_space<hbm>>
      tpu.wait_dma2 semaphore(%arg13 : memref<!tpu.dma_semaphore, #tpu.memory_space<semaphore_mem>>) src(%dma_wait3A_410 : memref<128xi32, #tpu.memory_space<hbm>>) dst(%dma_wait3A_407 : memref<128xi32, #tpu.memory_space<vmem>>)
      %dma_wait3A_411 = arith.constant 1 : i32
      %dma_wait3A_412 = arith.constant 2 : i32
      %dma_wait3A_413 = arith.constant 0 : i32
      %dma_wait3A_414 = tpu.memref_slice %arg6[%dma_wait3A_412, %dma_wait3A_413] : memref<6x128xi32, #tpu.memory_space<vmem>> -> memref<1x128xi32, #tpu.memory_space<vmem>>
      %dma_wait3A_415 = tpu.memref_squeeze %dma_wait3A_414 : memref<1x128xi32, #tpu.memory_space<vmem>> -> memref<128xi32, #tpu.memory_space<vmem>>
      %dma_wait3A_416 = arith.constant 0 : i32
      %dma_wait3A_417 = tpu.memref_slice %arg3[%dma_wait3A_411, %add3A, %dma_wait3A_416] : memref<2x32x10000xi32, #tpu.memory_space<hbm>> -> memref<1x1x128xi32, #tpu.memory_space<hbm>>
      %dma_wait3A_418 = tpu.memref_squeeze %dma_wait3A_417 : memref<1x1x128xi32, #tpu.memory_space<hbm>> -> memref<128xi32, #tpu.memory_space<hbm>>
      %dma_wait3A_419 = arith.constant 0 : i32
      %dma_wait3A_420 = tpu.memref_slice %arg6[%dma_wait3A_412, %dma_wait3A_419] : memref<6x128xi32, #tpu.memory_space<vmem>> -> memref<1x128xi32, #tpu.memory_space<vmem>>
      %dma_wait3A_421 = tpu.memref_squeeze %dma_wait3A_420 : memref<1x128xi32, #tpu.memory_space<vmem>> -> memref<128xi32, #tpu.memory_space<vmem>>
      %dma_wait3A_422 = arith.constant 0 : i32
      %dma_wait3A_423 = tpu.memref_slice %arg3[%dma_wait3A_411, %add3A, %dma_wait3A_422] : memref<2x32x10000xi32, #tpu.memory_space<hbm>> -> memref<1x1x128xi32, #tpu.memory_space<hbm>>
      %dma_wait3A_424 = tpu.memref_squeeze %dma_wait3A_423 : memref<1x1x128xi32, #tpu.memory_space<hbm>> -> memref<128xi32, #tpu.memory_space<hbm>>
      tpu.wait_dma2 semaphore(%arg19 : memref<!tpu.dma_semaphore, #tpu.memory_space<semaphore_mem>>) src(%dma_wait3A_424 : memref<128xi32, #tpu.memory_space<hbm>>) dst(%dma_wait3A_421 : memref<128xi32, #tpu.memory_space<vmem>>)
      %dma_wait3A_425 = arith.constant 0 : i32
      %dma_wait3A_426 = arith.constant 0 : i32
      %dma_wait3A_427 = arith.constant 0 : i32
      %dma_wait3A_428 = arith.constant 0 : i32
      %dma_wait3A_429 = tpu.memref_slice %arg9[%dma_wait3A_425, %dma_wait3A_427, %dma_wait3A_428] : memref<2x128x128xf32, #tpu.memory_space<vmem>> -> memref<1x128x128xf32, #tpu.memory_space<vmem>>
      %dma_wait3A_430 = tpu.memref_squeeze %dma_wait3A_429 : memref<1x128x128xf32, #tpu.memory_space<vmem>> -> memref<128x128xf32, #tpu.memory_space<vmem>>
      %dma_wait3A_431 = arith.constant 0 : i32
      %dma_wait3A_432 = tpu.memref_slice %arg6[%dma_wait3A_426, %dma_wait3A_431] : memref<6x128xi32, #tpu.memory_space<vmem>> -> memref<1x128xi32, #tpu.memory_space<vmem>>
      %dma_wait3A_433 = tpu.memref_squeeze %dma_wait3A_432 : memref<1x128xi32, #tpu.memory_space<vmem>> -> memref<128xi32, #tpu.memory_space<vmem>>
      %dma_wait3A_434 = arith.constant 0 : i32
      %dma_wait3A_435 = arith.constant 0 : i32
      %dma_wait3A_436 = tpu.memref_slice %arg10[%dma_wait3A_434, %dma_wait3A_435] : memref<10240x128xf32, #tpu.memory_space<vmem_shared>> -> memref<10240x128xf32, #tpu.memory_space<vmem_shared>>
      tpu.wait_indirect_dma semaphore(%arg25 : memref<!tpu.dma_semaphore, #tpu.memory_space<semaphore_mem>>) src(%dma_wait3A_430 : memref<128x128xf32, #tpu.memory_space<vmem>>) dst(%dma_wait3A_436 : memref<10240x128xf32, #tpu.memory_space<vmem_shared>>)
      %dma_start3A_437 = arith.constant 2 : i32
      %dma_start3A_438 = arith.constant 0 : i32
      %dma_start3A_439 = arith.constant 0 : i32
      %dma_start3A_440 = arith.constant 0 : i32
      %dma_start3A_441 = tpu.memref_slice %arg9[%dma_start3A_438, %dma_start3A_439, %dma_start3A_440] : memref<2x128x128xf32, #tpu.memory_space<vmem>> -> memref<1x128x128xf32, #tpu.memory_space<vmem>>
      %dma_start3A_442 = tpu.memref_squeeze %dma_start3A_441 : memref<1x128x128xf32, #tpu.memory_space<vmem>> -> memref<128x128xf32, #tpu.memory_space<vmem>>
      %dma_start3A_443 = arith.constant 0 : i32
      %dma_start3A_444 = tpu.memref_slice %arg5[%dma_start3A_437, %dma_start3A_443] : memref<6x128xi32, #tpu.memory_space<vmem>> -> memref<1x128xi32, #tpu.memory_space<vmem>>
      %dma_start3A_445 = tpu.memref_squeeze %dma_start3A_444 : memref<1x128xi32, #tpu.memory_space<vmem>> -> memref<128xi32, #tpu.memory_space<vmem>>
      %dma_start3A_446 = arith.constant 0 : i32
      %dma_start3A_447 = arith.constant 0 : i32
      %dma_start3A_448 = tpu.memref_slice %arg2[%dma_start3A_446, %dma_start3A_447] : memref<10000x128xf32, #tpu.memory_space<hbm>> -> memref<10000x128xf32, #tpu.memory_space<hbm>>
      tpu.enqueue_indirect_dma source(%dma_start3A_448 : memref<10000x128xf32, #tpu.memory_space<hbm>>) target(%dma_start3A_442 : memref<128x128xf32, #tpu.memory_space<vmem>>) offsets(%dma_start3A_445 : memref<128xi32, #tpu.memory_space<vmem>>) semaphore(%arg23 : memref<!tpu.dma_semaphore, #tpu.memory_space<semaphore_mem>>)
      %dma_wait3A_449 = arith.constant 1 : i32
      %dma_wait3A_450 = arith.constant 1 : i32
      %dma_wait3A_451 = arith.constant 0 : i32
      %dma_wait3A_452 = arith.constant 0 : i32
      %dma_wait3A_453 = tpu.memref_slice %arg9[%dma_wait3A_450, %dma_wait3A_451, %dma_wait3A_452] : memref<2x128x128xf32, #tpu.memory_space<vmem>> -> memref<1x128x128xf32, #tpu.memory_space<vmem>>
      %dma_wait3A_454 = tpu.memref_squeeze %dma_wait3A_453 : memref<1x128x128xf32, #tpu.memory_space<vmem>> -> memref<128x128xf32, #tpu.memory_space<vmem>>
      %dma_wait3A_455 = arith.constant 0 : i32
      %dma_wait3A_456 = tpu.memref_slice %arg5[%dma_wait3A_449, %dma_wait3A_455] : memref<6x128xi32, #tpu.memory_space<vmem>> -> memref<1x128xi32, #tpu.memory_space<vmem>>
      %dma_wait3A_457 = tpu.memref_squeeze %dma_wait3A_456 : memref<1x128xi32, #tpu.memory_space<vmem>> -> memref<128xi32, #tpu.memory_space<vmem>>
      %dma_wait3A_458 = arith.constant 0 : i32
      %dma_wait3A_459 = arith.constant 0 : i32
      %dma_wait3A_460 = tpu.memref_slice %arg2[%dma_wait3A_458, %dma_wait3A_459] : memref<10000x128xf32, #tpu.memory_space<hbm>> -> memref<10000x128xf32, #tpu.memory_space<hbm>>
      tpu.wait_indirect_dma semaphore(%arg24 : memref<!tpu.dma_semaphore, #tpu.memory_space<semaphore_mem>>) src(%dma_wait3A_460 : memref<10000x128xf32, #tpu.memory_space<hbm>>) dst(%dma_wait3A_454 : memref<128x128xf32, #tpu.memory_space<vmem>>)
      %dma_start3A_461 = arith.constant 1 : i32
      %dma_start3A_462 = arith.constant 1 : i32
      %dma_start3A_463 = arith.constant 0 : i32
      %dma_start3A_464 = arith.constant 0 : i32
      %dma_start3A_465 = tpu.memref_slice %arg9[%dma_start3A_461, %dma_start3A_463, %dma_start3A_464] : memref<2x128x128xf32, #tpu.memory_space<vmem>> -> memref<1x128x128xf32, #tpu.memory_space<vmem>>
      %dma_start3A_466 = tpu.memref_squeeze %dma_start3A_465 : memref<1x128x128xf32, #tpu.memory_space<vmem>> -> memref<128x128xf32, #tpu.memory_space<vmem>>
      %dma_start3A_467 = arith.constant 0 : i32
      %dma_start3A_468 = tpu.memref_slice %arg6[%dma_start3A_462, %dma_start3A_467] : memref<6x128xi32, #tpu.memory_space<vmem>> -> memref<1x128xi32, #tpu.memory_space<vmem>>
      %dma_start3A_469 = tpu.memref_squeeze %dma_start3A_468 : memref<1x128xi32, #tpu.memory_space<vmem>> -> memref<128xi32, #tpu.memory_space<vmem>>
      %dma_start3A_470 = arith.constant 0 : i32
      %dma_start3A_471 = arith.constant 0 : i32
      %dma_start3A_472 = tpu.memref_slice %arg10[%dma_start3A_470, %dma_start3A_471] : memref<10240x128xf32, #tpu.memory_space<vmem_shared>> -> memref<10240x128xf32, #tpu.memory_space<vmem_shared>>
      tpu.enqueue_indirect_dma source(%dma_start3A_466 : memref<128x128xf32, #tpu.memory_space<vmem>>) target(%dma_start3A_472 : memref<10240x128xf32, #tpu.memory_space<vmem_shared>>) offsets(%dma_start3A_469 : memref<128xi32, #tpu.memory_space<vmem>>) semaphore(%arg26 : memref<!tpu.dma_semaphore, #tpu.memory_space<semaphore_mem>>) {add = true}
      %ge3A_473 = arith.constant 2 : i32
      %ge3A_474 = arith.cmpi sge, %add3A_396, %ge3A_473 : i32
      %add3A_475 = arith.constant 6 : i32
      %add3A_476 = arith.addi %add3A_396, %add3A_475 : i32
      %sub3A_477 = arith.constant 2 : i32
      %sub3A_478 = arith.subi %add3A_476, %sub3A_477 : i32
      %lt3A_479 = arith.constant 78 : i32
      %lt3A_480 = arith.cmpi slt, %sub3A_478, %lt3A_479 : i32
      %and3A_481 = arith.andi %ge3A_474, %lt3A_480 : i1
      %convert_element_type3A_482 = arith.extui %and3A_481 : i1 to i32
      %cond3A_483 = arith.constant 0 : i32
      %cond3A_484 = arith.cmpi ne, %convert_element_type3A_482, %cond3A_483 : i32
      scf.if %cond3A_484 {
        %add3A_755 = arith.constant 6 : i32
        %add3A_756 = arith.addi %add3A_396, %add3A_755 : i32
        %sub3A_757 = arith.constant 2 : i32
        %sub3A_758 = arith.subi %add3A_756, %sub3A_757 : i32
        %mul3A_759 = arith.constant 128 : i32
        %mul3A_760 = arith.muli %sub3A_758, %mul3A_759 : i32
        %dma_start3A_761 = arith.constant 0 : i32
        %dma_start3A_762 = arith.constant 0 : i32
        %dma_start3A_763 = arith.constant 0 : i32
        %dma_start3A_764 = tpu.memref_slice %arg5[%dma_start3A_762, %dma_start3A_763] : memref<6x128xi32, #tpu.memory_space<vmem>> -> memref<1x128xi32, #tpu.memory_space<vmem>>
        %dma_start3A_765 = tpu.memref_squeeze %dma_start3A_764 : memref<1x128xi32, #tpu.memory_space<vmem>> -> memref<128xi32, #tpu.memory_space<vmem>>
        %dma_start3A_766 = tpu.memref_slice %arg3[%dma_start3A_761, %add3A, %mul3A_760] : memref<2x32x10000xi32, #tpu.memory_space<hbm>> -> memref<1x1x128xi32, #tpu.memory_space<hbm>>
        %dma_start3A_767 = tpu.memref_squeeze %dma_start3A_766 : memref<1x1x128xi32, #tpu.memory_space<hbm>> -> memref<128xi32, #tpu.memory_space<hbm>>
        %dma_start3A_768 = arith.constant 0 : i32
        %dma_start3A_769 = tpu.memref_slice %arg5[%dma_start3A_762, %dma_start3A_768] : memref<6x128xi32, #tpu.memory_space<vmem>> -> memref<1x128xi32, #tpu.memory_space<vmem>>
        %dma_start3A_770 = tpu.memref_squeeze %dma_start3A_769 : memref<1x128xi32, #tpu.memory_space<vmem>> -> memref<128xi32, #tpu.memory_space<vmem>>
        %dma_start3A_771 = tpu.memref_slice %arg3[%dma_start3A_761, %add3A, %mul3A_760] : memref<2x32x10000xi32, #tpu.memory_space<hbm>> -> memref<1x1x128xi32, #tpu.memory_space<hbm>>
        %dma_start3A_772 = tpu.memref_squeeze %dma_start3A_771 : memref<1x1x128xi32, #tpu.memory_space<hbm>> -> memref<128xi32, #tpu.memory_space<hbm>>
        tpu.enqueue_dma source(%dma_start3A_772 : memref<128xi32, #tpu.memory_space<hbm>>) target(%dma_start3A_770 : memref<128xi32, #tpu.memory_space<vmem>>) target_semaphore(%arg11 : memref<!tpu.dma_semaphore, #tpu.memory_space<semaphore_mem>>)
        %add3A_773 = arith.constant 6 : i32
        %add3A_774 = arith.addi %add3A_396, %add3A_773 : i32
        %sub3A_775 = arith.constant 2 : i32
        %sub3A_776 = arith.subi %add3A_774, %sub3A_775 : i32
        %mul3A_777 = arith.constant 128 : i32
        %mul3A_778 = arith.muli %sub3A_776, %mul3A_777 : i32
        %dma_start3A_779 = arith.constant 1 : i32
        %dma_start3A_780 = arith.constant 0 : i32
        %dma_start3A_781 = arith.constant 0 : i32
        %dma_start3A_782 = tpu.memref_slice %arg6[%dma_start3A_780, %dma_start3A_781] : memref<6x128xi32, #tpu.memory_space<vmem>> -> memref<1x128xi32, #tpu.memory_space<vmem>>
        %dma_start3A_783 = tpu.memref_squeeze %dma_start3A_782 : memref<1x128xi32, #tpu.memory_space<vmem>> -> memref<128xi32, #tpu.memory_space<vmem>>
        %dma_start3A_784 = tpu.memref_slice %arg3[%dma_start3A_779, %add3A, %mul3A_778] : memref<2x32x10000xi32, #tpu.memory_space<hbm>> -> memref<1x1x128xi32, #tpu.memory_space<hbm>>
        %dma_start3A_785 = tpu.memref_squeeze %dma_start3A_784 : memref<1x1x128xi32, #tpu.memory_space<hbm>> -> memref<128xi32, #tpu.memory_space<hbm>>
        %dma_start3A_786 = arith.constant 0 : i32
        %dma_start3A_787 = tpu.memref_slice %arg6[%dma_start3A_780, %dma_start3A_786] : memref<6x128xi32, #tpu.memory_space<vmem>> -> memref<1x128xi32, #tpu.memory_space<vmem>>
        %dma_start3A_788 = tpu.memref_squeeze %dma_start3A_787 : memref<1x128xi32, #tpu.memory_space<vmem>> -> memref<128xi32, #tpu.memory_space<vmem>>
        %dma_start3A_789 = tpu.memref_slice %arg3[%dma_start3A_779, %add3A, %mul3A_778] : memref<2x32x10000xi32, #tpu.memory_space<hbm>> -> memref<1x1x128xi32, #tpu.memory_space<hbm>>
        %dma_start3A_790 = tpu.memref_squeeze %dma_start3A_789 : memref<1x1x128xi32, #tpu.memory_space<hbm>> -> memref<128xi32, #tpu.memory_space<hbm>>
        tpu.enqueue_dma source(%dma_start3A_790 : memref<128xi32, #tpu.memory_space<hbm>>) target(%dma_start3A_788 : memref<128xi32, #tpu.memory_space<vmem>>) target_semaphore(%arg17 : memref<!tpu.dma_semaphore, #tpu.memory_space<semaphore_mem>>)
      } else {
      }
      %add3A_485 = arith.constant 3 : i32
      %add3A_486 = arith.addi %mul3A_252, %add3A_485 : i32
      %dma_wait3A_487 = arith.constant 0 : i32
      %dma_wait3A_488 = arith.constant 3 : i32
      %dma_wait3A_489 = arith.constant 0 : i32
      %dma_wait3A_490 = tpu.memref_slice %arg5[%dma_wait3A_488, %dma_wait3A_489] : memref<6x128xi32, #tpu.memory_space<vmem>> -> memref<1x128xi32, #tpu.memory_space<vmem>>
      %dma_wait3A_491 = tpu.memref_squeeze %dma_wait3A_490 : memref<1x128xi32, #tpu.memory_space<vmem>> -> memref<128xi32, #tpu.memory_space<vmem>>
      %dma_wait3A_492 = arith.constant 0 : i32
      %dma_wait3A_493 = tpu.memref_slice %arg3[%dma_wait3A_487, %add3A, %dma_wait3A_492] : memref<2x32x10000xi32, #tpu.memory_space<hbm>> -> memref<1x1x128xi32, #tpu.memory_space<hbm>>
      %dma_wait3A_494 = tpu.memref_squeeze %dma_wait3A_493 : memref<1x1x128xi32, #tpu.memory_space<hbm>> -> memref<128xi32, #tpu.memory_space<hbm>>
      %dma_wait3A_495 = arith.constant 0 : i32
      %dma_wait3A_496 = tpu.memref_slice %arg5[%dma_wait3A_488, %dma_wait3A_495] : memref<6x128xi32, #tpu.memory_space<vmem>> -> memref<1x128xi32, #tpu.memory_space<vmem>>
      %dma_wait3A_497 = tpu.memref_squeeze %dma_wait3A_496 : memref<1x128xi32, #tpu.memory_space<vmem>> -> memref<128xi32, #tpu.memory_space<vmem>>
      %dma_wait3A_498 = arith.constant 0 : i32
      %dma_wait3A_499 = tpu.memref_slice %arg3[%dma_wait3A_487, %add3A, %dma_wait3A_498] : memref<2x32x10000xi32, #tpu.memory_space<hbm>> -> memref<1x1x128xi32, #tpu.memory_space<hbm>>
      %dma_wait3A_500 = tpu.memref_squeeze %dma_wait3A_499 : memref<1x1x128xi32, #tpu.memory_space<hbm>> -> memref<128xi32, #tpu.memory_space<hbm>>
      tpu.wait_dma2 semaphore(%arg14 : memref<!tpu.dma_semaphore, #tpu.memory_space<semaphore_mem>>) src(%dma_wait3A_500 : memref<128xi32, #tpu.memory_space<hbm>>) dst(%dma_wait3A_497 : memref<128xi32, #tpu.memory_space<vmem>>)
      %dma_wait3A_501 = arith.constant 1 : i32
      %dma_wait3A_502 = arith.constant 3 : i32
      %dma_wait3A_503 = arith.constant 0 : i32
      %dma_wait3A_504 = tpu.memref_slice %arg6[%dma_wait3A_502, %dma_wait3A_503] : memref<6x128xi32, #tpu.memory_space<vmem>> -> memref<1x128xi32, #tpu.memory_space<vmem>>
      %dma_wait3A_505 = tpu.memref_squeeze %dma_wait3A_504 : memref<1x128xi32, #tpu.memory_space<vmem>> -> memref<128xi32, #tpu.memory_space<vmem>>
      %dma_wait3A_506 = arith.constant 0 : i32
      %dma_wait3A_507 = tpu.memref_slice %arg3[%dma_wait3A_501, %add3A, %dma_wait3A_506] : memref<2x32x10000xi32, #tpu.memory_space<hbm>> -> memref<1x1x128xi32, #tpu.memory_space<hbm>>
      %dma_wait3A_508 = tpu.memref_squeeze %dma_wait3A_507 : memref<1x1x128xi32, #tpu.memory_space<hbm>> -> memref<128xi32, #tpu.memory_space<hbm>>
      %dma_wait3A_509 = arith.constant 0 : i32
      %dma_wait3A_510 = tpu.memref_slice %arg6[%dma_wait3A_502, %dma_wait3A_509] : memref<6x128xi32, #tpu.memory_space<vmem>> -> memref<1x128xi32, #tpu.memory_space<vmem>>
      %dma_wait3A_511 = tpu.memref_squeeze %dma_wait3A_510 : memref<1x128xi32, #tpu.memory_space<vmem>> -> memref<128xi32, #tpu.memory_space<vmem>>
      %dma_wait3A_512 = arith.constant 0 : i32
      %dma_wait3A_513 = tpu.memref_slice %arg3[%dma_wait3A_501, %add3A, %dma_wait3A_512] : memref<2x32x10000xi32, #tpu.memory_space<hbm>> -> memref<1x1x128xi32, #tpu.memory_space<hbm>>
      %dma_wait3A_514 = tpu.memref_squeeze %dma_wait3A_513 : memref<1x1x128xi32, #tpu.memory_space<hbm>> -> memref<128xi32, #tpu.memory_space<hbm>>
      tpu.wait_dma2 semaphore(%arg20 : memref<!tpu.dma_semaphore, #tpu.memory_space<semaphore_mem>>) src(%dma_wait3A_514 : memref<128xi32, #tpu.memory_space<hbm>>) dst(%dma_wait3A_511 : memref<128xi32, #tpu.memory_space<vmem>>)
      %dma_wait3A_515 = arith.constant 1 : i32
      %dma_wait3A_516 = arith.constant 1 : i32
      %dma_wait3A_517 = arith.constant 0 : i32
      %dma_wait3A_518 = arith.constant 0 : i32
      %dma_wait3A_519 = tpu.memref_slice %arg9[%dma_wait3A_515, %dma_wait3A_517, %dma_wait3A_518] : memref<2x128x128xf32, #tpu.memory_space<vmem>> -> memref<1x128x128xf32, #tpu.memory_space<vmem>>
      %dma_wait3A_520 = tpu.memref_squeeze %dma_wait3A_519 : memref<1x128x128xf32, #tpu.memory_space<vmem>> -> memref<128x128xf32, #tpu.memory_space<vmem>>
      %dma_wait3A_521 = arith.constant 0 : i32
      %dma_wait3A_522 = tpu.memref_slice %arg6[%dma_wait3A_516, %dma_wait3A_521] : memref<6x128xi32, #tpu.memory_space<vmem>> -> memref<1x128xi32, #tpu.memory_space<vmem>>
      %dma_wait3A_523 = tpu.memref_squeeze %dma_wait3A_522 : memref<1x128xi32, #tpu.memory_space<vmem>> -> memref<128xi32, #tpu.memory_space<vmem>>
      %dma_wait3A_524 = arith.constant 0 : i32
      %dma_wait3A_525 = arith.constant 0 : i32
      %dma_wait3A_526 = tpu.memref_slice %arg10[%dma_wait3A_524, %dma_wait3A_525] : memref<10240x128xf32, #tpu.memory_space<vmem_shared>> -> memref<10240x128xf32, #tpu.memory_space<vmem_shared>>
      tpu.wait_indirect_dma semaphore(%arg26 : memref<!tpu.dma_semaphore, #tpu.memory_space<semaphore_mem>>) src(%dma_wait3A_520 : memref<128x128xf32, #tpu.memory_space<vmem>>) dst(%dma_wait3A_526 : memref<10240x128xf32, #tpu.memory_space<vmem_shared>>)
      %dma_start3A_527 = arith.constant 3 : i32
      %dma_start3A_528 = arith.constant 1 : i32
      %dma_start3A_529 = arith.constant 0 : i32
      %dma_start3A_530 = arith.constant 0 : i32
      %dma_start3A_531 = tpu.memref_slice %arg9[%dma_start3A_528, %dma_start3A_529, %dma_start3A_530] : memref<2x128x128xf32, #tpu.memory_space<vmem>> -> memref<1x128x128xf32, #tpu.memory_space<vmem>>
      %dma_start3A_532 = tpu.memref_squeeze %dma_start3A_531 : memref<1x128x128xf32, #tpu.memory_space<vmem>> -> memref<128x128xf32, #tpu.memory_space<vmem>>
      %dma_start3A_533 = arith.constant 0 : i32
      %dma_start3A_534 = tpu.memref_slice %arg5[%dma_start3A_527, %dma_start3A_533] : memref<6x128xi32, #tpu.memory_space<vmem>> -> memref<1x128xi32, #tpu.memory_space<vmem>>
      %dma_start3A_535 = tpu.memref_squeeze %dma_start3A_534 : memref<1x128xi32, #tpu.memory_space<vmem>> -> memref<128xi32, #tpu.memory_space<vmem>>
      %dma_start3A_536 = arith.constant 0 : i32
      %dma_start3A_537 = arith.constant 0 : i32
      %dma_start3A_538 = tpu.memref_slice %arg2[%dma_start3A_536, %dma_start3A_537] : memref<10000x128xf32, #tpu.memory_space<hbm>> -> memref<10000x128xf32, #tpu.memory_space<hbm>>
      tpu.enqueue_indirect_dma source(%dma_start3A_538 : memref<10000x128xf32, #tpu.memory_space<hbm>>) target(%dma_start3A_532 : memref<128x128xf32, #tpu.memory_space<vmem>>) offsets(%dma_start3A_535 : memref<128xi32, #tpu.memory_space<vmem>>) semaphore(%arg24 : memref<!tpu.dma_semaphore, #tpu.memory_space<semaphore_mem>>)
      %dma_wait3A_539 = arith.constant 2 : i32
      %dma_wait3A_540 = arith.constant 0 : i32
      %dma_wait3A_541 = arith.constant 0 : i32
      %dma_wait3A_542 = arith.constant 0 : i32
      %dma_wait3A_543 = tpu.memref_slice %arg9[%dma_wait3A_540, %dma_wait3A_541, %dma_wait3A_542] : memref<2x128x128xf32, #tpu.memory_space<vmem>> -> memref<1x128x128xf32, #tpu.memory_space<vmem>>
      %dma_wait3A_544 = tpu.memref_squeeze %dma_wait3A_543 : memref<1x128x128xf32, #tpu.memory_space<vmem>> -> memref<128x128xf32, #tpu.memory_space<vmem>>
      %dma_wait3A_545 = arith.constant 0 : i32
      %dma_wait3A_546 = tpu.memref_slice %arg5[%dma_wait3A_539, %dma_wait3A_545] : memref<6x128xi32, #tpu.memory_space<vmem>> -> memref<1x128xi32, #tpu.memory_space<vmem>>
      %dma_wait3A_547 = tpu.memref_squeeze %dma_wait3A_546 : memref<1x128xi32, #tpu.memory_space<vmem>> -> memref<128xi32, #tpu.memory_space<vmem>>
      %dma_wait3A_548 = arith.constant 0 : i32
      %dma_wait3A_549 = arith.constant 0 : i32
      %dma_wait3A_550 = tpu.memref_slice %arg2[%dma_wait3A_548, %dma_wait3A_549] : memref<10000x128xf32, #tpu.memory_space<hbm>> -> memref<10000x128xf32, #tpu.memory_space<hbm>>
      tpu.wait_indirect_dma semaphore(%arg23 : memref<!tpu.dma_semaphore, #tpu.memory_space<semaphore_mem>>) src(%dma_wait3A_550 : memref<10000x128xf32, #tpu.memory_space<hbm>>) dst(%dma_wait3A_544 : memref<128x128xf32, #tpu.memory_space<vmem>>)
      %dma_start3A_551 = arith.constant 0 : i32
      %dma_start3A_552 = arith.constant 2 : i32
      %dma_start3A_553 = arith.constant 0 : i32
      %dma_start3A_554 = arith.constant 0 : i32
      %dma_start3A_555 = tpu.memref_slice %arg9[%dma_start3A_551, %dma_start3A_553, %dma_start3A_554] : memref<2x128x128xf32, #tpu.memory_space<vmem>> -> memref<1x128x128xf32, #tpu.memory_space<vmem>>
      %dma_start3A_556 = tpu.memref_squeeze %dma_start3A_555 : memref<1x128x128xf32, #tpu.memory_space<vmem>> -> memref<128x128xf32, #tpu.memory_space<vmem>>
      %dma_start3A_557 = arith.constant 0 : i32
      %dma_start3A_558 = tpu.memref_slice %arg6[%dma_start3A_552, %dma_start3A_557] : memref<6x128xi32, #tpu.memory_space<vmem>> -> memref<1x128xi32, #tpu.memory_space<vmem>>
      %dma_start3A_559 = tpu.memref_squeeze %dma_start3A_558 : memref<1x128xi32, #tpu.memory_space<vmem>> -> memref<128xi32, #tpu.memory_space<vmem>>
      %dma_start3A_560 = arith.constant 0 : i32
      %dma_start3A_561 = arith.constant 0 : i32
      %dma_start3A_562 = tpu.memref_slice %arg10[%dma_start3A_560, %dma_start3A_561] : memref<10240x128xf32, #tpu.memory_space<vmem_shared>> -> memref<10240x128xf32, #tpu.memory_space<vmem_shared>>
      tpu.enqueue_indirect_dma source(%dma_start3A_556 : memref<128x128xf32, #tpu.memory_space<vmem>>) target(%dma_start3A_562 : memref<10240x128xf32, #tpu.memory_space<vmem_shared>>) offsets(%dma_start3A_559 : memref<128xi32, #tpu.memory_space<vmem>>) semaphore(%arg25 : memref<!tpu.dma_semaphore, #tpu.memory_space<semaphore_mem>>) {add = true}
      %ge3A_563 = arith.constant 2 : i32
      %ge3A_564 = arith.cmpi sge, %add3A_486, %ge3A_563 : i32
      %add3A_565 = arith.constant 6 : i32
      %add3A_566 = arith.addi %add3A_486, %add3A_565 : i32
      %sub3A_567 = arith.constant 2 : i32
      %sub3A_568 = arith.subi %add3A_566, %sub3A_567 : i32
      %lt3A_569 = arith.constant 78 : i32
      %lt3A_570 = arith.cmpi slt, %sub3A_568, %lt3A_569 : i32
      %and3A_571 = arith.andi %ge3A_564, %lt3A_570 : i1
      %convert_element_type3A_572 = arith.extui %and3A_571 : i1 to i32
      %cond3A_573 = arith.constant 0 : i32
      %cond3A_574 = arith.cmpi ne, %convert_element_type3A_572, %cond3A_573 : i32
      scf.if %cond3A_574 {
        %add3A_755 = arith.constant 6 : i32
        %add3A_756 = arith.addi %add3A_486, %add3A_755 : i32
        %sub3A_757 = arith.constant 2 : i32
        %sub3A_758 = arith.subi %add3A_756, %sub3A_757 : i32
        %mul3A_759 = arith.constant 128 : i32
        %mul3A_760 = arith.muli %sub3A_758, %mul3A_759 : i32
        %dma_start3A_761 = arith.constant 0 : i32
        %dma_start3A_762 = arith.constant 1 : i32
        %dma_start3A_763 = arith.constant 0 : i32
        %dma_start3A_764 = tpu.memref_slice %arg5[%dma_start3A_762, %dma_start3A_763] : memref<6x128xi32, #tpu.memory_space<vmem>> -> memref<1x128xi32, #tpu.memory_space<vmem>>
        %dma_start3A_765 = tpu.memref_squeeze %dma_start3A_764 : memref<1x128xi32, #tpu.memory_space<vmem>> -> memref<128xi32, #tpu.memory_space<vmem>>
        %dma_start3A_766 = tpu.memref_slice %arg3[%dma_start3A_761, %add3A, %mul3A_760] : memref<2x32x10000xi32, #tpu.memory_space<hbm>> -> memref<1x1x128xi32, #tpu.memory_space<hbm>>
        %dma_start3A_767 = tpu.memref_squeeze %dma_start3A_766 : memref<1x1x128xi32, #tpu.memory_space<hbm>> -> memref<128xi32, #tpu.memory_space<hbm>>
        %dma_start3A_768 = arith.constant 0 : i32
        %dma_start3A_769 = tpu.memref_slice %arg5[%dma_start3A_762, %dma_start3A_768] : memref<6x128xi32, #tpu.memory_space<vmem>> -> memref<1x128xi32, #tpu.memory_space<vmem>>
        %dma_start3A_770 = tpu.memref_squeeze %dma_start3A_769 : memref<1x128xi32, #tpu.memory_space<vmem>> -> memref<128xi32, #tpu.memory_space<vmem>>
        %dma_start3A_771 = tpu.memref_slice %arg3[%dma_start3A_761, %add3A, %mul3A_760] : memref<2x32x10000xi32, #tpu.memory_space<hbm>> -> memref<1x1x128xi32, #tpu.memory_space<hbm>>
        %dma_start3A_772 = tpu.memref_squeeze %dma_start3A_771 : memref<1x1x128xi32, #tpu.memory_space<hbm>> -> memref<128xi32, #tpu.memory_space<hbm>>
        tpu.enqueue_dma source(%dma_start3A_772 : memref<128xi32, #tpu.memory_space<hbm>>) target(%dma_start3A_770 : memref<128xi32, #tpu.memory_space<vmem>>) target_semaphore(%arg12 : memref<!tpu.dma_semaphore, #tpu.memory_space<semaphore_mem>>)
        %add3A_773 = arith.constant 6 : i32
        %add3A_774 = arith.addi %add3A_486, %add3A_773 : i32
        %sub3A_775 = arith.constant 2 : i32
        %sub3A_776 = arith.subi %add3A_774, %sub3A_775 : i32
        %mul3A_777 = arith.constant 128 : i32
        %mul3A_778 = arith.muli %sub3A_776, %mul3A_777 : i32
        %dma_start3A_779 = arith.constant 1 : i32
        %dma_start3A_780 = arith.constant 1 : i32
        %dma_start3A_781 = arith.constant 0 : i32
        %dma_start3A_782 = tpu.memref_slice %arg6[%dma_start3A_780, %dma_start3A_781] : memref<6x128xi32, #tpu.memory_space<vmem>> -> memref<1x128xi32, #tpu.memory_space<vmem>>
        %dma_start3A_783 = tpu.memref_squeeze %dma_start3A_782 : memref<1x128xi32, #tpu.memory_space<vmem>> -> memref<128xi32, #tpu.memory_space<vmem>>
        %dma_start3A_784 = tpu.memref_slice %arg3[%dma_start3A_779, %add3A, %mul3A_778] : memref<2x32x10000xi32, #tpu.memory_space<hbm>> -> memref<1x1x128xi32, #tpu.memory_space<hbm>>
        %dma_start3A_785 = tpu.memref_squeeze %dma_start3A_784 : memref<1x1x128xi32, #tpu.memory_space<hbm>> -> memref<128xi32, #tpu.memory_space<hbm>>
        %dma_start3A_786 = arith.constant 0 : i32
        %dma_start3A_787 = tpu.memref_slice %arg6[%dma_start3A_780, %dma_start3A_786] : memref<6x128xi32, #tpu.memory_space<vmem>> -> memref<1x128xi32, #tpu.memory_space<vmem>>
        %dma_start3A_788 = tpu.memref_squeeze %dma_start3A_787 : memref<1x128xi32, #tpu.memory_space<vmem>> -> memref<128xi32, #tpu.memory_space<vmem>>
        %dma_start3A_789 = tpu.memref_slice %arg3[%dma_start3A_779, %add3A, %mul3A_778] : memref<2x32x10000xi32, #tpu.memory_space<hbm>> -> memref<1x1x128xi32, #tpu.memory_space<hbm>>
        %dma_start3A_790 = tpu.memref_squeeze %dma_start3A_789 : memref<1x1x128xi32, #tpu.memory_space<hbm>> -> memref<128xi32, #tpu.memory_space<hbm>>
        tpu.enqueue_dma source(%dma_start3A_790 : memref<128xi32, #tpu.memory_space<hbm>>) target(%dma_start3A_788 : memref<128xi32, #tpu.memory_space<vmem>>) target_semaphore(%arg18 : memref<!tpu.dma_semaphore, #tpu.memory_space<semaphore_mem>>)
      } else {
      }
      %add3A_575 = arith.constant 4 : i32
      %add3A_576 = arith.addi %mul3A_252, %add3A_575 : i32
      %dma_wait3A_577 = arith.constant 0 : i32
      %dma_wait3A_578 = arith.constant 4 : i32
      %dma_wait3A_579 = arith.constant 0 : i32
      %dma_wait3A_580 = tpu.memref_slice %arg5[%dma_wait3A_578, %dma_wait3A_579] : memref<6x128xi32, #tpu.memory_space<vmem>> -> memref<1x128xi32, #tpu.memory_space<vmem>>
      %dma_wait3A_581 = tpu.memref_squeeze %dma_wait3A_580 : memref<1x128xi32, #tpu.memory_space<vmem>> -> memref<128xi32, #tpu.memory_space<vmem>>
      %dma_wait3A_582 = arith.constant 0 : i32
      %dma_wait3A_583 = tpu.memref_slice %arg3[%dma_wait3A_577, %add3A, %dma_wait3A_582] : memref<2x32x10000xi32, #tpu.memory_space<hbm>> -> memref<1x1x128xi32, #tpu.memory_space<hbm>>
      %dma_wait3A_584 = tpu.memref_squeeze %dma_wait3A_583 : memref<1x1x128xi32, #tpu.memory_space<hbm>> -> memref<128xi32, #tpu.memory_space<hbm>>
      %dma_wait3A_585 = arith.constant 0 : i32
      %dma_wait3A_586 = tpu.memref_slice %arg5[%dma_wait3A_578, %dma_wait3A_585] : memref<6x128xi32, #tpu.memory_space<vmem>> -> memref<1x128xi32, #tpu.memory_space<vmem>>
      %dma_wait3A_587 = tpu.memref_squeeze %dma_wait3A_586 : memref<1x128xi32, #tpu.memory_space<vmem>> -> memref<128xi32, #tpu.memory_space<vmem>>
      %dma_wait3A_588 = arith.constant 0 : i32
      %dma_wait3A_589 = tpu.memref_slice %arg3[%dma_wait3A_577, %add3A, %dma_wait3A_588] : memref<2x32x10000xi32, #tpu.memory_space<hbm>> -> memref<1x1x128xi32, #tpu.memory_space<hbm>>
      %dma_wait3A_590 = tpu.memref_squeeze %dma_wait3A_589 : memref<1x1x128xi32, #tpu.memory_space<hbm>> -> memref<128xi32, #tpu.memory_space<hbm>>
      tpu.wait_dma2 semaphore(%arg15 : memref<!tpu.dma_semaphore, #tpu.memory_space<semaphore_mem>>) src(%dma_wait3A_590 : memref<128xi32, #tpu.memory_space<hbm>>) dst(%dma_wait3A_587 : memref<128xi32, #tpu.memory_space<vmem>>)
      %dma_wait3A_591 = arith.constant 1 : i32
      %dma_wait3A_592 = arith.constant 4 : i32
      %dma_wait3A_593 = arith.constant 0 : i32
      %dma_wait3A_594 = tpu.memref_slice %arg6[%dma_wait3A_592, %dma_wait3A_593] : memref<6x128xi32, #tpu.memory_space<vmem>> -> memref<1x128xi32, #tpu.memory_space<vmem>>
      %dma_wait3A_595 = tpu.memref_squeeze %dma_wait3A_594 : memref<1x128xi32, #tpu.memory_space<vmem>> -> memref<128xi32, #tpu.memory_space<vmem>>
      %dma_wait3A_596 = arith.constant 0 : i32
      %dma_wait3A_597 = tpu.memref_slice %arg3[%dma_wait3A_591, %add3A, %dma_wait3A_596] : memref<2x32x10000xi32, #tpu.memory_space<hbm>> -> memref<1x1x128xi32, #tpu.memory_space<hbm>>
      %dma_wait3A_598 = tpu.memref_squeeze %dma_wait3A_597 : memref<1x1x128xi32, #tpu.memory_space<hbm>> -> memref<128xi32, #tpu.memory_space<hbm>>
      %dma_wait3A_599 = arith.constant 0 : i32
      %dma_wait3A_600 = tpu.memref_slice %arg6[%dma_wait3A_592, %dma_wait3A_599] : memref<6x128xi32, #tpu.memory_space<vmem>> -> memref<1x128xi32, #tpu.memory_space<vmem>>
      %dma_wait3A_601 = tpu.memref_squeeze %dma_wait3A_600 : memref<1x128xi32, #tpu.memory_space<vmem>> -> memref<128xi32, #tpu.memory_space<vmem>>
      %dma_wait3A_602 = arith.constant 0 : i32
      %dma_wait3A_603 = tpu.memref_slice %arg3[%dma_wait3A_591, %add3A, %dma_wait3A_602] : memref<2x32x10000xi32, #tpu.memory_space<hbm>> -> memref<1x1x128xi32, #tpu.memory_space<hbm>>
      %dma_wait3A_604 = tpu.memref_squeeze %dma_wait3A_603 : memref<1x1x128xi32, #tpu.memory_space<hbm>> -> memref<128xi32, #tpu.memory_space<hbm>>
      tpu.wait_dma2 semaphore(%arg21 : memref<!tpu.dma_semaphore, #tpu.memory_space<semaphore_mem>>) src(%dma_wait3A_604 : memref<128xi32, #tpu.memory_space<hbm>>) dst(%dma_wait3A_601 : memref<128xi32, #tpu.memory_space<vmem>>)
      %dma_wait3A_605 = arith.constant 0 : i32
      %dma_wait3A_606 = arith.constant 2 : i32
      %dma_wait3A_607 = arith.constant 0 : i32
      %dma_wait3A_608 = arith.constant 0 : i32
      %dma_wait3A_609 = tpu.memref_slice %arg9[%dma_wait3A_605, %dma_wait3A_607, %dma_wait3A_608] : memref<2x128x128xf32, #tpu.memory_space<vmem>> -> memref<1x128x128xf32, #tpu.memory_space<vmem>>
      %dma_wait3A_610 = tpu.memref_squeeze %dma_wait3A_609 : memref<1x128x128xf32, #tpu.memory_space<vmem>> -> memref<128x128xf32, #tpu.memory_space<vmem>>
      %dma_wait3A_611 = arith.constant 0 : i32
      %dma_wait3A_612 = tpu.memref_slice %arg6[%dma_wait3A_606, %dma_wait3A_611] : memref<6x128xi32, #tpu.memory_space<vmem>> -> memref<1x128xi32, #tpu.memory_space<vmem>>
      %dma_wait3A_613 = tpu.memref_squeeze %dma_wait3A_612 : memref<1x128xi32, #tpu.memory_space<vmem>> -> memref<128xi32, #tpu.memory_space<vmem>>
      %dma_wait3A_614 = arith.constant 0 : i32
      %dma_wait3A_615 = arith.constant 0 : i32
      %dma_wait3A_616 = tpu.memref_slice %arg10[%dma_wait3A_614, %dma_wait3A_615] : memref<10240x128xf32, #tpu.memory_space<vmem_shared>> -> memref<10240x128xf32, #tpu.memory_space<vmem_shared>>
      tpu.wait_indirect_dma semaphore(%arg25 : memref<!tpu.dma_semaphore, #tpu.memory_space<semaphore_mem>>) src(%dma_wait3A_610 : memref<128x128xf32, #tpu.memory_space<vmem>>) dst(%dma_wait3A_616 : memref<10240x128xf32, #tpu.memory_space<vmem_shared>>)
      %dma_start3A_617 = arith.constant 4 : i32
      %dma_start3A_618 = arith.constant 0 : i32
      %dma_start3A_619 = arith.constant 0 : i32
      %dma_start3A_620 = arith.constant 0 : i32
      %dma_start3A_621 = tpu.memref_slice %arg9[%dma_start3A_618, %dma_start3A_619, %dma_start3A_620] : memref<2x128x128xf32, #tpu.memory_space<vmem>> -> memref<1x128x128xf32, #tpu.memory_space<vmem>>
      %dma_start3A_622 = tpu.memref_squeeze %dma_start3A_621 : memref<1x128x128xf32, #tpu.memory_space<vmem>> -> memref<128x128xf32, #tpu.memory_space<vmem>>
      %dma_start3A_623 = arith.constant 0 : i32
      %dma_start3A_624 = tpu.memref_slice %arg5[%dma_start3A_617, %dma_start3A_623] : memref<6x128xi32, #tpu.memory_space<vmem>> -> memref<1x128xi32, #tpu.memory_space<vmem>>
      %dma_start3A_625 = tpu.memref_squeeze %dma_start3A_624 : memref<1x128xi32, #tpu.memory_space<vmem>> -> memref<128xi32, #tpu.memory_space<vmem>>
      %dma_start3A_626 = arith.constant 0 : i32
      %dma_start3A_627 = arith.constant 0 : i32
      %dma_start3A_628 = tpu.memref_slice %arg2[%dma_start3A_626, %dma_start3A_627] : memref<10000x128xf32, #tpu.memory_space<hbm>> -> memref<10000x128xf32, #tpu.memory_space<hbm>>
      tpu.enqueue_indirect_dma source(%dma_start3A_628 : memref<10000x128xf32, #tpu.memory_space<hbm>>) target(%dma_start3A_622 : memref<128x128xf32, #tpu.memory_space<vmem>>) offsets(%dma_start3A_625 : memref<128xi32, #tpu.memory_space<vmem>>) semaphore(%arg23 : memref<!tpu.dma_semaphore, #tpu.memory_space<semaphore_mem>>)
      %dma_wait3A_629 = arith.constant 3 : i32
      %dma_wait3A_630 = arith.constant 1 : i32
      %dma_wait3A_631 = arith.constant 0 : i32
      %dma_wait3A_632 = arith.constant 0 : i32
      %dma_wait3A_633 = tpu.memref_slice %arg9[%dma_wait3A_630, %dma_wait3A_631, %dma_wait3A_632] : memref<2x128x128xf32, #tpu.memory_space<vmem>> -> memref<1x128x128xf32, #tpu.memory_space<vmem>>
      %dma_wait3A_634 = tpu.memref_squeeze %dma_wait3A_633 : memref<1x128x128xf32, #tpu.memory_space<vmem>> -> memref<128x128xf32, #tpu.memory_space<vmem>>
      %dma_wait3A_635 = arith.constant 0 : i32
      %dma_wait3A_636 = tpu.memref_slice %arg5[%dma_wait3A_629, %dma_wait3A_635] : memref<6x128xi32, #tpu.memory_space<vmem>> -> memref<1x128xi32, #tpu.memory_space<vmem>>
      %dma_wait3A_637 = tpu.memref_squeeze %dma_wait3A_636 : memref<1x128xi32, #tpu.memory_space<vmem>> -> memref<128xi32, #tpu.memory_space<vmem>>
      %dma_wait3A_638 = arith.constant 0 : i32
      %dma_wait3A_639 = arith.constant 0 : i32
      %dma_wait3A_640 = tpu.memref_slice %arg2[%dma_wait3A_638, %dma_wait3A_639] : memref<10000x128xf32, #tpu.memory_space<hbm>> -> memref<10000x128xf32, #tpu.memory_space<hbm>>
      tpu.wait_indirect_dma semaphore(%arg24 : memref<!tpu.dma_semaphore, #tpu.memory_space<semaphore_mem>>) src(%dma_wait3A_640 : memref<10000x128xf32, #tpu.memory_space<hbm>>) dst(%dma_wait3A_634 : memref<128x128xf32, #tpu.memory_space<vmem>>)
      %dma_start3A_641 = arith.constant 1 : i32
      %dma_start3A_642 = arith.constant 3 : i32
      %dma_start3A_643 = arith.constant 0 : i32
      %dma_start3A_644 = arith.constant 0 : i32
      %dma_start3A_645 = tpu.memref_slice %arg9[%dma_start3A_641, %dma_start3A_643, %dma_start3A_644] : memref<2x128x128xf32, #tpu.memory_space<vmem>> -> memref<1x128x128xf32, #tpu.memory_space<vmem>>
      %dma_start3A_646 = tpu.memref_squeeze %dma_start3A_645 : memref<1x128x128xf32, #tpu.memory_space<vmem>> -> memref<128x128xf32, #tpu.memory_space<vmem>>
      %dma_start3A_647 = arith.constant 0 : i32
      %dma_start3A_648 = tpu.memref_slice %arg6[%dma_start3A_642, %dma_start3A_647] : memref<6x128xi32, #tpu.memory_space<vmem>> -> memref<1x128xi32, #tpu.memory_space<vmem>>
      %dma_start3A_649 = tpu.memref_squeeze %dma_start3A_648 : memref<1x128xi32, #tpu.memory_space<vmem>> -> memref<128xi32, #tpu.memory_space<vmem>>
      %dma_start3A_650 = arith.constant 0 : i32
      %dma_start3A_651 = arith.constant 0 : i32
      %dma_start3A_652 = tpu.memref_slice %arg10[%dma_start3A_650, %dma_start3A_651] : memref<10240x128xf32, #tpu.memory_space<vmem_shared>> -> memref<10240x128xf32, #tpu.memory_space<vmem_shared>>
      tpu.enqueue_indirect_dma source(%dma_start3A_646 : memref<128x128xf32, #tpu.memory_space<vmem>>) target(%dma_start3A_652 : memref<10240x128xf32, #tpu.memory_space<vmem_shared>>) offsets(%dma_start3A_649 : memref<128xi32, #tpu.memory_space<vmem>>) semaphore(%arg26 : memref<!tpu.dma_semaphore, #tpu.memory_space<semaphore_mem>>) {add = true}
      %ge3A_653 = arith.constant 2 : i32
      %ge3A_654 = arith.cmpi sge, %add3A_576, %ge3A_653 : i32
      %add3A_655 = arith.constant 6 : i32
      %add3A_656 = arith.addi %add3A_576, %add3A_655 : i32
      %sub3A_657 = arith.constant 2 : i32
      %sub3A_658 = arith.subi %add3A_656, %sub3A_657 : i32
      %lt3A_659 = arith.constant 78 : i32
      %lt3A_660 = arith.cmpi slt, %sub3A_658, %lt3A_659 : i32
      %and3A_661 = arith.andi %ge3A_654, %lt3A_660 : i1
      %convert_element_type3A_662 = arith.extui %and3A_661 : i1 to i32
      %cond3A_663 = arith.constant 0 : i32
      %cond3A_664 = arith.cmpi ne, %convert_element_type3A_662, %cond3A_663 : i32
      scf.if %cond3A_664 {
        %add3A_755 = arith.constant 6 : i32
        %add3A_756 = arith.addi %add3A_576, %add3A_755 : i32
        %sub3A_757 = arith.constant 2 : i32
        %sub3A_758 = arith.subi %add3A_756, %sub3A_757 : i32
        %mul3A_759 = arith.constant 128 : i32
        %mul3A_760 = arith.muli %sub3A_758, %mul3A_759 : i32
        %dma_start3A_761 = arith.constant 0 : i32
        %dma_start3A_762 = arith.constant 2 : i32
        %dma_start3A_763 = arith.constant 0 : i32
        %dma_start3A_764 = tpu.memref_slice %arg5[%dma_start3A_762, %dma_start3A_763] : memref<6x128xi32, #tpu.memory_space<vmem>> -> memref<1x128xi32, #tpu.memory_space<vmem>>
        %dma_start3A_765 = tpu.memref_squeeze %dma_start3A_764 : memref<1x128xi32, #tpu.memory_space<vmem>> -> memref<128xi32, #tpu.memory_space<vmem>>
        %dma_start3A_766 = tpu.memref_slice %arg3[%dma_start3A_761, %add3A, %mul3A_760] : memref<2x32x10000xi32, #tpu.memory_space<hbm>> -> memref<1x1x128xi32, #tpu.memory_space<hbm>>
        %dma_start3A_767 = tpu.memref_squeeze %dma_start3A_766 : memref<1x1x128xi32, #tpu.memory_space<hbm>> -> memref<128xi32, #tpu.memory_space<hbm>>
        %dma_start3A_768 = arith.constant 0 : i32
        %dma_start3A_769 = tpu.memref_slice %arg5[%dma_start3A_762, %dma_start3A_768] : memref<6x128xi32, #tpu.memory_space<vmem>> -> memref<1x128xi32, #tpu.memory_space<vmem>>
        %dma_start3A_770 = tpu.memref_squeeze %dma_start3A_769 : memref<1x128xi32, #tpu.memory_space<vmem>> -> memref<128xi32, #tpu.memory_space<vmem>>
        %dma_start3A_771 = tpu.memref_slice %arg3[%dma_start3A_761, %add3A, %mul3A_760] : memref<2x32x10000xi32, #tpu.memory_space<hbm>> -> memref<1x1x128xi32, #tpu.memory_space<hbm>>
        %dma_start3A_772 = tpu.memref_squeeze %dma_start3A_771 : memref<1x1x128xi32, #tpu.memory_space<hbm>> -> memref<128xi32, #tpu.memory_space<hbm>>
        tpu.enqueue_dma source(%dma_start3A_772 : memref<128xi32, #tpu.memory_space<hbm>>) target(%dma_start3A_770 : memref<128xi32, #tpu.memory_space<vmem>>) target_semaphore(%arg13 : memref<!tpu.dma_semaphore, #tpu.memory_space<semaphore_mem>>)
        %add3A_773 = arith.constant 6 : i32
        %add3A_774 = arith.addi %add3A_576, %add3A_773 : i32
        %sub3A_775 = arith.constant 2 : i32
        %sub3A_776 = arith.subi %add3A_774, %sub3A_775 : i32
        %mul3A_777 = arith.constant 128 : i32
        %mul3A_778 = arith.muli %sub3A_776, %mul3A_777 : i32
        %dma_start3A_779 = arith.constant 1 : i32
        %dma_start3A_780 = arith.constant 2 : i32
        %dma_start3A_781 = arith.constant 0 : i32
        %dma_start3A_782 = tpu.memref_slice %arg6[%dma_start3A_780, %dma_start3A_781] : memref<6x128xi32, #tpu.memory_space<vmem>> -> memref<1x128xi32, #tpu.memory_space<vmem>>
        %dma_start3A_783 = tpu.memref_squeeze %dma_start3A_782 : memref<1x128xi32, #tpu.memory_space<vmem>> -> memref<128xi32, #tpu.memory_space<vmem>>
        %dma_start3A_784 = tpu.memref_slice %arg3[%dma_start3A_779, %add3A, %mul3A_778] : memref<2x32x10000xi32, #tpu.memory_space<hbm>> -> memref<1x1x128xi32, #tpu.memory_space<hbm>>
        %dma_start3A_785 = tpu.memref_squeeze %dma_start3A_784 : memref<1x1x128xi32, #tpu.memory_space<hbm>> -> memref<128xi32, #tpu.memory_space<hbm>>
        %dma_start3A_786 = arith.constant 0 : i32
        %dma_start3A_787 = tpu.memref_slice %arg6[%dma_start3A_780, %dma_start3A_786] : memref<6x128xi32, #tpu.memory_space<vmem>> -> memref<1x128xi32, #tpu.memory_space<vmem>>
        %dma_start3A_788 = tpu.memref_squeeze %dma_start3A_787 : memref<1x128xi32, #tpu.memory_space<vmem>> -> memref<128xi32, #tpu.memory_space<vmem>>
        %dma_start3A_789 = tpu.memref_slice %arg3[%dma_start3A_779, %add3A, %mul3A_778] : memref<2x32x10000xi32, #tpu.memory_space<hbm>> -> memref<1x1x128xi32, #tpu.memory_space<hbm>>
        %dma_start3A_790 = tpu.memref_squeeze %dma_start3A_789 : memref<1x1x128xi32, #tpu.memory_space<hbm>> -> memref<128xi32, #tpu.memory_space<hbm>>
        tpu.enqueue_dma source(%dma_start3A_790 : memref<128xi32, #tpu.memory_space<hbm>>) target(%dma_start3A_788 : memref<128xi32, #tpu.memory_space<vmem>>) target_semaphore(%arg19 : memref<!tpu.dma_semaphore, #tpu.memory_space<semaphore_mem>>)
      } else {
      }
      %add3A_665 = arith.constant 5 : i32
      %add3A_666 = arith.addi %mul3A_252, %add3A_665 : i32
      %dma_wait3A_667 = arith.constant 0 : i32
      %dma_wait3A_668 = arith.constant 5 : i32
      %dma_wait3A_669 = arith.constant 0 : i32
      %dma_wait3A_670 = tpu.memref_slice %arg5[%dma_wait3A_668, %dma_wait3A_669] : memref<6x128xi32, #tpu.memory_space<vmem>> -> memref<1x128xi32, #tpu.memory_space<vmem>>
      %dma_wait3A_671 = tpu.memref_squeeze %dma_wait3A_670 : memref<1x128xi32, #tpu.memory_space<vmem>> -> memref<128xi32, #tpu.memory_space<vmem>>
      %dma_wait3A_672 = arith.constant 0 : i32
      %dma_wait3A_673 = tpu.memref_slice %arg3[%dma_wait3A_667, %add3A, %dma_wait3A_672] : memref<2x32x10000xi32, #tpu.memory_space<hbm>> -> memref<1x1x128xi32, #tpu.memory_space<hbm>>
      %dma_wait3A_674 = tpu.memref_squeeze %dma_wait3A_673 : memref<1x1x128xi32, #tpu.memory_space<hbm>> -> memref<128xi32, #tpu.memory_space<hbm>>
      %dma_wait3A_675 = arith.constant 0 : i32
      %dma_wait3A_676 = tpu.memref_slice %arg5[%dma_wait3A_668, %dma_wait3A_675] : memref<6x128xi32, #tpu.memory_space<vmem>> -> memref<1x128xi32, #tpu.memory_space<vmem>>
      %dma_wait3A_677 = tpu.memref_squeeze %dma_wait3A_676 : memref<1x128xi32, #tpu.memory_space<vmem>> -> memref<128xi32, #tpu.memory_space<vmem>>
      %dma_wait3A_678 = arith.constant 0 : i32
      %dma_wait3A_679 = tpu.memref_slice %arg3[%dma_wait3A_667, %add3A, %dma_wait3A_678] : memref<2x32x10000xi32, #tpu.memory_space<hbm>> -> memref<1x1x128xi32, #tpu.memory_space<hbm>>
      %dma_wait3A_680 = tpu.memref_squeeze %dma_wait3A_679 : memref<1x1x128xi32, #tpu.memory_space<hbm>> -> memref<128xi32, #tpu.memory_space<hbm>>
      tpu.wait_dma2 semaphore(%arg16 : memref<!tpu.dma_semaphore, #tpu.memory_space<semaphore_mem>>) src(%dma_wait3A_680 : memref<128xi32, #tpu.memory_space<hbm>>) dst(%dma_wait3A_677 : memref<128xi32, #tpu.memory_space<vmem>>)
      %dma_wait3A_681 = arith.constant 1 : i32
      %dma_wait3A_682 = arith.constant 5 : i32
      %dma_wait3A_683 = arith.constant 0 : i32
      %dma_wait3A_684 = tpu.memref_slice %arg6[%dma_wait3A_682, %dma_wait3A_683] : memref<6x128xi32, #tpu.memory_space<vmem>> -> memref<1x128xi32, #tpu.memory_space<vmem>>
      %dma_wait3A_685 = tpu.memref_squeeze %dma_wait3A_684 : memref<1x128xi32, #tpu.memory_space<vmem>> -> memref<128xi32, #tpu.memory_space<vmem>>
      %dma_wait3A_686 = arith.constant 0 : i32
      %dma_wait3A_687 = tpu.memref_slice %arg3[%dma_wait3A_681, %add3A, %dma_wait3A_686] : memref<2x32x10000xi32, #tpu.memory_space<hbm>> -> memref<1x1x128xi32, #tpu.memory_space<hbm>>
      %dma_wait3A_688 = tpu.memref_squeeze %dma_wait3A_687 : memref<1x1x128xi32, #tpu.memory_space<hbm>> -> memref<128xi32, #tpu.memory_space<hbm>>
      %dma_wait3A_689 = arith.constant 0 : i32
      %dma_wait3A_690 = tpu.memref_slice %arg6[%dma_wait3A_682, %dma_wait3A_689] : memref<6x128xi32, #tpu.memory_space<vmem>> -> memref<1x128xi32, #tpu.memory_space<vmem>>
      %dma_wait3A_691 = tpu.memref_squeeze %dma_wait3A_690 : memref<1x128xi32, #tpu.memory_space<vmem>> -> memref<128xi32, #tpu.memory_space<vmem>>
      %dma_wait3A_692 = arith.constant 0 : i32
      %dma_wait3A_693 = tpu.memref_slice %arg3[%dma_wait3A_681, %add3A, %dma_wait3A_692] : memref<2x32x10000xi32, #tpu.memory_space<hbm>> -> memref<1x1x128xi32, #tpu.memory_space<hbm>>
      %dma_wait3A_694 = tpu.memref_squeeze %dma_wait3A_693 : memref<1x1x128xi32, #tpu.memory_space<hbm>> -> memref<128xi32, #tpu.memory_space<hbm>>
      tpu.wait_dma2 semaphore(%arg22 : memref<!tpu.dma_semaphore, #tpu.memory_space<semaphore_mem>>) src(%dma_wait3A_694 : memref<128xi32, #tpu.memory_space<hbm>>) dst(%dma_wait3A_691 : memref<128xi32, #tpu.memory_space<vmem>>)
      %dma_wait3A_695 = arith.constant 1 : i32
      %dma_wait3A_696 = arith.constant 3 : i32
      %dma_wait3A_697 = arith.constant 0 : i32
      %dma_wait3A_698 = arith.constant 0 : i32
      %dma_wait3A_699 = tpu.memref_slice %arg9[%dma_wait3A_695, %dma_wait3A_697, %dma_wait3A_698] : memref<2x128x128xf32, #tpu.memory_space<vmem>> -> memref<1x128x128xf32, #tpu.memory_space<vmem>>
      %dma_wait3A_700 = tpu.memref_squeeze %dma_wait3A_699 : memref<1x128x128xf32, #tpu.memory_space<vmem>> -> memref<128x128xf32, #tpu.memory_space<vmem>>
      %dma_wait3A_701 = arith.constant 0 : i32
      %dma_wait3A_702 = tpu.memref_slice %arg6[%dma_wait3A_696, %dma_wait3A_701] : memref<6x128xi32, #tpu.memory_space<vmem>> -> memref<1x128xi32, #tpu.memory_space<vmem>>
      %dma_wait3A_703 = tpu.memref_squeeze %dma_wait3A_702 : memref<1x128xi32, #tpu.memory_space<vmem>> -> memref<128xi32, #tpu.memory_space<vmem>>
      %dma_wait3A_704 = arith.constant 0 : i32
      %dma_wait3A_705 = arith.constant 0 : i32
      %dma_wait3A_706 = tpu.memref_slice %arg10[%dma_wait3A_704, %dma_wait3A_705] : memref<10240x128xf32, #tpu.memory_space<vmem_shared>> -> memref<10240x128xf32, #tpu.memory_space<vmem_shared>>
      tpu.wait_indirect_dma semaphore(%arg26 : memref<!tpu.dma_semaphore, #tpu.memory_space<semaphore_mem>>) src(%dma_wait3A_700 : memref<128x128xf32, #tpu.memory_space<vmem>>) dst(%dma_wait3A_706 : memref<10240x128xf32, #tpu.memory_space<vmem_shared>>)
      %dma_start3A_707 = arith.constant 5 : i32
      %dma_start3A_708 = arith.constant 1 : i32
      %dma_start3A_709 = arith.constant 0 : i32
      %dma_start3A_710 = arith.constant 0 : i32
      %dma_start3A_711 = tpu.memref_slice %arg9[%dma_start3A_708, %dma_start3A_709, %dma_start3A_710] : memref<2x128x128xf32, #tpu.memory_space<vmem>> -> memref<1x128x128xf32, #tpu.memory_space<vmem>>
      %dma_start3A_712 = tpu.memref_squeeze %dma_start3A_711 : memref<1x128x128xf32, #tpu.memory_space<vmem>> -> memref<128x128xf32, #tpu.memory_space<vmem>>
      %dma_start3A_713 = arith.constant 0 : i32
      %dma_start3A_714 = tpu.memref_slice %arg5[%dma_start3A_707, %dma_start3A_713] : memref<6x128xi32, #tpu.memory_space<vmem>> -> memref<1x128xi32, #tpu.memory_space<vmem>>
      %dma_start3A_715 = tpu.memref_squeeze %dma_start3A_714 : memref<1x128xi32, #tpu.memory_space<vmem>> -> memref<128xi32, #tpu.memory_space<vmem>>
      %dma_start3A_716 = arith.constant 0 : i32
      %dma_start3A_717 = arith.constant 0 : i32
      %dma_start3A_718 = tpu.memref_slice %arg2[%dma_start3A_716, %dma_start3A_717] : memref<10000x128xf32, #tpu.memory_space<hbm>> -> memref<10000x128xf32, #tpu.memory_space<hbm>>
      tpu.enqueue_indirect_dma source(%dma_start3A_718 : memref<10000x128xf32, #tpu.memory_space<hbm>>) target(%dma_start3A_712 : memref<128x128xf32, #tpu.memory_space<vmem>>) offsets(%dma_start3A_715 : memref<128xi32, #tpu.memory_space<vmem>>) semaphore(%arg24 : memref<!tpu.dma_semaphore, #tpu.memory_space<semaphore_mem>>)
      %dma_wait3A_719 = arith.constant 4 : i32
      %dma_wait3A_720 = arith.constant 0 : i32
      %dma_wait3A_721 = arith.constant 0 : i32
      %dma_wait3A_722 = arith.constant 0 : i32
      %dma_wait3A_723 = tpu.memref_slice %arg9[%dma_wait3A_720, %dma_wait3A_721, %dma_wait3A_722] : memref<2x128x128xf32, #tpu.memory_space<vmem>> -> memref<1x128x128xf32, #tpu.memory_space<vmem>>
      %dma_wait3A_724 = tpu.memref_squeeze %dma_wait3A_723 : memref<1x128x128xf32, #tpu.memory_space<vmem>> -> memref<128x128xf32, #tpu.memory_space<vmem>>
      %dma_wait3A_725 = arith.constant 0 : i32
      %dma_wait3A_726 = tpu.memref_slice %arg5[%dma_wait3A_719, %dma_wait3A_725] : memref<6x128xi32, #tpu.memory_space<vmem>> -> memref<1x128xi32, #tpu.memory_space<vmem>>
      %dma_wait3A_727 = tpu.memref_squeeze %dma_wait3A_726 : memref<1x128xi32, #tpu.memory_space<vmem>> -> memref<128xi32, #tpu.memory_space<vmem>>
      %dma_wait3A_728 = arith.constant 0 : i32
      %dma_wait3A_729 = arith.constant 0 : i32
      %dma_wait3A_730 = tpu.memref_slice %arg2[%dma_wait3A_728, %dma_wait3A_729] : memref<10000x128xf32, #tpu.memory_space<hbm>> -> memref<10000x128xf32, #tpu.memory_space<hbm>>
      tpu.wait_indirect_dma semaphore(%arg23 : memref<!tpu.dma_semaphore, #tpu.memory_space<semaphore_mem>>) src(%dma_wait3A_730 : memref<10000x128xf32, #tpu.memory_space<hbm>>) dst(%dma_wait3A_724 : memref<128x128xf32, #tpu.memory_space<vmem>>)
      %dma_start3A_731 = arith.constant 0 : i32
      %dma_start3A_732 = arith.constant 4 : i32
      %dma_start3A_733 = arith.constant 0 : i32
      %dma_start3A_734 = arith.constant 0 : i32
      %dma_start3A_735 = tpu.memref_slice %arg9[%dma_start3A_731, %dma_start3A_733, %dma_start3A_734] : memref<2x128x128xf32, #tpu.memory_space<vmem>> -> memref<1x128x128xf32, #tpu.memory_space<vmem>>
      %dma_start3A_736 = tpu.memref_squeeze %dma_start3A_735 : memref<1x128x128xf32, #tpu.memory_space<vmem>> -> memref<128x128xf32, #tpu.memory_space<vmem>>
      %dma_start3A_737 = arith.constant 0 : i32
      %dma_start3A_738 = tpu.memref_slice %arg6[%dma_start3A_732, %dma_start3A_737] : memref<6x128xi32, #tpu.memory_space<vmem>> -> memref<1x128xi32, #tpu.memory_space<vmem>>
      %dma_start3A_739 = tpu.memref_squeeze %dma_start3A_738 : memref<1x128xi32, #tpu.memory_space<vmem>> -> memref<128xi32, #tpu.memory_space<vmem>>
      %dma_start3A_740 = arith.constant 0 : i32
      %dma_start3A_741 = arith.constant 0 : i32
      %dma_start3A_742 = tpu.memref_slice %arg10[%dma_start3A_740, %dma_start3A_741] : memref<10240x128xf32, #tpu.memory_space<vmem_shared>> -> memref<10240x128xf32, #tpu.memory_space<vmem_shared>>
      tpu.enqueue_indirect_dma source(%dma_start3A_736 : memref<128x128xf32, #tpu.memory_space<vmem>>) target(%dma_start3A_742 : memref<10240x128xf32, #tpu.memory_space<vmem_shared>>) offsets(%dma_start3A_739 : memref<128xi32, #tpu.memory_space<vmem>>) semaphore(%arg25 : memref<!tpu.dma_semaphore, #tpu.memory_space<semaphore_mem>>) {add = true}
      %ge3A_743 = arith.constant 2 : i32
      %ge3A_744 = arith.cmpi sge, %add3A_666, %ge3A_743 : i32
      %add3A_745 = arith.constant 6 : i32
      %add3A_746 = arith.addi %add3A_666, %add3A_745 : i32
      %sub3A_747 = arith.constant 2 : i32
      %sub3A_748 = arith.subi %add3A_746, %sub3A_747 : i32
      %lt3A_749 = arith.constant 78 : i32
      %lt3A_750 = arith.cmpi slt, %sub3A_748, %lt3A_749 : i32
      %and3A_751 = arith.andi %ge3A_744, %lt3A_750 : i1
      %convert_element_type3A_752 = arith.extui %and3A_751 : i1 to i32
      %cond3A_753 = arith.constant 0 : i32
      %cond3A_754 = arith.cmpi ne, %convert_element_type3A_752, %cond3A_753 : i32
      scf.if %cond3A_754 {
        %add3A_755 = arith.constant 6 : i32
        %add3A_756 = arith.addi %add3A_666, %add3A_755 : i32
        %sub3A_757 = arith.constant 2 : i32
        %sub3A_758 = arith.subi %add3A_756, %sub3A_757 : i32
        %mul3A_759 = arith.constant 128 : i32
        %mul3A_760 = arith.muli %sub3A_758, %mul3A_759 : i32
        %dma_start3A_761 = arith.constant 0 : i32
        %dma_start3A_762 = arith.constant 3 : i32
        %dma_start3A_763 = arith.constant 0 : i32
        %dma_start3A_764 = tpu.memref_slice %arg5[%dma_start3A_762, %dma_start3A_763] : memref<6x128xi32, #tpu.memory_space<vmem>> -> memref<1x128xi32, #tpu.memory_space<vmem>>
        %dma_start3A_765 = tpu.memref_squeeze %dma_start3A_764 : memref<1x128xi32, #tpu.memory_space<vmem>> -> memref<128xi32, #tpu.memory_space<vmem>>
        %dma_start3A_766 = tpu.memref_slice %arg3[%dma_start3A_761, %add3A, %mul3A_760] : memref<2x32x10000xi32, #tpu.memory_space<hbm>> -> memref<1x1x128xi32, #tpu.memory_space<hbm>>
        %dma_start3A_767 = tpu.memref_squeeze %dma_start3A_766 : memref<1x1x128xi32, #tpu.memory_space<hbm>> -> memref<128xi32, #tpu.memory_space<hbm>>
        %dma_start3A_768 = arith.constant 0 : i32
        %dma_start3A_769 = tpu.memref_slice %arg5[%dma_start3A_762, %dma_start3A_768] : memref<6x128xi32, #tpu.memory_space<vmem>> -> memref<1x128xi32, #tpu.memory_space<vmem>>
        %dma_start3A_770 = tpu.memref_squeeze %dma_start3A_769 : memref<1x128xi32, #tpu.memory_space<vmem>> -> memref<128xi32, #tpu.memory_space<vmem>>
        %dma_start3A_771 = tpu.memref_slice %arg3[%dma_start3A_761, %add3A, %mul3A_760] : memref<2x32x10000xi32, #tpu.memory_space<hbm>> -> memref<1x1x128xi32, #tpu.memory_space<hbm>>
        %dma_start3A_772 = tpu.memref_squeeze %dma_start3A_771 : memref<1x1x128xi32, #tpu.memory_space<hbm>> -> memref<128xi32, #tpu.memory_space<hbm>>
        tpu.enqueue_dma source(%dma_start3A_772 : memref<128xi32, #tpu.memory_space<hbm>>) target(%dma_start3A_770 : memref<128xi32, #tpu.memory_space<vmem>>) target_semaphore(%arg14 : memref<!tpu.dma_semaphore, #tpu.memory_space<semaphore_mem>>)
        %add3A_773 = arith.constant 6 : i32
        %add3A_774 = arith.addi %add3A_666, %add3A_773 : i32
        %sub3A_775 = arith.constant 2 : i32
        %sub3A_776 = arith.subi %add3A_774, %sub3A_775 : i32
        %mul3A_777 = arith.constant 128 : i32
        %mul3A_778 = arith.muli %sub3A_776, %mul3A_777 : i32
        %dma_start3A_779 = arith.constant 1 : i32
        %dma_start3A_780 = arith.constant 3 : i32
        %dma_start3A_781 = arith.constant 0 : i32
        %dma_start3A_782 = tpu.memref_slice %arg6[%dma_start3A_780, %dma_start3A_781] : memref<6x128xi32, #tpu.memory_space<vmem>> -> memref<1x128xi32, #tpu.memory_space<vmem>>
        %dma_start3A_783 = tpu.memref_squeeze %dma_start3A_782 : memref<1x128xi32, #tpu.memory_space<vmem>> -> memref<128xi32, #tpu.memory_space<vmem>>
        %dma_start3A_784 = tpu.memref_slice %arg3[%dma_start3A_779, %add3A, %mul3A_778] : memref<2x32x10000xi32, #tpu.memory_space<hbm>> -> memref<1x1x128xi32, #tpu.memory_space<hbm>>
        %dma_start3A_785 = tpu.memref_squeeze %dma_start3A_784 : memref<1x1x128xi32, #tpu.memory_space<hbm>> -> memref<128xi32, #tpu.memory_space<hbm>>
        %dma_start3A_786 = arith.constant 0 : i32
        %dma_start3A_787 = tpu.memref_slice %arg6[%dma_start3A_780, %dma_start3A_786] : memref<6x128xi32, #tpu.memory_space<vmem>> -> memref<1x128xi32, #tpu.memory_space<vmem>>
        %dma_start3A_788 = tpu.memref_squeeze %dma_start3A_787 : memref<1x128xi32, #tpu.memory_space<vmem>> -> memref<128xi32, #tpu.memory_space<vmem>>
        %dma_start3A_789 = tpu.memref_slice %arg3[%dma_start3A_779, %add3A, %mul3A_778] : memref<2x32x10000xi32, #tpu.memory_space<hbm>> -> memref<1x1x128xi32, #tpu.memory_space<hbm>>
        %dma_start3A_790 = tpu.memref_squeeze %dma_start3A_789 : memref<1x1x128xi32, #tpu.memory_space<hbm>> -> memref<128xi32, #tpu.memory_space<hbm>>
        tpu.enqueue_dma source(%dma_start3A_790 : memref<128xi32, #tpu.memory_space<hbm>>) target(%dma_start3A_788 : memref<128xi32, #tpu.memory_space<vmem>>) target_semaphore(%arg20 : memref<!tpu.dma_semaphore, #tpu.memory_space<semaphore_mem>>)
      } else {
      }
    }
    %scan3A_179 = arith.constant 13 : i32
    %dma_wait3A = arith.constant 5 : i32
    %dma_wait3A_180 = arith.constant 1 : i32
    %dma_wait3A_181 = arith.constant 0 : i32
    %dma_wait3A_182 = arith.constant 0 : i32
    %dma_wait3A_183 = tpu.memref_slice %arg9[%dma_wait3A_180, %dma_wait3A_181, %dma_wait3A_182] : memref<2x128x128xf32, #tpu.memory_space<vmem>> -> memref<1x128x128xf32, #tpu.memory_space<vmem>>
    %dma_wait3A_184 = tpu.memref_squeeze %dma_wait3A_183 : memref<1x128x128xf32, #tpu.memory_space<vmem>> -> memref<128x128xf32, #tpu.memory_space<vmem>>
    %dma_wait3A_185 = arith.constant 0 : i32
    %dma_wait3A_186 = tpu.memref_slice %arg5[%dma_wait3A, %dma_wait3A_185] : memref<6x128xi32, #tpu.memory_space<vmem>> -> memref<1x128xi32, #tpu.memory_space<vmem>>
    %dma_wait3A_187 = tpu.memref_squeeze %dma_wait3A_186 : memref<1x128xi32, #tpu.memory_space<vmem>> -> memref<128xi32, #tpu.memory_space<vmem>>
    %dma_wait3A_188 = arith.constant 0 : i32
    %dma_wait3A_189 = arith.constant 0 : i32
    %dma_wait3A_190 = tpu.memref_slice %arg2[%dma_wait3A_188, %dma_wait3A_189] : memref<10000x128xf32, #tpu.memory_space<hbm>> -> memref<10000x128xf32, #tpu.memory_space<hbm>>
    tpu.wait_indirect_dma semaphore(%arg24 : memref<!tpu.dma_semaphore, #tpu.memory_space<semaphore_mem>>) src(%dma_wait3A_190 : memref<10000x128xf32, #tpu.memory_space<hbm>>) dst(%dma_wait3A_184 : memref<128x128xf32, #tpu.memory_space<vmem>>)
    %dma_start3A_191 = arith.constant 1 : i32
    %dma_start3A_192 = arith.constant 5 : i32
    %dma_start3A_193 = arith.constant 0 : i32
    %dma_start3A_194 = arith.constant 0 : i32
    %dma_start3A_195 = tpu.memref_slice %arg9[%dma_start3A_191, %dma_start3A_193, %dma_start3A_194] : memref<2x128x128xf32, #tpu.memory_space<vmem>> -> memref<1x128x128xf32, #tpu.memory_space<vmem>>
    %dma_start3A_196 = tpu.memref_squeeze %dma_start3A_195 : memref<1x128x128xf32, #tpu.memory_space<vmem>> -> memref<128x128xf32, #tpu.memory_space<vmem>>
    %dma_start3A_197 = arith.constant 0 : i32
    %dma_start3A_198 = tpu.memref_slice %arg6[%dma_start3A_192, %dma_start3A_197] : memref<6x128xi32, #tpu.memory_space<vmem>> -> memref<1x128xi32, #tpu.memory_space<vmem>>
    %dma_start3A_199 = tpu.memref_squeeze %dma_start3A_198 : memref<1x128xi32, #tpu.memory_space<vmem>> -> memref<128xi32, #tpu.memory_space<vmem>>
    %dma_start3A_200 = arith.constant 0 : i32
    %dma_start3A_201 = arith.constant 0 : i32
    %dma_start3A_202 = tpu.memref_slice %arg10[%dma_start3A_200, %dma_start3A_201] : memref<10240x128xf32, #tpu.memory_space<vmem_shared>> -> memref<10240x128xf32, #tpu.memory_space<vmem_shared>>
    tpu.enqueue_indirect_dma source(%dma_start3A_196 : memref<128x128xf32, #tpu.memory_space<vmem>>) target(%dma_start3A_202 : memref<10240x128xf32, #tpu.memory_space<vmem_shared>>) offsets(%dma_start3A_199 : memref<128xi32, #tpu.memory_space<vmem>>) semaphore(%arg26 : memref<!tpu.dma_semaphore, #tpu.memory_space<semaphore_mem>>) {add = true}
    %dma_wait3A_203 = arith.constant 0 : i32
    %dma_wait3A_204 = arith.constant 4 : i32
    %dma_wait3A_205 = arith.constant 0 : i32
    %dma_wait3A_206 = arith.constant 0 : i32
    %dma_wait3A_207 = tpu.memref_slice %arg9[%dma_wait3A_203, %dma_wait3A_205, %dma_wait3A_206] : memref<2x128x128xf32, #tpu.memory_space<vmem>> -> memref<1x128x128xf32, #tpu.memory_space<vmem>>
    %dma_wait3A_208 = tpu.memref_squeeze %dma_wait3A_207 : memref<1x128x128xf32, #tpu.memory_space<vmem>> -> memref<128x128xf32, #tpu.memory_space<vmem>>
    %dma_wait3A_209 = arith.constant 0 : i32
    %dma_wait3A_210 = tpu.memref_slice %arg6[%dma_wait3A_204, %dma_wait3A_209] : memref<6x128xi32, #tpu.memory_space<vmem>> -> memref<1x128xi32, #tpu.memory_space<vmem>>
    %dma_wait3A_211 = tpu.memref_squeeze %dma_wait3A_210 : memref<1x128xi32, #tpu.memory_space<vmem>> -> memref<128xi32, #tpu.memory_space<vmem>>
    %dma_wait3A_212 = arith.constant 0 : i32
    %dma_wait3A_213 = arith.constant 0 : i32
    %dma_wait3A_214 = tpu.memref_slice %arg10[%dma_wait3A_212, %dma_wait3A_213] : memref<10240x128xf32, #tpu.memory_space<vmem_shared>> -> memref<10240x128xf32, #tpu.memory_space<vmem_shared>>
    tpu.wait_indirect_dma semaphore(%arg25 : memref<!tpu.dma_semaphore, #tpu.memory_space<semaphore_mem>>) src(%dma_wait3A_208 : memref<128x128xf32, #tpu.memory_space<vmem>>) dst(%dma_wait3A_214 : memref<10240x128xf32, #tpu.memory_space<vmem_shared>>)
    %dma_wait3A_215 = arith.constant 1 : i32
    %dma_wait3A_216 = arith.constant 5 : i32
    %dma_wait3A_217 = arith.constant 0 : i32
    %dma_wait3A_218 = arith.constant 0 : i32
    %dma_wait3A_219 = tpu.memref_slice %arg9[%dma_wait3A_215, %dma_wait3A_217, %dma_wait3A_218] : memref<2x128x128xf32, #tpu.memory_space<vmem>> -> memref<1x128x128xf32, #tpu.memory_space<vmem>>
    %dma_wait3A_220 = tpu.memref_squeeze %dma_wait3A_219 : memref<1x128x128xf32, #tpu.memory_space<vmem>> -> memref<128x128xf32, #tpu.memory_space<vmem>>
    %dma_wait3A_221 = arith.constant 0 : i32
    %dma_wait3A_222 = tpu.memref_slice %arg6[%dma_wait3A_216, %dma_wait3A_221] : memref<6x128xi32, #tpu.memory_space<vmem>> -> memref<1x128xi32, #tpu.memory_space<vmem>>
    %dma_wait3A_223 = tpu.memref_squeeze %dma_wait3A_222 : memref<1x128xi32, #tpu.memory_space<vmem>> -> memref<128xi32, #tpu.memory_space<vmem>>
    %dma_wait3A_224 = arith.constant 0 : i32
    %dma_wait3A_225 = arith.constant 0 : i32
    %dma_wait3A_226 = tpu.memref_slice %arg10[%dma_wait3A_224, %dma_wait3A_225] : memref<10240x128xf32, #tpu.memory_space<vmem_shared>> -> memref<10240x128xf32, #tpu.memory_space<vmem_shared>>
    tpu.wait_indirect_dma semaphore(%arg26 : memref<!tpu.dma_semaphore, #tpu.memory_space<semaphore_mem>>) src(%dma_wait3A_220 : memref<128x128xf32, #tpu.memory_space<vmem>>) dst(%dma_wait3A_226 : memref<10240x128xf32, #tpu.memory_space<vmem_shared>>)
    %run_scoped3A = arith.constant 0 : i32
    "tpu.region"() ({
      %run_scoped3A_250 = tpu.sem_alloc : memref<!tpu.dma_semaphore, #tpu.memory_space<semaphore_mem>>
      %dma_start3A_251 = arith.constant 9984 : i32
      %dma_start3A_252 = tpu.memref_slice %arg3[%run_scoped3A, %add3A, %dma_start3A_251] : memref<2x32x10000xi32, #tpu.memory_space<hbm>> -> memref<1x1x16xi32, #tpu.memory_space<hbm>>
      %dma_start3A_253 = tpu.memref_squeeze %dma_start3A_252 : memref<1x1x16xi32, #tpu.memory_space<hbm>> -> memref<16xi32, #tpu.memory_space<hbm>>
      %dma_start3A_254 = arith.constant 9984 : i32
      %dma_start3A_255 = tpu.memref_slice %arg3[%run_scoped3A, %add3A, %dma_start3A_254] : memref<2x32x10000xi32, #tpu.memory_space<hbm>> -> memref<1x1x16xi32, #tpu.memory_space<hbm>>
      %dma_start3A_256 = tpu.memref_squeeze %dma_start3A_255 : memref<1x1x16xi32, #tpu.memory_space<hbm>> -> memref<16xi32, #tpu.memory_space<hbm>>
      tpu.enqueue_dma source(%dma_start3A_256 : memref<16xi32, #tpu.memory_space<hbm>>) target(%arg7 : memref<16xi32, #tpu.memory_space<vmem>>) target_semaphore(%run_scoped3A_250 : memref<!tpu.dma_semaphore, #tpu.memory_space<semaphore_mem>>)
      %dma_wait3A_257 = arith.constant 9984 : i32
      %dma_wait3A_258 = tpu.memref_slice %arg3[%run_scoped3A, %add3A, %dma_wait3A_257] : memref<2x32x10000xi32, #tpu.memory_space<hbm>> -> memref<1x1x16xi32, #tpu.memory_space<hbm>>
      %dma_wait3A_259 = tpu.memref_squeeze %dma_wait3A_258 : memref<1x1x16xi32, #tpu.memory_space<hbm>> -> memref<16xi32, #tpu.memory_space<hbm>>
      %dma_wait3A_260 = arith.constant 9984 : i32
      %dma_wait3A_261 = tpu.memref_slice %arg3[%run_scoped3A, %add3A, %dma_wait3A_260] : memref<2x32x10000xi32, #tpu.memory_space<hbm>> -> memref<1x1x16xi32, #tpu.memory_space<hbm>>
      %dma_wait3A_262 = tpu.memref_squeeze %dma_wait3A_261 : memref<1x1x16xi32, #tpu.memory_space<hbm>> -> memref<16xi32, #tpu.memory_space<hbm>>
      tpu.wait_dma2 semaphore(%run_scoped3A_250 : memref<!tpu.dma_semaphore, #tpu.memory_space<semaphore_mem>>) src(%dma_wait3A_262 : memref<16xi32, #tpu.memory_space<hbm>>) dst(%arg7 : memref<16xi32, #tpu.memory_space<vmem>>)
      tpu.yield
    }) : () -> ()
    %run_scoped3A_227 = arith.constant 1 : i32
    "tpu.region"() ({
      %run_scoped3A_250 = tpu.sem_alloc : memref<!tpu.dma_semaphore, #tpu.memory_space<semaphore_mem>>
      %dma_start3A_251 = arith.constant 9984 : i32
      %dma_start3A_252 = tpu.memref_slice %arg3[%run_scoped3A_227, %add3A, %dma_start3A_251] : memref<2x32x10000xi32, #tpu.memory_space<hbm>> -> memref<1x1x16xi32, #tpu.memory_space<hbm>>
      %dma_start3A_253 = tpu.memref_squeeze %dma_start3A_252 : memref<1x1x16xi32, #tpu.memory_space<hbm>> -> memref<16xi32, #tpu.memory_space<hbm>>
      %dma_start3A_254 = arith.constant 9984 : i32
      %dma_start3A_255 = tpu.memref_slice %arg3[%run_scoped3A_227, %add3A, %dma_start3A_254] : memref<2x32x10000xi32, #tpu.memory_space<hbm>> -> memref<1x1x16xi32, #tpu.memory_space<hbm>>
      %dma_start3A_256 = tpu.memref_squeeze %dma_start3A_255 : memref<1x1x16xi32, #tpu.memory_space<hbm>> -> memref<16xi32, #tpu.memory_space<hbm>>
      tpu.enqueue_dma source(%dma_start3A_256 : memref<16xi32, #tpu.memory_space<hbm>>) target(%arg8 : memref<16xi32, #tpu.memory_space<vmem>>) target_semaphore(%run_scoped3A_250 : memref<!tpu.dma_semaphore, #tpu.memory_space<semaphore_mem>>)
      %dma_wait3A_257 = arith.constant 9984 : i32
      %dma_wait3A_258 = tpu.memref_slice %arg3[%run_scoped3A_227, %add3A, %dma_wait3A_257] : memref<2x32x10000xi32, #tpu.memory_space<hbm>> -> memref<1x1x16xi32, #tpu.memory_space<hbm>>
      %dma_wait3A_259 = tpu.memref_squeeze %dma_wait3A_258 : memref<1x1x16xi32, #tpu.memory_space<hbm>> -> memref<16xi32, #tpu.memory_space<hbm>>
      %dma_wait3A_260 = arith.constant 9984 : i32
      %dma_wait3A_261 = tpu.memref_slice %arg3[%run_scoped3A_227, %add3A, %dma_wait3A_260] : memref<2x32x10000xi32, #tpu.memory_space<hbm>> -> memref<1x1x16xi32, #tpu.memory_space<hbm>>
      %dma_wait3A_262 = tpu.memref_squeeze %dma_wait3A_261 : memref<1x1x16xi32, #tpu.memory_space<hbm>> -> memref<16xi32, #tpu.memory_space<hbm>>
      tpu.wait_dma2 semaphore(%run_scoped3A_250 : memref<!tpu.dma_semaphore, #tpu.memory_space<semaphore_mem>>) src(%dma_wait3A_262 : memref<16xi32, #tpu.memory_space<hbm>>) dst(%arg8 : memref<16xi32, #tpu.memory_space<vmem>>)
      tpu.yield
    }) : () -> ()
    %dma_start3A_228 = arith.constant 0 : i32
    %dma_start3A_229 = arith.constant 0 : i32
    %dma_start3A_230 = arith.constant 0 : i32
    %dma_start3A_231 = tpu.memref_slice %arg9[%dma_start3A_228, %dma_start3A_229, %dma_start3A_230] : memref<2x128x128xf32, #tpu.memory_space<vmem>> -> memref<1x16x128xf32, #tpu.memory_space<vmem>>
    %dma_start3A_232 = tpu.memref_squeeze %dma_start3A_231 : memref<1x16x128xf32, #tpu.memory_space<vmem>> -> memref<16x128xf32, #tpu.memory_space<vmem>>
    %dma_start3A_233 = arith.constant 0 : i32
    %dma_start3A_234 = arith.constant 0 : i32
    %dma_start3A_235 = tpu.memref_slice %arg2[%dma_start3A_233, %dma_start3A_234] : memref<10000x128xf32, #tpu.memory_space<hbm>> -> memref<10000x128xf32, #tpu.memory_space<hbm>>
    tpu.enqueue_indirect_dma source(%dma_start3A_235 : memref<10000x128xf32, #tpu.memory_space<hbm>>) target(%dma_start3A_232 : memref<16x128xf32, #tpu.memory_space<vmem>>) offsets(%arg7 : memref<16xi32, #tpu.memory_space<vmem>>) semaphore(%arg23 : memref<!tpu.dma_semaphore, #tpu.memory_space<semaphore_mem>>)
    %dma_wait3A_236 = arith.constant 0 : i32
    %dma_wait3A_237 = arith.constant 0 : i32
    %dma_wait3A_238 = arith.constant 0 : i32
    %dma_wait3A_239 = tpu.memref_slice %arg9[%dma_wait3A_236, %dma_wait3A_237, %dma_wait3A_238] : memref<2x128x128xf32, #tpu.memory_space<vmem>> -> memref<1x16x128xf32, #tpu.memory_space<vmem>>
    %dma_wait3A_240 = tpu.memref_squeeze %dma_wait3A_239 : memref<1x16x128xf32, #tpu.memory_space<vmem>> -> memref<16x128xf32, #tpu.memory_space<vmem>>
    %dma_wait3A_241 = arith.constant 0 : i32
    %dma_wait3A_242 = arith.constant 0 : i32
    %dma_wait3A_243 = tpu.memref_slice %arg2[%dma_wait3A_241, %dma_wait3A_242] : memref<10000x128xf32, #tpu.memory_space<hbm>> -> memref<10000x128xf32, #tpu.memory_space<hbm>>
    tpu.wait_indirect_dma semaphore(%arg23 : memref<!tpu.dma_semaphore, #tpu.memory_space<semaphore_mem>>) src(%dma_wait3A_243 : memref<10000x128xf32, #tpu.memory_space<hbm>>) dst(%dma_wait3A_240 : memref<16x128xf32, #tpu.memory_space<vmem>>)
    %run_scoped3A_244 = arith.constant 0 : i32
    "tpu.region"() ({
      %run_scoped3A_250 = tpu.sem_alloc : memref<!tpu.dma_semaphore, #tpu.memory_space<semaphore_mem>>
      %dma_start3A_251 = arith.constant 0 : i32
      %dma_start3A_252 = arith.constant 0 : i32
      %dma_start3A_253 = tpu.memref_slice %arg9[%run_scoped3A_244, %dma_start3A_251, %dma_start3A_252] : memref<2x128x128xf32, #tpu.memory_space<vmem>> -> memref<1x16x128xf32, #tpu.memory_space<vmem>>
      %dma_start3A_254 = tpu.memref_squeeze %dma_start3A_253 : memref<1x16x128xf32, #tpu.memory_space<vmem>> -> memref<16x128xf32, #tpu.memory_space<vmem>>
      %dma_start3A_255 = arith.constant 0 : i32
      %dma_start3A_256 = arith.constant 0 : i32
      %dma_start3A_257 = tpu.memref_slice %arg10[%dma_start3A_255, %dma_start3A_256] : memref<10240x128xf32, #tpu.memory_space<vmem_shared>> -> memref<10240x128xf32, #tpu.memory_space<vmem_shared>>
      tpu.enqueue_indirect_dma source(%dma_start3A_254 : memref<16x128xf32, #tpu.memory_space<vmem>>) target(%dma_start3A_257 : memref<10240x128xf32, #tpu.memory_space<vmem_shared>>) offsets(%arg8 : memref<16xi32, #tpu.memory_space<vmem>>) semaphore(%run_scoped3A_250 : memref<!tpu.dma_semaphore, #tpu.memory_space<semaphore_mem>>) {add = true}
      %dma_wait3A_258 = arith.constant 0 : i32
      %dma_wait3A_259 = arith.constant 0 : i32
      %dma_wait3A_260 = tpu.memref_slice %arg9[%run_scoped3A_244, %dma_wait3A_258, %dma_wait3A_259] : memref<2x128x128xf32, #tpu.memory_space<vmem>> -> memref<1x16x128xf32, #tpu.memory_space<vmem>>
      %dma_wait3A_261 = tpu.memref_squeeze %dma_wait3A_260 : memref<1x16x128xf32, #tpu.memory_space<vmem>> -> memref<16x128xf32, #tpu.memory_space<vmem>>
      %dma_wait3A_262 = arith.constant 0 : i32
      %dma_wait3A_263 = arith.constant 0 : i32
      %dma_wait3A_264 = tpu.memref_slice %arg10[%dma_wait3A_262, %dma_wait3A_263] : memref<10240x128xf32, #tpu.memory_space<vmem_shared>> -> memref<10240x128xf32, #tpu.memory_space<vmem_shared>>
      tpu.wait_indirect_dma semaphore(%run_scoped3A_250 : memref<!tpu.dma_semaphore, #tpu.memory_space<semaphore_mem>>) src(%dma_wait3A_261 : memref<16x128xf32, #tpu.memory_space<vmem>>) dst(%dma_wait3A_264 : memref<10240x128xf32, #tpu.memory_space<vmem_shared>>)
      tpu.yield
    }) : () -> ()
    %barrier3A_245 = arith.constant 0 : index
    tpu.barrier barrier_id(%barrier3A_245)
    %mul3A_246 = arith.constant 640 : i32
    %mul3A_247 = arith.muli %arg1, %mul3A_246 : i32
    %mul3A_248 = arith.constant 640 : i32
    %mul3A_249 = arith.muli %arg1, %mul3A_248 : i32
    "tpu.region"() ({
      %run_scoped3A_250 = tpu.sem_alloc : memref<!tpu.dma_semaphore, #tpu.memory_space<semaphore_mem>>
      %dma_start3A_251 = arith.constant 0 : i32
      %dma_start3A_252 = tpu.memref_slice %arg4[%arg0, %mul3A_249, %dma_start3A_251] : memref<2x10240x128xf32, #tpu.memory_space<hbm>> -> memref<1x640x128xf32, #tpu.memory_space<hbm>>
      %dma_start3A_253 = tpu.memref_squeeze %dma_start3A_252 : memref<1x640x128xf32, #tpu.memory_space<hbm>> -> memref<640x128xf32, #tpu.memory_space<hbm>>
      %dma_start3A_254 = arith.constant 0 : i32
      %dma_start3A_255 = tpu.memref_slice %arg10[%mul3A_247, %dma_start3A_254] : memref<10240x128xf32, #tpu.memory_space<vmem_shared>> -> memref<640x128xf32, #tpu.memory_space<vmem_shared>>
      tpu.enqueue_dma source(%dma_start3A_255 : memref<640x128xf32, #tpu.memory_space<vmem_shared>>) target(%dma_start3A_253 : memref<640x128xf32, #tpu.memory_space<hbm>>) target_semaphore(%run_scoped3A_250 : memref<!tpu.dma_semaphore, #tpu.memory_space<semaphore_mem>>)
      %dma_wait3A_256 = arith.constant 0 : i32
      %dma_wait3A_257 = tpu.memref_slice %arg4[%arg0, %mul3A_249, %dma_wait3A_256] : memref<2x10240x128xf32, #tpu.memory_space<hbm>> -> memref<1x640x128xf32, #tpu.memory_space<hbm>>
      %dma_wait3A_258 = tpu.memref_squeeze %dma_wait3A_257 : memref<1x640x128xf32, #tpu.memory_space<hbm>> -> memref<640x128xf32, #tpu.memory_space<hbm>>
      %dma_wait3A_259 = arith.constant 0 : i32
      %dma_wait3A_260 = tpu.memref_slice %arg10[%mul3A_247, %dma_wait3A_259] : memref<10240x128xf32, #tpu.memory_space<vmem_shared>> -> memref<640x128xf32, #tpu.memory_space<vmem_shared>>
      tpu.wait_dma2 semaphore(%run_scoped3A_250 : memref<!tpu.dma_semaphore, #tpu.memory_space<semaphore_mem>>) src(%dma_wait3A_260 : memref<640x128xf32, #tpu.memory_space<vmem_shared>>) dst(%dma_wait3A_258 : memref<640x128xf32, #tpu.memory_space<hbm>>)
      tpu.yield
    }) : () -> ()
    return
  }
}

#map = affine_map<(d0, d1) -> (0, 0)>
#map1 = affine_map<(d0, d1) -> (0, 0, 0)>
module attributes {stable_mosaic.version = 14 : i64} {
  func.func @_sc_scatter(%arg0: i32, %arg1: i32, %arg2: memref<10000x128xf32, #tpu.memory_space<hbm>>, %arg3: memref<2x32x10000xi32, #tpu.memory_space<hbm>>, %arg4: memref<2x10240x128xf32, #tpu.memory_space<hbm>>, %arg5: memref<6x128xi32, #tpu.memory_space<vmem>>, %arg6: memref<6x128xi32, #tpu.memory_space<vmem>>, %arg7: memref<16xi32, #tpu.memory_space<vmem>>, %arg8: memref<16xi32, #tpu.memory_space<vmem>>, %arg9: memref<2x128x128xf32, #tpu.memory_space<vmem>>, %arg10: memref<10240x128xf32, #tpu.memory_space<vmem_shared>>, %arg11: memref<!tpu.dma_semaphore, #tpu.memory_space<semaphore_mem>>, %arg12: memref<!tpu.dma_semaphore, #tpu.memory_space<semaphore_mem>>, %arg13: memref<!tpu.dma_semaphore, #tpu.memory_space<semaphore_mem>>, %arg14: memref<!tpu.dma_semaphore, #tpu.memory_space<semaphore_mem>>, %arg15: memref<!tpu.dma_semaphore, #tpu.memory_space<semaphore_mem>>, %arg16: memref<!tpu.dma_semaphore, #tpu.memory_space<semaphore_mem>>, %arg17: memref<!tpu.dma_semaphore, #tpu.memory_space<semaphore_mem>>, %arg18: memref<!tpu.dma_semaphore, #tpu.memory_space<semaphore_mem>>, %arg19: memref<!tpu.dma_semaphore, #tpu.memory_space<semaphore_mem>>, %arg20: memref<!tpu.dma_semaphore, #tpu.memory_space<semaphore_mem>>, %arg21: memref<!tpu.dma_semaphore, #tpu.memory_space<semaphore_mem>>, %arg22: memref<!tpu.dma_semaphore, #tpu.memory_space<semaphore_mem>>, %arg23: memref<!tpu.dma_semaphore, #tpu.memory_space<semaphore_mem>>, %arg24: memref<!tpu.dma_semaphore, #tpu.memory_space<semaphore_mem>>, %arg25: memref<!tpu.dma_semaphore, #tpu.memory_space<semaphore_mem>>, %arg26: memref<!tpu.dma_semaphore, #tpu.memory_space<semaphore_mem>>) attributes {dimension_semantics = [#tpu.dimension_semantics<core_parallel>, #tpu.dimension_semantics<subcore_parallel>], iteration_bounds = array<i64: 2, 16>, scalar_prefetch = 0 : i64, scratch_operands = 22 : i64, tpu.core_type = #tpu.core_type<sc_vector_subcore>, window_params = [{transform_indices = #map}, {transform_indices = #map1}, {transform_indices = #map1}]} {
    %mul3A = arith.constant 2 : i32
    %mul3A_0 = arith.muli %arg1, %mul3A : i32
    %add3A = arith.addi %mul3A_0, %arg0 : i32
    %dma_start3A = arith.constant 0 : i32
    %dma_start3A_1 = arith.constant 0 : i32
    %dma_start3A_2 = arith.constant 0 : i32
    %dma_start3A_3 = tpu.memref_slice %arg5[%dma_start3A_1, %dma_start3A_2] : memref<6x128xi32, #tpu.memory_space<vmem>> -> memref<1x128xi32, #tpu.memory_space<vmem>>
    %dma_start3A_4 = tpu.memref_squeeze %dma_start3A_3 : memref<1x128xi32, #tpu.memory_space<vmem>> -> memref<128xi32, #tpu.memory_space<vmem>>
    %dma_start3A_5 = arith.constant 0 : i32
    %dma_start3A_6 = tpu.memref_slice %arg3[%dma_start3A, %add3A, %dma_start3A_5] : memref<2x32x10000xi32, #tpu.memory_space<hbm>> -> memref<1x1x128xi32, #tpu.memory_space<hbm>>
    %dma_start3A_7 = tpu.memref_squeeze %dma_start3A_6 : memref<1x1x128xi32, #tpu.memory_space<hbm>> -> memref<128xi32, #tpu.memory_space<hbm>>
    %dma_start3A_8 = arith.constant 0 : i32
    %dma_start3A_9 = tpu.memref_slice %arg5[%dma_start3A_1, %dma_start3A_8] : memref<6x128xi32, #tpu.memory_space<vmem>> -> memref<1x128xi32, #tpu.memory_space<vmem>>
    %dma_start3A_10 = tpu.memref_squeeze %dma_start3A_9 : memref<1x128xi32, #tpu.memory_space<vmem>> -> memref<128xi32, #tpu.memory_space<vmem>>
    %dma_start3A_11 = arith.constant 0 : i32
    %dma_start3A_12 = tpu.memref_slice %arg3[%dma_start3A, %add3A, %dma_start3A_11] : memref<2x32x10000xi32, #tpu.memory_space<hbm>> -> memref<1x1x128xi32, #tpu.memory_space<hbm>>
    %dma_start3A_13 = tpu.memref_squeeze %dma_start3A_12 : memref<1x1x128xi32, #tpu.memory_space<hbm>> -> memref<128xi32, #tpu.memory_space<hbm>>
    tpu.enqueue_dma source(%dma_start3A_13 : memref<128xi32, #tpu.memory_space<hbm>>) target(%dma_start3A_10 : memref<128xi32, #tpu.memory_space<vmem>>) target_semaphore(%arg11 : memref<!tpu.dma_semaphore, #tpu.memory_space<semaphore_mem>>)
    %dma_start3A_14 = arith.constant 1 : i32
    %dma_start3A_15 = arith.constant 0 : i32
    %dma_start3A_16 = arith.constant 0 : i32
    %dma_start3A_17 = tpu.memref_slice %arg6[%dma_start3A_15, %dma_start3A_16] : memref<6x128xi32, #tpu.memory_space<vmem>> -> memref<1x128xi32, #tpu.memory_space<vmem>>
    %dma_start3A_18 = tpu.memref_squeeze %dma_start3A_17 : memref<1x128xi32, #tpu.memory_space<vmem>> -> memref<128xi32, #tpu.memory_space<vmem>>
    %dma_start3A_19 = arith.constant 0 : i32
    %dma_start3A_20 = tpu.memref_slice %arg3[%dma_start3A_14, %add3A, %dma_start3A_19] : memref<2x32x10000xi32, #tpu.memory_space<hbm>> -> memref<1x1x128xi32, #tpu.memory_space<hbm>>
    %dma_start3A_21 = tpu.memref_squeeze %dma_start3A_20 : memref<1x1x128xi32, #tpu.memory_space<hbm>> -> memref<128xi32, #tpu.memory_space<hbm>>
    %dma_start3A_22 = arith.constant 0 : i32
    %dma_start3A_23 = tpu.memref_slice %arg6[%dma_start3A_15, %dma_start3A_22] : memref<6x128xi32, #tpu.memory_space<vmem>> -> memref<1x128xi32, #tpu.memory_space<vmem>>
    %dma_start3A_24 = tpu.memref_squeeze %dma_start3A_23 : memref<1x128xi32, #tpu.memory_space<vmem>> -> memref<128xi32, #tpu.memory_space<vmem>>
    %dma_start3A_25 = arith.constant 0 : i32
    %dma_start3A_26 = tpu.memref_slice %arg3[%dma_start3A_14, %add3A, %dma_start3A_25] : memref<2x32x10000xi32, #tpu.memory_space<hbm>> -> memref<1x1x128xi32, #tpu.memory_space<hbm>>
    %dma_start3A_27 = tpu.memref_squeeze %dma_start3A_26 : memref<1x1x128xi32, #tpu.memory_space<hbm>> -> memref<128xi32, #tpu.memory_space<hbm>>
    tpu.enqueue_dma source(%dma_start3A_27 : memref<128xi32, #tpu.memory_space<hbm>>) target(%dma_start3A_24 : memref<128xi32, #tpu.memory_space<vmem>>) target_semaphore(%arg17 : memref<!tpu.dma_semaphore, #tpu.memory_space<semaphore_mem>>)
    %dma_start3A_28 = arith.constant 0 : i32
    %dma_start3A_29 = arith.constant 1 : i32
    %dma_start3A_30 = arith.constant 0 : i32
    %dma_start3A_31 = tpu.memref_slice %arg5[%dma_start3A_29, %dma_start3A_30] : memref<6x128xi32, #tpu.memory_space<vmem>> -> memref<1x128xi32, #tpu.memory_space<vmem>>
    %dma_start3A_32 = tpu.memref_squeeze %dma_start3A_31 : memref<1x128xi32, #tpu.memory_space<vmem>> -> memref<128xi32, #tpu.memory_space<vmem>>
    %dma_start3A_33 = arith.constant 128 : i32
    %dma_start3A_34 = tpu.memref_slice %arg3[%dma_start3A_28, %add3A, %dma_start3A_33] : memref<2x32x10000xi32, #tpu.memory_space<hbm>> -> memref<1x1x128xi32, #tpu.memory_space<hbm>>
    %dma_start3A_35 = tpu.memref_squeeze %dma_start3A_34 : memref<1x1x128xi32, #tpu.memory_space<hbm>> -> memref<128xi32, #tpu.memory_space<hbm>>
    %dma_start3A_36 = arith.constant 0 : i32
    %dma_start3A_37 = tpu.memref_slice %arg5[%dma_start3A_29, %dma_start3A_36] : memref<6x128xi32, #tpu.memory_space<vmem>> -> memref<1x128xi32, #tpu.memory_space<vmem>>
    %dma_start3A_38 = tpu.memref_squeeze %dma_start3A_37 : memref<1x128xi32, #tpu.memory_space<vmem>> -> memref<128xi32, #tpu.memory_space<vmem>>
    %dma_start3A_39 = arith.constant 128 : i32
    %dma_start3A_40 = tpu.memref_slice %arg3[%dma_start3A_28, %add3A, %dma_start3A_39] : memref<2x32x10000xi32, #tpu.memory_space<hbm>> -> memref<1x1x128xi32, #tpu.memory_space<hbm>>
    %dma_start3A_41 = tpu.memref_squeeze %dma_start3A_40 : memref<1x1x128xi32, #tpu.memory_space<hbm>> -> memref<128xi32, #tpu.memory_space<hbm>>
    tpu.enqueue_dma source(%dma_start3A_41 : memref<128xi32, #tpu.memory_space<hbm>>) target(%dma_start3A_38 : memref<128xi32, #tpu.memory_space<vmem>>) target_semaphore(%arg12 : memref<!tpu.dma_semaphore, #tpu.memory_space<semaphore_mem>>)
    %dma_start3A_42 = arith.constant 1 : i32
    %dma_start3A_43 = arith.constant 1 : i32
    %dma_start3A_44 = arith.constant 0 : i32
    %dma_start3A_45 = tpu.memref_slice %arg6[%dma_start3A_43, %dma_start3A_44] : memref<6x128xi32, #tpu.memory_space<vmem>> -> memref<1x128xi32, #tpu.memory_space<vmem>>
    %dma_start3A_46 = tpu.memref_squeeze %dma_start3A_45 : memref<1x128xi32, #tpu.memory_space<vmem>> -> memref<128xi32, #tpu.memory_space<vmem>>
    %dma_start3A_47 = arith.constant 128 : i32
    %dma_start3A_48 = tpu.memref_slice %arg3[%dma_start3A_42, %add3A, %dma_start3A_47] : memref<2x32x10000xi32, #tpu.memory_space<hbm>> -> memref<1x1x128xi32, #tpu.memory_space<hbm>>
    %dma_start3A_49 = tpu.memref_squeeze %dma_start3A_48 : memref<1x1x128xi32, #tpu.memory_space<hbm>> -> memref<128xi32, #tpu.memory_space<hbm>>
    %dma_start3A_50 = arith.constant 0 : i32
    %dma_start3A_51 = tpu.memref_slice %arg6[%dma_start3A_43, %dma_start3A_50] : memref<6x128xi32, #tpu.memory_space<vmem>> -> memref<1x128xi32, #tpu.memory_space<vmem>>
    %dma_start3A_52 = tpu.memref_squeeze %dma_start3A_51 : memref<1x128xi32, #tpu.memory_space<vmem>> -> memref<128xi32, #tpu.memory_space<vmem>>
    %dma_start3A_53 = arith.constant 128 : i32
    %dma_start3A_54 = tpu.memref_slice %arg3[%dma_start3A_42, %add3A, %dma_start3A_53] : memref<2x32x10000xi32, #tpu.memory_space<hbm>> -> memref<1x1x128xi32, #tpu.memory_space<hbm>>
    %dma_start3A_55 = tpu.memref_squeeze %dma_start3A_54 : memref<1x1x128xi32, #tpu.memory_space<hbm>> -> memref<128xi32, #tpu.memory_space<hbm>>
    tpu.enqueue_dma source(%dma_start3A_55 : memref<128xi32, #tpu.memory_space<hbm>>) target(%dma_start3A_52 : memref<128xi32, #tpu.memory_space<vmem>>) target_semaphore(%arg18 : memref<!tpu.dma_semaphore, #tpu.memory_space<semaphore_mem>>)
    %dma_start3A_56 = arith.constant 0 : i32
    %dma_start3A_57 = arith.constant 2 : i32
    %dma_start3A_58 = arith.constant 0 : i32
    %dma_start3A_59 = tpu.memref_slice %arg5[%dma_start3A_57, %dma_start3A_58] : memref<6x128xi32, #tpu.memory_space<vmem>> -> memref<1x128xi32, #tpu.memory_space<vmem>>
    %dma_start3A_60 = tpu.memref_squeeze %dma_start3A_59 : memref<1x128xi32, #tpu.memory_space<vmem>> -> memref<128xi32, #tpu.memory_space<vmem>>
    %dma_start3A_61 = arith.constant 256 : i32
    %dma_start3A_62 = tpu.memref_slice %arg3[%dma_start3A_56, %add3A, %dma_start3A_61] : memref<2x32x10000xi32, #tpu.memory_space<hbm>> -> memref<1x1x128xi32, #tpu.memory_space<hbm>>
    %dma_start3A_63 = tpu.memref_squeeze %dma_start3A_62 : memref<1x1x128xi32, #tpu.memory_space<hbm>> -> memref<128xi32, #tpu.memory_space<hbm>>
    %dma_start3A_64 = arith.constant 0 : i32
    %dma_start3A_65 = tpu.memref_slice %arg5[%dma_start3A_57, %dma_start3A_64] : memref<6x128xi32, #tpu.memory_space<vmem>> -> memref<1x128xi32, #tpu.memory_space<vmem>>
    %dma_start3A_66 = tpu.memref_squeeze %dma_start3A_65 : memref<1x128xi32, #tpu.memory_space<vmem>> -> memref<128xi32, #tpu.memory_space<vmem>>
    %dma_start3A_67 = arith.constant 256 : i32
    %dma_start3A_68 = tpu.memref_slice %arg3[%dma_start3A_56, %add3A, %dma_start3A_67] : memref<2x32x10000xi32, #tpu.memory_space<hbm>> -> memref<1x1x128xi32, #tpu.memory_space<hbm>>
    %dma_start3A_69 = tpu.memref_squeeze %dma_start3A_68 : memref<1x1x128xi32, #tpu.memory_space<hbm>> -> memref<128xi32, #tpu.memory_space<hbm>>
    tpu.enqueue_dma source(%dma_start3A_69 : memref<128xi32, #tpu.memory_space<hbm>>) target(%dma_start3A_66 : memref<128xi32, #tpu.memory_space<vmem>>) target_semaphore(%arg13 : memref<!tpu.dma_semaphore, #tpu.memory_space<semaphore_mem>>)
    %dma_start3A_70 = arith.constant 1 : i32
    %dma_start3A_71 = arith.constant 2 : i32
    %dma_start3A_72 = arith.constant 0 : i32
    %dma_start3A_73 = tpu.memref_slice %arg6[%dma_start3A_71, %dma_start3A_72] : memref<6x128xi32, #tpu.memory_space<vmem>> -> memref<1x128xi32, #tpu.memory_space<vmem>>
    %dma_start3A_74 = tpu.memref_squeeze %dma_start3A_73 : memref<1x128xi32, #tpu.memory_space<vmem>> -> memref<128xi32, #tpu.memory_space<vmem>>
    %dma_start3A_75 = arith.constant 256 : i32
    %dma_start3A_76 = tpu.memref_slice %arg3[%dma_start3A_70, %add3A, %dma_start3A_75] : memref<2x32x10000xi32, #tpu.memory_space<hbm>> -> memref<1x1x128xi32, #tpu.memory_space<hbm>>
    %dma_start3A_77 = tpu.memref_squeeze %dma_start3A_76 : memref<1x1x128xi32, #tpu.memory_space<hbm>> -> memref<128xi32, #tpu.memory_space<hbm>>
    %dma_start3A_78 = arith.constant 0 : i32
    %dma_start3A_79 = tpu.memref_slice %arg6[%dma_start3A_71, %dma_start3A_78] : memref<6x128xi32, #tpu.memory_space<vmem>> -> memref<1x128xi32, #tpu.memory_space<vmem>>
    %dma_start3A_80 = tpu.memref_squeeze %dma_start3A_79 : memref<1x128xi32, #tpu.memory_space<vmem>> -> memref<128xi32, #tpu.memory_space<vmem>>
    %dma_start3A_81 = arith.constant 256 : i32
    %dma_start3A_82 = tpu.memref_slice %arg3[%dma_start3A_70, %add3A, %dma_start3A_81] : memref<2x32x10000xi32, #tpu.memory_space<hbm>> -> memref<1x1x128xi32, #tpu.memory_space<hbm>>
    %dma_start3A_83 = tpu.memref_squeeze %dma_start3A_82 : memref<1x1x128xi32, #tpu.memory_space<hbm>> -> memref<128xi32, #tpu.memory_space<hbm>>
    tpu.enqueue_dma source(%dma_start3A_83 : memref<128xi32, #tpu.memory_space<hbm>>) target(%dma_start3A_80 : memref<128xi32, #tpu.memory_space<vmem>>) target_semaphore(%arg19 : memref<!tpu.dma_semaphore, #tpu.memory_space<semaphore_mem>>)
    %dma_start3A_84 = arith.constant 0 : i32
    %dma_start3A_85 = arith.constant 3 : i32
    %dma_start3A_86 = arith.constant 0 : i32
    %dma_start3A_87 = tpu.memref_slice %arg5[%dma_start3A_85, %dma_start3A_86] : memref<6x128xi32, #tpu.memory_space<vmem>> -> memref<1x128xi32, #tpu.memory_space<vmem>>
    %dma_start3A_88 = tpu.memref_squeeze %dma_start3A_87 : memref<1x128xi32, #tpu.memory_space<vmem>> -> memref<128xi32, #tpu.memory_space<vmem>>
    %dma_start3A_89 = arith.constant 384 : i32
    %dma_start3A_90 = tpu.memref_slice %arg3[%dma_start3A_84, %add3A, %dma_start3A_89] : memref<2x32x10000xi32, #tpu.memory_space<hbm>> -> memref<1x1x128xi32, #tpu.memory_space<hbm>>
    %dma_start3A_91 = tpu.memref_squeeze %dma_start3A_90 : memref<1x1x128xi32, #tpu.memory_space<hbm>> -> memref<128xi32, #tpu.memory_space<hbm>>
    %dma_start3A_92 = arith.constant 0 : i32
    %dma_start3A_93 = tpu.memref_slice %arg5[%dma_start3A_85, %dma_start3A_92] : memref<6x128xi32, #tpu.memory_space<vmem>> -> memref<1x128xi32, #tpu.memory_space<vmem>>
    %dma_start3A_94 = tpu.memref_squeeze %dma_start3A_93 : memref<1x128xi32, #tpu.memory_space<vmem>> -> memref<128xi32, #tpu.memory_space<vmem>>
    %dma_start3A_95 = arith.constant 384 : i32
    %dma_start3A_96 = tpu.memref_slice %arg3[%dma_start3A_84, %add3A, %dma_start3A_95] : memref<2x32x10000xi32, #tpu.memory_space<hbm>> -> memref<1x1x128xi32, #tpu.memory_space<hbm>>
    %dma_start3A_97 = tpu.memref_squeeze %dma_start3A_96 : memref<1x1x128xi32, #tpu.memory_space<hbm>> -> memref<128xi32, #tpu.memory_space<hbm>>
    tpu.enqueue_dma source(%dma_start3A_97 : memref<128xi32, #tpu.memory_space<hbm>>) target(%dma_start3A_94 : memref<128xi32, #tpu.memory_space<vmem>>) target_semaphore(%arg14 : memref<!tpu.dma_semaphore, #tpu.memory_space<semaphore_mem>>)
    %dma_start3A_98 = arith.constant 1 : i32
    %dma_start3A_99 = arith.constant 3 : i32
    %dma_start3A_100 = arith.constant 0 : i32
    %dma_start3A_101 = tpu.memref_slice %arg6[%dma_start3A_99, %dma_start3A_100] : memref<6x128xi32, #tpu.memory_space<vmem>> -> memref<1x128xi32, #tpu.memory_space<vmem>>
    %dma_start3A_102 = tpu.memref_squeeze %dma_start3A_101 : memref<1x128xi32, #tpu.memory_space<vmem>> -> memref<128xi32, #tpu.memory_space<vmem>>
    %dma_start3A_103 = arith.constant 384 : i32
    %dma_start3A_104 = tpu.memref_slice %arg3[%dma_start3A_98, %add3A, %dma_start3A_103] : memref<2x32x10000xi32, #tpu.memory_space<hbm>> -> memref<1x1x128xi32, #tpu.memory_space<hbm>>
    %dma_start3A_105 = tpu.memref_squeeze %dma_start3A_104 : memref<1x1x128xi32, #tpu.memory_space<hbm>> -> memref<128xi32, #tpu.memory_space<hbm>>
    %dma_start3A_106 = arith.constant 0 : i32
    %dma_start3A_107 = tpu.memref_slice %arg6[%dma_start3A_99, %dma_start3A_106] : memref<6x128xi32, #tpu.memory_space<vmem>> -> memref<1x128xi32, #tpu.memory_space<vmem>>
    %dma_start3A_108 = tpu.memref_squeeze %dma_start3A_107 : memref<1x128xi32, #tpu.memory_space<vmem>> -> memref<128xi32, #tpu.memory_space<vmem>>
    %dma_start3A_109 = arith.constant 384 : i32
    %dma_start3A_110 = tpu.memref_slice %arg3[%dma_start3A_98, %add3A, %dma_start3A_109] : memref<2x32x10000xi32, #tpu.memory_space<hbm>> -> memref<1x1x128xi32, #tpu.memory_space<hbm>>
    %dma_start3A_111 = tpu.memref_squeeze %dma_start3A_110 : memref<1x1x128xi32, #tpu.memory_space<hbm>> -> memref<128xi32, #tpu.memory_space<hbm>>
    tpu.enqueue_dma source(%dma_start3A_111 : memref<128xi32, #tpu.memory_space<hbm>>) target(%dma_start3A_108 : memref<128xi32, #tpu.memory_space<vmem>>) target_semaphore(%arg20 : memref<!tpu.dma_semaphore, #tpu.memory_space<semaphore_mem>>)
    %dma_start3A_112 = arith.constant 0 : i32
    %dma_start3A_113 = arith.constant 4 : i32
    %dma_start3A_114 = arith.constant 0 : i32
    %dma_start3A_115 = tpu.memref_slice %arg5[%dma_start3A_113, %dma_start3A_114] : memref<6x128xi32, #tpu.memory_space<vmem>> -> memref<1x128xi32, #tpu.memory_space<vmem>>
    %dma_start3A_116 = tpu.memref_squeeze %dma_start3A_115 : memref<1x128xi32, #tpu.memory_space<vmem>> -> memref<128xi32, #tpu.memory_space<vmem>>
    %dma_start3A_117 = arith.constant 512 : i32
    %dma_start3A_118 = tpu.memref_slice %arg3[%dma_start3A_112, %add3A, %dma_start3A_117] : memref<2x32x10000xi32, #tpu.memory_space<hbm>> -> memref<1x1x128xi32, #tpu.memory_space<hbm>>
    %dma_start3A_119 = tpu.memref_squeeze %dma_start3A_118 : memref<1x1x128xi32, #tpu.memory_space<hbm>> -> memref<128xi32, #tpu.memory_space<hbm>>
    %dma_start3A_120 = arith.constant 0 : i32
    %dma_start3A_121 = tpu.memref_slice %arg5[%dma_start3A_113, %dma_start3A_120] : memref<6x128xi32, #tpu.memory_space<vmem>> -> memref<1x128xi32, #tpu.memory_space<vmem>>
    %dma_start3A_122 = tpu.memref_squeeze %dma_start3A_121 : memref<1x128xi32, #tpu.memory_space<vmem>> -> memref<128xi32, #tpu.memory_space<vmem>>
    %dma_start3A_123 = arith.constant 512 : i32
    %dma_start3A_124 = tpu.memref_slice %arg3[%dma_start3A_112, %add3A, %dma_start3A_123] : memref<2x32x10000xi32, #tpu.memory_space<hbm>> -> memref<1x1x128xi32, #tpu.memory_space<hbm>>
    %dma_start3A_125 = tpu.memref_squeeze %dma_start3A_124 : memref<1x1x128xi32, #tpu.memory_space<hbm>> -> memref<128xi32, #tpu.memory_space<hbm>>
    tpu.enqueue_dma source(%dma_start3A_125 : memref<128xi32, #tpu.memory_space<hbm>>) target(%dma_start3A_122 : memref<128xi32, #tpu.memory_space<vmem>>) target_semaphore(%arg15 : memref<!tpu.dma_semaphore, #tpu.memory_space<semaphore_mem>>)
    %dma_start3A_126 = arith.constant 1 : i32
    %dma_start3A_127 = arith.constant 4 : i32
    %dma_start3A_128 = arith.constant 0 : i32
    %dma_start3A_129 = tpu.memref_slice %arg6[%dma_start3A_127, %dma_start3A_128] : memref<6x128xi32, #tpu.memory_space<vmem>> -> memref<1x128xi32, #tpu.memory_space<vmem>>
    %dma_start3A_130 = tpu.memref_squeeze %dma_start3A_129 : memref<1x128xi32, #tpu.memory_space<vmem>> -> memref<128xi32, #tpu.memory_space<vmem>>
    %dma_start3A_131 = arith.constant 512 : i32
    %dma_start3A_132 = tpu.memref_slice %arg3[%dma_start3A_126, %add3A, %dma_start3A_131] : memref<2x32x10000xi32, #tpu.memory_space<hbm>> -> memref<1x1x128xi32, #tpu.memory_space<hbm>>
    %dma_start3A_133 = tpu.memref_squeeze %dma_start3A_132 : memref<1x1x128xi32, #tpu.memory_space<hbm>> -> memref<128xi32, #tpu.memory_space<hbm>>
    %dma_start3A_134 = arith.constant 0 : i32
    %dma_start3A_135 = tpu.memref_slice %arg6[%dma_start3A_127, %dma_start3A_134] : memref<6x128xi32, #tpu.memory_space<vmem>> -> memref<1x128xi32, #tpu.memory_space<vmem>>
    %dma_start3A_136 = tpu.memref_squeeze %dma_start3A_135 : memref<1x128xi32, #tpu.memory_space<vmem>> -> memref<128xi32, #tpu.memory_space<vmem>>
    %dma_start3A_137 = arith.constant 512 : i32
    %dma_start3A_138 = tpu.memref_slice %arg3[%dma_start3A_126, %add3A, %dma_start3A_137] : memref<2x32x10000xi32, #tpu.memory_space<hbm>> -> memref<1x1x128xi32, #tpu.memory_space<hbm>>
    %dma_start3A_139 = tpu.memref_squeeze %dma_start3A_138 : memref<1x1x128xi32, #tpu.memory_space<hbm>> -> memref<128xi32, #tpu.memory_space<hbm>>
    tpu.enqueue_dma source(%dma_start3A_139 : memref<128xi32, #tpu.memory_space<hbm>>) target(%dma_start3A_136 : memref<128xi32, #tpu.memory_space<vmem>>) target_semaphore(%arg21 : memref<!tpu.dma_semaphore, #tpu.memory_space<semaphore_mem>>)
    %dma_start3A_140 = arith.constant 0 : i32
    %dma_start3A_141 = arith.constant 5 : i32
    %dma_start3A_142 = arith.constant 0 : i32
    %dma_start3A_143 = tpu.memref_slice %arg5[%dma_start3A_141, %dma_start3A_142] : memref<6x128xi32, #tpu.memory_space<vmem>> -> memref<1x128xi32, #tpu.memory_space<vmem>>
    %dma_start3A_144 = tpu.memref_squeeze %dma_start3A_143 : memref<1x128xi32, #tpu.memory_space<vmem>> -> memref<128xi32, #tpu.memory_space<vmem>>
    %dma_start3A_145 = arith.constant 640 : i32
    %dma_start3A_146 = tpu.memref_slice %arg3[%dma_start3A_140, %add3A, %dma_start3A_145] : memref<2x32x10000xi32, #tpu.memory_space<hbm>> -> memref<1x1x128xi32, #tpu.memory_space<hbm>>
    %dma_start3A_147 = tpu.memref_squeeze %dma_start3A_146 : memref<1x1x128xi32, #tpu.memory_space<hbm>> -> memref<128xi32, #tpu.memory_space<hbm>>
    %dma_start3A_148 = arith.constant 0 : i32
    %dma_start3A_149 = tpu.memref_slice %arg5[%dma_start3A_141, %dma_start3A_148] : memref<6x128xi32, #tpu.memory_space<vmem>> -> memref<1x128xi32, #tpu.memory_space<vmem>>
    %dma_start3A_150 = tpu.memref_squeeze %dma_start3A_149 : memref<1x128xi32, #tpu.memory_space<vmem>> -> memref<128xi32, #tpu.memory_space<vmem>>
    %dma_start3A_151 = arith.constant 640 : i32
    %dma_start3A_152 = tpu.memref_slice %arg3[%dma_start3A_140, %add3A, %dma_start3A_151] : memref<2x32x10000xi32, #tpu.memory_space<hbm>> -> memref<1x1x128xi32, #tpu.memory_space<hbm>>
    %dma_start3A_153 = tpu.memref_squeeze %dma_start3A_152 : memref<1x1x128xi32, #tpu.memory_space<hbm>> -> memref<128xi32, #tpu.memory_space<hbm>>
    tpu.enqueue_dma source(%dma_start3A_153 : memref<128xi32, #tpu.memory_space<hbm>>) target(%dma_start3A_150 : memref<128xi32, #tpu.memory_space<vmem>>) target_semaphore(%arg16 : memref<!tpu.dma_semaphore, #tpu.memory_space<semaphore_mem>>)
    %dma_start3A_154 = arith.constant 1 : i32
    %dma_start3A_155 = arith.constant 5 : i32
    %dma_start3A_156 = arith.constant 0 : i32
    %dma_start3A_157 = tpu.memref_slice %arg6[%dma_start3A_155, %dma_start3A_156] : memref<6x128xi32, #tpu.memory_space<vmem>> -> memref<1x128xi32, #tpu.memory_space<vmem>>
    %dma_start3A_158 = tpu.memref_squeeze %dma_start3A_157 : memref<1x128xi32, #tpu.memory_space<vmem>> -> memref<128xi32, #tpu.memory_space<vmem>>
    %dma_start3A_159 = arith.constant 640 : i32
    %dma_start3A_160 = tpu.memref_slice %arg3[%dma_start3A_154, %add3A, %dma_start3A_159] : memref<2x32x10000xi32, #tpu.memory_space<hbm>> -> memref<1x1x128xi32, #tpu.memory_space<hbm>>
    %dma_start3A_161 = tpu.memref_squeeze %dma_start3A_160 : memref<1x1x128xi32, #tpu.memory_space<hbm>> -> memref<128xi32, #tpu.memory_space<hbm>>
    %dma_start3A_162 = arith.constant 0 : i32
    %dma_start3A_163 = tpu.memref_slice %arg6[%dma_start3A_155, %dma_start3A_162] : memref<6x128xi32, #tpu.memory_space<vmem>> -> memref<1x128xi32, #tpu.memory_space<vmem>>
    %dma_start3A_164 = tpu.memref_squeeze %dma_start3A_163 : memref<1x128xi32, #tpu.memory_space<vmem>> -> memref<128xi32, #tpu.memory_space<vmem>>
    %dma_start3A_165 = arith.constant 640 : i32
    %dma_start3A_166 = tpu.memref_slice %arg3[%dma_start3A_154, %add3A, %dma_start3A_165] : memref<2x32x10000xi32, #tpu.memory_space<hbm>> -> memref<1x1x128xi32, #tpu.memory_space<hbm>>
    %dma_start3A_167 = tpu.memref_squeeze %dma_start3A_166 : memref<1x1x128xi32, #tpu.memory_space<hbm>> -> memref<128xi32, #tpu.memory_space<hbm>>
    tpu.enqueue_dma source(%dma_start3A_167 : memref<128xi32, #tpu.memory_space<hbm>>) target(%dma_start3A_164 : memref<128xi32, #tpu.memory_space<vmem>>) target_semaphore(%arg22 : memref<!tpu.dma_semaphore, #tpu.memory_space<semaphore_mem>>)
    %eq3A = arith.constant 0 : i32
    %eq3A_168 = arith.cmpi eq, %arg0, %eq3A : i32
    %convert_element_type3A = arith.extui %eq3A_168 : i1 to i32
    %cond3A = arith.constant 0 : i32
    %cond3A_169 = arith.cmpi ne, %convert_element_type3A, %cond3A : i32
    scf.if %cond3A_169 {
      %lt3A = arith.constant 15 : i32
      %lt3A_250 = arith.cmpi slt, %arg1, %lt3A : i32
      %convert_element_type3A_251 = arith.extui %lt3A_250 : i1 to i32
      %cond3A_252 = arith.constant 0 : i32
      %cond3A_253 = arith.cmpi ne, %convert_element_type3A_251, %cond3A_252 : i32
      scf.if %cond3A_253 {
        %mul3A_259 = arith.constant 640 : i32
        %mul3A_260 = arith.muli %arg1, %mul3A_259 : i32
        %mul3A_261 = arith.constant 640 : i32
        %mul3A_262 = arith.muli %arg1, %mul3A_261 : i32
        "tpu.region"() ({
          %run_scoped3A_263 = tpu.sem_alloc : memref<!tpu.dma_semaphore, #tpu.memory_space<semaphore_mem>>
          %dma_start3A_264 = arith.constant 0 : i32
          %dma_start3A_265 = tpu.memref_slice %arg10[%mul3A_262, %dma_start3A_264] : memref<10240x128xf32, #tpu.memory_space<vmem_shared>> -> memref<640x128xf32, #tpu.memory_space<vmem_shared>>
          %dma_start3A_266 = arith.constant 0 : i32
          %dma_start3A_267 = tpu.memref_slice %arg2[%mul3A_260, %dma_start3A_266] : memref<10000x128xf32, #tpu.memory_space<hbm>> -> memref<640x128xf32, #tpu.memory_space<hbm>>
          tpu.enqueue_dma source(%dma_start3A_267 : memref<640x128xf32, #tpu.memory_space<hbm>>) target(%dma_start3A_265 : memref<640x128xf32, #tpu.memory_space<vmem_shared>>) target_semaphore(%run_scoped3A_263 : memref<!tpu.dma_semaphore, #tpu.memory_space<semaphore_mem>>)
          %dma_wait3A_268 = arith.constant 0 : i32
          %dma_wait3A_269 = tpu.memref_slice %arg10[%mul3A_262, %dma_wait3A_268] : memref<10240x128xf32, #tpu.memory_space<vmem_shared>> -> memref<640x128xf32, #tpu.memory_space<vmem_shared>>
          %dma_wait3A_270 = arith.constant 0 : i32
          %dma_wait3A_271 = tpu.memref_slice %arg2[%mul3A_260, %dma_wait3A_270] : memref<10000x128xf32, #tpu.memory_space<hbm>> -> memref<640x128xf32, #tpu.memory_space<hbm>>
          tpu.wait_dma2 semaphore(%run_scoped3A_263 : memref<!tpu.dma_semaphore, #tpu.memory_space<semaphore_mem>>) src(%dma_wait3A_271 : memref<640x128xf32, #tpu.memory_space<hbm>>) dst(%dma_wait3A_269 : memref<640x128xf32, #tpu.memory_space<vmem_shared>>)
          tpu.yield
        }) : () -> ()
      } else {
      }
      %eq3A_254 = arith.constant 15 : i32
      %eq3A_255 = arith.cmpi eq, %arg1, %eq3A_254 : i32
      %convert_element_type3A_256 = arith.extui %eq3A_255 : i1 to i32
      %cond3A_257 = arith.constant 0 : i32
      %cond3A_258 = arith.cmpi ne, %convert_element_type3A_256, %cond3A_257 : i32
      scf.if %cond3A_258 {
        "tpu.region"() ({
          %run_scoped3A_259 = tpu.sem_alloc : memref<!tpu.dma_semaphore, #tpu.memory_space<semaphore_mem>>
          %dma_start3A_260 = arith.constant 9600 : i32
          %dma_start3A_261 = arith.constant 0 : i32
          %dma_start3A_262 = tpu.memref_slice %arg10[%dma_start3A_260, %dma_start3A_261] : memref<10240x128xf32, #tpu.memory_space<vmem_shared>> -> memref<400x128xf32, #tpu.memory_space<vmem_shared>>
          %dma_start3A_263 = arith.constant 9600 : i32
          %dma_start3A_264 = arith.constant 0 : i32
          %dma_start3A_265 = tpu.memref_slice %arg2[%dma_start3A_263, %dma_start3A_264] : memref<10000x128xf32, #tpu.memory_space<hbm>> -> memref<400x128xf32, #tpu.memory_space<hbm>>
          tpu.enqueue_dma source(%dma_start3A_265 : memref<400x128xf32, #tpu.memory_space<hbm>>) target(%dma_start3A_262 : memref<400x128xf32, #tpu.memory_space<vmem_shared>>) target_semaphore(%run_scoped3A_259 : memref<!tpu.dma_semaphore, #tpu.memory_space<semaphore_mem>>)
          %dma_wait3A_266 = arith.constant 9600 : i32
          %dma_wait3A_267 = arith.constant 0 : i32
          %dma_wait3A_268 = tpu.memref_slice %arg10[%dma_wait3A_266, %dma_wait3A_267] : memref<10240x128xf32, #tpu.memory_space<vmem_shared>> -> memref<400x128xf32, #tpu.memory_space<vmem_shared>>
          %dma_wait3A_269 = arith.constant 9600 : i32
          %dma_wait3A_270 = arith.constant 0 : i32
          %dma_wait3A_271 = tpu.memref_slice %arg2[%dma_wait3A_269, %dma_wait3A_270] : memref<10000x128xf32, #tpu.memory_space<hbm>> -> memref<400x128xf32, #tpu.memory_space<hbm>>
          tpu.wait_dma2 semaphore(%run_scoped3A_259 : memref<!tpu.dma_semaphore, #tpu.memory_space<semaphore_mem>>) src(%dma_wait3A_271 : memref<400x128xf32, #tpu.memory_space<hbm>>) dst(%dma_wait3A_268 : memref<400x128xf32, #tpu.memory_space<vmem_shared>>)
          tpu.yield
        }) : () -> ()
        "tpu.region"() ({
          %run_scoped3A_259 = tpu.sem_alloc : memref<!tpu.dma_semaphore, #tpu.memory_space<semaphore_mem>>
          %dma_start3A_260 = arith.constant 10000 : i32
          %dma_start3A_261 = arith.constant 0 : i32
          %dma_start3A_262 = tpu.memref_slice %arg10[%dma_start3A_260, %dma_start3A_261] : memref<10240x128xf32, #tpu.memory_space<vmem_shared>> -> memref<240x128xf32, #tpu.memory_space<vmem_shared>>
          %dma_start3A_263 = arith.constant 0 : i32
          %dma_start3A_264 = arith.constant 0 : i32
          %dma_start3A_265 = tpu.memref_slice %arg2[%dma_start3A_263, %dma_start3A_264] : memref<10000x128xf32, #tpu.memory_space<hbm>> -> memref<240x128xf32, #tpu.memory_space<hbm>>
          tpu.enqueue_dma source(%dma_start3A_265 : memref<240x128xf32, #tpu.memory_space<hbm>>) target(%dma_start3A_262 : memref<240x128xf32, #tpu.memory_space<vmem_shared>>) target_semaphore(%run_scoped3A_259 : memref<!tpu.dma_semaphore, #tpu.memory_space<semaphore_mem>>)
          %dma_wait3A_266 = arith.constant 10000 : i32
          %dma_wait3A_267 = arith.constant 0 : i32
          %dma_wait3A_268 = tpu.memref_slice %arg10[%dma_wait3A_266, %dma_wait3A_267] : memref<10240x128xf32, #tpu.memory_space<vmem_shared>> -> memref<240x128xf32, #tpu.memory_space<vmem_shared>>
          %dma_wait3A_269 = arith.constant 0 : i32
          %dma_wait3A_270 = arith.constant 0 : i32
          %dma_wait3A_271 = tpu.memref_slice %arg2[%dma_wait3A_269, %dma_wait3A_270] : memref<10000x128xf32, #tpu.memory_space<hbm>> -> memref<240x128xf32, #tpu.memory_space<hbm>>
          tpu.wait_dma2 semaphore(%run_scoped3A_259 : memref<!tpu.dma_semaphore, #tpu.memory_space<semaphore_mem>>) src(%dma_wait3A_271 : memref<240x128xf32, #tpu.memory_space<hbm>>) dst(%dma_wait3A_268 : memref<240x128xf32, #tpu.memory_space<vmem_shared>>)
          tpu.yield
        }) : () -> ()
      } else {
      }
    } else {
    }
    %eq3A_170 = arith.constant 1 : i32
    %eq3A_171 = arith.cmpi eq, %arg0, %eq3A_170 : i32
    %convert_element_type3A_172 = arith.extui %eq3A_171 : i1 to i32
    %cond3A_173 = arith.constant 0 : i32
    %cond3A_174 = arith.cmpi ne, %convert_element_type3A_172, %cond3A_173 : i32
    scf.if %cond3A_174 {
      %scan3A_250 = arith.constant 0 : i32
      %scan3A_251 = arith.constant 0 : i32
      %scan3A_252 = arith.constant 128 : i32
      %scan3A_253 = arith.addi %scan3A_251, %scan3A_252 : i32
      %scan3A_254 = arith.constant 1 : i32
      scf.for %scan3A_281 = %scan3A_251 to %scan3A_253 step %scan3A_254  : i32 {
        %broadcast_in_dim3A = arith.constant 0.000000e+00 : f32
        %broadcast_in_dim3A_282 = vector.broadcast %broadcast_in_dim3A : f32 to vector<16xf32>
        %swap3A = arith.constant 0 : i32
        %swap3A_283 = arith.index_cast %swap3A : i32 to index
        %swap3A_284 = arith.index_cast %scan3A_281 : i32 to index
        %swap3A_285 = arith.constant 0 : index
        %swap3A_286 = tpu.vector_load %arg9[%swap3A_283, %swap3A_284, %swap3A_285] {strides = array<i32>} : memref<2x128x128xf32, #tpu.memory_space<vmem>>, vector<1x1x16xf32>,
        %swap3A_287 = vector.shape_cast %swap3A_286 : vector<1x1x16xf32> to vector<16xf32>
        %swap3A_288 = vector.shape_cast %broadcast_in_dim3A_282 : vector<16xf32> to vector<1x1x16xf32>
        tpu.vector_store %arg9[%swap3A_283, %swap3A_284, %swap3A_285], %swap3A_288 {strides = array<i32>} : memref<2x128x128xf32, #tpu.memory_space<vmem>>, vector<1x1x16xf32>,
        %broadcast_in_dim3A_289 = arith.constant 0.000000e+00 : f32
        %broadcast_in_dim3A_290 = vector.broadcast %broadcast_in_dim3A_289 : f32 to vector<16xf32>
        %swap3A_291 = arith.constant 0 : i32
        %swap3A_292 = arith.index_cast %swap3A_291 : i32 to index
        %swap3A_293 = arith.index_cast %scan3A_281 : i32 to index
        %swap3A_294 = arith.constant 16 : index
        %swap3A_295 = tpu.vector_load %arg9[%swap3A_292, %swap3A_293, %swap3A_294] {strides = array<i32>} : memref<2x128x128xf32, #tpu.memory_space<vmem>>, vector<1x1x16xf32>,
        %swap3A_296 = vector.shape_cast %swap3A_295 : vector<1x1x16xf32> to vector<16xf32>
        %swap3A_297 = vector.shape_cast %broadcast_in_dim3A_290 : vector<16xf32> to vector<1x1x16xf32>
        tpu.vector_store %arg9[%swap3A_292, %swap3A_293, %swap3A_294], %swap3A_297 {strides = array<i32>} : memref<2x128x128xf32, #tpu.memory_space<vmem>>, vector<1x1x16xf32>,
        %broadcast_in_dim3A_298 = arith.constant 0.000000e+00 : f32
        %broadcast_in_dim3A_299 = vector.broadcast %broadcast_in_dim3A_298 : f32 to vector<16xf32>
        %swap3A_300 = arith.constant 0 : i32
        %swap3A_301 = arith.index_cast %swap3A_300 : i32 to index
        %swap3A_302 = arith.index_cast %scan3A_281 : i32 to index
        %swap3A_303 = arith.constant 32 : index
        %swap3A_304 = tpu.vector_load %arg9[%swap3A_301, %swap3A_302, %swap3A_303] {strides = array<i32>} : memref<2x128x128xf32, #tpu.memory_space<vmem>>, vector<1x1x16xf32>,
        %swap3A_305 = vector.shape_cast %swap3A_304 : vector<1x1x16xf32> to vector<16xf32>
        %swap3A_306 = vector.shape_cast %broadcast_in_dim3A_299 : vector<16xf32> to vector<1x1x16xf32>
        tpu.vector_store %arg9[%swap3A_301, %swap3A_302, %swap3A_303], %swap3A_306 {strides = array<i32>} : memref<2x128x128xf32, #tpu.memory_space<vmem>>, vector<1x1x16xf32>,
        %broadcast_in_dim3A_307 = arith.constant 0.000000e+00 : f32
        %broadcast_in_dim3A_308 = vector.broadcast %broadcast_in_dim3A_307 : f32 to vector<16xf32>
        %swap3A_309 = arith.constant 0 : i32
        %swap3A_310 = arith.index_cast %swap3A_309 : i32 to index
        %swap3A_311 = arith.index_cast %scan3A_281 : i32 to index
        %swap3A_312 = arith.constant 48 : index
        %swap3A_313 = tpu.vector_load %arg9[%swap3A_310, %swap3A_311, %swap3A_312] {strides = array<i32>} : memref<2x128x128xf32, #tpu.memory_space<vmem>>, vector<1x1x16xf32>,
        %swap3A_314 = vector.shape_cast %swap3A_313 : vector<1x1x16xf32> to vector<16xf32>
        %swap3A_315 = vector.shape_cast %broadcast_in_dim3A_308 : vector<16xf32> to vector<1x1x16xf32>
        tpu.vector_store %arg9[%swap3A_310, %swap3A_311, %swap3A_312], %swap3A_315 {strides = array<i32>} : memref<2x128x128xf32, #tpu.memory_space<vmem>>, vector<1x1x16xf32>,
        %broadcast_in_dim3A_316 = arith.constant 0.000000e+00 : f32
        %broadcast_in_dim3A_317 = vector.broadcast %broadcast_in_dim3A_316 : f32 to vector<16xf32>
        %swap3A_318 = arith.constant 0 : i32
        %swap3A_319 = arith.index_cast %swap3A_318 : i32 to index
        %swap3A_320 = arith.index_cast %scan3A_281 : i32 to index
        %swap3A_321 = arith.constant 64 : index
        %swap3A_322 = tpu.vector_load %arg9[%swap3A_319, %swap3A_320, %swap3A_321] {strides = array<i32>} : memref<2x128x128xf32, #tpu.memory_space<vmem>>, vector<1x1x16xf32>,
        %swap3A_323 = vector.shape_cast %swap3A_322 : vector<1x1x16xf32> to vector<16xf32>
        %swap3A_324 = vector.shape_cast %broadcast_in_dim3A_317 : vector<16xf32> to vector<1x1x16xf32>
        tpu.vector_store %arg9[%swap3A_319, %swap3A_320, %swap3A_321], %swap3A_324 {strides = array<i32>} : memref<2x128x128xf32, #tpu.memory_space<vmem>>, vector<1x1x16xf32>,
        %broadcast_in_dim3A_325 = arith.constant 0.000000e+00 : f32
        %broadcast_in_dim3A_326 = vector.broadcast %broadcast_in_dim3A_325 : f32 to vector<16xf32>
        %swap3A_327 = arith.constant 0 : i32
        %swap3A_328 = arith.index_cast %swap3A_327 : i32 to index
        %swap3A_329 = arith.index_cast %scan3A_281 : i32 to index
        %swap3A_330 = arith.constant 80 : index
        %swap3A_331 = tpu.vector_load %arg9[%swap3A_328, %swap3A_329, %swap3A_330] {strides = array<i32>} : memref<2x128x128xf32, #tpu.memory_space<vmem>>, vector<1x1x16xf32>,
        %swap3A_332 = vector.shape_cast %swap3A_331 : vector<1x1x16xf32> to vector<16xf32>
        %swap3A_333 = vector.shape_cast %broadcast_in_dim3A_326 : vector<16xf32> to vector<1x1x16xf32>
        tpu.vector_store %arg9[%swap3A_328, %swap3A_329, %swap3A_330], %swap3A_333 {strides = array<i32>} : memref<2x128x128xf32, #tpu.memory_space<vmem>>, vector<1x1x16xf32>,
        %broadcast_in_dim3A_334 = arith.constant 0.000000e+00 : f32
        %broadcast_in_dim3A_335 = vector.broadcast %broadcast_in_dim3A_334 : f32 to vector<16xf32>
        %swap3A_336 = arith.constant 0 : i32
        %swap3A_337 = arith.index_cast %swap3A_336 : i32 to index
        %swap3A_338 = arith.index_cast %scan3A_281 : i32 to index
        %swap3A_339 = arith.constant 96 : index
        %swap3A_340 = tpu.vector_load %arg9[%swap3A_337, %swap3A_338, %swap3A_339] {strides = array<i32>} : memref<2x128x128xf32, #tpu.memory_space<vmem>>, vector<1x1x16xf32>,
        %swap3A_341 = vector.shape_cast %swap3A_340 : vector<1x1x16xf32> to vector<16xf32>
        %swap3A_342 = vector.shape_cast %broadcast_in_dim3A_335 : vector<16xf32> to vector<1x1x16xf32>
        tpu.vector_store %arg9[%swap3A_337, %swap3A_338, %swap3A_339], %swap3A_342 {strides = array<i32>} : memref<2x128x128xf32, #tpu.memory_space<vmem>>, vector<1x1x16xf32>,
        %broadcast_in_dim3A_343 = arith.constant 0.000000e+00 : f32
        %broadcast_in_dim3A_344 = vector.broadcast %broadcast_in_dim3A_343 : f32 to vector<16xf32>
        %swap3A_345 = arith.constant 0 : i32
        %swap3A_346 = arith.index_cast %swap3A_345 : i32 to index
        %swap3A_347 = arith.index_cast %scan3A_281 : i32 to index
        %swap3A_348 = arith.constant 112 : index
        %swap3A_349 = tpu.vector_load %arg9[%swap3A_346, %swap3A_347, %swap3A_348] {strides = array<i32>} : memref<2x128x128xf32, #tpu.memory_space<vmem>>, vector<1x1x16xf32>,
        %swap3A_350 = vector.shape_cast %swap3A_349 : vector<1x1x16xf32> to vector<16xf32>
        %swap3A_351 = vector.shape_cast %broadcast_in_dim3A_344 : vector<16xf32> to vector<1x1x16xf32>
        tpu.vector_store %arg9[%swap3A_346, %swap3A_347, %swap3A_348], %swap3A_351 {strides = array<i32>} : memref<2x128x128xf32, #tpu.memory_space<vmem>>, vector<1x1x16xf32>,
      }
      %scan3A_255 = arith.constant 128 : i32
      %mul3A_256 = arith.constant 640 : i32
      %mul3A_257 = arith.muli %arg1, %mul3A_256 : i32
      %add3A_258 = arith.constant 0 : i32
      %add3A_259 = arith.addi %mul3A_257, %add3A_258 : i32
      %run_scoped3A_260 = arith.constant 0 : i32
      "tpu.region"() ({
        %run_scoped3A_281 = tpu.sem_alloc : memref<!tpu.dma_semaphore, #tpu.memory_space<semaphore_mem>>
        %dma_start3A_282 = arith.constant 0 : i32
        %dma_start3A_283 = arith.constant 0 : i32
        %dma_start3A_284 = tpu.memref_slice %arg9[%run_scoped3A_260, %dma_start3A_282, %dma_start3A_283] : memref<2x128x128xf32, #tpu.memory_space<vmem>> -> memref<1x128x128xf32, #tpu.memory_space<vmem>>
        %dma_start3A_285 = tpu.memref_squeeze %dma_start3A_284 : memref<1x128x128xf32, #tpu.memory_space<vmem>> -> memref<128x128xf32, #tpu.memory_space<vmem>>
        %dma_start3A_286 = arith.constant 0 : i32
        %dma_start3A_287 = tpu.memref_slice %arg10[%add3A_259, %dma_start3A_286] : memref<10240x128xf32, #tpu.memory_space<vmem_shared>> -> memref<128x128xf32, #tpu.memory_space<vmem_shared>>
        %dma_start3A_288 = arith.constant 0 : i32
        %dma_start3A_289 = tpu.memref_slice %arg10[%add3A_259, %dma_start3A_288] : memref<10240x128xf32, #tpu.memory_space<vmem_shared>> -> memref<128x128xf32, #tpu.memory_space<vmem_shared>>
        %dma_start3A_290 = arith.constant 0 : i32
        %dma_start3A_291 = arith.constant 0 : i32
        %dma_start3A_292 = tpu.memref_slice %arg9[%run_scoped3A_260, %dma_start3A_290, %dma_start3A_291] : memref<2x128x128xf32, #tpu.memory_space<vmem>> -> memref<1x128x128xf32, #tpu.memory_space<vmem>>
        %dma_start3A_293 = tpu.memref_squeeze %dma_start3A_292 : memref<1x128x128xf32, #tpu.memory_space<vmem>> -> memref<128x128xf32, #tpu.memory_space<vmem>>
        tpu.enqueue_dma source(%dma_start3A_293 : memref<128x128xf32, #tpu.memory_space<vmem>>) target(%dma_start3A_289 : memref<128x128xf32, #tpu.memory_space<vmem_shared>>) target_semaphore(%run_scoped3A_281 : memref<!tpu.dma_semaphore, #tpu.memory_space<semaphore_mem>>)
        %dma_wait3A_294 = arith.constant 0 : i32
        %dma_wait3A_295 = arith.constant 0 : i32
        %dma_wait3A_296 = tpu.memref_slice %arg9[%run_scoped3A_260, %dma_wait3A_294, %dma_wait3A_295] : memref<2x128x128xf32, #tpu.memory_space<vmem>> -> memref<1x128x128xf32, #tpu.memory_space<vmem>>
        %dma_wait3A_297 = tpu.memref_squeeze %dma_wait3A_296 : memref<1x128x128xf32, #tpu.memory_space<vmem>> -> memref<128x128xf32, #tpu.memory_space<vmem>>
        %dma_wait3A_298 = arith.constant 0 : i32
        %dma_wait3A_299 = tpu.memref_slice %arg10[%add3A_259, %dma_wait3A_298] : memref<10240x128xf32, #tpu.memory_space<vmem_shared>> -> memref<128x128xf32, #tpu.memory_space<vmem_shared>>
        %dma_wait3A_300 = arith.constant 0 : i32
        %dma_wait3A_301 = tpu.memref_slice %arg10[%add3A_259, %dma_wait3A_300] : memref<10240x128xf32, #tpu.memory_space<vmem_shared>> -> memref<128x128xf32, #tpu.memory_space<vmem_shared>>
        %dma_wait3A_302 = arith.constant 0 : i32
        %dma_wait3A_303 = arith.constant 0 : i32
        %dma_wait3A_304 = tpu.memref_slice %arg9[%run_scoped3A_260, %dma_wait3A_302, %dma_wait3A_303] : memref<2x128x128xf32, #tpu.memory_space<vmem>> -> memref<1x128x128xf32, #tpu.memory_space<vmem>>
        %dma_wait3A_305 = tpu.memref_squeeze %dma_wait3A_304 : memref<1x128x128xf32, #tpu.memory_space<vmem>> -> memref<128x128xf32, #tpu.memory_space<vmem>>
        tpu.wait_dma2 semaphore(%run_scoped3A_281 : memref<!tpu.dma_semaphore, #tpu.memory_space<semaphore_mem>>) src(%dma_wait3A_305 : memref<128x128xf32, #tpu.memory_space<vmem>>) dst(%dma_wait3A_301 : memref<128x128xf32, #tpu.memory_space<vmem_shared>>)
        tpu.yield
      }) : () -> ()
      %mul3A_261 = arith.constant 640 : i32
      %mul3A_262 = arith.muli %arg1, %mul3A_261 : i32
      %add3A_263 = arith.constant 128 : i32
      %add3A_264 = arith.addi %mul3A_262, %add3A_263 : i32
      %run_scoped3A_265 = arith.constant 0 : i32
      "tpu.region"() ({
        %run_scoped3A_281 = tpu.sem_alloc : memref<!tpu.dma_semaphore, #tpu.memory_space<semaphore_mem>>
        %dma_start3A_282 = arith.constant 0 : i32
        %dma_start3A_283 = arith.constant 0 : i32
        %dma_start3A_284 = tpu.memref_slice %arg9[%run_scoped3A_265, %dma_start3A_282, %dma_start3A_283] : memref<2x128x128xf32, #tpu.memory_space<vmem>> -> memref<1x128x128xf32, #tpu.memory_space<vmem>>
        %dma_start3A_285 = tpu.memref_squeeze %dma_start3A_284 : memref<1x128x128xf32, #tpu.memory_space<vmem>> -> memref<128x128xf32, #tpu.memory_space<vmem>>
        %dma_start3A_286 = arith.constant 0 : i32
        %dma_start3A_287 = tpu.memref_slice %arg10[%add3A_264, %dma_start3A_286] : memref<10240x128xf32, #tpu.memory_space<vmem_shared>> -> memref<128x128xf32, #tpu.memory_space<vmem_shared>>
        %dma_start3A_288 = arith.constant 0 : i32
        %dma_start3A_289 = tpu.memref_slice %arg10[%add3A_264, %dma_start3A_288] : memref<10240x128xf32, #tpu.memory_space<vmem_shared>> -> memref<128x128xf32, #tpu.memory_space<vmem_shared>>
        %dma_start3A_290 = arith.constant 0 : i32
        %dma_start3A_291 = arith.constant 0 : i32
        %dma_start3A_292 = tpu.memref_slice %arg9[%run_scoped3A_265, %dma_start3A_290, %dma_start3A_291] : memref<2x128x128xf32, #tpu.memory_space<vmem>> -> memref<1x128x128xf32, #tpu.memory_space<vmem>>
        %dma_start3A_293 = tpu.memref_squeeze %dma_start3A_292 : memref<1x128x128xf32, #tpu.memory_space<vmem>> -> memref<128x128xf32, #tpu.memory_space<vmem>>
        tpu.enqueue_dma source(%dma_start3A_293 : memref<128x128xf32, #tpu.memory_space<vmem>>) target(%dma_start3A_289 : memref<128x128xf32, #tpu.memory_space<vmem_shared>>) target_semaphore(%run_scoped3A_281 : memref<!tpu.dma_semaphore, #tpu.memory_space<semaphore_mem>>)
        %dma_wait3A_294 = arith.constant 0 : i32
        %dma_wait3A_295 = arith.constant 0 : i32
        %dma_wait3A_296 = tpu.memref_slice %arg9[%run_scoped3A_265, %dma_wait3A_294, %dma_wait3A_295] : memref<2x128x128xf32, #tpu.memory_space<vmem>> -> memref<1x128x128xf32, #tpu.memory_space<vmem>>
        %dma_wait3A_297 = tpu.memref_squeeze %dma_wait3A_296 : memref<1x128x128xf32, #tpu.memory_space<vmem>> -> memref<128x128xf32, #tpu.memory_space<vmem>>
        %dma_wait3A_298 = arith.constant 0 : i32
        %dma_wait3A_299 = tpu.memref_slice %arg10[%add3A_264, %dma_wait3A_298] : memref<10240x128xf32, #tpu.memory_space<vmem_shared>> -> memref<128x128xf32, #tpu.memory_space<vmem_shared>>
        %dma_wait3A_300 = arith.constant 0 : i32
        %dma_wait3A_301 = tpu.memref_slice %arg10[%add3A_264, %dma_wait3A_300] : memref<10240x128xf32, #tpu.memory_space<vmem_shared>> -> memref<128x128xf32, #tpu.memory_space<vmem_shared>>
        %dma_wait3A_302 = arith.constant 0 : i32
        %dma_wait3A_303 = arith.constant 0 : i32
        %dma_wait3A_304 = tpu.memref_slice %arg9[%run_scoped3A_265, %dma_wait3A_302, %dma_wait3A_303] : memref<2x128x128xf32, #tpu.memory_space<vmem>> -> memref<1x128x128xf32, #tpu.memory_space<vmem>>
        %dma_wait3A_305 = tpu.memref_squeeze %dma_wait3A_304 : memref<1x128x128xf32, #tpu.memory_space<vmem>> -> memref<128x128xf32, #tpu.memory_space<vmem>>
        tpu.wait_dma2 semaphore(%run_scoped3A_281 : memref<!tpu.dma_semaphore, #tpu.memory_space<semaphore_mem>>) src(%dma_wait3A_305 : memref<128x128xf32, #tpu.memory_space<vmem>>) dst(%dma_wait3A_301 : memref<128x128xf32, #tpu.memory_space<vmem_shared>>)
        tpu.yield
      }) : () -> ()
      %mul3A_266 = arith.constant 640 : i32
      %mul3A_267 = arith.muli %arg1, %mul3A_266 : i32
      %add3A_268 = arith.constant 256 : i32
      %add3A_269 = arith.addi %mul3A_267, %add3A_268 : i32
      %run_scoped3A_270 = arith.constant 0 : i32
      "tpu.region"() ({
        %run_scoped3A_281 = tpu.sem_alloc : memref<!tpu.dma_semaphore, #tpu.memory_space<semaphore_mem>>
        %dma_start3A_282 = arith.constant 0 : i32
        %dma_start3A_283 = arith.constant 0 : i32
        %dma_start3A_284 = tpu.memref_slice %arg9[%run_scoped3A_270, %dma_start3A_282, %dma_start3A_283] : memref<2x128x128xf32, #tpu.memory_space<vmem>> -> memref<1x128x128xf32, #tpu.memory_space<vmem>>
        %dma_start3A_285 = tpu.memref_squeeze %dma_start3A_284 : memref<1x128x128xf32, #tpu.memory_space<vmem>> -> memref<128x128xf32, #tpu.memory_space<vmem>>
        %dma_start3A_286 = arith.constant 0 : i32
        %dma_start3A_287 = tpu.memref_slice %arg10[%add3A_269, %dma_start3A_286] : memref<10240x128xf32, #tpu.memory_space<vmem_shared>> -> memref<128x128xf32, #tpu.memory_space<vmem_shared>>
        %dma_start3A_288 = arith.constant 0 : i32
        %dma_start3A_289 = tpu.memref_slice %arg10[%add3A_269, %dma_start3A_288] : memref<10240x128xf32, #tpu.memory_space<vmem_shared>> -> memref<128x128xf32, #tpu.memory_space<vmem_shared>>
        %dma_start3A_290 = arith.constant 0 : i32
        %dma_start3A_291 = arith.constant 0 : i32
        %dma_start3A_292 = tpu.memref_slice %arg9[%run_scoped3A_270, %dma_start3A_290, %dma_start3A_291] : memref<2x128x128xf32, #tpu.memory_space<vmem>> -> memref<1x128x128xf32, #tpu.memory_space<vmem>>
        %dma_start3A_293 = tpu.memref_squeeze %dma_start3A_292 : memref<1x128x128xf32, #tpu.memory_space<vmem>> -> memref<128x128xf32, #tpu.memory_space<vmem>>
        tpu.enqueue_dma source(%dma_start3A_293 : memref<128x128xf32, #tpu.memory_space<vmem>>) target(%dma_start3A_289 : memref<128x128xf32, #tpu.memory_space<vmem_shared>>) target_semaphore(%run_scoped3A_281 : memref<!tpu.dma_semaphore, #tpu.memory_space<semaphore_mem>>)
        %dma_wait3A_294 = arith.constant 0 : i32
        %dma_wait3A_295 = arith.constant 0 : i32
        %dma_wait3A_296 = tpu.memref_slice %arg9[%run_scoped3A_270, %dma_wait3A_294, %dma_wait3A_295] : memref<2x128x128xf32, #tpu.memory_space<vmem>> -> memref<1x128x128xf32, #tpu.memory_space<vmem>>
        %dma_wait3A_297 = tpu.memref_squeeze %dma_wait3A_296 : memref<1x128x128xf32, #tpu.memory_space<vmem>> -> memref<128x128xf32, #tpu.memory_space<vmem>>
        %dma_wait3A_298 = arith.constant 0 : i32
        %dma_wait3A_299 = tpu.memref_slice %arg10[%add3A_269, %dma_wait3A_298] : memref<10240x128xf32, #tpu.memory_space<vmem_shared>> -> memref<128x128xf32, #tpu.memory_space<vmem_shared>>
        %dma_wait3A_300 = arith.constant 0 : i32
        %dma_wait3A_301 = tpu.memref_slice %arg10[%add3A_269, %dma_wait3A_300] : memref<10240x128xf32, #tpu.memory_space<vmem_shared>> -> memref<128x128xf32, #tpu.memory_space<vmem_shared>>
        %dma_wait3A_302 = arith.constant 0 : i32
        %dma_wait3A_303 = arith.constant 0 : i32
        %dma_wait3A_304 = tpu.memref_slice %arg9[%run_scoped3A_270, %dma_wait3A_302, %dma_wait3A_303] : memref<2x128x128xf32, #tpu.memory_space<vmem>> -> memref<1x128x128xf32, #tpu.memory_space<vmem>>
        %dma_wait3A_305 = tpu.memref_squeeze %dma_wait3A_304 : memref<1x128x128xf32, #tpu.memory_space<vmem>> -> memref<128x128xf32, #tpu.memory_space<vmem>>
        tpu.wait_dma2 semaphore(%run_scoped3A_281 : memref<!tpu.dma_semaphore, #tpu.memory_space<semaphore_mem>>) src(%dma_wait3A_305 : memref<128x128xf32, #tpu.memory_space<vmem>>) dst(%dma_wait3A_301 : memref<128x128xf32, #tpu.memory_space<vmem_shared>>)
        tpu.yield
      }) : () -> ()
      %mul3A_271 = arith.constant 640 : i32
      %mul3A_272 = arith.muli %arg1, %mul3A_271 : i32
      %add3A_273 = arith.constant 384 : i32
      %add3A_274 = arith.addi %mul3A_272, %add3A_273 : i32
      %run_scoped3A_275 = arith.constant 0 : i32
      "tpu.region"() ({
        %run_scoped3A_281 = tpu.sem_alloc : memref<!tpu.dma_semaphore, #tpu.memory_space<semaphore_mem>>
        %dma_start3A_282 = arith.constant 0 : i32
        %dma_start3A_283 = arith.constant 0 : i32
        %dma_start3A_284 = tpu.memref_slice %arg9[%run_scoped3A_275, %dma_start3A_282, %dma_start3A_283] : memref<2x128x128xf32, #tpu.memory_space<vmem>> -> memref<1x128x128xf32, #tpu.memory_space<vmem>>
        %dma_start3A_285 = tpu.memref_squeeze %dma_start3A_284 : memref<1x128x128xf32, #tpu.memory_space<vmem>> -> memref<128x128xf32, #tpu.memory_space<vmem>>
        %dma_start3A_286 = arith.constant 0 : i32
        %dma_start3A_287 = tpu.memref_slice %arg10[%add3A_274, %dma_start3A_286] : memref<10240x128xf32, #tpu.memory_space<vmem_shared>> -> memref<128x128xf32, #tpu.memory_space<vmem_shared>>
        %dma_start3A_288 = arith.constant 0 : i32
        %dma_start3A_289 = tpu.memref_slice %arg10[%add3A_274, %dma_start3A_288] : memref<10240x128xf32, #tpu.memory_space<vmem_shared>> -> memref<128x128xf32, #tpu.memory_space<vmem_shared>>
        %dma_start3A_290 = arith.constant 0 : i32
        %dma_start3A_291 = arith.constant 0 : i32
        %dma_start3A_292 = tpu.memref_slice %arg9[%run_scoped3A_275, %dma_start3A_290, %dma_start3A_291] : memref<2x128x128xf32, #tpu.memory_space<vmem>> -> memref<1x128x128xf32, #tpu.memory_space<vmem>>
        %dma_start3A_293 = tpu.memref_squeeze %dma_start3A_292 : memref<1x128x128xf32, #tpu.memory_space<vmem>> -> memref<128x128xf32, #tpu.memory_space<vmem>>
        tpu.enqueue_dma source(%dma_start3A_293 : memref<128x128xf32, #tpu.memory_space<vmem>>) target(%dma_start3A_289 : memref<128x128xf32, #tpu.memory_space<vmem_shared>>) target_semaphore(%run_scoped3A_281 : memref<!tpu.dma_semaphore, #tpu.memory_space<semaphore_mem>>)
        %dma_wait3A_294 = arith.constant 0 : i32
        %dma_wait3A_295 = arith.constant 0 : i32
        %dma_wait3A_296 = tpu.memref_slice %arg9[%run_scoped3A_275, %dma_wait3A_294, %dma_wait3A_295] : memref<2x128x128xf32, #tpu.memory_space<vmem>> -> memref<1x128x128xf32, #tpu.memory_space<vmem>>
        %dma_wait3A_297 = tpu.memref_squeeze %dma_wait3A_296 : memref<1x128x128xf32, #tpu.memory_space<vmem>> -> memref<128x128xf32, #tpu.memory_space<vmem>>
        %dma_wait3A_298 = arith.constant 0 : i32
        %dma_wait3A_299 = tpu.memref_slice %arg10[%add3A_274, %dma_wait3A_298] : memref<10240x128xf32, #tpu.memory_space<vmem_shared>> -> memref<128x128xf32, #tpu.memory_space<vmem_shared>>
        %dma_wait3A_300 = arith.constant 0 : i32
        %dma_wait3A_301 = tpu.memref_slice %arg10[%add3A_274, %dma_wait3A_300] : memref<10240x128xf32, #tpu.memory_space<vmem_shared>> -> memref<128x128xf32, #tpu.memory_space<vmem_shared>>
        %dma_wait3A_302 = arith.constant 0 : i32
        %dma_wait3A_303 = arith.constant 0 : i32
        %dma_wait3A_304 = tpu.memref_slice %arg9[%run_scoped3A_275, %dma_wait3A_302, %dma_wait3A_303] : memref<2x128x128xf32, #tpu.memory_space<vmem>> -> memref<1x128x128xf32, #tpu.memory_space<vmem>>
        %dma_wait3A_305 = tpu.memref_squeeze %dma_wait3A_304 : memref<1x128x128xf32, #tpu.memory_space<vmem>> -> memref<128x128xf32, #tpu.memory_space<vmem>>
        tpu.wait_dma2 semaphore(%run_scoped3A_281 : memref<!tpu.dma_semaphore, #tpu.memory_space<semaphore_mem>>) src(%dma_wait3A_305 : memref<128x128xf32, #tpu.memory_space<vmem>>) dst(%dma_wait3A_301 : memref<128x128xf32, #tpu.memory_space<vmem_shared>>)
        tpu.yield
      }) : () -> ()
      %mul3A_276 = arith.constant 640 : i32
      %mul3A_277 = arith.muli %arg1, %mul3A_276 : i32
      %add3A_278 = arith.constant 512 : i32
      %add3A_279 = arith.addi %mul3A_277, %add3A_278 : i32
      %run_scoped3A_280 = arith.constant 0 : i32
      "tpu.region"() ({
        %run_scoped3A_281 = tpu.sem_alloc : memref<!tpu.dma_semaphore, #tpu.memory_space<semaphore_mem>>
        %dma_start3A_282 = arith.constant 0 : i32
        %dma_start3A_283 = arith.constant 0 : i32
        %dma_start3A_284 = tpu.memref_slice %arg9[%run_scoped3A_280, %dma_start3A_282, %dma_start3A_283] : memref<2x128x128xf32, #tpu.memory_space<vmem>> -> memref<1x128x128xf32, #tpu.memory_space<vmem>>
        %dma_start3A_285 = tpu.memref_squeeze %dma_start3A_284 : memref<1x128x128xf32, #tpu.memory_space<vmem>> -> memref<128x128xf32, #tpu.memory_space<vmem>>
        %dma_start3A_286 = arith.constant 0 : i32
        %dma_start3A_287 = tpu.memref_slice %arg10[%add3A_279, %dma_start3A_286] : memref<10240x128xf32, #tpu.memory_space<vmem_shared>> -> memref<128x128xf32, #tpu.memory_space<vmem_shared>>
        %dma_start3A_288 = arith.constant 0 : i32
        %dma_start3A_289 = tpu.memref_slice %arg10[%add3A_279, %dma_start3A_288] : memref<10240x128xf32, #tpu.memory_space<vmem_shared>> -> memref<128x128xf32, #tpu.memory_space<vmem_shared>>
        %dma_start3A_290 = arith.constant 0 : i32
        %dma_start3A_291 = arith.constant 0 : i32
        %dma_start3A_292 = tpu.memref_slice %arg9[%run_scoped3A_280, %dma_start3A_290, %dma_start3A_291] : memref<2x128x128xf32, #tpu.memory_space<vmem>> -> memref<1x128x128xf32, #tpu.memory_space<vmem>>
        %dma_start3A_293 = tpu.memref_squeeze %dma_start3A_292 : memref<1x128x128xf32, #tpu.memory_space<vmem>> -> memref<128x128xf32, #tpu.memory_space<vmem>>
        tpu.enqueue_dma source(%dma_start3A_293 : memref<128x128xf32, #tpu.memory_space<vmem>>) target(%dma_start3A_289 : memref<128x128xf32, #tpu.memory_space<vmem_shared>>) target_semaphore(%run_scoped3A_281 : memref<!tpu.dma_semaphore, #tpu.memory_space<semaphore_mem>>)
        %dma_wait3A_294 = arith.constant 0 : i32
        %dma_wait3A_295 = arith.constant 0 : i32
        %dma_wait3A_296 = tpu.memref_slice %arg9[%run_scoped3A_280, %dma_wait3A_294, %dma_wait3A_295] : memref<2x128x128xf32, #tpu.memory_space<vmem>> -> memref<1x128x128xf32, #tpu.memory_space<vmem>>
        %dma_wait3A_297 = tpu.memref_squeeze %dma_wait3A_296 : memref<1x128x128xf32, #tpu.memory_space<vmem>> -> memref<128x128xf32, #tpu.memory_space<vmem>>
        %dma_wait3A_298 = arith.constant 0 : i32
        %dma_wait3A_299 = tpu.memref_slice %arg10[%add3A_279, %dma_wait3A_298] : memref<10240x128xf32, #tpu.memory_space<vmem_shared>> -> memref<128x128xf32, #tpu.memory_space<vmem_shared>>
        %dma_wait3A_300 = arith.constant 0 : i32
        %dma_wait3A_301 = tpu.memref_slice %arg10[%add3A_279, %dma_wait3A_300] : memref<10240x128xf32, #tpu.memory_space<vmem_shared>> -> memref<128x128xf32, #tpu.memory_space<vmem_shared>>
        %dma_wait3A_302 = arith.constant 0 : i32
        %dma_wait3A_303 = arith.constant 0 : i32
        %dma_wait3A_304 = tpu.memref_slice %arg9[%run_scoped3A_280, %dma_wait3A_302, %dma_wait3A_303] : memref<2x128x128xf32, #tpu.memory_space<vmem>> -> memref<1x128x128xf32, #tpu.memory_space<vmem>>
        %dma_wait3A_305 = tpu.memref_squeeze %dma_wait3A_304 : memref<1x128x128xf32, #tpu.memory_space<vmem>> -> memref<128x128xf32, #tpu.memory_space<vmem>>
        tpu.wait_dma2 semaphore(%run_scoped3A_281 : memref<!tpu.dma_semaphore, #tpu.memory_space<semaphore_mem>>) src(%dma_wait3A_305 : memref<128x128xf32, #tpu.memory_space<vmem>>) dst(%dma_wait3A_301 : memref<128x128xf32, #tpu.memory_space<vmem_shared>>)
        tpu.yield
      }) : () -> ()
    } else {
    }
    %barrier3A = arith.constant 0 : index
    tpu.barrier barrier_id(%barrier3A)
    %scan3A = arith.constant 0 : i32
    %scan3A_175 = arith.constant 0 : i32
    %scan3A_176 = arith.constant 13 : i32
    %scan3A_177 = arith.addi %scan3A_175, %scan3A_176 : i32
    %scan3A_178 = arith.constant 1 : i32
    scf.for %scan3A_250 = %scan3A_175 to %scan3A_177 step %scan3A_178  : i32 {
      %mul3A_251 = arith.constant 6 : i32
      %mul3A_252 = arith.muli %mul3A_251, %scan3A_250 : i32
      %add3A_253 = arith.constant 0 : i32
      %add3A_254 = arith.addi %mul3A_252, %add3A_253 : i32
      %dma_wait3A_255 = arith.constant 0 : i32
      %dma_wait3A_256 = arith.constant 0 : i32
      %dma_wait3A_257 = arith.constant 0 : i32
      %dma_wait3A_258 = tpu.memref_slice %arg5[%dma_wait3A_256, %dma_wait3A_257] : memref<6x128xi32, #tpu.memory_space<vmem>> -> memref<1x128xi32, #tpu.memory_space<vmem>>
      %dma_wait3A_259 = tpu.memref_squeeze %dma_wait3A_258 : memref<1x128xi32, #tpu.memory_space<vmem>> -> memref<128xi32, #tpu.memory_space<vmem>>
      %dma_wait3A_260 = arith.constant 0 : i32
      %dma_wait3A_261 = tpu.memref_slice %arg3[%dma_wait3A_255, %add3A, %dma_wait3A_260] : memref<2x32x10000xi32, #tpu.memory_space<hbm>> -> memref<1x1x128xi32, #tpu.memory_space<hbm>>
      %dma_wait3A_262 = tpu.memref_squeeze %dma_wait3A_261 : memref<1x1x128xi32, #tpu.memory_space<hbm>> -> memref<128xi32, #tpu.memory_space<hbm>>
      %dma_wait3A_263 = arith.constant 0 : i32
      %dma_wait3A_264 = tpu.memref_slice %arg5[%dma_wait3A_256, %dma_wait3A_263] : memref<6x128xi32, #tpu.memory_space<vmem>> -> memref<1x128xi32, #tpu.memory_space<vmem>>
      %dma_wait3A_265 = tpu.memref_squeeze %dma_wait3A_264 : memref<1x128xi32, #tpu.memory_space<vmem>> -> memref<128xi32, #tpu.memory_space<vmem>>
      %dma_wait3A_266 = arith.constant 0 : i32
      %dma_wait3A_267 = tpu.memref_slice %arg3[%dma_wait3A_255, %add3A, %dma_wait3A_266] : memref<2x32x10000xi32, #tpu.memory_space<hbm>> -> memref<1x1x128xi32, #tpu.memory_space<hbm>>
      %dma_wait3A_268 = tpu.memref_squeeze %dma_wait3A_267 : memref<1x1x128xi32, #tpu.memory_space<hbm>> -> memref<128xi32, #tpu.memory_space<hbm>>
      tpu.wait_dma2 semaphore(%arg11 : memref<!tpu.dma_semaphore, #tpu.memory_space<semaphore_mem>>) src(%dma_wait3A_268 : memref<128xi32, #tpu.memory_space<hbm>>) dst(%dma_wait3A_265 : memref<128xi32, #tpu.memory_space<vmem>>)
      %dma_wait3A_269 = arith.constant 1 : i32
      %dma_wait3A_270 = arith.constant 0 : i32
      %dma_wait3A_271 = arith.constant 0 : i32
      %dma_wait3A_272 = tpu.memref_slice %arg6[%dma_wait3A_270, %dma_wait3A_271] : memref<6x128xi32, #tpu.memory_space<vmem>> -> memref<1x128xi32, #tpu.memory_space<vmem>>
      %dma_wait3A_273 = tpu.memref_squeeze %dma_wait3A_272 : memref<1x128xi32, #tpu.memory_space<vmem>> -> memref<128xi32, #tpu.memory_space<vmem>>
      %dma_wait3A_274 = arith.constant 0 : i32
      %dma_wait3A_275 = tpu.memref_slice %arg3[%dma_wait3A_269, %add3A, %dma_wait3A_274] : memref<2x32x10000xi32, #tpu.memory_space<hbm>> -> memref<1x1x128xi32, #tpu.memory_space<hbm>>
      %dma_wait3A_276 = tpu.memref_squeeze %dma_wait3A_275 : memref<1x1x128xi32, #tpu.memory_space<hbm>> -> memref<128xi32, #tpu.memory_space<hbm>>
      %dma_wait3A_277 = arith.constant 0 : i32
      %dma_wait3A_278 = tpu.memref_slice %arg6[%dma_wait3A_270, %dma_wait3A_277] : memref<6x128xi32, #tpu.memory_space<vmem>> -> memref<1x128xi32, #tpu.memory_space<vmem>>
      %dma_wait3A_279 = tpu.memref_squeeze %dma_wait3A_278 : memref<1x128xi32, #tpu.memory_space<vmem>> -> memref<128xi32, #tpu.memory_space<vmem>>
      %dma_wait3A_280 = arith.constant 0 : i32
      %dma_wait3A_281 = tpu.memref_slice %arg3[%dma_wait3A_269, %add3A, %dma_wait3A_280] : memref<2x32x10000xi32, #tpu.memory_space<hbm>> -> memref<1x1x128xi32, #tpu.memory_space<hbm>>
      %dma_wait3A_282 = tpu.memref_squeeze %dma_wait3A_281 : memref<1x1x128xi32, #tpu.memory_space<hbm>> -> memref<128xi32, #tpu.memory_space<hbm>>
      tpu.wait_dma2 semaphore(%arg17 : memref<!tpu.dma_semaphore, #tpu.memory_space<semaphore_mem>>) src(%dma_wait3A_282 : memref<128xi32, #tpu.memory_space<hbm>>) dst(%dma_wait3A_279 : memref<128xi32, #tpu.memory_space<vmem>>)
      %gt3A = arith.constant 0 : i32
      %gt3A_283 = arith.cmpi sgt, %scan3A_250, %gt3A : i32
      %convert_element_type3A_284 = arith.extui %gt3A_283 : i1 to i32
      %cond3A_285 = arith.constant 0 : i32
      %cond3A_286 = arith.cmpi ne, %convert_element_type3A_284, %cond3A_285 : i32
      scf.if %cond3A_286 {
        %dma_wait3A_755 = arith.constant 0 : i32
        %dma_wait3A_756 = arith.constant 4 : i32
        %dma_wait3A_757 = arith.constant 0 : i32
        %dma_wait3A_758 = arith.constant 0 : i32
        %dma_wait3A_759 = tpu.memref_slice %arg9[%dma_wait3A_755, %dma_wait3A_757, %dma_wait3A_758] : memref<2x128x128xf32, #tpu.memory_space<vmem>> -> memref<1x128x128xf32, #tpu.memory_space<vmem>>
        %dma_wait3A_760 = tpu.memref_squeeze %dma_wait3A_759 : memref<1x128x128xf32, #tpu.memory_space<vmem>> -> memref<128x128xf32, #tpu.memory_space<vmem>>
        %dma_wait3A_761 = arith.constant 0 : i32
        %dma_wait3A_762 = tpu.memref_slice %arg6[%dma_wait3A_756, %dma_wait3A_761] : memref<6x128xi32, #tpu.memory_space<vmem>> -> memref<1x128xi32, #tpu.memory_space<vmem>>
        %dma_wait3A_763 = tpu.memref_squeeze %dma_wait3A_762 : memref<1x128xi32, #tpu.memory_space<vmem>> -> memref<128xi32, #tpu.memory_space<vmem>>
        %dma_wait3A_764 = arith.constant 0 : i32
        %dma_wait3A_765 = arith.constant 0 : i32
        %dma_wait3A_766 = tpu.memref_slice %arg10[%dma_wait3A_764, %dma_wait3A_765] : memref<10240x128xf32, #tpu.memory_space<vmem_shared>> -> memref<10240x128xf32, #tpu.memory_space<vmem_shared>>
        tpu.wait_indirect_dma semaphore(%arg25 : memref<!tpu.dma_semaphore, #tpu.memory_space<semaphore_mem>>) src(%dma_wait3A_760 : memref<128x128xf32, #tpu.memory_space<vmem>>) dst(%dma_wait3A_766 : memref<10240x128xf32, #tpu.memory_space<vmem_shared>>)
      } else {
      }
      %dma_start3A_287 = arith.constant 0 : i32
      %dma_start3A_288 = arith.constant 0 : i32
      %dma_start3A_289 = arith.constant 0 : i32
      %dma_start3A_290 = arith.constant 0 : i32
      %dma_start3A_291 = tpu.memref_slice %arg9[%dma_start3A_288, %dma_start3A_289, %dma_start3A_290] : memref<2x128x128xf32, #tpu.memory_space<vmem>> -> memref<1x128x128xf32, #tpu.memory_space<vmem>>
      %dma_start3A_292 = tpu.memref_squeeze %dma_start3A_291 : memref<1x128x128xf32, #tpu.memory_space<vmem>> -> memref<128x128xf32, #tpu.memory_space<vmem>>
      %dma_start3A_293 = arith.constant 0 : i32
      %dma_start3A_294 = tpu.memref_slice %arg5[%dma_start3A_287, %dma_start3A_293] : memref<6x128xi32, #tpu.memory_space<vmem>> -> memref<1x128xi32, #tpu.memory_space<vmem>>
      %dma_start3A_295 = tpu.memref_squeeze %dma_start3A_294 : memref<1x128xi32, #tpu.memory_space<vmem>> -> memref<128xi32, #tpu.memory_space<vmem>>
      %dma_start3A_296 = arith.constant 0 : i32
      %dma_start3A_297 = arith.constant 0 : i32
      %dma_start3A_298 = tpu.memref_slice %arg2[%dma_start3A_296, %dma_start3A_297] : memref<10000x128xf32, #tpu.memory_space<hbm>> -> memref<10000x128xf32, #tpu.memory_space<hbm>>
      tpu.enqueue_indirect_dma source(%dma_start3A_298 : memref<10000x128xf32, #tpu.memory_space<hbm>>) target(%dma_start3A_292 : memref<128x128xf32, #tpu.memory_space<vmem>>) offsets(%dma_start3A_295 : memref<128xi32, #tpu.memory_space<vmem>>) semaphore(%arg23 : memref<!tpu.dma_semaphore, #tpu.memory_space<semaphore_mem>>)
      %gt3A_299 = arith.constant 0 : i32
      %gt3A_300 = arith.cmpi sgt, %scan3A_250, %gt3A_299 : i32
      %convert_element_type3A_301 = arith.extui %gt3A_300 : i1 to i32
      %cond3A_302 = arith.constant 0 : i32
      %cond3A_303 = arith.cmpi ne, %convert_element_type3A_301, %cond3A_302 : i32
      scf.if %cond3A_303 {
        %dma_wait3A_755 = arith.constant 5 : i32
        %dma_wait3A_756 = arith.constant 1 : i32
        %dma_wait3A_757 = arith.constant 0 : i32
        %dma_wait3A_758 = arith.constant 0 : i32
        %dma_wait3A_759 = tpu.memref_slice %arg9[%dma_wait3A_756, %dma_wait3A_757, %dma_wait3A_758] : memref<2x128x128xf32, #tpu.memory_space<vmem>> -> memref<1x128x128xf32, #tpu.memory_space<vmem>>
        %dma_wait3A_760 = tpu.memref_squeeze %dma_wait3A_759 : memref<1x128x128xf32, #tpu.memory_space<vmem>> -> memref<128x128xf32, #tpu.memory_space<vmem>>
        %dma_wait3A_761 = arith.constant 0 : i32
        %dma_wait3A_762 = tpu.memref_slice %arg5[%dma_wait3A_755, %dma_wait3A_761] : memref<6x128xi32, #tpu.memory_space<vmem>> -> memref<1x128xi32, #tpu.memory_space<vmem>>
        %dma_wait3A_763 = tpu.memref_squeeze %dma_wait3A_762 : memref<1x128xi32, #tpu.memory_space<vmem>> -> memref<128xi32, #tpu.memory_space<vmem>>
        %dma_wait3A_764 = arith.constant 0 : i32
        %dma_wait3A_765 = arith.constant 0 : i32
        %dma_wait3A_766 = tpu.memref_slice %arg2[%dma_wait3A_764, %dma_wait3A_765] : memref<10000x128xf32, #tpu.memory_space<hbm>> -> memref<10000x128xf32, #tpu.memory_space<hbm>>
        tpu.wait_indirect_dma semaphore(%arg24 : memref<!tpu.dma_semaphore, #tpu.memory_space<semaphore_mem>>) src(%dma_wait3A_766 : memref<10000x128xf32, #tpu.memory_space<hbm>>) dst(%dma_wait3A_760 : memref<128x128xf32, #tpu.memory_space<vmem>>)
        %dma_start3A_767 = arith.constant 1 : i32
        %dma_start3A_768 = arith.constant 5 : i32
        %dma_start3A_769 = arith.constant 0 : i32
        %dma_start3A_770 = arith.constant 0 : i32
        %dma_start3A_771 = tpu.memref_slice %arg9[%dma_start3A_767, %dma_start3A_769, %dma_start3A_770] : memref<2x128x128xf32, #tpu.memory_space<vmem>> -> memref<1x128x128xf32, #tpu.memory_space<vmem>>
        %dma_start3A_772 = tpu.memref_squeeze %dma_start3A_771 : memref<1x128x128xf32, #tpu.memory_space<vmem>> -> memref<128x128xf32, #tpu.memory_space<vmem>>
        %dma_start3A_773 = arith.constant 0 : i32
        %dma_start3A_774 = tpu.memref_slice %arg6[%dma_start3A_768, %dma_start3A_773] : memref<6x128xi32, #tpu.memory_space<vmem>> -> memref<1x128xi32, #tpu.memory_space<vmem>>
        %dma_start3A_775 = tpu.memref_squeeze %dma_start3A_774 : memref<1x128xi32, #tpu.memory_space<vmem>> -> memref<128xi32, #tpu.memory_space<vmem>>
        %dma_start3A_776 = arith.constant 0 : i32
        %dma_start3A_777 = arith.constant 0 : i32
        %dma_start3A_778 = tpu.memref_slice %arg10[%dma_start3A_776, %dma_start3A_777] : memref<10240x128xf32, #tpu.memory_space<vmem_shared>> -> memref<10240x128xf32, #tpu.memory_space<vmem_shared>>
        tpu.enqueue_indirect_dma source(%dma_start3A_772 : memref<128x128xf32, #tpu.memory_space<vmem>>) target(%dma_start3A_778 : memref<10240x128xf32, #tpu.memory_space<vmem_shared>>) offsets(%dma_start3A_775 : memref<128xi32, #tpu.memory_space<vmem>>) semaphore(%arg26 : memref<!tpu.dma_semaphore, #tpu.memory_space<semaphore_mem>>) {add = true}
      } else {
      }
      %ge3A = arith.constant 2 : i32
      %ge3A_304 = arith.cmpi sge, %add3A_254, %ge3A : i32
      %add3A_305 = arith.constant 6 : i32
      %add3A_306 = arith.addi %add3A_254, %add3A_305 : i32
      %sub3A = arith.constant 2 : i32
      %sub3A_307 = arith.subi %add3A_306, %sub3A : i32
      %lt3A = arith.constant 78 : i32
      %lt3A_308 = arith.cmpi slt, %sub3A_307, %lt3A : i32
      %and3A = arith.andi %ge3A_304, %lt3A_308 : i1
      %convert_element_type3A_309 = arith.extui %and3A : i1 to i32
      %cond3A_310 = arith.constant 0 : i32
      %cond3A_311 = arith.cmpi ne, %convert_element_type3A_309, %cond3A_310 : i32
      scf.if %cond3A_311 {
        %add3A_755 = arith.constant 6 : i32
        %add3A_756 = arith.addi %add3A_254, %add3A_755 : i32
        %sub3A_757 = arith.constant 2 : i32
        %sub3A_758 = arith.subi %add3A_756, %sub3A_757 : i32
        %mul3A_759 = arith.constant 128 : i32
        %mul3A_760 = arith.muli %sub3A_758, %mul3A_759 : i32
        %dma_start3A_761 = arith.constant 0 : i32
        %dma_start3A_762 = arith.constant 4 : i32
        %dma_start3A_763 = arith.constant 0 : i32
        %dma_start3A_764 = tpu.memref_slice %arg5[%dma_start3A_762, %dma_start3A_763] : memref<6x128xi32, #tpu.memory_space<vmem>> -> memref<1x128xi32, #tpu.memory_space<vmem>>
        %dma_start3A_765 = tpu.memref_squeeze %dma_start3A_764 : memref<1x128xi32, #tpu.memory_space<vmem>> -> memref<128xi32, #tpu.memory_space<vmem>>
        %dma_start3A_766 = tpu.memref_slice %arg3[%dma_start3A_761, %add3A, %mul3A_760] : memref<2x32x10000xi32, #tpu.memory_space<hbm>> -> memref<1x1x128xi32, #tpu.memory_space<hbm>>
        %dma_start3A_767 = tpu.memref_squeeze %dma_start3A_766 : memref<1x1x128xi32, #tpu.memory_space<hbm>> -> memref<128xi32, #tpu.memory_space<hbm>>
        %dma_start3A_768 = arith.constant 0 : i32
        %dma_start3A_769 = tpu.memref_slice %arg5[%dma_start3A_762, %dma_start3A_768] : memref<6x128xi32, #tpu.memory_space<vmem>> -> memref<1x128xi32, #tpu.memory_space<vmem>>
        %dma_start3A_770 = tpu.memref_squeeze %dma_start3A_769 : memref<1x128xi32, #tpu.memory_space<vmem>> -> memref<128xi32, #tpu.memory_space<vmem>>
        %dma_start3A_771 = tpu.memref_slice %arg3[%dma_start3A_761, %add3A, %mul3A_760] : memref<2x32x10000xi32, #tpu.memory_space<hbm>> -> memref<1x1x128xi32, #tpu.memory_space<hbm>>
        %dma_start3A_772 = tpu.memref_squeeze %dma_start3A_771 : memref<1x1x128xi32, #tpu.memory_space<hbm>> -> memref<128xi32, #tpu.memory_space<hbm>>
        tpu.enqueue_dma source(%dma_start3A_772 : memref<128xi32, #tpu.memory_space<hbm>>) target(%dma_start3A_770 : memref<128xi32, #tpu.memory_space<vmem>>) target_semaphore(%arg15 : memref<!tpu.dma_semaphore, #tpu.memory_space<semaphore_mem>>)
        %add3A_773 = arith.constant 6 : i32
        %add3A_774 = arith.addi %add3A_254, %add3A_773 : i32
        %sub3A_775 = arith.constant 2 : i32
        %sub3A_776 = arith.subi %add3A_774, %sub3A_775 : i32
        %mul3A_777 = arith.constant 128 : i32
        %mul3A_778 = arith.muli %sub3A_776, %mul3A_777 : i32
        %dma_start3A_779 = arith.constant 1 : i32
        %dma_start3A_780 = arith.constant 4 : i32
        %dma_start3A_781 = arith.constant 0 : i32
        %dma_start3A_782 = tpu.memref_slice %arg6[%dma_start3A_780, %dma_start3A_781] : memref<6x128xi32, #tpu.memory_space<vmem>> -> memref<1x128xi32, #tpu.memory_space<vmem>>
        %dma_start3A_783 = tpu.memref_squeeze %dma_start3A_782 : memref<1x128xi32, #tpu.memory_space<vmem>> -> memref<128xi32, #tpu.memory_space<vmem>>
        %dma_start3A_784 = tpu.memref_slice %arg3[%dma_start3A_779, %add3A, %mul3A_778] : memref<2x32x10000xi32, #tpu.memory_space<hbm>> -> memref<1x1x128xi32, #tpu.memory_space<hbm>>
        %dma_start3A_785 = tpu.memref_squeeze %dma_start3A_784 : memref<1x1x128xi32, #tpu.memory_space<hbm>> -> memref<128xi32, #tpu.memory_space<hbm>>
        %dma_start3A_786 = arith.constant 0 : i32
        %dma_start3A_787 = tpu.memref_slice %arg6[%dma_start3A_780, %dma_start3A_786] : memref<6x128xi32, #tpu.memory_space<vmem>> -> memref<1x128xi32, #tpu.memory_space<vmem>>
        %dma_start3A_788 = tpu.memref_squeeze %dma_start3A_787 : memref<1x128xi32, #tpu.memory_space<vmem>> -> memref<128xi32, #tpu.memory_space<vmem>>
        %dma_start3A_789 = tpu.memref_slice %arg3[%dma_start3A_779, %add3A, %mul3A_778] : memref<2x32x10000xi32, #tpu.memory_space<hbm>> -> memref<1x1x128xi32, #tpu.memory_space<hbm>>
        %dma_start3A_790 = tpu.memref_squeeze %dma_start3A_789 : memref<1x1x128xi32, #tpu.memory_space<hbm>> -> memref<128xi32, #tpu.memory_space<hbm>>
        tpu.enqueue_dma source(%dma_start3A_790 : memref<128xi32, #tpu.memory_space<hbm>>) target(%dma_start3A_788 : memref<128xi32, #tpu.memory_space<vmem>>) target_semaphore(%arg21 : memref<!tpu.dma_semaphore, #tpu.memory_space<semaphore_mem>>)
      } else {
      }
      %add3A_312 = arith.constant 1 : i32
      %add3A_313 = arith.addi %mul3A_252, %add3A_312 : i32
      %dma_wait3A_314 = arith.constant 0 : i32
      %dma_wait3A_315 = arith.constant 1 : i32
      %dma_wait3A_316 = arith.constant 0 : i32
      %dma_wait3A_317 = tpu.memref_slice %arg5[%dma_wait3A_315, %dma_wait3A_316] : memref<6x128xi32, #tpu.memory_space<vmem>> -> memref<1x128xi32, #tpu.memory_space<vmem>>
      %dma_wait3A_318 = tpu.memref_squeeze %dma_wait3A_317 : memref<1x128xi32, #tpu.memory_space<vmem>> -> memref<128xi32, #tpu.memory_space<vmem>>
      %dma_wait3A_319 = arith.constant 0 : i32
      %dma_wait3A_320 = tpu.memref_slice %arg3[%dma_wait3A_314, %add3A, %dma_wait3A_319] : memref<2x32x10000xi32, #tpu.memory_space<hbm>> -> memref<1x1x128xi32, #tpu.memory_space<hbm>>
      %dma_wait3A_321 = tpu.memref_squeeze %dma_wait3A_320 : memref<1x1x128xi32, #tpu.memory_space<hbm>> -> memref<128xi32, #tpu.memory_space<hbm>>
      %dma_wait3A_322 = arith.constant 0 : i32
      %dma_wait3A_323 = tpu.memref_slice %arg5[%dma_wait3A_315, %dma_wait3A_322] : memref<6x128xi32, #tpu.memory_space<vmem>> -> memref<1x128xi32, #tpu.memory_space<vmem>>
      %dma_wait3A_324 = tpu.memref_squeeze %dma_wait3A_323 : memref<1x128xi32, #tpu.memory_space<vmem>> -> memref<128xi32, #tpu.memory_space<vmem>>
      %dma_wait3A_325 = arith.constant 0 : i32
      %dma_wait3A_326 = tpu.memref_slice %arg3[%dma_wait3A_314, %add3A, %dma_wait3A_325] : memref<2x32x10000xi32, #tpu.memory_space<hbm>> -> memref<1x1x128xi32, #tpu.memory_space<hbm>>
      %dma_wait3A_327 = tpu.memref_squeeze %dma_wait3A_326 : memref<1x1x128xi32, #tpu.memory_space<hbm>> -> memref<128xi32, #tpu.memory_space<hbm>>
      tpu.wait_dma2 semaphore(%arg12 : memref<!tpu.dma_semaphore, #tpu.memory_space<semaphore_mem>>) src(%dma_wait3A_327 : memref<128xi32, #tpu.memory_space<hbm>>) dst(%dma_wait3A_324 : memref<128xi32, #tpu.memory_space<vmem>>)
      %dma_wait3A_328 = arith.constant 1 : i32
      %dma_wait3A_329 = arith.constant 1 : i32
      %dma_wait3A_330 = arith.constant 0 : i32
      %dma_wait3A_331 = tpu.memref_slice %arg6[%dma_wait3A_329, %dma_wait3A_330] : memref<6x128xi32, #tpu.memory_space<vmem>> -> memref<1x128xi32, #tpu.memory_space<vmem>>
      %dma_wait3A_332 = tpu.memref_squeeze %dma_wait3A_331 : memref<1x128xi32, #tpu.memory_space<vmem>> -> memref<128xi32, #tpu.memory_space<vmem>>
      %dma_wait3A_333 = arith.constant 0 : i32
      %dma_wait3A_334 = tpu.memref_slice %arg3[%dma_wait3A_328, %add3A, %dma_wait3A_333] : memref<2x32x10000xi32, #tpu.memory_space<hbm>> -> memref<1x1x128xi32, #tpu.memory_space<hbm>>
      %dma_wait3A_335 = tpu.memref_squeeze %dma_wait3A_334 : memref<1x1x128xi32, #tpu.memory_space<hbm>> -> memref<128xi32, #tpu.memory_space<hbm>>
      %dma_wait3A_336 = arith.constant 0 : i32
      %dma_wait3A_337 = tpu.memref_slice %arg6[%dma_wait3A_329, %dma_wait3A_336] : memref<6x128xi32, #tpu.memory_space<vmem>> -> memref<1x128xi32, #tpu.memory_space<vmem>>
      %dma_wait3A_338 = tpu.memref_squeeze %dma_wait3A_337 : memref<1x128xi32, #tpu.memory_space<vmem>> -> memref<128xi32, #tpu.memory_space<vmem>>
      %dma_wait3A_339 = arith.constant 0 : i32
      %dma_wait3A_340 = tpu.memref_slice %arg3[%dma_wait3A_328, %add3A, %dma_wait3A_339] : memref<2x32x10000xi32, #tpu.memory_space<hbm>> -> memref<1x1x128xi32, #tpu.memory_space<hbm>>
      %dma_wait3A_341 = tpu.memref_squeeze %dma_wait3A_340 : memref<1x1x128xi32, #tpu.memory_space<hbm>> -> memref<128xi32, #tpu.memory_space<hbm>>
      tpu.wait_dma2 semaphore(%arg18 : memref<!tpu.dma_semaphore, #tpu.memory_space<semaphore_mem>>) src(%dma_wait3A_341 : memref<128xi32, #tpu.memory_space<hbm>>) dst(%dma_wait3A_338 : memref<128xi32, #tpu.memory_space<vmem>>)
      %gt3A_342 = arith.constant 0 : i32
      %gt3A_343 = arith.cmpi sgt, %scan3A_250, %gt3A_342 : i32
      %convert_element_type3A_344 = arith.extui %gt3A_343 : i1 to i32
      %cond3A_345 = arith.constant 0 : i32
      %cond3A_346 = arith.cmpi ne, %convert_element_type3A_344, %cond3A_345 : i32
      scf.if %cond3A_346 {
        %dma_wait3A_755 = arith.constant 1 : i32
        %dma_wait3A_756 = arith.constant 5 : i32
        %dma_wait3A_757 = arith.constant 0 : i32
        %dma_wait3A_758 = arith.constant 0 : i32
        %dma_wait3A_759 = tpu.memref_slice %arg9[%dma_wait3A_755, %dma_wait3A_757, %dma_wait3A_758] : memref<2x128x128xf32, #tpu.memory_space<vmem>> -> memref<1x128x128xf32, #tpu.memory_space<vmem>>
        %dma_wait3A_760 = tpu.memref_squeeze %dma_wait3A_759 : memref<1x128x128xf32, #tpu.memory_space<vmem>> -> memref<128x128xf32, #tpu.memory_space<vmem>>
        %dma_wait3A_761 = arith.constant 0 : i32
        %dma_wait3A_762 = tpu.memref_slice %arg6[%dma_wait3A_756, %dma_wait3A_761] : memref<6x128xi32, #tpu.memory_space<vmem>> -> memref<1x128xi32, #tpu.memory_space<vmem>>
        %dma_wait3A_763 = tpu.memref_squeeze %dma_wait3A_762 : memref<1x128xi32, #tpu.memory_space<vmem>> -> memref<128xi32, #tpu.memory_space<vmem>>
        %dma_wait3A_764 = arith.constant 0 : i32
        %dma_wait3A_765 = arith.constant 0 : i32
        %dma_wait3A_766 = tpu.memref_slice %arg10[%dma_wait3A_764, %dma_wait3A_765] : memref<10240x128xf32, #tpu.memory_space<vmem_shared>> -> memref<10240x128xf32, #tpu.memory_space<vmem_shared>>
        tpu.wait_indirect_dma semaphore(%arg26 : memref<!tpu.dma_semaphore, #tpu.memory_space<semaphore_mem>>) src(%dma_wait3A_760 : memref<128x128xf32, #tpu.memory_space<vmem>>) dst(%dma_wait3A_766 : memref<10240x128xf32, #tpu.memory_space<vmem_shared>>)
      } else {
      }
      %dma_start3A_347 = arith.constant 1 : i32
      %dma_start3A_348 = arith.constant 1 : i32
      %dma_start3A_349 = arith.constant 0 : i32
      %dma_start3A_350 = arith.constant 0 : i32
      %dma_start3A_351 = tpu.memref_slice %arg9[%dma_start3A_348, %dma_start3A_349, %dma_start3A_350] : memref<2x128x128xf32, #tpu.memory_space<vmem>> -> memref<1x128x128xf32, #tpu.memory_space<vmem>>
      %dma_start3A_352 = tpu.memref_squeeze %dma_start3A_351 : memref<1x128x128xf32, #tpu.memory_space<vmem>> -> memref<128x128xf32, #tpu.memory_space<vmem>>
      %dma_start3A_353 = arith.constant 0 : i32
      %dma_start3A_354 = tpu.memref_slice %arg5[%dma_start3A_347, %dma_start3A_353] : memref<6x128xi32, #tpu.memory_space<vmem>> -> memref<1x128xi32, #tpu.memory_space<vmem>>
      %dma_start3A_355 = tpu.memref_squeeze %dma_start3A_354 : memref<1x128xi32, #tpu.memory_space<vmem>> -> memref<128xi32, #tpu.memory_space<vmem>>
      %dma_start3A_356 = arith.constant 0 : i32
      %dma_start3A_357 = arith.constant 0 : i32
      %dma_start3A_358 = tpu.memref_slice %arg2[%dma_start3A_356, %dma_start3A_357] : memref<10000x128xf32, #tpu.memory_space<hbm>> -> memref<10000x128xf32, #tpu.memory_space<hbm>>
      tpu.enqueue_indirect_dma source(%dma_start3A_358 : memref<10000x128xf32, #tpu.memory_space<hbm>>) target(%dma_start3A_352 : memref<128x128xf32, #tpu.memory_space<vmem>>) offsets(%dma_start3A_355 : memref<128xi32, #tpu.memory_space<vmem>>) semaphore(%arg24 : memref<!tpu.dma_semaphore, #tpu.memory_space<semaphore_mem>>)
      %dma_wait3A_359 = arith.constant 0 : i32
      %dma_wait3A_360 = arith.constant 0 : i32
      %dma_wait3A_361 = arith.constant 0 : i32
      %dma_wait3A_362 = arith.constant 0 : i32
      %dma_wait3A_363 = tpu.memref_slice %arg9[%dma_wait3A_360, %dma_wait3A_361, %dma_wait3A_362] : memref<2x128x128xf32, #tpu.memory_space<vmem>> -> memref<1x128x128xf32, #tpu.memory_space<vmem>>
      %dma_wait3A_364 = tpu.memref_squeeze %dma_wait3A_363 : memref<1x128x128xf32, #tpu.memory_space<vmem>> -> memref<128x128xf32, #tpu.memory_space<vmem>>
      %dma_wait3A_365 = arith.constant 0 : i32
      %dma_wait3A_366 = tpu.memref_slice %arg5[%dma_wait3A_359, %dma_wait3A_365] : memref<6x128xi32, #tpu.memory_space<vmem>> -> memref<1x128xi32, #tpu.memory_space<vmem>>
      %dma_wait3A_367 = tpu.memref_squeeze %dma_wait3A_366 : memref<1x128xi32, #tpu.memory_space<vmem>> -> memref<128xi32, #tpu.memory_space<vmem>>
      %dma_wait3A_368 = arith.constant 0 : i32
      %dma_wait3A_369 = arith.constant 0 : i32
      %dma_wait3A_370 = tpu.memref_slice %arg2[%dma_wait3A_368, %dma_wait3A_369] : memref<10000x128xf32, #tpu.memory_space<hbm>> -> memref<10000x128xf32, #tpu.memory_space<hbm>>
      tpu.wait_indirect_dma semaphore(%arg23 : memref<!tpu.dma_semaphore, #tpu.memory_space<semaphore_mem>>) src(%dma_wait3A_370 : memref<10000x128xf32, #tpu.memory_space<hbm>>) dst(%dma_wait3A_364 : memref<128x128xf32, #tpu.memory_space<vmem>>)
      %dma_start3A_371 = arith.constant 0 : i32
      %dma_start3A_372 = arith.constant 0 : i32
      %dma_start3A_373 = arith.constant 0 : i32
      %dma_start3A_374 = arith.constant 0 : i32
      %dma_start3A_375 = tpu.memref_slice %arg9[%dma_start3A_371, %dma_start3A_373, %dma_start3A_374] : memref<2x128x128xf32, #tpu.memory_space<vmem>> -> memref<1x128x128xf32, #tpu.memory_space<vmem>>
      %dma_start3A_376 = tpu.memref_squeeze %dma_start3A_375 : memref<1x128x128xf32, #tpu.memory_space<vmem>> -> memref<128x128xf32, #tpu.memory_space<vmem>>
      %dma_start3A_377 = arith.constant 0 : i32
      %dma_start3A_378 = tpu.memref_slice %arg6[%dma_start3A_372, %dma_start3A_377] : memref<6x128xi32, #tpu.memory_space<vmem>> -> memref<1x128xi32, #tpu.memory_space<vmem>>
      %dma_start3A_379 = tpu.memref_squeeze %dma_start3A_378 : memref<1x128xi32, #tpu.memory_space<vmem>> -> memref<128xi32, #tpu.memory_space<vmem>>
      %dma_start3A_380 = arith.constant 0 : i32
      %dma_start3A_381 = arith.constant 0 : i32
      %dma_start3A_382 = tpu.memref_slice %arg10[%dma_start3A_380, %dma_start3A_381] : memref<10240x128xf32, #tpu.memory_space<vmem_shared>> -> memref<10240x128xf32, #tpu.memory_space<vmem_shared>>
      tpu.enqueue_indirect_dma source(%dma_start3A_376 : memref<128x128xf32, #tpu.memory_space<vmem>>) target(%dma_start3A_382 : memref<10240x128xf32, #tpu.memory_space<vmem_shared>>) offsets(%dma_start3A_379 : memref<128xi32, #tpu.memory_space<vmem>>) semaphore(%arg25 : memref<!tpu.dma_semaphore, #tpu.memory_space<semaphore_mem>>) {add = true}
      %ge3A_383 = arith.constant 2 : i32
      %ge3A_384 = arith.cmpi sge, %add3A_313, %ge3A_383 : i32
      %add3A_385 = arith.constant 6 : i32
      %add3A_386 = arith.addi %add3A_313, %add3A_385 : i32
      %sub3A_387 = arith.constant 2 : i32
      %sub3A_388 = arith.subi %add3A_386, %sub3A_387 : i32
      %lt3A_389 = arith.constant 78 : i32
      %lt3A_390 = arith.cmpi slt, %sub3A_388, %lt3A_389 : i32
      %and3A_391 = arith.andi %ge3A_384, %lt3A_390 : i1
      %convert_element_type3A_392 = arith.extui %and3A_391 : i1 to i32
      %cond3A_393 = arith.constant 0 : i32
      %cond3A_394 = arith.cmpi ne, %convert_element_type3A_392, %cond3A_393 : i32
      scf.if %cond3A_394 {
        %add3A_755 = arith.constant 6 : i32
        %add3A_756 = arith.addi %add3A_313, %add3A_755 : i32
        %sub3A_757 = arith.constant 2 : i32
        %sub3A_758 = arith.subi %add3A_756, %sub3A_757 : i32
        %mul3A_759 = arith.constant 128 : i32
        %mul3A_760 = arith.muli %sub3A_758, %mul3A_759 : i32
        %dma_start3A_761 = arith.constant 0 : i32
        %dma_start3A_762 = arith.constant 5 : i32
        %dma_start3A_763 = arith.constant 0 : i32
        %dma_start3A_764 = tpu.memref_slice %arg5[%dma_start3A_762, %dma_start3A_763] : memref<6x128xi32, #tpu.memory_space<vmem>> -> memref<1x128xi32, #tpu.memory_space<vmem>>
        %dma_start3A_765 = tpu.memref_squeeze %dma_start3A_764 : memref<1x128xi32, #tpu.memory_space<vmem>> -> memref<128xi32, #tpu.memory_space<vmem>>
        %dma_start3A_766 = tpu.memref_slice %arg3[%dma_start3A_761, %add3A, %mul3A_760] : memref<2x32x10000xi32, #tpu.memory_space<hbm>> -> memref<1x1x128xi32, #tpu.memory_space<hbm>>
        %dma_start3A_767 = tpu.memref_squeeze %dma_start3A_766 : memref<1x1x128xi32, #tpu.memory_space<hbm>> -> memref<128xi32, #tpu.memory_space<hbm>>
        %dma_start3A_768 = arith.constant 0 : i32
        %dma_start3A_769 = tpu.memref_slice %arg5[%dma_start3A_762, %dma_start3A_768] : memref<6x128xi32, #tpu.memory_space<vmem>> -> memref<1x128xi32, #tpu.memory_space<vmem>>
        %dma_start3A_770 = tpu.memref_squeeze %dma_start3A_769 : memref<1x128xi32, #tpu.memory_space<vmem>> -> memref<128xi32, #tpu.memory_space<vmem>>
        %dma_start3A_771 = tpu.memref_slice %arg3[%dma_start3A_761, %add3A, %mul3A_760] : memref<2x32x10000xi32, #tpu.memory_space<hbm>> -> memref<1x1x128xi32, #tpu.memory_space<hbm>>
        %dma_start3A_772 = tpu.memref_squeeze %dma_start3A_771 : memref<1x1x128xi32, #tpu.memory_space<hbm>> -> memref<128xi32, #tpu.memory_space<hbm>>
        tpu.enqueue_dma source(%dma_start3A_772 : memref<128xi32, #tpu.memory_space<hbm>>) target(%dma_start3A_770 : memref<128xi32, #tpu.memory_space<vmem>>) target_semaphore(%arg16 : memref<!tpu.dma_semaphore, #tpu.memory_space<semaphore_mem>>)
        %add3A_773 = arith.constant 6 : i32
        %add3A_774 = arith.addi %add3A_313, %add3A_773 : i32
        %sub3A_775 = arith.constant 2 : i32
        %sub3A_776 = arith.subi %add3A_774, %sub3A_775 : i32
        %mul3A_777 = arith.constant 128 : i32
        %mul3A_778 = arith.muli %sub3A_776, %mul3A_777 : i32
        %dma_start3A_779 = arith.constant 1 : i32
        %dma_start3A_780 = arith.constant 5 : i32
        %dma_start3A_781 = arith.constant 0 : i32
        %dma_start3A_782 = tpu.memref_slice %arg6[%dma_start3A_780, %dma_start3A_781] : memref<6x128xi32, #tpu.memory_space<vmem>> -> memref<1x128xi32, #tpu.memory_space<vmem>>
        %dma_start3A_783 = tpu.memref_squeeze %dma_start3A_782 : memref<1x128xi32, #tpu.memory_space<vmem>> -> memref<128xi32, #tpu.memory_space<vmem>>
        %dma_start3A_784 = tpu.memref_slice %arg3[%dma_start3A_779, %add3A, %mul3A_778] : memref<2x32x10000xi32, #tpu.memory_space<hbm>> -> memref<1x1x128xi32, #tpu.memory_space<hbm>>
        %dma_start3A_785 = tpu.memref_squeeze %dma_start3A_784 : memref<1x1x128xi32, #tpu.memory_space<hbm>> -> memref<128xi32, #tpu.memory_space<hbm>>
        %dma_start3A_786 = arith.constant 0 : i32
        %dma_start3A_787 = tpu.memref_slice %arg6[%dma_start3A_780, %dma_start3A_786] : memref<6x128xi32, #tpu.memory_space<vmem>> -> memref<1x128xi32, #tpu.memory_space<vmem>>
        %dma_start3A_788 = tpu.memref_squeeze %dma_start3A_787 : memref<1x128xi32, #tpu.memory_space<vmem>> -> memref<128xi32, #tpu.memory_space<vmem>>
        %dma_start3A_789 = tpu.memref_slice %arg3[%dma_start3A_779, %add3A, %mul3A_778] : memref<2x32x10000xi32, #tpu.memory_space<hbm>> -> memref<1x1x128xi32, #tpu.memory_space<hbm>>
        %dma_start3A_790 = tpu.memref_squeeze %dma_start3A_789 : memref<1x1x128xi32, #tpu.memory_space<hbm>> -> memref<128xi32, #tpu.memory_space<hbm>>
        tpu.enqueue_dma source(%dma_start3A_790 : memref<128xi32, #tpu.memory_space<hbm>>) target(%dma_start3A_788 : memref<128xi32, #tpu.memory_space<vmem>>) target_semaphore(%arg22 : memref<!tpu.dma_semaphore, #tpu.memory_space<semaphore_mem>>)
      } else {
      }
      %add3A_395 = arith.constant 2 : i32
      %add3A_396 = arith.addi %mul3A_252, %add3A_395 : i32
      %dma_wait3A_397 = arith.constant 0 : i32
      %dma_wait3A_398 = arith.constant 2 : i32
      %dma_wait3A_399 = arith.constant 0 : i32
      %dma_wait3A_400 = tpu.memref_slice %arg5[%dma_wait3A_398, %dma_wait3A_399] : memref<6x128xi32, #tpu.memory_space<vmem>> -> memref<1x128xi32, #tpu.memory_space<vmem>>
      %dma_wait3A_401 = tpu.memref_squeeze %dma_wait3A_400 : memref<1x128xi32, #tpu.memory_space<vmem>> -> memref<128xi32, #tpu.memory_space<vmem>>
      %dma_wait3A_402 = arith.constant 0 : i32
      %dma_wait3A_403 = tpu.memref_slice %arg3[%dma_wait3A_397, %add3A, %dma_wait3A_402] : memref<2x32x10000xi32, #tpu.memory_space<hbm>> -> memref<1x1x128xi32, #tpu.memory_space<hbm>>
      %dma_wait3A_404 = tpu.memref_squeeze %dma_wait3A_403 : memref<1x1x128xi32, #tpu.memory_space<hbm>> -> memref<128xi32, #tpu.memory_space<hbm>>
      %dma_wait3A_405 = arith.constant 0 : i32
      %dma_wait3A_406 = tpu.memref_slice %arg5[%dma_wait3A_398, %dma_wait3A_405] : memref<6x128xi32, #tpu.memory_space<vmem>> -> memref<1x128xi32, #tpu.memory_space<vmem>>
      %dma_wait3A_407 = tpu.memref_squeeze %dma_wait3A_406 : memref<1x128xi32, #tpu.memory_space<vmem>> -> memref<128xi32, #tpu.memory_space<vmem>>
      %dma_wait3A_408 = arith.constant 0 : i32
      %dma_wait3A_409 = tpu.memref_slice %arg3[%dma_wait3A_397, %add3A, %dma_wait3A_408] : memref<2x32x10000xi32, #tpu.memory_space<hbm>> -> memref<1x1x128xi32, #tpu.memory_space<hbm>>
      %dma_wait3A_410 = tpu.memref_squeeze %dma_wait3A_409 : memref<1x1x128xi32, #tpu.memory_space<hbm>> -> memref<128xi32, #tpu.memory_space<hbm>>
      tpu.wait_dma2 semaphore(%arg13 : memref<!tpu.dma_semaphore, #tpu.memory_space<semaphore_mem>>) src(%dma_wait3A_410 : memref<128xi32, #tpu.memory_space<hbm>>) dst(%dma_wait3A_407 : memref<128xi32, #tpu.memory_space<vmem>>)
      %dma_wait3A_411 = arith.constant 1 : i32
      %dma_wait3A_412 = arith.constant 2 : i32
      %dma_wait3A_413 = arith.constant 0 : i32
      %dma_wait3A_414 = tpu.memref_slice %arg6[%dma_wait3A_412, %dma_wait3A_413] : memref<6x128xi32, #tpu.memory_space<vmem>> -> memref<1x128xi32, #tpu.memory_space<vmem>>
      %dma_wait3A_415 = tpu.memref_squeeze %dma_wait3A_414 : memref<1x128xi32, #tpu.memory_space<vmem>> -> memref<128xi32, #tpu.memory_space<vmem>>
      %dma_wait3A_416 = arith.constant 0 : i32
      %dma_wait3A_417 = tpu.memref_slice %arg3[%dma_wait3A_411, %add3A, %dma_wait3A_416] : memref<2x32x10000xi32, #tpu.memory_space<hbm>> -> memref<1x1x128xi32, #tpu.memory_space<hbm>>
      %dma_wait3A_418 = tpu.memref_squeeze %dma_wait3A_417 : memref<1x1x128xi32, #tpu.memory_space<hbm>> -> memref<128xi32, #tpu.memory_space<hbm>>
      %dma_wait3A_419 = arith.constant 0 : i32
      %dma_wait3A_420 = tpu.memref_slice %arg6[%dma_wait3A_412, %dma_wait3A_419] : memref<6x128xi32, #tpu.memory_space<vmem>> -> memref<1x128xi32, #tpu.memory_space<vmem>>
      %dma_wait3A_421 = tpu.memref_squeeze %dma_wait3A_420 : memref<1x128xi32, #tpu.memory_space<vmem>> -> memref<128xi32, #tpu.memory_space<vmem>>
      %dma_wait3A_422 = arith.constant 0 : i32
      %dma_wait3A_423 = tpu.memref_slice %arg3[%dma_wait3A_411, %add3A, %dma_wait3A_422] : memref<2x32x10000xi32, #tpu.memory_space<hbm>> -> memref<1x1x128xi32, #tpu.memory_space<hbm>>
      %dma_wait3A_424 = tpu.memref_squeeze %dma_wait3A_423 : memref<1x1x128xi32, #tpu.memory_space<hbm>> -> memref<128xi32, #tpu.memory_space<hbm>>
      tpu.wait_dma2 semaphore(%arg19 : memref<!tpu.dma_semaphore, #tpu.memory_space<semaphore_mem>>) src(%dma_wait3A_424 : memref<128xi32, #tpu.memory_space<hbm>>) dst(%dma_wait3A_421 : memref<128xi32, #tpu.memory_space<vmem>>)
      %dma_wait3A_425 = arith.constant 0 : i32
      %dma_wait3A_426 = arith.constant 0 : i32
      %dma_wait3A_427 = arith.constant 0 : i32
      %dma_wait3A_428 = arith.constant 0 : i32
      %dma_wait3A_429 = tpu.memref_slice %arg9[%dma_wait3A_425, %dma_wait3A_427, %dma_wait3A_428] : memref<2x128x128xf32, #tpu.memory_space<vmem>> -> memref<1x128x128xf32, #tpu.memory_space<vmem>>
      %dma_wait3A_430 = tpu.memref_squeeze %dma_wait3A_429 : memref<1x128x128xf32, #tpu.memory_space<vmem>> -> memref<128x128xf32, #tpu.memory_space<vmem>>
      %dma_wait3A_431 = arith.constant 0 : i32
      %dma_wait3A_432 = tpu.memref_slice %arg6[%dma_wait3A_426, %dma_wait3A_431] : memref<6x128xi32, #tpu.memory_space<vmem>> -> memref<1x128xi32, #tpu.memory_space<vmem>>
      %dma_wait3A_433 = tpu.memref_squeeze %dma_wait3A_432 : memref<1x128xi32, #tpu.memory_space<vmem>> -> memref<128xi32, #tpu.memory_space<vmem>>
      %dma_wait3A_434 = arith.constant 0 : i32
      %dma_wait3A_435 = arith.constant 0 : i32
      %dma_wait3A_436 = tpu.memref_slice %arg10[%dma_wait3A_434, %dma_wait3A_435] : memref<10240x128xf32, #tpu.memory_space<vmem_shared>> -> memref<10240x128xf32, #tpu.memory_space<vmem_shared>>
      tpu.wait_indirect_dma semaphore(%arg25 : memref<!tpu.dma_semaphore, #tpu.memory_space<semaphore_mem>>) src(%dma_wait3A_430 : memref<128x128xf32, #tpu.memory_space<vmem>>) dst(%dma_wait3A_436 : memref<10240x128xf32, #tpu.memory_space<vmem_shared>>)
      %dma_start3A_437 = arith.constant 2 : i32
      %dma_start3A_438 = arith.constant 0 : i32
      %dma_start3A_439 = arith.constant 0 : i32
      %dma_start3A_440 = arith.constant 0 : i32
      %dma_start3A_441 = tpu.memref_slice %arg9[%dma_start3A_438, %dma_start3A_439, %dma_start3A_440] : memref<2x128x128xf32, #tpu.memory_space<vmem>> -> memref<1x128x128xf32, #tpu.memory_space<vmem>>
      %dma_start3A_442 = tpu.memref_squeeze %dma_start3A_441 : memref<1x128x128xf32, #tpu.memory_space<vmem>> -> memref<128x128xf32, #tpu.memory_space<vmem>>
      %dma_start3A_443 = arith.constant 0 : i32
      %dma_start3A_444 = tpu.memref_slice %arg5[%dma_start3A_437, %dma_start3A_443] : memref<6x128xi32, #tpu.memory_space<vmem>> -> memref<1x128xi32, #tpu.memory_space<vmem>>
      %dma_start3A_445 = tpu.memref_squeeze %dma_start3A_444 : memref<1x128xi32, #tpu.memory_space<vmem>> -> memref<128xi32, #tpu.memory_space<vmem>>
      %dma_start3A_446 = arith.constant 0 : i32
      %dma_start3A_447 = arith.constant 0 : i32
      %dma_start3A_448 = tpu.memref_slice %arg2[%dma_start3A_446, %dma_start3A_447] : memref<10000x128xf32, #tpu.memory_space<hbm>> -> memref<10000x128xf32, #tpu.memory_space<hbm>>
      tpu.enqueue_indirect_dma source(%dma_start3A_448 : memref<10000x128xf32, #tpu.memory_space<hbm>>) target(%dma_start3A_442 : memref<128x128xf32, #tpu.memory_space<vmem>>) offsets(%dma_start3A_445 : memref<128xi32, #tpu.memory_space<vmem>>) semaphore(%arg23 : memref<!tpu.dma_semaphore, #tpu.memory_space<semaphore_mem>>)
      %dma_wait3A_449 = arith.constant 1 : i32
      %dma_wait3A_450 = arith.constant 1 : i32
      %dma_wait3A_451 = arith.constant 0 : i32
      %dma_wait3A_452 = arith.constant 0 : i32
      %dma_wait3A_453 = tpu.memref_slice %arg9[%dma_wait3A_450, %dma_wait3A_451, %dma_wait3A_452] : memref<2x128x128xf32, #tpu.memory_space<vmem>> -> memref<1x128x128xf32, #tpu.memory_space<vmem>>
      %dma_wait3A_454 = tpu.memref_squeeze %dma_wait3A_453 : memref<1x128x128xf32, #tpu.memory_space<vmem>> -> memref<128x128xf32, #tpu.memory_space<vmem>>
      %dma_wait3A_455 = arith.constant 0 : i32
      %dma_wait3A_456 = tpu.memref_slice %arg5[%dma_wait3A_449, %dma_wait3A_455] : memref<6x128xi32, #tpu.memory_space<vmem>> -> memref<1x128xi32, #tpu.memory_space<vmem>>
      %dma_wait3A_457 = tpu.memref_squeeze %dma_wait3A_456 : memref<1x128xi32, #tpu.memory_space<vmem>> -> memref<128xi32, #tpu.memory_space<vmem>>
      %dma_wait3A_458 = arith.constant 0 : i32
      %dma_wait3A_459 = arith.constant 0 : i32
      %dma_wait3A_460 = tpu.memref_slice %arg2[%dma_wait3A_458, %dma_wait3A_459] : memref<10000x128xf32, #tpu.memory_space<hbm>> -> memref<10000x128xf32, #tpu.memory_space<hbm>>
      tpu.wait_indirect_dma semaphore(%arg24 : memref<!tpu.dma_semaphore, #tpu.memory_space<semaphore_mem>>) src(%dma_wait3A_460 : memref<10000x128xf32, #tpu.memory_space<hbm>>) dst(%dma_wait3A_454 : memref<128x128xf32, #tpu.memory_space<vmem>>)
      %dma_start3A_461 = arith.constant 1 : i32
      %dma_start3A_462 = arith.constant 1 : i32
      %dma_start3A_463 = arith.constant 0 : i32
      %dma_start3A_464 = arith.constant 0 : i32
      %dma_start3A_465 = tpu.memref_slice %arg9[%dma_start3A_461, %dma_start3A_463, %dma_start3A_464] : memref<2x128x128xf32, #tpu.memory_space<vmem>> -> memref<1x128x128xf32, #tpu.memory_space<vmem>>
      %dma_start3A_466 = tpu.memref_squeeze %dma_start3A_465 : memref<1x128x128xf32, #tpu.memory_space<vmem>> -> memref<128x128xf32, #tpu.memory_space<vmem>>
      %dma_start3A_467 = arith.constant 0 : i32
      %dma_start3A_468 = tpu.memref_slice %arg6[%dma_start3A_462, %dma_start3A_467] : memref<6x128xi32, #tpu.memory_space<vmem>> -> memref<1x128xi32, #tpu.memory_space<vmem>>
      %dma_start3A_469 = tpu.memref_squeeze %dma_start3A_468 : memref<1x128xi32, #tpu.memory_space<vmem>> -> memref<128xi32, #tpu.memory_space<vmem>>
      %dma_start3A_470 = arith.constant 0 : i32
      %dma_start3A_471 = arith.constant 0 : i32
      %dma_start3A_472 = tpu.memref_slice %arg10[%dma_start3A_470, %dma_start3A_471] : memref<10240x128xf32, #tpu.memory_space<vmem_shared>> -> memref<10240x128xf32, #tpu.memory_space<vmem_shared>>
      tpu.enqueue_indirect_dma source(%dma_start3A_466 : memref<128x128xf32, #tpu.memory_space<vmem>>) target(%dma_start3A_472 : memref<10240x128xf32, #tpu.memory_space<vmem_shared>>) offsets(%dma_start3A_469 : memref<128xi32, #tpu.memory_space<vmem>>) semaphore(%arg26 : memref<!tpu.dma_semaphore, #tpu.memory_space<semaphore_mem>>) {add = true}
      %ge3A_473 = arith.constant 2 : i32
      %ge3A_474 = arith.cmpi sge, %add3A_396, %ge3A_473 : i32
      %add3A_475 = arith.constant 6 : i32
      %add3A_476 = arith.addi %add3A_396, %add3A_475 : i32
      %sub3A_477 = arith.constant 2 : i32
      %sub3A_478 = arith.subi %add3A_476, %sub3A_477 : i32
      %lt3A_479 = arith.constant 78 : i32
      %lt3A_480 = arith.cmpi slt, %sub3A_478, %lt3A_479 : i32
      %and3A_481 = arith.andi %ge3A_474, %lt3A_480 : i1
      %convert_element_type3A_482 = arith.extui %and3A_481 : i1 to i32
      %cond3A_483 = arith.constant 0 : i32
      %cond3A_484 = arith.cmpi ne, %convert_element_type3A_482, %cond3A_483 : i32
      scf.if %cond3A_484 {
        %add3A_755 = arith.constant 6 : i32
        %add3A_756 = arith.addi %add3A_396, %add3A_755 : i32
        %sub3A_757 = arith.constant 2 : i32
        %sub3A_758 = arith.subi %add3A_756, %sub3A_757 : i32
        %mul3A_759 = arith.constant 128 : i32
        %mul3A_760 = arith.muli %sub3A_758, %mul3A_759 : i32
        %dma_start3A_761 = arith.constant 0 : i32
        %dma_start3A_762 = arith.constant 0 : i32
        %dma_start3A_763 = arith.constant 0 : i32
        %dma_start3A_764 = tpu.memref_slice %arg5[%dma_start3A_762, %dma_start3A_763] : memref<6x128xi32, #tpu.memory_space<vmem>> -> memref<1x128xi32, #tpu.memory_space<vmem>>
        %dma_start3A_765 = tpu.memref_squeeze %dma_start3A_764 : memref<1x128xi32, #tpu.memory_space<vmem>> -> memref<128xi32, #tpu.memory_space<vmem>>
        %dma_start3A_766 = tpu.memref_slice %arg3[%dma_start3A_761, %add3A, %mul3A_760] : memref<2x32x10000xi32, #tpu.memory_space<hbm>> -> memref<1x1x128xi32, #tpu.memory_space<hbm>>
        %dma_start3A_767 = tpu.memref_squeeze %dma_start3A_766 : memref<1x1x128xi32, #tpu.memory_space<hbm>> -> memref<128xi32, #tpu.memory_space<hbm>>
        %dma_start3A_768 = arith.constant 0 : i32
        %dma_start3A_769 = tpu.memref_slice %arg5[%dma_start3A_762, %dma_start3A_768] : memref<6x128xi32, #tpu.memory_space<vmem>> -> memref<1x128xi32, #tpu.memory_space<vmem>>
        %dma_start3A_770 = tpu.memref_squeeze %dma_start3A_769 : memref<1x128xi32, #tpu.memory_space<vmem>> -> memref<128xi32, #tpu.memory_space<vmem>>
        %dma_start3A_771 = tpu.memref_slice %arg3[%dma_start3A_761, %add3A, %mul3A_760] : memref<2x32x10000xi32, #tpu.memory_space<hbm>> -> memref<1x1x128xi32, #tpu.memory_space<hbm>>
        %dma_start3A_772 = tpu.memref_squeeze %dma_start3A_771 : memref<1x1x128xi32, #tpu.memory_space<hbm>> -> memref<128xi32, #tpu.memory_space<hbm>>
        tpu.enqueue_dma source(%dma_start3A_772 : memref<128xi32, #tpu.memory_space<hbm>>) target(%dma_start3A_770 : memref<128xi32, #tpu.memory_space<vmem>>) target_semaphore(%arg11 : memref<!tpu.dma_semaphore, #tpu.memory_space<semaphore_mem>>)
        %add3A_773 = arith.constant 6 : i32
        %add3A_774 = arith.addi %add3A_396, %add3A_773 : i32
        %sub3A_775 = arith.constant 2 : i32
        %sub3A_776 = arith.subi %add3A_774, %sub3A_775 : i32
        %mul3A_777 = arith.constant 128 : i32
        %mul3A_778 = arith.muli %sub3A_776, %mul3A_777 : i32
        %dma_start3A_779 = arith.constant 1 : i32
        %dma_start3A_780 = arith.constant 0 : i32
        %dma_start3A_781 = arith.constant 0 : i32
        %dma_start3A_782 = tpu.memref_slice %arg6[%dma_start3A_780, %dma_start3A_781] : memref<6x128xi32, #tpu.memory_space<vmem>> -> memref<1x128xi32, #tpu.memory_space<vmem>>
        %dma_start3A_783 = tpu.memref_squeeze %dma_start3A_782 : memref<1x128xi32, #tpu.memory_space<vmem>> -> memref<128xi32, #tpu.memory_space<vmem>>
        %dma_start3A_784 = tpu.memref_slice %arg3[%dma_start3A_779, %add3A, %mul3A_778] : memref<2x32x10000xi32, #tpu.memory_space<hbm>> -> memref<1x1x128xi32, #tpu.memory_space<hbm>>
        %dma_start3A_785 = tpu.memref_squeeze %dma_start3A_784 : memref<1x1x128xi32, #tpu.memory_space<hbm>> -> memref<128xi32, #tpu.memory_space<hbm>>
        %dma_start3A_786 = arith.constant 0 : i32
        %dma_start3A_787 = tpu.memref_slice %arg6[%dma_start3A_780, %dma_start3A_786] : memref<6x128xi32, #tpu.memory_space<vmem>> -> memref<1x128xi32, #tpu.memory_space<vmem>>
        %dma_start3A_788 = tpu.memref_squeeze %dma_start3A_787 : memref<1x128xi32, #tpu.memory_space<vmem>> -> memref<128xi32, #tpu.memory_space<vmem>>
        %dma_start3A_789 = tpu.memref_slice %arg3[%dma_start3A_779, %add3A, %mul3A_778] : memref<2x32x10000xi32, #tpu.memory_space<hbm>> -> memref<1x1x128xi32, #tpu.memory_space<hbm>>
        %dma_start3A_790 = tpu.memref_squeeze %dma_start3A_789 : memref<1x1x128xi32, #tpu.memory_space<hbm>> -> memref<128xi32, #tpu.memory_space<hbm>>
        tpu.enqueue_dma source(%dma_start3A_790 : memref<128xi32, #tpu.memory_space<hbm>>) target(%dma_start3A_788 : memref<128xi32, #tpu.memory_space<vmem>>) target_semaphore(%arg17 : memref<!tpu.dma_semaphore, #tpu.memory_space<semaphore_mem>>)
      } else {
      }
      %add3A_485 = arith.constant 3 : i32
      %add3A_486 = arith.addi %mul3A_252, %add3A_485 : i32
      %dma_wait3A_487 = arith.constant 0 : i32
      %dma_wait3A_488 = arith.constant 3 : i32
      %dma_wait3A_489 = arith.constant 0 : i32
      %dma_wait3A_490 = tpu.memref_slice %arg5[%dma_wait3A_488, %dma_wait3A_489] : memref<6x128xi32, #tpu.memory_space<vmem>> -> memref<1x128xi32, #tpu.memory_space<vmem>>
      %dma_wait3A_491 = tpu.memref_squeeze %dma_wait3A_490 : memref<1x128xi32, #tpu.memory_space<vmem>> -> memref<128xi32, #tpu.memory_space<vmem>>
      %dma_wait3A_492 = arith.constant 0 : i32
      %dma_wait3A_493 = tpu.memref_slice %arg3[%dma_wait3A_487, %add3A, %dma_wait3A_492] : memref<2x32x10000xi32, #tpu.memory_space<hbm>> -> memref<1x1x128xi32, #tpu.memory_space<hbm>>
      %dma_wait3A_494 = tpu.memref_squeeze %dma_wait3A_493 : memref<1x1x128xi32, #tpu.memory_space<hbm>> -> memref<128xi32, #tpu.memory_space<hbm>>
      %dma_wait3A_495 = arith.constant 0 : i32
      %dma_wait3A_496 = tpu.memref_slice %arg5[%dma_wait3A_488, %dma_wait3A_495] : memref<6x128xi32, #tpu.memory_space<vmem>> -> memref<1x128xi32, #tpu.memory_space<vmem>>
      %dma_wait3A_497 = tpu.memref_squeeze %dma_wait3A_496 : memref<1x128xi32, #tpu.memory_space<vmem>> -> memref<128xi32, #tpu.memory_space<vmem>>
      %dma_wait3A_498 = arith.constant 0 : i32
      %dma_wait3A_499 = tpu.memref_slice %arg3[%dma_wait3A_487, %add3A, %dma_wait3A_498] : memref<2x32x10000xi32, #tpu.memory_space<hbm>> -> memref<1x1x128xi32, #tpu.memory_space<hbm>>
      %dma_wait3A_500 = tpu.memref_squeeze %dma_wait3A_499 : memref<1x1x128xi32, #tpu.memory_space<hbm>> -> memref<128xi32, #tpu.memory_space<hbm>>
      tpu.wait_dma2 semaphore(%arg14 : memref<!tpu.dma_semaphore, #tpu.memory_space<semaphore_mem>>) src(%dma_wait3A_500 : memref<128xi32, #tpu.memory_space<hbm>>) dst(%dma_wait3A_497 : memref<128xi32, #tpu.memory_space<vmem>>)
      %dma_wait3A_501 = arith.constant 1 : i32
      %dma_wait3A_502 = arith.constant 3 : i32
      %dma_wait3A_503 = arith.constant 0 : i32
      %dma_wait3A_504 = tpu.memref_slice %arg6[%dma_wait3A_502, %dma_wait3A_503] : memref<6x128xi32, #tpu.memory_space<vmem>> -> memref<1x128xi32, #tpu.memory_space<vmem>>
      %dma_wait3A_505 = tpu.memref_squeeze %dma_wait3A_504 : memref<1x128xi32, #tpu.memory_space<vmem>> -> memref<128xi32, #tpu.memory_space<vmem>>
      %dma_wait3A_506 = arith.constant 0 : i32
      %dma_wait3A_507 = tpu.memref_slice %arg3[%dma_wait3A_501, %add3A, %dma_wait3A_506] : memref<2x32x10000xi32, #tpu.memory_space<hbm>> -> memref<1x1x128xi32, #tpu.memory_space<hbm>>
      %dma_wait3A_508 = tpu.memref_squeeze %dma_wait3A_507 : memref<1x1x128xi32, #tpu.memory_space<hbm>> -> memref<128xi32, #tpu.memory_space<hbm>>
      %dma_wait3A_509 = arith.constant 0 : i32
      %dma_wait3A_510 = tpu.memref_slice %arg6[%dma_wait3A_502, %dma_wait3A_509] : memref<6x128xi32, #tpu.memory_space<vmem>> -> memref<1x128xi32, #tpu.memory_space<vmem>>
      %dma_wait3A_511 = tpu.memref_squeeze %dma_wait3A_510 : memref<1x128xi32, #tpu.memory_space<vmem>> -> memref<128xi32, #tpu.memory_space<vmem>>
      %dma_wait3A_512 = arith.constant 0 : i32
      %dma_wait3A_513 = tpu.memref_slice %arg3[%dma_wait3A_501, %add3A, %dma_wait3A_512] : memref<2x32x10000xi32, #tpu.memory_space<hbm>> -> memref<1x1x128xi32, #tpu.memory_space<hbm>>
      %dma_wait3A_514 = tpu.memref_squeeze %dma_wait3A_513 : memref<1x1x128xi32, #tpu.memory_space<hbm>> -> memref<128xi32, #tpu.memory_space<hbm>>
      tpu.wait_dma2 semaphore(%arg20 : memref<!tpu.dma_semaphore, #tpu.memory_space<semaphore_mem>>) src(%dma_wait3A_514 : memref<128xi32, #tpu.memory_space<hbm>>) dst(%dma_wait3A_511 : memref<128xi32, #tpu.memory_space<vmem>>)
      %dma_wait3A_515 = arith.constant 1 : i32
      %dma_wait3A_516 = arith.constant 1 : i32
      %dma_wait3A_517 = arith.constant 0 : i32
      %dma_wait3A_518 = arith.constant 0 : i32
      %dma_wait3A_519 = tpu.memref_slice %arg9[%dma_wait3A_515, %dma_wait3A_517, %dma_wait3A_518] : memref<2x128x128xf32, #tpu.memory_space<vmem>> -> memref<1x128x128xf32, #tpu.memory_space<vmem>>
      %dma_wait3A_520 = tpu.memref_squeeze %dma_wait3A_519 : memref<1x128x128xf32, #tpu.memory_space<vmem>> -> memref<128x128xf32, #tpu.memory_space<vmem>>
      %dma_wait3A_521 = arith.constant 0 : i32
      %dma_wait3A_522 = tpu.memref_slice %arg6[%dma_wait3A_516, %dma_wait3A_521] : memref<6x128xi32, #tpu.memory_space<vmem>> -> memref<1x128xi32, #tpu.memory_space<vmem>>
      %dma_wait3A_523 = tpu.memref_squeeze %dma_wait3A_522 : memref<1x128xi32, #tpu.memory_space<vmem>> -> memref<128xi32, #tpu.memory_space<vmem>>
      %dma_wait3A_524 = arith.constant 0 : i32
      %dma_wait3A_525 = arith.constant 0 : i32
      %dma_wait3A_526 = tpu.memref_slice %arg10[%dma_wait3A_524, %dma_wait3A_525] : memref<10240x128xf32, #tpu.memory_space<vmem_shared>> -> memref<10240x128xf32, #tpu.memory_space<vmem_shared>>
      tpu.wait_indirect_dma semaphore(%arg26 : memref<!tpu.dma_semaphore, #tpu.memory_space<semaphore_mem>>) src(%dma_wait3A_520 : memref<128x128xf32, #tpu.memory_space<vmem>>) dst(%dma_wait3A_526 : memref<10240x128xf32, #tpu.memory_space<vmem_shared>>)
      %dma_start3A_527 = arith.constant 3 : i32
      %dma_start3A_528 = arith.constant 1 : i32
      %dma_start3A_529 = arith.constant 0 : i32
      %dma_start3A_530 = arith.constant 0 : i32
      %dma_start3A_531 = tpu.memref_slice %arg9[%dma_start3A_528, %dma_start3A_529, %dma_start3A_530] : memref<2x128x128xf32, #tpu.memory_space<vmem>> -> memref<1x128x128xf32, #tpu.memory_space<vmem>>
      %dma_start3A_532 = tpu.memref_squeeze %dma_start3A_531 : memref<1x128x128xf32, #tpu.memory_space<vmem>> -> memref<128x128xf32, #tpu.memory_space<vmem>>
      %dma_start3A_533 = arith.constant 0 : i32
      %dma_start3A_534 = tpu.memref_slice %arg5[%dma_start3A_527, %dma_start3A_533] : memref<6x128xi32, #tpu.memory_space<vmem>> -> memref<1x128xi32, #tpu.memory_space<vmem>>
      %dma_start3A_535 = tpu.memref_squeeze %dma_start3A_534 : memref<1x128xi32, #tpu.memory_space<vmem>> -> memref<128xi32, #tpu.memory_space<vmem>>
      %dma_start3A_536 = arith.constant 0 : i32
      %dma_start3A_537 = arith.constant 0 : i32
      %dma_start3A_538 = tpu.memref_slice %arg2[%dma_start3A_536, %dma_start3A_537] : memref<10000x128xf32, #tpu.memory_space<hbm>> -> memref<10000x128xf32, #tpu.memory_space<hbm>>
      tpu.enqueue_indirect_dma source(%dma_start3A_538 : memref<10000x128xf32, #tpu.memory_space<hbm>>) target(%dma_start3A_532 : memref<128x128xf32, #tpu.memory_space<vmem>>) offsets(%dma_start3A_535 : memref<128xi32, #tpu.memory_space<vmem>>) semaphore(%arg24 : memref<!tpu.dma_semaphore, #tpu.memory_space<semaphore_mem>>)
      %dma_wait3A_539 = arith.constant 2 : i32
      %dma_wait3A_540 = arith.constant 0 : i32
      %dma_wait3A_541 = arith.constant 0 : i32
      %dma_wait3A_542 = arith.constant 0 : i32
      %dma_wait3A_543 = tpu.memref_slice %arg9[%dma_wait3A_540, %dma_wait3A_541, %dma_wait3A_542] : memref<2x128x128xf32, #tpu.memory_space<vmem>> -> memref<1x128x128xf32, #tpu.memory_space<vmem>>
      %dma_wait3A_544 = tpu.memref_squeeze %dma_wait3A_543 : memref<1x128x128xf32, #tpu.memory_space<vmem>> -> memref<128x128xf32, #tpu.memory_space<vmem>>
      %dma_wait3A_545 = arith.constant 0 : i32
      %dma_wait3A_546 = tpu.memref_slice %arg5[%dma_wait3A_539, %dma_wait3A_545] : memref<6x128xi32, #tpu.memory_space<vmem>> -> memref<1x128xi32, #tpu.memory_space<vmem>>
      %dma_wait3A_547 = tpu.memref_squeeze %dma_wait3A_546 : memref<1x128xi32, #tpu.memory_space<vmem>> -> memref<128xi32, #tpu.memory_space<vmem>>
      %dma_wait3A_548 = arith.constant 0 : i32
      %dma_wait3A_549 = arith.constant 0 : i32
      %dma_wait3A_550 = tpu.memref_slice %arg2[%dma_wait3A_548, %dma_wait3A_549] : memref<10000x128xf32, #tpu.memory_space<hbm>> -> memref<10000x128xf32, #tpu.memory_space<hbm>>
      tpu.wait_indirect_dma semaphore(%arg23 : memref<!tpu.dma_semaphore, #tpu.memory_space<semaphore_mem>>) src(%dma_wait3A_550 : memref<10000x128xf32, #tpu.memory_space<hbm>>) dst(%dma_wait3A_544 : memref<128x128xf32, #tpu.memory_space<vmem>>)
      %dma_start3A_551 = arith.constant 0 : i32
      %dma_start3A_552 = arith.constant 2 : i32
      %dma_start3A_553 = arith.constant 0 : i32
      %dma_start3A_554 = arith.constant 0 : i32
      %dma_start3A_555 = tpu.memref_slice %arg9[%dma_start3A_551, %dma_start3A_553, %dma_start3A_554] : memref<2x128x128xf32, #tpu.memory_space<vmem>> -> memref<1x128x128xf32, #tpu.memory_space<vmem>>
      %dma_start3A_556 = tpu.memref_squeeze %dma_start3A_555 : memref<1x128x128xf32, #tpu.memory_space<vmem>> -> memref<128x128xf32, #tpu.memory_space<vmem>>
      %dma_start3A_557 = arith.constant 0 : i32
      %dma_start3A_558 = tpu.memref_slice %arg6[%dma_start3A_552, %dma_start3A_557] : memref<6x128xi32, #tpu.memory_space<vmem>> -> memref<1x128xi32, #tpu.memory_space<vmem>>
      %dma_start3A_559 = tpu.memref_squeeze %dma_start3A_558 : memref<1x128xi32, #tpu.memory_space<vmem>> -> memref<128xi32, #tpu.memory_space<vmem>>
      %dma_start3A_560 = arith.constant 0 : i32
      %dma_start3A_561 = arith.constant 0 : i32
      %dma_start3A_562 = tpu.memref_slice %arg10[%dma_start3A_560, %dma_start3A_561] : memref<10240x128xf32, #tpu.memory_space<vmem_shared>> -> memref<10240x128xf32, #tpu.memory_space<vmem_shared>>
      tpu.enqueue_indirect_dma source(%dma_start3A_556 : memref<128x128xf32, #tpu.memory_space<vmem>>) target(%dma_start3A_562 : memref<10240x128xf32, #tpu.memory_space<vmem_shared>>) offsets(%dma_start3A_559 : memref<128xi32, #tpu.memory_space<vmem>>) semaphore(%arg25 : memref<!tpu.dma_semaphore, #tpu.memory_space<semaphore_mem>>) {add = true}
      %ge3A_563 = arith.constant 2 : i32
      %ge3A_564 = arith.cmpi sge, %add3A_486, %ge3A_563 : i32
      %add3A_565 = arith.constant 6 : i32
      %add3A_566 = arith.addi %add3A_486, %add3A_565 : i32
      %sub3A_567 = arith.constant 2 : i32
      %sub3A_568 = arith.subi %add3A_566, %sub3A_567 : i32
      %lt3A_569 = arith.constant 78 : i32
      %lt3A_570 = arith.cmpi slt, %sub3A_568, %lt3A_569 : i32
      %and3A_571 = arith.andi %ge3A_564, %lt3A_570 : i1
      %convert_element_type3A_572 = arith.extui %and3A_571 : i1 to i32
      %cond3A_573 = arith.constant 0 : i32
      %cond3A_574 = arith.cmpi ne, %convert_element_type3A_572, %cond3A_573 : i32
      scf.if %cond3A_574 {
        %add3A_755 = arith.constant 6 : i32
        %add3A_756 = arith.addi %add3A_486, %add3A_755 : i32
        %sub3A_757 = arith.constant 2 : i32
        %sub3A_758 = arith.subi %add3A_756, %sub3A_757 : i32
        %mul3A_759 = arith.constant 128 : i32
        %mul3A_760 = arith.muli %sub3A_758, %mul3A_759 : i32
        %dma_start3A_761 = arith.constant 0 : i32
        %dma_start3A_762 = arith.constant 1 : i32
        %dma_start3A_763 = arith.constant 0 : i32
        %dma_start3A_764 = tpu.memref_slice %arg5[%dma_start3A_762, %dma_start3A_763] : memref<6x128xi32, #tpu.memory_space<vmem>> -> memref<1x128xi32, #tpu.memory_space<vmem>>
        %dma_start3A_765 = tpu.memref_squeeze %dma_start3A_764 : memref<1x128xi32, #tpu.memory_space<vmem>> -> memref<128xi32, #tpu.memory_space<vmem>>
        %dma_start3A_766 = tpu.memref_slice %arg3[%dma_start3A_761, %add3A, %mul3A_760] : memref<2x32x10000xi32, #tpu.memory_space<hbm>> -> memref<1x1x128xi32, #tpu.memory_space<hbm>>
        %dma_start3A_767 = tpu.memref_squeeze %dma_start3A_766 : memref<1x1x128xi32, #tpu.memory_space<hbm>> -> memref<128xi32, #tpu.memory_space<hbm>>
        %dma_start3A_768 = arith.constant 0 : i32
        %dma_start3A_769 = tpu.memref_slice %arg5[%dma_start3A_762, %dma_start3A_768] : memref<6x128xi32, #tpu.memory_space<vmem>> -> memref<1x128xi32, #tpu.memory_space<vmem>>
        %dma_start3A_770 = tpu.memref_squeeze %dma_start3A_769 : memref<1x128xi32, #tpu.memory_space<vmem>> -> memref<128xi32, #tpu.memory_space<vmem>>
        %dma_start3A_771 = tpu.memref_slice %arg3[%dma_start3A_761, %add3A, %mul3A_760] : memref<2x32x10000xi32, #tpu.memory_space<hbm>> -> memref<1x1x128xi32, #tpu.memory_space<hbm>>
        %dma_start3A_772 = tpu.memref_squeeze %dma_start3A_771 : memref<1x1x128xi32, #tpu.memory_space<hbm>> -> memref<128xi32, #tpu.memory_space<hbm>>
        tpu.enqueue_dma source(%dma_start3A_772 : memref<128xi32, #tpu.memory_space<hbm>>) target(%dma_start3A_770 : memref<128xi32, #tpu.memory_space<vmem>>) target_semaphore(%arg12 : memref<!tpu.dma_semaphore, #tpu.memory_space<semaphore_mem>>)
        %add3A_773 = arith.constant 6 : i32
        %add3A_774 = arith.addi %add3A_486, %add3A_773 : i32
        %sub3A_775 = arith.constant 2 : i32
        %sub3A_776 = arith.subi %add3A_774, %sub3A_775 : i32
        %mul3A_777 = arith.constant 128 : i32
        %mul3A_778 = arith.muli %sub3A_776, %mul3A_777 : i32
        %dma_start3A_779 = arith.constant 1 : i32
        %dma_start3A_780 = arith.constant 1 : i32
        %dma_start3A_781 = arith.constant 0 : i32
        %dma_start3A_782 = tpu.memref_slice %arg6[%dma_start3A_780, %dma_start3A_781] : memref<6x128xi32, #tpu.memory_space<vmem>> -> memref<1x128xi32, #tpu.memory_space<vmem>>
        %dma_start3A_783 = tpu.memref_squeeze %dma_start3A_782 : memref<1x128xi32, #tpu.memory_space<vmem>> -> memref<128xi32, #tpu.memory_space<vmem>>
        %dma_start3A_784 = tpu.memref_slice %arg3[%dma_start3A_779, %add3A, %mul3A_778] : memref<2x32x10000xi32, #tpu.memory_space<hbm>> -> memref<1x1x128xi32, #tpu.memory_space<hbm>>
        %dma_start3A_785 = tpu.memref_squeeze %dma_start3A_784 : memref<1x1x128xi32, #tpu.memory_space<hbm>> -> memref<128xi32, #tpu.memory_space<hbm>>
        %dma_start3A_786 = arith.constant 0 : i32
        %dma_start3A_787 = tpu.memref_slice %arg6[%dma_start3A_780, %dma_start3A_786] : memref<6x128xi32, #tpu.memory_space<vmem>> -> memref<1x128xi32, #tpu.memory_space<vmem>>
        %dma_start3A_788 = tpu.memref_squeeze %dma_start3A_787 : memref<1x128xi32, #tpu.memory_space<vmem>> -> memref<128xi32, #tpu.memory_space<vmem>>
        %dma_start3A_789 = tpu.memref_slice %arg3[%dma_start3A_779, %add3A, %mul3A_778] : memref<2x32x10000xi32, #tpu.memory_space<hbm>> -> memref<1x1x128xi32, #tpu.memory_space<hbm>>
        %dma_start3A_790 = tpu.memref_squeeze %dma_start3A_789 : memref<1x1x128xi32, #tpu.memory_space<hbm>> -> memref<128xi32, #tpu.memory_space<hbm>>
        tpu.enqueue_dma source(%dma_start3A_790 : memref<128xi32, #tpu.memory_space<hbm>>) target(%dma_start3A_788 : memref<128xi32, #tpu.memory_space<vmem>>) target_semaphore(%arg18 : memref<!tpu.dma_semaphore, #tpu.memory_space<semaphore_mem>>)
      } else {
      }
      %add3A_575 = arith.constant 4 : i32
      %add3A_576 = arith.addi %mul3A_252, %add3A_575 : i32
      %dma_wait3A_577 = arith.constant 0 : i32
      %dma_wait3A_578 = arith.constant 4 : i32
      %dma_wait3A_579 = arith.constant 0 : i32
      %dma_wait3A_580 = tpu.memref_slice %arg5[%dma_wait3A_578, %dma_wait3A_579] : memref<6x128xi32, #tpu.memory_space<vmem>> -> memref<1x128xi32, #tpu.memory_space<vmem>>
      %dma_wait3A_581 = tpu.memref_squeeze %dma_wait3A_580 : memref<1x128xi32, #tpu.memory_space<vmem>> -> memref<128xi32, #tpu.memory_space<vmem>>
      %dma_wait3A_582 = arith.constant 0 : i32
      %dma_wait3A_583 = tpu.memref_slice %arg3[%dma_wait3A_577, %add3A, %dma_wait3A_582] : memref<2x32x10000xi32, #tpu.memory_space<hbm>> -> memref<1x1x128xi32, #tpu.memory_space<hbm>>
      %dma_wait3A_584 = tpu.memref_squeeze %dma_wait3A_583 : memref<1x1x128xi32, #tpu.memory_space<hbm>> -> memref<128xi32, #tpu.memory_space<hbm>>
      %dma_wait3A_585 = arith.constant 0 : i32
      %dma_wait3A_586 = tpu.memref_slice %arg5[%dma_wait3A_578, %dma_wait3A_585] : memref<6x128xi32, #tpu.memory_space<vmem>> -> memref<1x128xi32, #tpu.memory_space<vmem>>
      %dma_wait3A_587 = tpu.memref_squeeze %dma_wait3A_586 : memref<1x128xi32, #tpu.memory_space<vmem>> -> memref<128xi32, #tpu.memory_space<vmem>>
      %dma_wait3A_588 = arith.constant 0 : i32
      %dma_wait3A_589 = tpu.memref_slice %arg3[%dma_wait3A_577, %add3A, %dma_wait3A_588] : memref<2x32x10000xi32, #tpu.memory_space<hbm>> -> memref<1x1x128xi32, #tpu.memory_space<hbm>>
      %dma_wait3A_590 = tpu.memref_squeeze %dma_wait3A_589 : memref<1x1x128xi32, #tpu.memory_space<hbm>> -> memref<128xi32, #tpu.memory_space<hbm>>
      tpu.wait_dma2 semaphore(%arg15 : memref<!tpu.dma_semaphore, #tpu.memory_space<semaphore_mem>>) src(%dma_wait3A_590 : memref<128xi32, #tpu.memory_space<hbm>>) dst(%dma_wait3A_587 : memref<128xi32, #tpu.memory_space<vmem>>)
      %dma_wait3A_591 = arith.constant 1 : i32
      %dma_wait3A_592 = arith.constant 4 : i32
      %dma_wait3A_593 = arith.constant 0 : i32
      %dma_wait3A_594 = tpu.memref_slice %arg6[%dma_wait3A_592, %dma_wait3A_593] : memref<6x128xi32, #tpu.memory_space<vmem>> -> memref<1x128xi32, #tpu.memory_space<vmem>>
      %dma_wait3A_595 = tpu.memref_squeeze %dma_wait3A_594 : memref<1x128xi32, #tpu.memory_space<vmem>> -> memref<128xi32, #tpu.memory_space<vmem>>
      %dma_wait3A_596 = arith.constant 0 : i32
      %dma_wait3A_597 = tpu.memref_slice %arg3[%dma_wait3A_591, %add3A, %dma_wait3A_596] : memref<2x32x10000xi32, #tpu.memory_space<hbm>> -> memref<1x1x128xi32, #tpu.memory_space<hbm>>
      %dma_wait3A_598 = tpu.memref_squeeze %dma_wait3A_597 : memref<1x1x128xi32, #tpu.memory_space<hbm>> -> memref<128xi32, #tpu.memory_space<hbm>>
      %dma_wait3A_599 = arith.constant 0 : i32
      %dma_wait3A_600 = tpu.memref_slice %arg6[%dma_wait3A_592, %dma_wait3A_599] : memref<6x128xi32, #tpu.memory_space<vmem>> -> memref<1x128xi32, #tpu.memory_space<vmem>>
      %dma_wait3A_601 = tpu.memref_squeeze %dma_wait3A_600 : memref<1x128xi32, #tpu.memory_space<vmem>> -> memref<128xi32, #tpu.memory_space<vmem>>
      %dma_wait3A_602 = arith.constant 0 : i32
      %dma_wait3A_603 = tpu.memref_slice %arg3[%dma_wait3A_591, %add3A, %dma_wait3A_602] : memref<2x32x10000xi32, #tpu.memory_space<hbm>> -> memref<1x1x128xi32, #tpu.memory_space<hbm>>
      %dma_wait3A_604 = tpu.memref_squeeze %dma_wait3A_603 : memref<1x1x128xi32, #tpu.memory_space<hbm>> -> memref<128xi32, #tpu.memory_space<hbm>>
      tpu.wait_dma2 semaphore(%arg21 : memref<!tpu.dma_semaphore, #tpu.memory_space<semaphore_mem>>) src(%dma_wait3A_604 : memref<128xi32, #tpu.memory_space<hbm>>) dst(%dma_wait3A_601 : memref<128xi32, #tpu.memory_space<vmem>>)
      %dma_wait3A_605 = arith.constant 0 : i32
      %dma_wait3A_606 = arith.constant 2 : i32
      %dma_wait3A_607 = arith.constant 0 : i32
      %dma_wait3A_608 = arith.constant 0 : i32
      %dma_wait3A_609 = tpu.memref_slice %arg9[%dma_wait3A_605, %dma_wait3A_607, %dma_wait3A_608] : memref<2x128x128xf32, #tpu.memory_space<vmem>> -> memref<1x128x128xf32, #tpu.memory_space<vmem>>
      %dma_wait3A_610 = tpu.memref_squeeze %dma_wait3A_609 : memref<1x128x128xf32, #tpu.memory_space<vmem>> -> memref<128x128xf32, #tpu.memory_space<vmem>>
      %dma_wait3A_611 = arith.constant 0 : i32
      %dma_wait3A_612 = tpu.memref_slice %arg6[%dma_wait3A_606, %dma_wait3A_611] : memref<6x128xi32, #tpu.memory_space<vmem>> -> memref<1x128xi32, #tpu.memory_space<vmem>>
      %dma_wait3A_613 = tpu.memref_squeeze %dma_wait3A_612 : memref<1x128xi32, #tpu.memory_space<vmem>> -> memref<128xi32, #tpu.memory_space<vmem>>
      %dma_wait3A_614 = arith.constant 0 : i32
      %dma_wait3A_615 = arith.constant 0 : i32
      %dma_wait3A_616 = tpu.memref_slice %arg10[%dma_wait3A_614, %dma_wait3A_615] : memref<10240x128xf32, #tpu.memory_space<vmem_shared>> -> memref<10240x128xf32, #tpu.memory_space<vmem_shared>>
      tpu.wait_indirect_dma semaphore(%arg25 : memref<!tpu.dma_semaphore, #tpu.memory_space<semaphore_mem>>) src(%dma_wait3A_610 : memref<128x128xf32, #tpu.memory_space<vmem>>) dst(%dma_wait3A_616 : memref<10240x128xf32, #tpu.memory_space<vmem_shared>>)
      %dma_start3A_617 = arith.constant 4 : i32
      %dma_start3A_618 = arith.constant 0 : i32
      %dma_start3A_619 = arith.constant 0 : i32
      %dma_start3A_620 = arith.constant 0 : i32
      %dma_start3A_621 = tpu.memref_slice %arg9[%dma_start3A_618, %dma_start3A_619, %dma_start3A_620] : memref<2x128x128xf32, #tpu.memory_space<vmem>> -> memref<1x128x128xf32, #tpu.memory_space<vmem>>
      %dma_start3A_622 = tpu.memref_squeeze %dma_start3A_621 : memref<1x128x128xf32, #tpu.memory_space<vmem>> -> memref<128x128xf32, #tpu.memory_space<vmem>>
      %dma_start3A_623 = arith.constant 0 : i32
      %dma_start3A_624 = tpu.memref_slice %arg5[%dma_start3A_617, %dma_start3A_623] : memref<6x128xi32, #tpu.memory_space<vmem>> -> memref<1x128xi32, #tpu.memory_space<vmem>>
      %dma_start3A_625 = tpu.memref_squeeze %dma_start3A_624 : memref<1x128xi32, #tpu.memory_space<vmem>> -> memref<128xi32, #tpu.memory_space<vmem>>
      %dma_start3A_626 = arith.constant 0 : i32
      %dma_start3A_627 = arith.constant 0 : i32
      %dma_start3A_628 = tpu.memref_slice %arg2[%dma_start3A_626, %dma_start3A_627] : memref<10000x128xf32, #tpu.memory_space<hbm>> -> memref<10000x128xf32, #tpu.memory_space<hbm>>
      tpu.enqueue_indirect_dma source(%dma_start3A_628 : memref<10000x128xf32, #tpu.memory_space<hbm>>) target(%dma_start3A_622 : memref<128x128xf32, #tpu.memory_space<vmem>>) offsets(%dma_start3A_625 : memref<128xi32, #tpu.memory_space<vmem>>) semaphore(%arg23 : memref<!tpu.dma_semaphore, #tpu.memory_space<semaphore_mem>>)
      %dma_wait3A_629 = arith.constant 3 : i32
      %dma_wait3A_630 = arith.constant 1 : i32
      %dma_wait3A_631 = arith.constant 0 : i32
      %dma_wait3A_632 = arith.constant 0 : i32
      %dma_wait3A_633 = tpu.memref_slice %arg9[%dma_wait3A_630, %dma_wait3A_631, %dma_wait3A_632] : memref<2x128x128xf32, #tpu.memory_space<vmem>> -> memref<1x128x128xf32, #tpu.memory_space<vmem>>
      %dma_wait3A_634 = tpu.memref_squeeze %dma_wait3A_633 : memref<1x128x128xf32, #tpu.memory_space<vmem>> -> memref<128x128xf32, #tpu.memory_space<vmem>>
      %dma_wait3A_635 = arith.constant 0 : i32
      %dma_wait3A_636 = tpu.memref_slice %arg5[%dma_wait3A_629, %dma_wait3A_635] : memref<6x128xi32, #tpu.memory_space<vmem>> -> memref<1x128xi32, #tpu.memory_space<vmem>>
      %dma_wait3A_637 = tpu.memref_squeeze %dma_wait3A_636 : memref<1x128xi32, #tpu.memory_space<vmem>> -> memref<128xi32, #tpu.memory_space<vmem>>
      %dma_wait3A_638 = arith.constant 0 : i32
      %dma_wait3A_639 = arith.constant 0 : i32
      %dma_wait3A_640 = tpu.memref_slice %arg2[%dma_wait3A_638, %dma_wait3A_639] : memref<10000x128xf32, #tpu.memory_space<hbm>> -> memref<10000x128xf32, #tpu.memory_space<hbm>>
      tpu.wait_indirect_dma semaphore(%arg24 : memref<!tpu.dma_semaphore, #tpu.memory_space<semaphore_mem>>) src(%dma_wait3A_640 : memref<10000x128xf32, #tpu.memory_space<hbm>>) dst(%dma_wait3A_634 : memref<128x128xf32, #tpu.memory_space<vmem>>)
      %dma_start3A_641 = arith.constant 1 : i32
      %dma_start3A_642 = arith.constant 3 : i32
      %dma_start3A_643 = arith.constant 0 : i32
      %dma_start3A_644 = arith.constant 0 : i32
      %dma_start3A_645 = tpu.memref_slice %arg9[%dma_start3A_641, %dma_start3A_643, %dma_start3A_644] : memref<2x128x128xf32, #tpu.memory_space<vmem>> -> memref<1x128x128xf32, #tpu.memory_space<vmem>>
      %dma_start3A_646 = tpu.memref_squeeze %dma_start3A_645 : memref<1x128x128xf32, #tpu.memory_space<vmem>> -> memref<128x128xf32, #tpu.memory_space<vmem>>
      %dma_start3A_647 = arith.constant 0 : i32
      %dma_start3A_648 = tpu.memref_slice %arg6[%dma_start3A_642, %dma_start3A_647] : memref<6x128xi32, #tpu.memory_space<vmem>> -> memref<1x128xi32, #tpu.memory_space<vmem>>
      %dma_start3A_649 = tpu.memref_squeeze %dma_start3A_648 : memref<1x128xi32, #tpu.memory_space<vmem>> -> memref<128xi32, #tpu.memory_space<vmem>>
      %dma_start3A_650 = arith.constant 0 : i32
      %dma_start3A_651 = arith.constant 0 : i32
      %dma_start3A_652 = tpu.memref_slice %arg10[%dma_start3A_650, %dma_start3A_651] : memref<10240x128xf32, #tpu.memory_space<vmem_shared>> -> memref<10240x128xf32, #tpu.memory_space<vmem_shared>>
      tpu.enqueue_indirect_dma source(%dma_start3A_646 : memref<128x128xf32, #tpu.memory_space<vmem>>) target(%dma_start3A_652 : memref<10240x128xf32, #tpu.memory_space<vmem_shared>>) offsets(%dma_start3A_649 : memref<128xi32, #tpu.memory_space<vmem>>) semaphore(%arg26 : memref<!tpu.dma_semaphore, #tpu.memory_space<semaphore_mem>>) {add = true}
      %ge3A_653 = arith.constant 2 : i32
      %ge3A_654 = arith.cmpi sge, %add3A_576, %ge3A_653 : i32
      %add3A_655 = arith.constant 6 : i32
      %add3A_656 = arith.addi %add3A_576, %add3A_655 : i32
      %sub3A_657 = arith.constant 2 : i32
      %sub3A_658 = arith.subi %add3A_656, %sub3A_657 : i32
      %lt3A_659 = arith.constant 78 : i32
      %lt3A_660 = arith.cmpi slt, %sub3A_658, %lt3A_659 : i32
      %and3A_661 = arith.andi %ge3A_654, %lt3A_660 : i1
      %convert_element_type3A_662 = arith.extui %and3A_661 : i1 to i32
      %cond3A_663 = arith.constant 0 : i32
      %cond3A_664 = arith.cmpi ne, %convert_element_type3A_662, %cond3A_663 : i32
      scf.if %cond3A_664 {
        %add3A_755 = arith.constant 6 : i32
        %add3A_756 = arith.addi %add3A_576, %add3A_755 : i32
        %sub3A_757 = arith.constant 2 : i32
        %sub3A_758 = arith.subi %add3A_756, %sub3A_757 : i32
        %mul3A_759 = arith.constant 128 : i32
        %mul3A_760 = arith.muli %sub3A_758, %mul3A_759 : i32
        %dma_start3A_761 = arith.constant 0 : i32
        %dma_start3A_762 = arith.constant 2 : i32
        %dma_start3A_763 = arith.constant 0 : i32
        %dma_start3A_764 = tpu.memref_slice %arg5[%dma_start3A_762, %dma_start3A_763] : memref<6x128xi32, #tpu.memory_space<vmem>> -> memref<1x128xi32, #tpu.memory_space<vmem>>
        %dma_start3A_765 = tpu.memref_squeeze %dma_start3A_764 : memref<1x128xi32, #tpu.memory_space<vmem>> -> memref<128xi32, #tpu.memory_space<vmem>>
        %dma_start3A_766 = tpu.memref_slice %arg3[%dma_start3A_761, %add3A, %mul3A_760] : memref<2x32x10000xi32, #tpu.memory_space<hbm>> -> memref<1x1x128xi32, #tpu.memory_space<hbm>>
        %dma_start3A_767 = tpu.memref_squeeze %dma_start3A_766 : memref<1x1x128xi32, #tpu.memory_space<hbm>> -> memref<128xi32, #tpu.memory_space<hbm>>
        %dma_start3A_768 = arith.constant 0 : i32
        %dma_start3A_769 = tpu.memref_slice %arg5[%dma_start3A_762, %dma_start3A_768] : memref<6x128xi32, #tpu.memory_space<vmem>> -> memref<1x128xi32, #tpu.memory_space<vmem>>
        %dma_start3A_770 = tpu.memref_squeeze %dma_start3A_769 : memref<1x128xi32, #tpu.memory_space<vmem>> -> memref<128xi32, #tpu.memory_space<vmem>>
        %dma_start3A_771 = tpu.memref_slice %arg3[%dma_start3A_761, %add3A, %mul3A_760] : memref<2x32x10000xi32, #tpu.memory_space<hbm>> -> memref<1x1x128xi32, #tpu.memory_space<hbm>>
        %dma_start3A_772 = tpu.memref_squeeze %dma_start3A_771 : memref<1x1x128xi32, #tpu.memory_space<hbm>> -> memref<128xi32, #tpu.memory_space<hbm>>
        tpu.enqueue_dma source(%dma_start3A_772 : memref<128xi32, #tpu.memory_space<hbm>>) target(%dma_start3A_770 : memref<128xi32, #tpu.memory_space<vmem>>) target_semaphore(%arg13 : memref<!tpu.dma_semaphore, #tpu.memory_space<semaphore_mem>>)
        %add3A_773 = arith.constant 6 : i32
        %add3A_774 = arith.addi %add3A_576, %add3A_773 : i32
        %sub3A_775 = arith.constant 2 : i32
        %sub3A_776 = arith.subi %add3A_774, %sub3A_775 : i32
        %mul3A_777 = arith.constant 128 : i32
        %mul3A_778 = arith.muli %sub3A_776, %mul3A_777 : i32
        %dma_start3A_779 = arith.constant 1 : i32
        %dma_start3A_780 = arith.constant 2 : i32
        %dma_start3A_781 = arith.constant 0 : i32
        %dma_start3A_782 = tpu.memref_slice %arg6[%dma_start3A_780, %dma_start3A_781] : memref<6x128xi32, #tpu.memory_space<vmem>> -> memref<1x128xi32, #tpu.memory_space<vmem>>
        %dma_start3A_783 = tpu.memref_squeeze %dma_start3A_782 : memref<1x128xi32, #tpu.memory_space<vmem>> -> memref<128xi32, #tpu.memory_space<vmem>>
        %dma_start3A_784 = tpu.memref_slice %arg3[%dma_start3A_779, %add3A, %mul3A_778] : memref<2x32x10000xi32, #tpu.memory_space<hbm>> -> memref<1x1x128xi32, #tpu.memory_space<hbm>>
        %dma_start3A_785 = tpu.memref_squeeze %dma_start3A_784 : memref<1x1x128xi32, #tpu.memory_space<hbm>> -> memref<128xi32, #tpu.memory_space<hbm>>
        %dma_start3A_786 = arith.constant 0 : i32
        %dma_start3A_787 = tpu.memref_slice %arg6[%dma_start3A_780, %dma_start3A_786] : memref<6x128xi32, #tpu.memory_space<vmem>> -> memref<1x128xi32, #tpu.memory_space<vmem>>
        %dma_start3A_788 = tpu.memref_squeeze %dma_start3A_787 : memref<1x128xi32, #tpu.memory_space<vmem>> -> memref<128xi32, #tpu.memory_space<vmem>>
        %dma_start3A_789 = tpu.memref_slice %arg3[%dma_start3A_779, %add3A, %mul3A_778] : memref<2x32x10000xi32, #tpu.memory_space<hbm>> -> memref<1x1x128xi32, #tpu.memory_space<hbm>>
        %dma_start3A_790 = tpu.memref_squeeze %dma_start3A_789 : memref<1x1x128xi32, #tpu.memory_space<hbm>> -> memref<128xi32, #tpu.memory_space<hbm>>
        tpu.enqueue_dma source(%dma_start3A_790 : memref<128xi32, #tpu.memory_space<hbm>>) target(%dma_start3A_788 : memref<128xi32, #tpu.memory_space<vmem>>) target_semaphore(%arg19 : memref<!tpu.dma_semaphore, #tpu.memory_space<semaphore_mem>>)
      } else {
      }
      %add3A_665 = arith.constant 5 : i32
      %add3A_666 = arith.addi %mul3A_252, %add3A_665 : i32
      %dma_wait3A_667 = arith.constant 0 : i32
      %dma_wait3A_668 = arith.constant 5 : i32
      %dma_wait3A_669 = arith.constant 0 : i32
      %dma_wait3A_670 = tpu.memref_slice %arg5[%dma_wait3A_668, %dma_wait3A_669] : memref<6x128xi32, #tpu.memory_space<vmem>> -> memref<1x128xi32, #tpu.memory_space<vmem>>
      %dma_wait3A_671 = tpu.memref_squeeze %dma_wait3A_670 : memref<1x128xi32, #tpu.memory_space<vmem>> -> memref<128xi32, #tpu.memory_space<vmem>>
      %dma_wait3A_672 = arith.constant 0 : i32
      %dma_wait3A_673 = tpu.memref_slice %arg3[%dma_wait3A_667, %add3A, %dma_wait3A_672] : memref<2x32x10000xi32, #tpu.memory_space<hbm>> -> memref<1x1x128xi32, #tpu.memory_space<hbm>>
      %dma_wait3A_674 = tpu.memref_squeeze %dma_wait3A_673 : memref<1x1x128xi32, #tpu.memory_space<hbm>> -> memref<128xi32, #tpu.memory_space<hbm>>
      %dma_wait3A_675 = arith.constant 0 : i32
      %dma_wait3A_676 = tpu.memref_slice %arg5[%dma_wait3A_668, %dma_wait3A_675] : memref<6x128xi32, #tpu.memory_space<vmem>> -> memref<1x128xi32, #tpu.memory_space<vmem>>
      %dma_wait3A_677 = tpu.memref_squeeze %dma_wait3A_676 : memref<1x128xi32, #tpu.memory_space<vmem>> -> memref<128xi32, #tpu.memory_space<vmem>>
      %dma_wait3A_678 = arith.constant 0 : i32
      %dma_wait3A_679 = tpu.memref_slice %arg3[%dma_wait3A_667, %add3A, %dma_wait3A_678] : memref<2x32x10000xi32, #tpu.memory_space<hbm>> -> memref<1x1x128xi32, #tpu.memory_space<hbm>>
      %dma_wait3A_680 = tpu.memref_squeeze %dma_wait3A_679 : memref<1x1x128xi32, #tpu.memory_space<hbm>> -> memref<128xi32, #tpu.memory_space<hbm>>
      tpu.wait_dma2 semaphore(%arg16 : memref<!tpu.dma_semaphore, #tpu.memory_space<semaphore_mem>>) src(%dma_wait3A_680 : memref<128xi32, #tpu.memory_space<hbm>>) dst(%dma_wait3A_677 : memref<128xi32, #tpu.memory_space<vmem>>)
      %dma_wait3A_681 = arith.constant 1 : i32
      %dma_wait3A_682 = arith.constant 5 : i32
      %dma_wait3A_683 = arith.constant 0 : i32
      %dma_wait3A_684 = tpu.memref_slice %arg6[%dma_wait3A_682, %dma_wait3A_683] : memref<6x128xi32, #tpu.memory_space<vmem>> -> memref<1x128xi32, #tpu.memory_space<vmem>>
      %dma_wait3A_685 = tpu.memref_squeeze %dma_wait3A_684 : memref<1x128xi32, #tpu.memory_space<vmem>> -> memref<128xi32, #tpu.memory_space<vmem>>
      %dma_wait3A_686 = arith.constant 0 : i32
      %dma_wait3A_687 = tpu.memref_slice %arg3[%dma_wait3A_681, %add3A, %dma_wait3A_686] : memref<2x32x10000xi32, #tpu.memory_space<hbm>> -> memref<1x1x128xi32, #tpu.memory_space<hbm>>
      %dma_wait3A_688 = tpu.memref_squeeze %dma_wait3A_687 : memref<1x1x128xi32, #tpu.memory_space<hbm>> -> memref<128xi32, #tpu.memory_space<hbm>>
      %dma_wait3A_689 = arith.constant 0 : i32
      %dma_wait3A_690 = tpu.memref_slice %arg6[%dma_wait3A_682, %dma_wait3A_689] : memref<6x128xi32, #tpu.memory_space<vmem>> -> memref<1x128xi32, #tpu.memory_space<vmem>>
      %dma_wait3A_691 = tpu.memref_squeeze %dma_wait3A_690 : memref<1x128xi32, #tpu.memory_space<vmem>> -> memref<128xi32, #tpu.memory_space<vmem>>
      %dma_wait3A_692 = arith.constant 0 : i32
      %dma_wait3A_693 = tpu.memref_slice %arg3[%dma_wait3A_681, %add3A, %dma_wait3A_692] : memref<2x32x10000xi32, #tpu.memory_space<hbm>> -> memref<1x1x128xi32, #tpu.memory_space<hbm>>
      %dma_wait3A_694 = tpu.memref_squeeze %dma_wait3A_693 : memref<1x1x128xi32, #tpu.memory_space<hbm>> -> memref<128xi32, #tpu.memory_space<hbm>>
      tpu.wait_dma2 semaphore(%arg22 : memref<!tpu.dma_semaphore, #tpu.memory_space<semaphore_mem>>) src(%dma_wait3A_694 : memref<128xi32, #tpu.memory_space<hbm>>) dst(%dma_wait3A_691 : memref<128xi32, #tpu.memory_space<vmem>>)
      %dma_wait3A_695 = arith.constant 1 : i32
      %dma_wait3A_696 = arith.constant 3 : i32
      %dma_wait3A_697 = arith.constant 0 : i32
      %dma_wait3A_698 = arith.constant 0 : i32
      %dma_wait3A_699 = tpu.memref_slice %arg9[%dma_wait3A_695, %dma_wait3A_697, %dma_wait3A_698] : memref<2x128x128xf32, #tpu.memory_space<vmem>> -> memref<1x128x128xf32, #tpu.memory_space<vmem>>
      %dma_wait3A_700 = tpu.memref_squeeze %dma_wait3A_699 : memref<1x128x128xf32, #tpu.memory_space<vmem>> -> memref<128x128xf32, #tpu.memory_space<vmem>>
      %dma_wait3A_701 = arith.constant 0 : i32
      %dma_wait3A_702 = tpu.memref_slice %arg6[%dma_wait3A_696, %dma_wait3A_701] : memref<6x128xi32, #tpu.memory_space<vmem>> -> memref<1x128xi32, #tpu.memory_space<vmem>>
      %dma_wait3A_703 = tpu.memref_squeeze %dma_wait3A_702 : memref<1x128xi32, #tpu.memory_space<vmem>> -> memref<128xi32, #tpu.memory_space<vmem>>
      %dma_wait3A_704 = arith.constant 0 : i32
      %dma_wait3A_705 = arith.constant 0 : i32
      %dma_wait3A_706 = tpu.memref_slice %arg10[%dma_wait3A_704, %dma_wait3A_705] : memref<10240x128xf32, #tpu.memory_space<vmem_shared>> -> memref<10240x128xf32, #tpu.memory_space<vmem_shared>>
      tpu.wait_indirect_dma semaphore(%arg26 : memref<!tpu.dma_semaphore, #tpu.memory_space<semaphore_mem>>) src(%dma_wait3A_700 : memref<128x128xf32, #tpu.memory_space<vmem>>) dst(%dma_wait3A_706 : memref<10240x128xf32, #tpu.memory_space<vmem_shared>>)
      %dma_start3A_707 = arith.constant 5 : i32
      %dma_start3A_708 = arith.constant 1 : i32
      %dma_start3A_709 = arith.constant 0 : i32
      %dma_start3A_710 = arith.constant 0 : i32
      %dma_start3A_711 = tpu.memref_slice %arg9[%dma_start3A_708, %dma_start3A_709, %dma_start3A_710] : memref<2x128x128xf32, #tpu.memory_space<vmem>> -> memref<1x128x128xf32, #tpu.memory_space<vmem>>
      %dma_start3A_712 = tpu.memref_squeeze %dma_start3A_711 : memref<1x128x128xf32, #tpu.memory_space<vmem>> -> memref<128x128xf32, #tpu.memory_space<vmem>>
      %dma_start3A_713 = arith.constant 0 : i32
      %dma_start3A_714 = tpu.memref_slice %arg5[%dma_start3A_707, %dma_start3A_713] : memref<6x128xi32, #tpu.memory_space<vmem>> -> memref<1x128xi32, #tpu.memory_space<vmem>>
      %dma_start3A_715 = tpu.memref_squeeze %dma_start3A_714 : memref<1x128xi32, #tpu.memory_space<vmem>> -> memref<128xi32, #tpu.memory_space<vmem>>
      %dma_start3A_716 = arith.constant 0 : i32
      %dma_start3A_717 = arith.constant 0 : i32
      %dma_start3A_718 = tpu.memref_slice %arg2[%dma_start3A_716, %dma_start3A_717] : memref<10000x128xf32, #tpu.memory_space<hbm>> -> memref<10000x128xf32, #tpu.memory_space<hbm>>
      tpu.enqueue_indirect_dma source(%dma_start3A_718 : memref<10000x128xf32, #tpu.memory_space<hbm>>) target(%dma_start3A_712 : memref<128x128xf32, #tpu.memory_space<vmem>>) offsets(%dma_start3A_715 : memref<128xi32, #tpu.memory_space<vmem>>) semaphore(%arg24 : memref<!tpu.dma_semaphore, #tpu.memory_space<semaphore_mem>>)
      %dma_wait3A_719 = arith.constant 4 : i32
      %dma_wait3A_720 = arith.constant 0 : i32
      %dma_wait3A_721 = arith.constant 0 : i32
      %dma_wait3A_722 = arith.constant 0 : i32
      %dma_wait3A_723 = tpu.memref_slice %arg9[%dma_wait3A_720, %dma_wait3A_721, %dma_wait3A_722] : memref<2x128x128xf32, #tpu.memory_space<vmem>> -> memref<1x128x128xf32, #tpu.memory_space<vmem>>
      %dma_wait3A_724 = tpu.memref_squeeze %dma_wait3A_723 : memref<1x128x128xf32, #tpu.memory_space<vmem>> -> memref<128x128xf32, #tpu.memory_space<vmem>>
      %dma_wait3A_725 = arith.constant 0 : i32
      %dma_wait3A_726 = tpu.memref_slice %arg5[%dma_wait3A_719, %dma_wait3A_725] : memref<6x128xi32, #tpu.memory_space<vmem>> -> memref<1x128xi32, #tpu.memory_space<vmem>>
      %dma_wait3A_727 = tpu.memref_squeeze %dma_wait3A_726 : memref<1x128xi32, #tpu.memory_space<vmem>> -> memref<128xi32, #tpu.memory_space<vmem>>
      %dma_wait3A_728 = arith.constant 0 : i32
      %dma_wait3A_729 = arith.constant 0 : i32
      %dma_wait3A_730 = tpu.memref_slice %arg2[%dma_wait3A_728, %dma_wait3A_729] : memref<10000x128xf32, #tpu.memory_space<hbm>> -> memref<10000x128xf32, #tpu.memory_space<hbm>>
      tpu.wait_indirect_dma semaphore(%arg23 : memref<!tpu.dma_semaphore, #tpu.memory_space<semaphore_mem>>) src(%dma_wait3A_730 : memref<10000x128xf32, #tpu.memory_space<hbm>>) dst(%dma_wait3A_724 : memref<128x128xf32, #tpu.memory_space<vmem>>)
      %dma_start3A_731 = arith.constant 0 : i32
      %dma_start3A_732 = arith.constant 4 : i32
      %dma_start3A_733 = arith.constant 0 : i32
      %dma_start3A_734 = arith.constant 0 : i32
      %dma_start3A_735 = tpu.memref_slice %arg9[%dma_start3A_731, %dma_start3A_733, %dma_start3A_734] : memref<2x128x128xf32, #tpu.memory_space<vmem>> -> memref<1x128x128xf32, #tpu.memory_space<vmem>>
      %dma_start3A_736 = tpu.memref_squeeze %dma_start3A_735 : memref<1x128x128xf32, #tpu.memory_space<vmem>> -> memref<128x128xf32, #tpu.memory_space<vmem>>
      %dma_start3A_737 = arith.constant 0 : i32
      %dma_start3A_738 = tpu.memref_slice %arg6[%dma_start3A_732, %dma_start3A_737] : memref<6x128xi32, #tpu.memory_space<vmem>> -> memref<1x128xi32, #tpu.memory_space<vmem>>
      %dma_start3A_739 = tpu.memref_squeeze %dma_start3A_738 : memref<1x128xi32, #tpu.memory_space<vmem>> -> memref<128xi32, #tpu.memory_space<vmem>>
      %dma_start3A_740 = arith.constant 0 : i32
      %dma_start3A_741 = arith.constant 0 : i32
      %dma_start3A_742 = tpu.memref_slice %arg10[%dma_start3A_740, %dma_start3A_741] : memref<10240x128xf32, #tpu.memory_space<vmem_shared>> -> memref<10240x128xf32, #tpu.memory_space<vmem_shared>>
      tpu.enqueue_indirect_dma source(%dma_start3A_736 : memref<128x128xf32, #tpu.memory_space<vmem>>) target(%dma_start3A_742 : memref<10240x128xf32, #tpu.memory_space<vmem_shared>>) offsets(%dma_start3A_739 : memref<128xi32, #tpu.memory_space<vmem>>) semaphore(%arg25 : memref<!tpu.dma_semaphore, #tpu.memory_space<semaphore_mem>>) {add = true}
      %ge3A_743 = arith.constant 2 : i32
      %ge3A_744 = arith.cmpi sge, %add3A_666, %ge3A_743 : i32
      %add3A_745 = arith.constant 6 : i32
      %add3A_746 = arith.addi %add3A_666, %add3A_745 : i32
      %sub3A_747 = arith.constant 2 : i32
      %sub3A_748 = arith.subi %add3A_746, %sub3A_747 : i32
      %lt3A_749 = arith.constant 78 : i32
      %lt3A_750 = arith.cmpi slt, %sub3A_748, %lt3A_749 : i32
      %and3A_751 = arith.andi %ge3A_744, %lt3A_750 : i1
      %convert_element_type3A_752 = arith.extui %and3A_751 : i1 to i32
      %cond3A_753 = arith.constant 0 : i32
      %cond3A_754 = arith.cmpi ne, %convert_element_type3A_752, %cond3A_753 : i32
      scf.if %cond3A_754 {
        %add3A_755 = arith.constant 6 : i32
        %add3A_756 = arith.addi %add3A_666, %add3A_755 : i32
        %sub3A_757 = arith.constant 2 : i32
        %sub3A_758 = arith.subi %add3A_756, %sub3A_757 : i32
        %mul3A_759 = arith.constant 128 : i32
        %mul3A_760 = arith.muli %sub3A_758, %mul3A_759 : i32
        %dma_start3A_761 = arith.constant 0 : i32
        %dma_start3A_762 = arith.constant 3 : i32
        %dma_start3A_763 = arith.constant 0 : i32
        %dma_start3A_764 = tpu.memref_slice %arg5[%dma_start3A_762, %dma_start3A_763] : memref<6x128xi32, #tpu.memory_space<vmem>> -> memref<1x128xi32, #tpu.memory_space<vmem>>
        %dma_start3A_765 = tpu.memref_squeeze %dma_start3A_764 : memref<1x128xi32, #tpu.memory_space<vmem>> -> memref<128xi32, #tpu.memory_space<vmem>>
        %dma_start3A_766 = tpu.memref_slice %arg3[%dma_start3A_761, %add3A, %mul3A_760] : memref<2x32x10000xi32, #tpu.memory_space<hbm>> -> memref<1x1x128xi32, #tpu.memory_space<hbm>>
        %dma_start3A_767 = tpu.memref_squeeze %dma_start3A_766 : memref<1x1x128xi32, #tpu.memory_space<hbm>> -> memref<128xi32, #tpu.memory_space<hbm>>
        %dma_start3A_768 = arith.constant 0 : i32
        %dma_start3A_769 = tpu.memref_slice %arg5[%dma_start3A_762, %dma_start3A_768] : memref<6x128xi32, #tpu.memory_space<vmem>> -> memref<1x128xi32, #tpu.memory_space<vmem>>
        %dma_start3A_770 = tpu.memref_squeeze %dma_start3A_769 : memref<1x128xi32, #tpu.memory_space<vmem>> -> memref<128xi32, #tpu.memory_space<vmem>>
        %dma_start3A_771 = tpu.memref_slice %arg3[%dma_start3A_761, %add3A, %mul3A_760] : memref<2x32x10000xi32, #tpu.memory_space<hbm>> -> memref<1x1x128xi32, #tpu.memory_space<hbm>>
        %dma_start3A_772 = tpu.memref_squeeze %dma_start3A_771 : memref<1x1x128xi32, #tpu.memory_space<hbm>> -> memref<128xi32, #tpu.memory_space<hbm>>
        tpu.enqueue_dma source(%dma_start3A_772 : memref<128xi32, #tpu.memory_space<hbm>>) target(%dma_start3A_770 : memref<128xi32, #tpu.memory_space<vmem>>) target_semaphore(%arg14 : memref<!tpu.dma_semaphore, #tpu.memory_space<semaphore_mem>>)
        %add3A_773 = arith.constant 6 : i32
        %add3A_774 = arith.addi %add3A_666, %add3A_773 : i32
        %sub3A_775 = arith.constant 2 : i32
        %sub3A_776 = arith.subi %add3A_774, %sub3A_775 : i32
        %mul3A_777 = arith.constant 128 : i32
        %mul3A_778 = arith.muli %sub3A_776, %mul3A_777 : i32
        %dma_start3A_779 = arith.constant 1 : i32
        %dma_start3A_780 = arith.constant 3 : i32
        %dma_start3A_781 = arith.constant 0 : i32
        %dma_start3A_782 = tpu.memref_slice %arg6[%dma_start3A_780, %dma_start3A_781] : memref<6x128xi32, #tpu.memory_space<vmem>> -> memref<1x128xi32, #tpu.memory_space<vmem>>
        %dma_start3A_783 = tpu.memref_squeeze %dma_start3A_782 : memref<1x128xi32, #tpu.memory_space<vmem>> -> memref<128xi32, #tpu.memory_space<vmem>>
        %dma_start3A_784 = tpu.memref_slice %arg3[%dma_start3A_779, %add3A, %mul3A_778] : memref<2x32x10000xi32, #tpu.memory_space<hbm>> -> memref<1x1x128xi32, #tpu.memory_space<hbm>>
        %dma_start3A_785 = tpu.memref_squeeze %dma_start3A_784 : memref<1x1x128xi32, #tpu.memory_space<hbm>> -> memref<128xi32, #tpu.memory_space<hbm>>
        %dma_start3A_786 = arith.constant 0 : i32
        %dma_start3A_787 = tpu.memref_slice %arg6[%dma_start3A_780, %dma_start3A_786] : memref<6x128xi32, #tpu.memory_space<vmem>> -> memref<1x128xi32, #tpu.memory_space<vmem>>
        %dma_start3A_788 = tpu.memref_squeeze %dma_start3A_787 : memref<1x128xi32, #tpu.memory_space<vmem>> -> memref<128xi32, #tpu.memory_space<vmem>>
        %dma_start3A_789 = tpu.memref_slice %arg3[%dma_start3A_779, %add3A, %mul3A_778] : memref<2x32x10000xi32, #tpu.memory_space<hbm>> -> memref<1x1x128xi32, #tpu.memory_space<hbm>>
        %dma_start3A_790 = tpu.memref_squeeze %dma_start3A_789 : memref<1x1x128xi32, #tpu.memory_space<hbm>> -> memref<128xi32, #tpu.memory_space<hbm>>
        tpu.enqueue_dma source(%dma_start3A_790 : memref<128xi32, #tpu.memory_space<hbm>>) target(%dma_start3A_788 : memref<128xi32, #tpu.memory_space<vmem>>) target_semaphore(%arg20 : memref<!tpu.dma_semaphore, #tpu.memory_space<semaphore_mem>>)
      } else {
      }
    }
    %scan3A_179 = arith.constant 13 : i32
    %dma_wait3A = arith.constant 5 : i32
    %dma_wait3A_180 = arith.constant 1 : i32
    %dma_wait3A_181 = arith.constant 0 : i32
    %dma_wait3A_182 = arith.constant 0 : i32
    %dma_wait3A_183 = tpu.memref_slice %arg9[%dma_wait3A_180, %dma_wait3A_181, %dma_wait3A_182] : memref<2x128x128xf32, #tpu.memory_space<vmem>> -> memref<1x128x128xf32, #tpu.memory_space<vmem>>
    %dma_wait3A_184 = tpu.memref_squeeze %dma_wait3A_183 : memref<1x128x128xf32, #tpu.memory_space<vmem>> -> memref<128x128xf32, #tpu.memory_space<vmem>>
    %dma_wait3A_185 = arith.constant 0 : i32
    %dma_wait3A_186 = tpu.memref_slice %arg5[%dma_wait3A, %dma_wait3A_185] : memref<6x128xi32, #tpu.memory_space<vmem>> -> memref<1x128xi32, #tpu.memory_space<vmem>>
    %dma_wait3A_187 = tpu.memref_squeeze %dma_wait3A_186 : memref<1x128xi32, #tpu.memory_space<vmem>> -> memref<128xi32, #tpu.memory_space<vmem>>
    %dma_wait3A_188 = arith.constant 0 : i32
    %dma_wait3A_189 = arith.constant 0 : i32
    %dma_wait3A_190 = tpu.memref_slice %arg2[%dma_wait3A_188, %dma_wait3A_189] : memref<10000x128xf32, #tpu.memory_space<hbm>> -> memref<10000x128xf32, #tpu.memory_space<hbm>>
    tpu.wait_indirect_dma semaphore(%arg24 : memref<!tpu.dma_semaphore, #tpu.memory_space<semaphore_mem>>) src(%dma_wait3A_190 : memref<10000x128xf32, #tpu.memory_space<hbm>>) dst(%dma_wait3A_184 : memref<128x128xf32, #tpu.memory_space<vmem>>)
    %dma_start3A_191 = arith.constant 1 : i32
    %dma_start3A_192 = arith.constant 5 : i32
    %dma_start3A_193 = arith.constant 0 : i32
    %dma_start3A_194 = arith.constant 0 : i32
    %dma_start3A_195 = tpu.memref_slice %arg9[%dma_start3A_191, %dma_start3A_193, %dma_start3A_194] : memref<2x128x128xf32, #tpu.memory_space<vmem>> -> memref<1x128x128xf32, #tpu.memory_space<vmem>>
    %dma_start3A_196 = tpu.memref_squeeze %dma_start3A_195 : memref<1x128x128xf32, #tpu.memory_space<vmem>> -> memref<128x128xf32, #tpu.memory_space<vmem>>
    %dma_start3A_197 = arith.constant 0 : i32
    %dma_start3A_198 = tpu.memref_slice %arg6[%dma_start3A_192, %dma_start3A_197] : memref<6x128xi32, #tpu.memory_space<vmem>> -> memref<1x128xi32, #tpu.memory_space<vmem>>
    %dma_start3A_199 = tpu.memref_squeeze %dma_start3A_198 : memref<1x128xi32, #tpu.memory_space<vmem>> -> memref<128xi32, #tpu.memory_space<vmem>>
    %dma_start3A_200 = arith.constant 0 : i32
    %dma_start3A_201 = arith.constant 0 : i32
    %dma_start3A_202 = tpu.memref_slice %arg10[%dma_start3A_200, %dma_start3A_201] : memref<10240x128xf32, #tpu.memory_space<vmem_shared>> -> memref<10240x128xf32, #tpu.memory_space<vmem_shared>>
    tpu.enqueue_indirect_dma source(%dma_start3A_196 : memref<128x128xf32, #tpu.memory_space<vmem>>) target(%dma_start3A_202 : memref<10240x128xf32, #tpu.memory_space<vmem_shared>>) offsets(%dma_start3A_199 : memref<128xi32, #tpu.memory_space<vmem>>) semaphore(%arg26 : memref<!tpu.dma_semaphore, #tpu.memory_space<semaphore_mem>>) {add = true}
    %dma_wait3A_203 = arith.constant 0 : i32
    %dma_wait3A_204 = arith.constant 4 : i32
    %dma_wait3A_205 = arith.constant 0 : i32
    %dma_wait3A_206 = arith.constant 0 : i32
    %dma_wait3A_207 = tpu.memref_slice %arg9[%dma_wait3A_203, %dma_wait3A_205, %dma_wait3A_206] : memref<2x128x128xf32, #tpu.memory_space<vmem>> -> memref<1x128x128xf32, #tpu.memory_space<vmem>>
    %dma_wait3A_208 = tpu.memref_squeeze %dma_wait3A_207 : memref<1x128x128xf32, #tpu.memory_space<vmem>> -> memref<128x128xf32, #tpu.memory_space<vmem>>
    %dma_wait3A_209 = arith.constant 0 : i32
    %dma_wait3A_210 = tpu.memref_slice %arg6[%dma_wait3A_204, %dma_wait3A_209] : memref<6x128xi32, #tpu.memory_space<vmem>> -> memref<1x128xi32, #tpu.memory_space<vmem>>
    %dma_wait3A_211 = tpu.memref_squeeze %dma_wait3A_210 : memref<1x128xi32, #tpu.memory_space<vmem>> -> memref<128xi32, #tpu.memory_space<vmem>>
    %dma_wait3A_212 = arith.constant 0 : i32
    %dma_wait3A_213 = arith.constant 0 : i32
    %dma_wait3A_214 = tpu.memref_slice %arg10[%dma_wait3A_212, %dma_wait3A_213] : memref<10240x128xf32, #tpu.memory_space<vmem_shared>> -> memref<10240x128xf32, #tpu.memory_space<vmem_shared>>
    tpu.wait_indirect_dma semaphore(%arg25 : memref<!tpu.dma_semaphore, #tpu.memory_space<semaphore_mem>>) src(%dma_wait3A_208 : memref<128x128xf32, #tpu.memory_space<vmem>>) dst(%dma_wait3A_214 : memref<10240x128xf32, #tpu.memory_space<vmem_shared>>)
    %dma_wait3A_215 = arith.constant 1 : i32
    %dma_wait3A_216 = arith.constant 5 : i32
    %dma_wait3A_217 = arith.constant 0 : i32
    %dma_wait3A_218 = arith.constant 0 : i32
    %dma_wait3A_219 = tpu.memref_slice %arg9[%dma_wait3A_215, %dma_wait3A_217, %dma_wait3A_218] : memref<2x128x128xf32, #tpu.memory_space<vmem>> -> memref<1x128x128xf32, #tpu.memory_space<vmem>>
    %dma_wait3A_220 = tpu.memref_squeeze %dma_wait3A_219 : memref<1x128x128xf32, #tpu.memory_space<vmem>> -> memref<128x128xf32, #tpu.memory_space<vmem>>
    %dma_wait3A_221 = arith.constant 0 : i32
    %dma_wait3A_222 = tpu.memref_slice %arg6[%dma_wait3A_216, %dma_wait3A_221] : memref<6x128xi32, #tpu.memory_space<vmem>> -> memref<1x128xi32, #tpu.memory_space<vmem>>
    %dma_wait3A_223 = tpu.memref_squeeze %dma_wait3A_222 : memref<1x128xi32, #tpu.memory_space<vmem>> -> memref<128xi32, #tpu.memory_space<vmem>>
    %dma_wait3A_224 = arith.constant 0 : i32
    %dma_wait3A_225 = arith.constant 0 : i32
    %dma_wait3A_226 = tpu.memref_slice %arg10[%dma_wait3A_224, %dma_wait3A_225] : memref<10240x128xf32, #tpu.memory_space<vmem_shared>> -> memref<10240x128xf32, #tpu.memory_space<vmem_shared>>
    tpu.wait_indirect_dma semaphore(%arg26 : memref<!tpu.dma_semaphore, #tpu.memory_space<semaphore_mem>>) src(%dma_wait3A_220 : memref<128x128xf32, #tpu.memory_space<vmem>>) dst(%dma_wait3A_226 : memref<10240x128xf32, #tpu.memory_space<vmem_shared>>)
    %run_scoped3A = arith.constant 0 : i32
    "tpu.region"() ({
      %run_scoped3A_250 = tpu.sem_alloc : memref<!tpu.dma_semaphore, #tpu.memory_space<semaphore_mem>>
      %dma_start3A_251 = arith.constant 9984 : i32
      %dma_start3A_252 = tpu.memref_slice %arg3[%run_scoped3A, %add3A, %dma_start3A_251] : memref<2x32x10000xi32, #tpu.memory_space<hbm>> -> memref<1x1x16xi32, #tpu.memory_space<hbm>>
      %dma_start3A_253 = tpu.memref_squeeze %dma_start3A_252 : memref<1x1x16xi32, #tpu.memory_space<hbm>> -> memref<16xi32, #tpu.memory_space<hbm>>
      %dma_start3A_254 = arith.constant 9984 : i32
      %dma_start3A_255 = tpu.memref_slice %arg3[%run_scoped3A, %add3A, %dma_start3A_254] : memref<2x32x10000xi32, #tpu.memory_space<hbm>> -> memref<1x1x16xi32, #tpu.memory_space<hbm>>
      %dma_start3A_256 = tpu.memref_squeeze %dma_start3A_255 : memref<1x1x16xi32, #tpu.memory_space<hbm>> -> memref<16xi32, #tpu.memory_space<hbm>>
      tpu.enqueue_dma source(%dma_start3A_256 : memref<16xi32, #tpu.memory_space<hbm>>) target(%arg7 : memref<16xi32, #tpu.memory_space<vmem>>) target_semaphore(%run_scoped3A_250 : memref<!tpu.dma_semaphore, #tpu.memory_space<semaphore_mem>>)
      %dma_wait3A_257 = arith.constant 9984 : i32
      %dma_wait3A_258 = tpu.memref_slice %arg3[%run_scoped3A, %add3A, %dma_wait3A_257] : memref<2x32x10000xi32, #tpu.memory_space<hbm>> -> memref<1x1x16xi32, #tpu.memory_space<hbm>>
      %dma_wait3A_259 = tpu.memref_squeeze %dma_wait3A_258 : memref<1x1x16xi32, #tpu.memory_space<hbm>> -> memref<16xi32, #tpu.memory_space<hbm>>
      %dma_wait3A_260 = arith.constant 9984 : i32
      %dma_wait3A_261 = tpu.memref_slice %arg3[%run_scoped3A, %add3A, %dma_wait3A_260] : memref<2x32x10000xi32, #tpu.memory_space<hbm>> -> memref<1x1x16xi32, #tpu.memory_space<hbm>>
      %dma_wait3A_262 = tpu.memref_squeeze %dma_wait3A_261 : memref<1x1x16xi32, #tpu.memory_space<hbm>> -> memref<16xi32, #tpu.memory_space<hbm>>
      tpu.wait_dma2 semaphore(%run_scoped3A_250 : memref<!tpu.dma_semaphore, #tpu.memory_space<semaphore_mem>>) src(%dma_wait3A_262 : memref<16xi32, #tpu.memory_space<hbm>>) dst(%arg7 : memref<16xi32, #tpu.memory_space<vmem>>)
      tpu.yield
    }) : () -> ()
    %run_scoped3A_227 = arith.constant 1 : i32
    "tpu.region"() ({
      %run_scoped3A_250 = tpu.sem_alloc : memref<!tpu.dma_semaphore, #tpu.memory_space<semaphore_mem>>
      %dma_start3A_251 = arith.constant 9984 : i32
      %dma_start3A_252 = tpu.memref_slice %arg3[%run_scoped3A_227, %add3A, %dma_start3A_251] : memref<2x32x10000xi32, #tpu.memory_space<hbm>> -> memref<1x1x16xi32, #tpu.memory_space<hbm>>
      %dma_start3A_253 = tpu.memref_squeeze %dma_start3A_252 : memref<1x1x16xi32, #tpu.memory_space<hbm>> -> memref<16xi32, #tpu.memory_space<hbm>>
      %dma_start3A_254 = arith.constant 9984 : i32
      %dma_start3A_255 = tpu.memref_slice %arg3[%run_scoped3A_227, %add3A, %dma_start3A_254] : memref<2x32x10000xi32, #tpu.memory_space<hbm>> -> memref<1x1x16xi32, #tpu.memory_space<hbm>>
      %dma_start3A_256 = tpu.memref_squeeze %dma_start3A_255 : memref<1x1x16xi32, #tpu.memory_space<hbm>> -> memref<16xi32, #tpu.memory_space<hbm>>
      tpu.enqueue_dma source(%dma_start3A_256 : memref<16xi32, #tpu.memory_space<hbm>>) target(%arg8 : memref<16xi32, #tpu.memory_space<vmem>>) target_semaphore(%run_scoped3A_250 : memref<!tpu.dma_semaphore, #tpu.memory_space<semaphore_mem>>)
      %dma_wait3A_257 = arith.constant 9984 : i32
      %dma_wait3A_258 = tpu.memref_slice %arg3[%run_scoped3A_227, %add3A, %dma_wait3A_257] : memref<2x32x10000xi32, #tpu.memory_space<hbm>> -> memref<1x1x16xi32, #tpu.memory_space<hbm>>
      %dma_wait3A_259 = tpu.memref_squeeze %dma_wait3A_258 : memref<1x1x16xi32, #tpu.memory_space<hbm>> -> memref<16xi32, #tpu.memory_space<hbm>>
      %dma_wait3A_260 = arith.constant 9984 : i32
      %dma_wait3A_261 = tpu.memref_slice %arg3[%run_scoped3A_227, %add3A, %dma_wait3A_260] : memref<2x32x10000xi32, #tpu.memory_space<hbm>> -> memref<1x1x16xi32, #tpu.memory_space<hbm>>
      %dma_wait3A_262 = tpu.memref_squeeze %dma_wait3A_261 : memref<1x1x16xi32, #tpu.memory_space<hbm>> -> memref<16xi32, #tpu.memory_space<hbm>>
      tpu.wait_dma2 semaphore(%run_scoped3A_250 : memref<!tpu.dma_semaphore, #tpu.memory_space<semaphore_mem>>) src(%dma_wait3A_262 : memref<16xi32, #tpu.memory_space<hbm>>) dst(%arg8 : memref<16xi32, #tpu.memory_space<vmem>>)
      tpu.yield
    }) : () -> ()
    %dma_start3A_228 = arith.constant 0 : i32
    %dma_start3A_229 = arith.constant 0 : i32
    %dma_start3A_230 = arith.constant 0 : i32
    %dma_start3A_231 = tpu.memref_slice %arg9[%dma_start3A_228, %dma_start3A_229, %dma_start3A_230] : memref<2x128x128xf32, #tpu.memory_space<vmem>> -> memref<1x16x128xf32, #tpu.memory_space<vmem>>
    %dma_start3A_232 = tpu.memref_squeeze %dma_start3A_231 : memref<1x16x128xf32, #tpu.memory_space<vmem>> -> memref<16x128xf32, #tpu.memory_space<vmem>>
    %dma_start3A_233 = arith.constant 0 : i32
    %dma_start3A_234 = arith.constant 0 : i32
    %dma_start3A_235 = tpu.memref_slice %arg2[%dma_start3A_233, %dma_start3A_234] : memref<10000x128xf32, #tpu.memory_space<hbm>> -> memref<10000x128xf32, #tpu.memory_space<hbm>>
    tpu.enqueue_indirect_dma source(%dma_start3A_235 : memref<10000x128xf32, #tpu.memory_space<hbm>>) target(%dma_start3A_232 : memref<16x128xf32, #tpu.memory_space<vmem>>) offsets(%arg7 : memref<16xi32, #tpu.memory_space<vmem>>) semaphore(%arg23 : memref<!tpu.dma_semaphore, #tpu.memory_space<semaphore_mem>>)
    %dma_wait3A_236 = arith.constant 0 : i32
    %dma_wait3A_237 = arith.constant 0 : i32
    %dma_wait3A_238 = arith.constant 0 : i32
    %dma_wait3A_239 = tpu.memref_slice %arg9[%dma_wait3A_236, %dma_wait3A_237, %dma_wait3A_238] : memref<2x128x128xf32, #tpu.memory_space<vmem>> -> memref<1x16x128xf32, #tpu.memory_space<vmem>>
    %dma_wait3A_240 = tpu.memref_squeeze %dma_wait3A_239 : memref<1x16x128xf32, #tpu.memory_space<vmem>> -> memref<16x128xf32, #tpu.memory_space<vmem>>
    %dma_wait3A_241 = arith.constant 0 : i32
    %dma_wait3A_242 = arith.constant 0 : i32
    %dma_wait3A_243 = tpu.memref_slice %arg2[%dma_wait3A_241, %dma_wait3A_242] : memref<10000x128xf32, #tpu.memory_space<hbm>> -> memref<10000x128xf32, #tpu.memory_space<hbm>>
    tpu.wait_indirect_dma semaphore(%arg23 : memref<!tpu.dma_semaphore, #tpu.memory_space<semaphore_mem>>) src(%dma_wait3A_243 : memref<10000x128xf32, #tpu.memory_space<hbm>>) dst(%dma_wait3A_240 : memref<16x128xf32, #tpu.memory_space<vmem>>)
    %run_scoped3A_244 = arith.constant 0 : i32
    "tpu.region"() ({
      %run_scoped3A_250 = tpu.sem_alloc : memref<!tpu.dma_semaphore, #tpu.memory_space<semaphore_mem>>
      %dma_start3A_251 = arith.constant 0 : i32
      %dma_start3A_252 = arith.constant 0 : i32
      %dma_start3A_253 = tpu.memref_slice %arg9[%run_scoped3A_244, %dma_start3A_251, %dma_start3A_252] : memref<2x128x128xf32, #tpu.memory_space<vmem>> -> memref<1x16x128xf32, #tpu.memory_space<vmem>>
      %dma_start3A_254 = tpu.memref_squeeze %dma_start3A_253 : memref<1x16x128xf32, #tpu.memory_space<vmem>> -> memref<16x128xf32, #tpu.memory_space<vmem>>
      %dma_start3A_255 = arith.constant 0 : i32
      %dma_start3A_256 = arith.constant 0 : i32
      %dma_start3A_257 = tpu.memref_slice %arg10[%dma_start3A_255, %dma_start3A_256] : memref<10240x128xf32, #tpu.memory_space<vmem_shared>> -> memref<10240x128xf32, #tpu.memory_space<vmem_shared>>
      tpu.enqueue_indirect_dma source(%dma_start3A_254 : memref<16x128xf32, #tpu.memory_space<vmem>>) target(%dma_start3A_257 : memref<10240x128xf32, #tpu.memory_space<vmem_shared>>) offsets(%arg8 : memref<16xi32, #tpu.memory_space<vmem>>) semaphore(%run_scoped3A_250 : memref<!tpu.dma_semaphore, #tpu.memory_space<semaphore_mem>>) {add = true}
      %dma_wait3A_258 = arith.constant 0 : i32
      %dma_wait3A_259 = arith.constant 0 : i32
      %dma_wait3A_260 = tpu.memref_slice %arg9[%run_scoped3A_244, %dma_wait3A_258, %dma_wait3A_259] : memref<2x128x128xf32, #tpu.memory_space<vmem>> -> memref<1x16x128xf32, #tpu.memory_space<vmem>>
      %dma_wait3A_261 = tpu.memref_squeeze %dma_wait3A_260 : memref<1x16x128xf32, #tpu.memory_space<vmem>> -> memref<16x128xf32, #tpu.memory_space<vmem>>
      %dma_wait3A_262 = arith.constant 0 : i32
      %dma_wait3A_263 = arith.constant 0 : i32
      %dma_wait3A_264 = tpu.memref_slice %arg10[%dma_wait3A_262, %dma_wait3A_263] : memref<10240x128xf32, #tpu.memory_space<vmem_shared>> -> memref<10240x128xf32, #tpu.memory_space<vmem_shared>>
      tpu.wait_indirect_dma semaphore(%run_scoped3A_250 : memref<!tpu.dma_semaphore, #tpu.memory_space<semaphore_mem>>) src(%dma_wait3A_261 : memref<16x128xf32, #tpu.memory_space<vmem>>) dst(%dma_wait3A_264 : memref<10240x128xf32, #tpu.memory_space<vmem_shared>>)
      tpu.yield
    }) : () -> ()
    %barrier3A_245 = arith.constant 0 : index
    tpu.barrier barrier_id(%barrier3A_245)
    %mul3A_246 = arith.constant 640 : i32
    %mul3A_247 = arith.muli %arg1, %mul3A_246 : i32
    %mul3A_248 = arith.constant 640 : i32
    %mul3A_249 = arith.muli %arg1, %mul3A_248 : i32
    "tpu.region"() ({
      %run_scoped3A_250 = tpu.sem_alloc : memref<!tpu.dma_semaphore, #tpu.memory_space<semaphore_mem>>
      %dma_start3A_251 = arith.constant 0 : i32
      %dma_start3A_252 = tpu.memref_slice %arg4[%arg0, %mul3A_249, %dma_start3A_251] : memref<2x10240x128xf32, #tpu.memory_space<hbm>> -> memref<1x640x128xf32, #tpu.memory_space<hbm>>
      %dma_start3A_253 = tpu.memref_squeeze %dma_start3A_252 : memref<1x640x128xf32, #tpu.memory_space<hbm>> -> memref<640x128xf32, #tpu.memory_space<hbm>>
      %dma_start3A_254 = arith.constant 0 : i32
      %dma_start3A_255 = tpu.memref_slice %arg10[%mul3A_247, %dma_start3A_254] : memref<10240x128xf32, #tpu.memory_space<vmem_shared>> -> memref<640x128xf32, #tpu.memory_space<vmem_shared>>
      tpu.enqueue_dma source(%dma_start3A_255 : memref<640x128xf32, #tpu.memory_space<vmem_shared>>) target(%dma_start3A_253 : memref<640x128xf32, #tpu.memory_space<hbm>>) target_semaphore(%run_scoped3A_250 : memref<!tpu.dma_semaphore, #tpu.memory_space<semaphore_mem>>)
      %dma_wait3A_256 = arith.constant 0 : i32
      %dma_wait3A_257 = tpu.memref_slice %arg4[%arg0, %mul3A_249, %dma_wait3A_256] : memref<2x10240x128xf32, #tpu.memory_space<hbm>> -> memref<1x640x128xf32, #tpu.memory_space<hbm>>
      %dma_wait3A_258 = tpu.memref_squeeze %dma_wait3A_257 : memref<1x640x128xf32, #tpu.memory_space<hbm>> -> memref<640x128xf32, #tpu.memory_space<hbm>>
      %dma_wait3A_259 = arith.constant 0 : i32
      %dma_wait3A_260 = tpu.memref_slice %arg10[%mul3A_247, %dma_wait3A_259] : memref<10240x128xf32, #tpu.memory_space<vmem_shared>> -> memref<640x128xf32, #tpu.memory_space<vmem_shared>>
      tpu.wait_dma2 semaphore(%run_scoped3A_250 : memref<!tpu.dma_semaphore, #tpu.memory_space<semaphore_mem>>) src(%dma_wait3A_260 : memref<640x128xf32, #tpu.memory_space<vmem_shared>>) dst(%dma_wait3A_258 : memref<640x128xf32, #tpu.memory_space<hbm>>)
      tpu.yield
    }) : () -> ()
    return
  }
}

module attributes {stable_mosaic.version = 14 : i64} {
  func.func @_scale_body(%arg0: memref<10000x128xf32, #tpu.memory_space<vmem>>, %arg1: memref<2x10240xf32, #tpu.memory_space<vmem>>, %arg2: memref<10000x128xf32, #tpu.memory_space<vmem>>, %arg3: memref<10000x1xf32, #tpu.memory_space<vmem>>) attributes {dimension_semantics = [], scalar_prefetch = 0 : i64, scratch_operands = 0 : i64, tpu.core_type = #tpu.core_type<tc>} {
    %get3A = arith.constant 0 : index
    %get3A_0 = arith.constant 0 : index
    %get3A_1 = vector.load %arg1[%get3A, %get3A_0] : memref<2x10240xf32, #tpu.memory_space<vmem>>, vector<1x10000xf32>
    %get3A_2 = arith.constant 1 : index
    %get3A_3 = arith.constant 0 : index
    %get3A_4 = vector.load %arg1[%get3A_2, %get3A_3] : memref<2x10240xf32, #tpu.memory_space<vmem>>, vector<1x10000xf32>
    %add3A = arith.addf %get3A_1, %get3A_4 : vector<1x10000xf32>
    %rsqrt3A = math.rsqrt %add3A : vector<1x10000xf32>
    %transpose3A = tpu.transpose %rsqrt3A, [1, 0] : vector<1x10000xf32> -> vector<10000x1xf32>
    %swap3A = arith.constant 0 : index
    %swap3A_5 = arith.constant 0 : index
    %swap3A_6 = vector.load %arg3[%swap3A, %swap3A_5] : memref<10000x1xf32, #tpu.memory_space<vmem>>, vector<10000x1xf32>
    tpu.vector_store %arg3[%swap3A, %swap3A_5], %transpose3A {strides = array<i32>} : memref<10000x1xf32, #tpu.memory_space<vmem>>, vector<10000x1xf32>,
    %get3A_7 = arith.constant 0 : index
    %get3A_8 = arith.constant 0 : index
    %get3A_9 = vector.load %arg0[%get3A_7, %get3A_8] : memref<10000x128xf32, #tpu.memory_space<vmem>>, vector<10000x128xf32>
    %mul3A = vector.broadcast %transpose3A : vector<10000x1xf32> to vector<10000x128xf32>
    %mul3A_10 = arith.mulf %get3A_9, %mul3A : vector<10000x128xf32>
    %swap3A_11 = arith.constant 0 : index
    %swap3A_12 = arith.constant 0 : index
    %swap3A_13 = vector.load %arg2[%swap3A_11, %swap3A_12] : memref<10000x128xf32, #tpu.memory_space<vmem>>, vector<10000x128xf32>
    tpu.vector_store %arg2[%swap3A_11, %swap3A_12], %mul3A_10 {strides = array<i32>} : memref<10000x128xf32, #tpu.memory_space<vmem>>, vector<10000x128xf32>,
    return
  }
}

module attributes {stable_mosaic.version = 14 : i64} {
  func.func @_mm_body(%arg0: i32, %arg1: memref<2000x128xf32, #tpu.memory_space<vmem>>, %arg2: memref<128x128xf32, #tpu.memory_space<vmem>>, %arg3: memref<2000x128xf32, #tpu.memory_space<vmem>>) attributes {dimension_semantics = [#tpu.dimension_semantics<arbitrary>], iteration_bounds = array<i64: 5>, scalar_prefetch = 0 : i64, scratch_operands = 0 : i64, tpu.core_type = #tpu.core_type<tc>, window_params = [{transform_indices = @transform_0, window_bounds = array<i64: 2000, 128>}, {pipeline_mode = #tpu.pipeline_mode<synchronous>, transform_indices = @transform_1, window_bounds = array<i64: 128, 128>}, {transform_indices = @transform_2, window_bounds = array<i64: 2000, 128>}]} {
    %get3A = arith.constant 0 : index
    %get3A_0 = arith.constant 0 : index
    %get3A_1 = vector.load %arg1[%get3A, %get3A_0] : memref<2000x128xf32, #tpu.memory_space<vmem>>, vector<2000x128xf32>
    %get3A_2 = arith.constant 0 : index
    %get3A_3 = arith.constant 0 : index
    %get3A_4 = vector.load %arg2[%get3A_2, %get3A_3] : memref<128x128xf32, #tpu.memory_space<vmem>>, vector<128x128xf32>
    %dot_general3A = arith.constant dense<0.000000e+00> : vector<2000x128xf32>
    %dot_general3A_5 = tpu.matmul %get3A_1, %get3A_4, %dot_general3A {dimension_numbers = #tpu.dot_dimension_numbers<[1], [0], [0], [1], [0, 0, 1, 1], [], []>, transpose_lhs_hint = false} : vector<2000x128xf32>, vector<128x128xf32>, vector<2000x128xf32> -> vector<2000x128xf32>
    %swap3A = arith.constant 0 : index
    %swap3A_6 = arith.constant 0 : index
    %swap3A_7 = vector.load %arg3[%swap3A, %swap3A_6] : memref<2000x128xf32, #tpu.memory_space<vmem>>, vector<2000x128xf32>
    tpu.vector_store %arg3[%swap3A, %swap3A_6], %dot_general3A_5 {strides = array<i32>} : memref<2000x128xf32, #tpu.memory_space<vmem>>, vector<2000x128xf32>,
    return
  }
  func.func @transform_0(%arg0: i32) -> (i32, i32) {
    %c0_i32 = arith.constant 0 : i32
    %c0_i32_0 = arith.constant 0 : i32
    return %arg0, %c0_i32 : i32, i32
  }
  func.func @transform_1(%arg0: i32) -> (i32, i32) {
    %c0_i32 = arith.constant 0 : i32
    %c0_i32_0 = arith.constant 0 : i32
    %c0_i32_1 = arith.constant 0 : i32
    return %c0_i32, %c0_i32_0 : i32, i32
  }
  func.func @transform_2(%arg0: i32) -> (i32, i32) {
    %c0_i32 = arith.constant 0 : i32
    %c0_i32_0 = arith.constant 0 : i32
    return %arg0, %c0_i32 : i32, i32
  }
}

module attributes {stable_mosaic.version = 14 : i64} {
  func.func @_mid_body(%arg0: i32, %arg1: memref<2x2000x128xf32, #tpu.memory_space<vmem>>, %arg2: memref<2000x1xf32, #tpu.memory_space<vmem>>, %arg3: memref<1x128xf32, #tpu.memory_space<vmem>>, %arg4: memref<128x128xf32, #tpu.memory_space<vmem>>, %arg5: memref<2000x128xf32, #tpu.memory_space<vmem>>) attributes {dimension_semantics = [#tpu.dimension_semantics<arbitrary>], iteration_bounds = array<i64: 5>, scalar_prefetch = 0 : i64, scratch_operands = 0 : i64, tpu.core_type = #tpu.core_type<tc>, window_params = [{transform_indices = @transform_0, window_bounds = array<i64: 2, 2000, 128>}, {transform_indices = @transform_1, window_bounds = array<i64: 2000, 1>}, {pipeline_mode = #tpu.pipeline_mode<synchronous>, transform_indices = @transform_2, window_bounds = array<i64: 1, 128>}, {pipeline_mode = #tpu.pipeline_mode<synchronous>, transform_indices = @transform_3, window_bounds = array<i64: 128, 128>}, {transform_indices = @transform_4, window_bounds = array<i64: 2000, 128>}]} {
    %get3A = arith.constant 0 : index
    %get3A_0 = arith.constant 0 : index
    %get3A_1 = arith.constant 0 : index
    %get3A_2 = vector.load %arg1[%get3A, %get3A_0, %get3A_1] : memref<2x2000x128xf32, #tpu.memory_space<vmem>>, vector<1x2000x128xf32>
    %get3A_3 = vector.shape_cast %get3A_2 : vector<1x2000x128xf32> to vector<2000x128xf32>
    %get3A_4 = arith.constant 1 : index
    %get3A_5 = arith.constant 0 : index
    %get3A_6 = arith.constant 0 : index
    %get3A_7 = vector.load %arg1[%get3A_4, %get3A_5, %get3A_6] : memref<2x2000x128xf32, #tpu.memory_space<vmem>>, vector<1x2000x128xf32>
    %get3A_8 = vector.shape_cast %get3A_7 : vector<1x2000x128xf32> to vector<2000x128xf32>
    %add3A = arith.addf %get3A_3, %get3A_8 : vector<2000x128xf32>
    %get3A_9 = arith.constant 0 : index
    %get3A_10 = arith.constant 0 : index
    %get3A_11 = vector.load %arg2[%get3A_9, %get3A_10] : memref<2000x1xf32, #tpu.memory_space<vmem>>, vector<2000x1xf32>
    %mul3A = vector.broadcast %get3A_11 : vector<2000x1xf32> to vector<2000x128xf32>
    %mul3A_12 = arith.mulf %mul3A, %add3A : vector<2000x128xf32>
    %get3A_13 = arith.constant 0 : index
    %get3A_14 = arith.constant 0 : index
    %get3A_15 = vector.load %arg3[%get3A_13, %get3A_14] : memref<1x128xf32, #tpu.memory_space<vmem>>, vector<1x128xf32>
    %add3A_16 = vector.broadcast %get3A_15 : vector<1x128xf32> to vector<2000x128xf32>
    %add3A_17 = arith.addf %mul3A_12, %add3A_16 : vector<2000x128xf32>
    %max3A = arith.constant 0.000000e+00 : f32
    %max3A_18 = vector.broadcast %max3A : f32 to vector<2000x128xf32>
    %max3A_19 = arith.maximumf %add3A_17, %max3A_18 : vector<2000x128xf32>
    %get3A_20 = arith.constant 0 : index
    %get3A_21 = arith.constant 0 : index
    %get3A_22 = vector.load %arg2[%get3A_20, %get3A_21] : memref<2000x1xf32, #tpu.memory_space<vmem>>, vector<2000x1xf32>
    %get3A_23 = arith.constant 0 : index
    %get3A_24 = arith.constant 0 : index
    %get3A_25 = vector.load %arg4[%get3A_23, %get3A_24] : memref<128x128xf32, #tpu.memory_space<vmem>>, vector<128x128xf32>
    %dot_general3A = arith.constant dense<0.000000e+00> : vector<2000x128xf32>
    %dot_general3A_26 = tpu.matmul %max3A_19, %get3A_25, %dot_general3A {dimension_numbers = #tpu.dot_dimension_numbers<[1], [0], [0], [1], [0, 0, 1, 1], [], []>, transpose_lhs_hint = false} : vector<2000x128xf32>, vector<128x128xf32>, vector<2000x128xf32> -> vector<2000x128xf32>
    %mul3A_27 = vector.broadcast %get3A_22 : vector<2000x1xf32> to vector<2000x128xf32>
    %mul3A_28 = arith.mulf %mul3A_27, %dot_general3A_26 : vector<2000x128xf32>
    %swap3A = arith.constant 0 : index
    %swap3A_29 = arith.constant 0 : index
    %swap3A_30 = vector.load %arg5[%swap3A, %swap3A_29] : memref<2000x128xf32, #tpu.memory_space<vmem>>, vector<2000x128xf32>
    tpu.vector_store %arg5[%swap3A, %swap3A_29], %mul3A_28 {strides = array<i32>} : memref<2000x128xf32, #tpu.memory_space<vmem>>, vector<2000x128xf32>,
    return
  }
  func.func @transform_0(%arg0: i32) -> (i32, i32, i32) {
    %c0_i32 = arith.constant 0 : i32
    %c0_i32_0 = arith.constant 0 : i32
    %c0_i32_1 = arith.constant 0 : i32
    return %c0_i32, %arg0, %c0_i32_0 : i32, i32, i32
  }
  func.func @transform_1(%arg0: i32) -> (i32, i32) {
    %c0_i32 = arith.constant 0 : i32
    %c0_i32_0 = arith.constant 0 : i32
    return %arg0, %c0_i32 : i32, i32
  }
  func.func @transform_2(%arg0: i32) -> (i32, i32) {
    %c0_i32 = arith.constant 0 : i32
    %c0_i32_0 = arith.constant 0 : i32
    %c0_i32_1 = arith.constant 0 : i32
    return %c0_i32, %c0_i32_0 : i32, i32
  }
  func.func @transform_3(%arg0: i32) -> (i32, i32) {
    %c0_i32 = arith.constant 0 : i32
    %c0_i32_0 = arith.constant 0 : i32
    %c0_i32_1 = arith.constant 0 : i32
    return %c0_i32, %c0_i32_0 : i32, i32
  }
  func.func @transform_4(%arg0: i32) -> (i32, i32) {
    %c0_i32 = arith.constant 0 : i32
    %c0_i32_0 = arith.constant 0 : i32
    return %arg0, %c0_i32 : i32, i32
  }
}

module attributes {stable_mosaic.version = 14 : i64} {
  func.func @_out_body(%arg0: i32, %arg1: memref<2x2000x128xf32, #tpu.memory_space<vmem>>, %arg2: memref<2000x1xf32, #tpu.memory_space<vmem>>, %arg3: memref<1x128xf32, #tpu.memory_space<vmem>>, %arg4: memref<128x2xf32, #tpu.memory_space<vmem>>, %arg5: memref<1x2xf32, #tpu.memory_space<vmem>>, %arg6: memref<2000x2xf32, #tpu.memory_space<vmem>>) attributes {dimension_semantics = [#tpu.dimension_semantics<arbitrary>], iteration_bounds = array<i64: 5>, scalar_prefetch = 0 : i64, scratch_operands = 0 : i64, tpu.core_type = #tpu.core_type<tc>, window_params = [{transform_indices = @transform_0, window_bounds = array<i64: 2, 2000, 128>}, {transform_indices = @transform_1, window_bounds = array<i64: 2000, 1>}, {pipeline_mode = #tpu.pipeline_mode<synchronous>, transform_indices = @transform_2, window_bounds = array<i64: 1, 128>}, {pipeline_mode = #tpu.pipeline_mode<synchronous>, transform_indices = @transform_3, window_bounds = array<i64: 128, 2>}, {pipeline_mode = #tpu.pipeline_mode<synchronous>, transform_indices = @transform_4, window_bounds = array<i64: 1, 2>}, {transform_indices = @transform_5, window_bounds = array<i64: 2000, 2>}]} {
    %get3A = arith.constant 0 : index
    %get3A_0 = arith.constant 0 : index
    %get3A_1 = arith.constant 0 : index
    %get3A_2 = vector.load %arg1[%get3A, %get3A_0, %get3A_1] : memref<2x2000x128xf32, #tpu.memory_space<vmem>>, vector<1x2000x128xf32>
    %get3A_3 = vector.shape_cast %get3A_2 : vector<1x2000x128xf32> to vector<2000x128xf32>
    %get3A_4 = arith.constant 1 : index
    %get3A_5 = arith.constant 0 : index
    %get3A_6 = arith.constant 0 : index
    %get3A_7 = vector.load %arg1[%get3A_4, %get3A_5, %get3A_6] : memref<2x2000x128xf32, #tpu.memory_space<vmem>>, vector<1x2000x128xf32>
    %get3A_8 = vector.shape_cast %get3A_7 : vector<1x2000x128xf32> to vector<2000x128xf32>
    %add3A = arith.addf %get3A_3, %get3A_8 : vector<2000x128xf32>
    %get3A_9 = arith.constant 0 : index
    %get3A_10 = arith.constant 0 : index
    %get3A_11 = vector.load %arg2[%get3A_9, %get3A_10] : memref<2000x1xf32, #tpu.memory_space<vmem>>, vector<2000x1xf32>
    %mul3A = vector.broadcast %get3A_11 : vector<2000x1xf32> to vector<2000x128xf32>
    %mul3A_12 = arith.mulf %mul3A, %add3A : vector<2000x128xf32>
    %get3A_13 = arith.constant 0 : index
    %get3A_14 = arith.constant 0 : index
    %get3A_15 = vector.load %arg3[%get3A_13, %get3A_14] : memref<1x128xf32, #tpu.memory_space<vmem>>, vector<1x128xf32>
    %add3A_16 = vector.broadcast %get3A_15 : vector<1x128xf32> to vector<2000x128xf32>
    %add3A_17 = arith.addf %mul3A_12, %add3A_16 : vector<2000x128xf32>
    %max3A = arith.constant 0.000000e+00 : f32
    %max3A_18 = vector.broadcast %max3A : f32 to vector<2000x128xf32>
    %max3A_19 = arith.maximumf %add3A_17, %max3A_18 : vector<2000x128xf32>
    %get3A_20 = arith.constant 0 : index
    %get3A_21 = arith.constant 0 : index
    %get3A_22 = vector.load %arg4[%get3A_20, %get3A_21] : memref<128x2xf32, #tpu.memory_space<vmem>>, vector<128x2xf32>
    %dot_general3A = arith.constant dense<0.000000e+00> : vector<2000x2xf32>
    %dot_general3A_23 = tpu.matmul %max3A_19, %get3A_22, %dot_general3A {dimension_numbers = #tpu.dot_dimension_numbers<[1], [0], [0], [1], [0, 0, 1, 1], [], []>, transpose_lhs_hint = false} : vector<2000x128xf32>, vector<128x2xf32>, vector<2000x2xf32> -> vector<2000x2xf32>
    %get3A_24 = arith.constant 0 : index
    %get3A_25 = arith.constant 0 : index
    %get3A_26 = vector.load %arg5[%get3A_24, %get3A_25] : memref<1x2xf32, #tpu.memory_space<vmem>>, vector<1x2xf32>
    %add3A_27 = vector.broadcast %get3A_26 : vector<1x2xf32> to vector<2000x2xf32>
    %add3A_28 = arith.addf %dot_general3A_23, %add3A_27 : vector<2000x2xf32>
    %reduce_max3A = arith.constant dense<0xFF800000> : vector<2000xf32>
    %reduce_max3A_29 = vector.multi_reduction <maximumf>, %add3A_28, %reduce_max3A [1] : vector<2000x2xf32> to vector<2000xf32>
    %broadcast_in_dim3A = vector.shape_cast %reduce_max3A_29 : vector<2000xf32> to vector<2000x1xf32>
    %sub3A = vector.broadcast %broadcast_in_dim3A : vector<2000x1xf32> to vector<2000x2xf32>
    %sub3A_30 = arith.subf %add3A_28, %sub3A : vector<2000x2xf32>
    %exp3A = math.exp %sub3A_30 : vector<2000x2xf32>
    %reduce_sum3A = arith.constant dense<0.000000e+00> : vector<2000xf32>
    %reduce_sum3A_31 = vector.multi_reduction <add>, %exp3A, %reduce_sum3A [1] : vector<2000x2xf32> to vector<2000xf32>
    %broadcast_in_dim3A_32 = vector.shape_cast %reduce_sum3A_31 : vector<2000xf32> to vector<2000x1xf32>
    %sub3A_33 = vector.broadcast %broadcast_in_dim3A : vector<2000x1xf32> to vector<2000x2xf32>
    %sub3A_34 = arith.subf %add3A_28, %sub3A_33 : vector<2000x2xf32>
    %log3A = math.log %broadcast_in_dim3A_32 : vector<2000x1xf32>
    %sub3A_35 = vector.broadcast %log3A : vector<2000x1xf32> to vector<2000x2xf32>
    %sub3A_36 = arith.subf %sub3A_34, %sub3A_35 : vector<2000x2xf32>
    %swap3A = arith.constant 0 : index
    %swap3A_37 = arith.constant 0 : index
    %swap3A_38 = vector.load %arg6[%swap3A, %swap3A_37] : memref<2000x2xf32, #tpu.memory_space<vmem>>, vector<2000x2xf32>
    tpu.vector_store %arg6[%swap3A, %swap3A_37], %sub3A_36 {strides = array<i32>} : memref<2000x2xf32, #tpu.memory_space<vmem>>, vector<2000x2xf32>,
    return
  }
  func.func @transform_0(%arg0: i32) -> (i32, i32, i32) {
    %c0_i32 = arith.constant 0 : i32
    %c0_i32_0 = arith.constant 0 : i32
    %c0_i32_1 = arith.constant 0 : i32
    return %c0_i32, %arg0, %c0_i32_0 : i32, i32, i32
  }
  func.func @transform_1(%arg0: i32) -> (i32, i32) {
    %c0_i32 = arith.constant 0 : i32
    %c0_i32_0 = arith.constant 0 : i32
    return %arg0, %c0_i32 : i32, i32
  }
  func.func @transform_2(%arg0: i32) -> (i32, i32) {
    %c0_i32 = arith.constant 0 : i32
    %c0_i32_0 = arith.constant 0 : i32
    %c0_i32_1 = arith.constant 0 : i32
    return %c0_i32, %c0_i32_0 : i32, i32
  }
  func.func @transform_3(%arg0: i32) -> (i32, i32) {
    %c0_i32 = arith.constant 0 : i32
    %c0_i32_0 = arith.constant 0 : i32
    %c0_i32_1 = arith.constant 0 : i32
    return %c0_i32, %c0_i32_0 : i32, i32
  }
  func.func @transform_4(%arg0: i32) -> (i32, i32) {
    %c0_i32 = arith.constant 0 : i32
    %c0_i32_0 = arith.constant 0 : i32
    %c0_i32_1 = arith.constant 0 : i32
    return %c0_i32, %c0_i32_0 : i32, i32
  }
  func.func @transform_5(%arg0: i32) -> (i32, i32) {
    %c0_i32 = arith.constant 0 : i32
    %c0_i32_0 = arith.constant 0 : i32
    return %arg0, %c0_i32 : i32, i32
  }
}

</mosaic_0001>

<sc_bundles>
// kernel: kernel.12.cloned.1.call-start
scs
__scs_entry_jumppad:
0x0: {  	(pc) =	sbr.rel $0x88, $3  }
0x1: {  	(tag) =	ssettag $0x0;
	lr =	simm.s32 $0x1  }
0x2: {  	[smem:$0x3F99] =	sst lr;
	_ =	strace $0xD0000000  }
0x3: {  	_ = 	snop  }
0x4: {  	_ = 	snop  }
0x5: {  	_ = 	snop  }
0x6: {  	_ = 	snop  }
0x7: {  	_ = 	snop  }
__scs_overlays_trampoline_lowered:
0x8: {  	[smem:$0x3FA8] =	sst s0  }
0x9: {  	[smem:$0x3FA9] =	sst s1  }
0xa: {  	[smem:$0x3FAA] =	sst s2  }
0xb: {  	[smem:$0x3FAB] =	sst s3  }
0xc: {  	[smem:$0x3FAC] =	sst s4  }
0xd: {  	[smem:$0x3FAD] =	sst s5  }
0xe: {  	[smem:$0x3FAE] =	sst s6  }
0xf: {  	[smem:$0x3FAF] =	sst s7  }
0x10: {  	[smem:$0x3FB0] =	sst s8  }
0x11: {  	[smem:$0x3FB1] =	sst s9;
	s0 =	simm.s32 @!p0 $0x0  }
0x12: {  	s1 =	sld [smem:$0x3F97];
	s0 =	simm.s32 @p0 $0x1  }
0x13: {  	[smem:$0x3FB2] =	sst s0;
	s0 =	simm.s32 @!p1 $0x0  }
0x14: {  	s2 =	sld [smem:$0x3F96];
	s0 =	simm.s32 @p1 $0x1  }
0x15: {  	[smem:$0x3FB3] =	sst s0;
	s0 =	simm.s32 @!p2 $0x0  }
0x16: {  	s3 =	sld [smem:$0x3FDB];
	s0 =	simm.s32 @p2 $0x1  }
0x17: {  	s4 =	simm.s32 $0x1BF5;
	[smem:$0x3FB5] =	sst s0  }
0x18: {  	s0 =	sld [smem:$0x3F98];
	_ =	swait.ge [sflag:s4], $0x0  }
0x19: {  	s7 =	sld [smem:$0x3F99]  }
0x1a: {  	s8 =	sadd.s32 $0xFFFFE003, lr  }
0x1b: {  	s9 =	sadd.s32 $0xFFFFFEF7, lr;
	s5 =	simm.s32 $0xFFFFFFFF;
	p2 =	slt.u32 s8, $0xFFFFF086  }
0x1c: {  	p1 =	slt.u32 s9, $0xF7A;
	s5 =	simm.s32 @!p2 $0x0  }
0x1d: {  	s5 =	simm.s32 @p1 $0x1;
	p0 =	seq.s32 s7, s2  }
0x1e: {  	s7 =	smul.u32 @!p0 $0xF7A, s2;
	p2 =	seq.s32 @!p0 s5, $0x0  }
0x1f: {  	s9 =	smul.u32 $0xF7A, s1;
	s8 =	simm.s32 @!p0 $0x1BF5;
	p2 =	por !p2, p0  }
0x20: {  	[sflag:s8] =	ssyncset.s32 @!p0 $0xFFFFF086;
	s6 =	sadd.s32 @!p0 s3, s7;
	s7 =	simm.s32 @!p0 $0x108  }
0x21: {  	s3 =	sadd.s32 s3, s9;
	s6 =	sadd.s32 @!p0 $0x88, s6;
	s7 =	simm.s32 @p2 $0x1082  }
0x22: {  	[simem:s7], [sflag:s8] =	dma.local @!p0 [hbm:s6], $0xF7A  }
0x23: {  	s9 =	sor.u32 $0xD0000000, s2;
	s6 =	simm.s32 $0x108;
	_ =	swait.ge @!p0 [sflag:s8], $0x0  }
0x24: {  	s3 =	sadd.s32 $0x88, s3;
	s6 =	simm.s32 @!p1 $0x1082;
	[sflag:s4] =	ssyncset.s32 $0xFFFFF086  }
0x25: {  	[simem:s6], [sflag:s4] =	dma.local [hbm:s3], $0xF7A  }
0x26: {  	[smem:$0x3F99] =	sst s1;
	(tag) =	ssettag s2;
	_ =	strace s9  }
0x27: {  	s1 =	sld [smem:$0x3FA9]  }
0x28: {  	s2 =	sld [smem:$0x3FAA]  }
0x29: {  	s4 =	sld [smem:$0x3FAC]  }
0x2a: {  	p0 =	seq.s32 s5, $0x0;
	s5 =	sld [smem:$0x3FAD]  }
0x2b: {  	s6 =	sld [smem:$0x3FAE]  }
0x2c: {  	s7 =	sld [smem:$0x3FAF]  }
0x2d: {  	s3 =	simm.s32 $0x108;
	s8 =	sld [smem:$0x3FB0]  }
0x2e: {  	s3 =	simm.s32 @!p0 $0x1082;
	s9 =	sld [smem:$0x3FB1]  }
0x2f: {  	lr =	sadd.s32 s0, s3;
	s0 =	sld [smem:$0x3FA8]  }
0x30: {  	s3 =	sld [smem:$0x3FAB]  }
0x31: {  	[smem:$0x3FB4] =	sst s10  }
0x32: {  	s10 =	sld [smem:$0x3FB2];
	_ =	sdelay $0x3  }
0x33: {  	p0 =	seq.s32 s10, $0x1;
	s10 =	sld [smem:$0x3FB4];
	_ =	sdelay $0x3  }
0x34: {  	[smem:$0x3FB4] =	sst s10  }
0x35: {  	s10 =	sld [smem:$0x3FB3];
	_ =	sdelay $0x3  }
0x36: {  	p1 =	seq.s32 s10, $0x1;
	s10 =	sld [smem:$0x3FB4];
	_ =	sdelay $0x3  }
0x37: {  	[smem:$0x3FB4] =	sst s10  }
0x38: {  	s10 =	sld [smem:$0x3FB5]  }
0x39: {  	_ = 	snop;
	(pc) =	sbr.ind lr, $3  }
0x3a: {  	_ = 	snop  }
0x3b: {  	_ = 	snop  }
0x3c: {  	p2 =	seq.s32 s10, $0x1;
	s10 =	sld [smem:$0x3FB4]  }
0x3d: {  	_ =	shalt  }
0x3e: {  	_ =	shalt  }
0x3f: {  	_ =	shalt  }
0x40: {  	_ =	shalt  }
0x41: {  	_ =	shalt  }
0x42: {  	_ =	shalt  }
0x43: {  	_ =	shalt  }
0x44: {  	_ =	shalt  }
0x45: {  	_ =	shalt  }
0x46: {  	_ =	shalt  }
0x47: {  	_ =	shalt  }
0x48: {  	_ =	shalt  }
0x49: {  	_ =	shalt  }
0x4a: {  	_ =	shalt  }
0x4b: {  	_ =	shalt  }
0x4c: {  	_ =	shalt  }
0x4d: {  	_ =	shalt  }
0x4e: {  	_ =	shalt  }
0x4f: {  	_ =	shalt  }
0x50: {  	_ =	shalt  }
0x51: {  	_ =	shalt  }
0x52: {  	_ =	shalt  }
0x53: {  	_ =	shalt  }
0x54: {  	_ =	shalt  }
0x55: {  	_ =	shalt  }
0x56: {  	_ =	shalt  }
0x57: {  	_ =	shalt  }
0x58: {  	_ =	shalt  }
0x59: {  	_ =	shalt  }
0x5a: {  	_ =	shalt  }
0x5b: {  	_ =	shalt  }
0x5c: {  	_ =	shalt  }
0x5d: {  	_ =	shalt  }
0x5e: {  	_ =	shalt  }
0x5f: {  	_ =	shalt  }
0x60: {  	_ =	shalt  }
0x61: {  	_ =	shalt  }
0x62: {  	_ =	shalt  }
0x63: {  	_ =	shalt  }
0x64: {  	_ =	shalt  }
0x65: {  	_ =	shalt  }
0x66: {  	_ =	shalt  }
0x67: {  	_ =	shalt  }
0x68: {  	_ =	shalt  }
0x69: {  	_ =	shalt  }
0x6a: {  	_ =	shalt  }
0x6b: {  	_ =	shalt  }
0x6c: {  	_ =	shalt  }
0x6d: {  	_ =	shalt  }
0x6e: {  	_ =	shalt  }
0x6f: {  	_ =	shalt  }
0x70: {  	_ =	shalt  }
0x71: {  	_ =	shalt  }
0x72: {  	_ =	shalt  }
0x73: {  	_ =	shalt  }
0x74: {  	_ =	shalt  }
0x75: {  	_ =	shalt  }
0x76: {  	_ =	shalt  }
0x77: {  	_ =	shalt  }
0x78: {  	_ =	shalt  }
0x79: {  	_ =	shalt  }
0x7a: {  	_ =	shalt  }
0x7b: {  	_ =	shalt  }
0x7c: {  	_ =	shalt  }
0x7d: {  	_ =	shalt  }
0x7e: {  	_ =	shalt  }
0x7f: {  	_ =	shalt  }
0x80: {  	_ =	shalt  }
0x81: {  	_ =	shalt  }
0x82: {  	_ =	shalt  }
0x83: {  	_ =	shalt  }
0x84: {  	_ =	shalt  }
0x85: {  	_ =	shalt  }
0x86: {  	_ =	shalt  }
0x87: {  	_ =	shalt  }
.Lfunc_end0:
.L_simem_size_0:
called_computation.1_lowered:
.L_overlay_start_0:
0x88: {  	s2 =	sld [smem:$0x3FD9]  }
0x89: {  	s3 =	sld [smem:$0x3FFE];
	_ =	sdelay $0x1  }
0x8a: {  	s1 =	srdreg.scid  }
0x8b: {  	s0 =	sand.u32 $0x1, s1  }
0x8c: {  	s16 =	sshll.u32 s0, $0xA;
	s2 =	sadd.s32 s3, s2  }
0x8d: {  	s2 =	sadd.s32 s2, s16  }
0x8e: {  	[smem:$0x3FC0] =	sst s2  }
0x8f: {  	_ = 	snop  }
0x90: {  	(tm) =	ssettm $0x1  }
0x91: {  	s17 =	sld [smem:$0x3FFB];
	_ =	sdelay $0x3  }
0x92: {  	_ =	strace s17  }
0x93: {  	s2 =	sld [smem:$0x3FFC];
	_ =	sdelay $0x3  }
0x94: {  	_ =	strace s2  }
0x95: {  	s2 =	sld [smem:$0x3FFD];
	_ =	sdelay $0x3  }
0x96: {  	_ =	strace s2  }
0x97: {  	_ =	strace $0x8FFFFFFF  }
0x98: {  	s18 =	sld [smem:$0x3FDB];
	_ =	sdelay $0x1  }
0x99: {  	s19 =	simm.s32 $_scs_section_size  }
0x9a: {  	s4 =	simm.s32 $_size__tile_overlayer_lowered;
	s5 =	simm.s32 $_tile_overlayer_lowered  }
0x9b: {  	s22 =	simm.s32 $0x1BFF;
	s21 =	sshll.u32 s5, $0x1;
	s2 =	sadd.s32 s19, s18  }
0x9c: {  	s6 =	simm.s32 $0x0;
	s20 =	sshll.u32 s4, $0x1;
	s4 =	sadd.s32 s21, s2  }
0x9d: {  	[timem:s6], [sflag:s22] =	dma.local [hbm:s4], s20  }
0x9e: {  	_ =	swait.ge [sflag:s22], s20  }
0x9f: {  	s3 =	ssub.s32 $0x0, s20;
	[sflag:s22] =	ssyncset.done $0x0  }
0xa0: {  	[sflag:s22] =	ssyncadd.s32 s3;
	_ =	sdelay $0x1  }
0xa1: {  	s23 =	simm.s32 $0x1B8B  }
0xa2: {  	_ =	swait.ge [sflag:s23], $0x1  }
0xa3: {  	[sflag:s23] =	ssyncset.done $0x0  }
0xa4: {  	s25 =	simm.s32 $0x1B8E;
	s24 =	sld [smem:$0x3FFE];
	[sflag:s23] =	ssyncadd.s32 $0xFFFFFFFF  }
0xa5: {  	s26 =	simm.s32 $execute0_lowered;
	[smem:$0x3FD2] =	sst s25  }
0xa6: {  	s4 =	sshll.u32 s26, $0x1;
	_ =	strace $0x80000049;
	[dreg:$0x1] =	wrdreg $0xFFFFFFFF  }
0xa7: {  	s28 =	simm.s32 $_size_execute0_lowered;
	s2 =	sadd.s32 s2, s4;
	[dreg:$0x0] =	wrdreg $0x0  }
0xa8: {  	s4 =	sshll.u32 s28, $0x1;
	[dreg:$0x2] =	wrdreg s2  }
0xa9: {  	[dreg:$0x3] =	wrdreg s4  }
0xaa: {  	[dreg:$0x4] =	wrdreg $0xC0  }
0xab: {  	_ =	task [dreg:s6], $0x5FFFF  }
0xac: {  	[dreg:$0x1] =	wrdreg $0xFFFFFFFF  }
0xad: {  	[dreg:$0x0] =	wrdreg $0x60  }
0xae: {  	[dreg:$0x2] =	wrdreg s24  }
0xaf: {  	[dreg:$0x3] =	wrdreg $0x89000  }
0xb0: {  	[dreg:$0x4] =	wrdreg $0x9  }
0xb1: {  	_ =	task.clear_ibuf [dreg:s6], $0x5FFFF;
	_ =	strace $0x90000049  }
0xb2: {  	s29 =	simm.s32 $0x9;
	_ =	strace $0x8000004B  }
0xb3: {  	_ =	swait.ge [sflag:s29], $0x1  }
0xb4: {  	[sflag:s29] =	ssyncadd.s32 $0xFFFFFFFF  }
0xb5: {  	_ =	strace $0x9000004B  }
0xb6: {  	_ =	sfence  }
0xb7: {  	s30 =	sld [smem:$0x0];
	_ =	sdelay $0x2  }
0xb8: {  	s31 =	sshll.u32 s1, $0xD;
	s1 =	sshrl.u32 s1, $0x2  }
0xb9: {  	s3 =	sand.u32 $0x4000, s31;
	s1 =	sadd.s32 s1, s30  }
0xba: {  	s0 =	sor.u32 s3, s0;
	s1 =	sshll.u32 s1, $0x11  }
0xbb: {  	s0 =	sor.u32 s1, s0  }
0xbc: {  	s0 =	sadd.s32 $0x8F2B, s0  }
0xbd: {  	[sflag:s0] =	ssyncadd.remote.s32 $0x1  }
0xbe: {  	_ =	sfence.sel $0xFFFF  }
0xbf: {  	[dreg:$0x0] =	wrdreg $0xFFFFFFFF;
	(pc) =	sbr.abs _section_cstart, $3  }
0xc0: {  	[dreg:$0x1] =	wrdreg $0xFFFFFFFF  }
0xc1: {  	_ =	task.clear_ibuf [dreg:s6], $0x2FFFF;
	_ =	strace $0x9FFFFFFF  }
0xc2: {  	(tm) =	ssettm $0x7FFFFFFF  }
0xc3: {  	_ =	shalt  }
tec
execute0_lowered:
.L_overlay_start_1:
0x0: {  	(tag) =	ssettag $0x1  }
0x1: {  	s0 =	rddreg [dreg:$0x0]  }
0x2: {  	s1 =	rddreg [dreg:$0x1];
	s2 =	srdreg.scid;
	s19 =	simm.s32 $0x0  }
0x3: {  	s13 =	stileid.u32;
	s30 =	simm.s32 $0x680;
	s28 =	simm.s32 $0xC  }
0x4: {  	s2 =	sand.u32 $0x1, s2;
	[smem:$0x7FF] =	sst s19;
	s5 =	smul.u32 $0x14000, s13  }
0x5: {  	s4 =	sadd.s32 $0x16800, s0;
	s14 =	sadd.s32 $0x2C00, s0;
	s18 =	sshrl.u32 s13, $0x2  }
0x6: {  	s6 =	sshll.u32 s13, $0x8;
	p1 =	seq.s32 s13, $0xF;
	s3 =	smul.u32 $0x140000, s2  }
0x7: {  	_ =	strace $0x8000004A;
	s7 =	sshll.u32 s2, $0x7;
	s6 =	sand.u32 $0x300, s6  }
0x8: {  	s8 =	ssub.s32 $0x2, s2;
	p0 =	seq.s32 s2, $0x1;
	s3 =	sadd.s32 s5, s3  }
0x9: {  	s10 =	sshrl.u32 s8, $0x1;
	s5 =	smul.u32 $0x13C00, s18;
	s3 =	sshrl.u32 s3, $0x3  }
0xa: {  	s9 =	sor.u32 s7, s6;
	s8 =	ssub.s32 s8, s10;
	s3 =	sadd.s32 s3, s0  }
0xb: {  	s9 =	sor.u32 s5, s9;
	s6 =	sor.u32 s6, s5;
	s0 =	sadd.s32 $0x3C000, s0  }
0xc: {  	s20 =	sshrl.u32 s9, $0x3;
	s11 =	sadd.s32 $0x4F000, s9;
	s22 =	sadd.s32 $0x400, s9  }
0xd: {  	s24 =	sadd.s32 $0x4F400, s9;
	s26 =	sadd.s32 $0x800, s9;
	s31 =	sadd.s32 $0x4F800, s9  }
0xe: {  	s15 =	sadd.s32 $0xC00, s9;
	s17 =	sadd.s32 $0x4FC00, s9;
	[dreg:$0x11] =	wrdreg s0  }
0xf: {  	s10 =	sadd.s32 s14, s20;
	s21 =	sshrl.u32 s11, $0x3;
	s23 =	sshrl.u32 s22, $0x3  }
0x10: {  	s25 =	sshrl.u32 s24, $0x3;
	s29 =	sshrl.u32 s26, $0x3;
	s12 =	sshrl.u32 s31, $0x3  }
0x11: {  	s16 =	sshrl.u32 s15, $0x3;
	s18 =	sshrl.u32 s17, $0x3;
	s20 =	sadd.s32 $0x1000, s9  }
0x12: {  	s11 =	sadd.s32 $0x13800, s9;
	[dreg:$0x3] =	wrdreg s10;
	s10 =	sadd.s32 s14, s21  }
0x13: {  	s21 =	sshrl.u32 s20, $0x3;
	s20 =	sadd.s32 $0x3DA00, s3;
	[dreg:$0x4] =	wrdreg s10  }
0x14: {  	s15 =	sshrl.u32 s11, $0x3;
	s10 =	sadd.s32 s14, s23;
	[dreg:$0x14] =	wrdreg s20  }
0x15: {  	s22 =	sadd.s32 $0x50000, s9;
	s17 =	sadd.s32 s14, s15;
	[dreg:$0x5] =	wrdreg s10  }
0x16: {  	s24 =	sadd.s32 $0x1400, s9;
	s10 =	sadd.s32 s14, s25;
	[dreg:$0x12] =	wrdreg s17  }
0x17: {  	s25 =	smul.u32 $0x50000, s13;
	[dreg:$0x6] =	wrdreg s10;
	s10 =	sadd.s32 s14, s29  }
0x18: {  	s26 =	sshrl.u32 s24, $0x3;
	s23 =	sshrl.u32 s22, $0x3;
	[dreg:$0x7] =	wrdreg s10  }
0x19: {  	s10 =	sadd.s32 s14, s12;
	s12 =	sadd.s32 $0x50400, s9;
	s2 =	sshrl.u32 s25, $0x2  }
0x1a: {  	[dreg:$0x8] =	wrdreg s10;
	s10 =	sadd.s32 s14, s16;
	s29 =	sshrl.u32 s12, $0x3  }
0x1b: {  	s12 =	sadd.s32 $0x62800, s9;
	[dreg:$0x9] =	wrdreg s10;
	s10 =	sadd.s32 s14, s18  }
0x1c: {  	s31 =	sadd.s32 s14, s29;
	s29 =	sadd.s32 s2, s1;
	s2 =	sor.u32 s7, s6  }
0x1d: {  	s16 =	sshrl.u32 s12, $0x3;
	[dreg:$0xa] =	wrdreg s10;
	s10 =	sadd.s32 s14, s21  }
0x1e: {  	[dreg:$0xe] =	wrdreg s31;
	s18 =	sadd.s32 s14, s16;
	s21 =	sadd.s32 $0x51400, s2  }
0x1f: {  	s22 =	sadd.s32 $0x2400, s2;
	s25 =	sadd.s32 $0x51000, s2;
	s31 =	sadd.s32 $0x50C00, s2  }
0x20: {  	s9 =	sadd.s32 $0x1C00, s2;
	s11 =	sadd.s32 $0x50400, s2;
	[dreg:$0xf] =	wrdreg s29  }
0x21: {  	s17 =	sadd.s32 $0x1800, s2;
	s20 =	sadd.s32 $0x50000, s2;
	[dreg:$0xb] =	wrdreg s10  }
0x22: {  	s10 =	sadd.s32 s14, s23;
	[dreg:$0x13] =	wrdreg s18;
	s23 =	smax.u32 s8, $0x1  }
0x23: {  	s0 =	sshrl.u32 s21, $0x3;
	s3 =	sshrl.u32 s22, $0x3;
	s7 =	sshrl.u32 s31, $0x3  }
0x24: {  	s15 =	sshrl.u32 s11, $0x3;
	[dreg:$0x1e] =	wrdreg s17;
	s18 =	sadd.s32 $0x1400, s2  }
0x25: {  	s31 =	sadd.s32 $0x10000, s29;
	s17 =	simm.s32 $0x8;
	[dreg:$0xc] =	wrdreg s10  }
0x26: {  	s11 =	simm.s32 $0x4900;
	s10 =	sadd.s32 s14, s26;
	[dreg:$0x15] =	wrdreg s23  }
0x27: {  	s0 =	sadd.s32 s0, s14;
	s24 =	sadd.s32 s3, s14;
	[smem:$0x7FD] =	sst s31  }
0x28: {  	s26 =	sadd.s32 $0x2000, s2;
	s8 =	sadd.s32 s7, s14;
	[dreg:$0xd] =	wrdreg s10  }
0x29: {  	s16 =	sadd.s32 s15, s14;
	s3 =	sshrl.u32 s18, $0x3;
	[dreg:$0x16] =	wrdreg s0  }
0x2a: {  	s18 =	simm.s32 $0x3;
	s15 =	simm.s32 $0xA;
	[dreg:$0x17] =	wrdreg s24  }
0x2b: {  	s10 =	smul.u32 $0x2800, s13;
	s0 =	sshrl.u32 s25, $0x3;
	[dreg:$0x1a] =	wrdreg s8  }
0x2c: {  	s6 =	sshrl.u32 s26, $0x3;
	[dreg:$0x1d] =	wrdreg s16;
	s22 =	sadd.s32 s3, s14  }
0x2d: {  	s3 =	sadd.s32 $0x12C000, s1;
	s24 =	sadd.s32 $0x4000, s29;
	[dreg:$0x1f] =	wrdreg s22  }
0x2e: {  	s25 =	sadd.s32 $0x8000, s29;
	s26 =	sadd.s32 $0xC000, s29;
	[smem:$0x7FA] =	sst s24  }
0x2f: {  	s8 =	simm.s32 $0x80;
	s13 =	simm.s32 $0x580;
	[smem:$0x7FB] =	sst s25  }
0x30: {  	s16 =	simm.s32 $0x10;
	s0 =	sadd.s32 s0, s14;
	[smem:$0x7FC] =	sst s26  }
0x31: {  	s24 =	simm.s32 $0x7;
	s22 =	simm.s32 $0x9;
	s25 =	simm.s32 $0x5  }
0x32: {  	s26 =	simm.s32 $0xB;
	s5 =	sadd.s32 s4, s10;
	[dreg:$0x18] =	wrdreg s0  }
0x33: {  	s0 =	sadd.s32 s6, s14;
	s10 =	sadd.s32 $0x50800, s2;
	[dreg:$0x10] =	wrdreg s5  }
0x34: {  	s2 =	sadd.s32 $0x1000, s2;
	s6 =	smov.u32 s14;
	[dreg:$0x19] =	wrdreg s0  }
0x35: {  	s0 =	sshrl.u32 s9, $0x3;
	s12 =	sshrl.u32 s10, $0x3;
	s5 =	sshrl.u32 s20, $0x3  }
0x36: {  	s21 =	sshrl.u32 s2, $0x3;
	s20 =	simm.s32 $0x2;
	s9 =	simm.s32 $0xF  }
0x37: {  	s10 =	simm.s32 $0xE;
	s2 =	simm.s32 $0x0;
	s0 =	sadd.s32 s0, s14  }
0x38: {  	s23 =	sadd.s32 s5, s14;
	s7 =	sadd.s32 s21, s14;
	s5 =	sadd.s32 $0x138800, s1  }
.Ltmp0:
0x39: {  	s21 =	simm.s32 $0x900;
	[dreg:$0x1b] =	wrdreg s0;
	(pc) =	sbr.rel .LBB2_1-.Ltmp0, $4  }
0x3a: {  	s0 =	sadd.s32 s12, s14;
	[smem:$0x7F7] =	sst s23;
	s12 =	simm.s32 $0x180  }
0x3b: {  	s23 =	simm.s32 $0x1;
	[dreg:$0x1c] =	wrdreg s0;
	s0 =	sshrl.u32 @p1 s3, $0x3  }
0x3c: {  	s14 =	simm.s32 $0x4;
	[smem:$0x7F8] =	sst s0;
	s0 =	sshrl.u32 @p1 s5, $0x3  }
0x3d: {  	v0 =	vimm.f32 $0.0e+00;
	s3 =	simm.s32 $0x6;
	s5 =	simm.s32 $0xD;
	[smem:$0x7F9] =	sst s0  }
.LBB2_9:
0x3e: {  	_ =	swait.ge [sflag:s10], $0x4000  }
0x3f: {  	[sflag:s10] =	ssyncset.done $0x0  }
0x40: {  	s30 =	simm.s32 $0x680;
	[sflag:s10] =	ssyncadd.s32 $0xFFFFC000  }
0x41: {  	[spmem:s1] =	stream.indirect.scatter.add.f32 [tilespmem:s11], [sflag:$0x10], $0x80, s30, s8, $0xb8;
	[tilespmem:$0x1C900] =	vst v63  }
0x42: {  	_ =	swait.ge [sflag:s9], $0x4000  }
0x43: {  	[sflag:s9] =	ssyncset.done $0x0  }
0x44: {  	[sflag:s9] =	ssyncadd.s32 $0xFFFFC000  }
0x45: {  	_ =	swait.ge [sflag:s16], $0x4000  }
0x46: {  	s19 =	simm.s32 $0x0;
	s2 =	simm.s32 $0x800;
	[sflag:s16] =	ssyncset.done $0x0  }
0x47: {  	s31 =	simm.s32 $0x11;
	s0 =	rddreg [dreg:$0x12];
	[sflag:s16] =	ssyncadd.s32 $0xFFFFC000  }
0x48: {  	[tilespmem:s2], [sflag:$0x11] =	stream.linear.gather [hbm4b:s0+s19], $0x80, $0x38;
	[tilespmem:$0x1C900] =	vst v63  }
0x49: {  	_ =	swait.ge [sflag:s31], $0x80  }
0x4a: {  	[sflag:s31] =	ssyncset.done $0x0  }
0x4b: {  	s29 =	simm.s32 $0x880;
	s0 =	rddreg [dreg:$0x13];
	[sflag:s31] =	ssyncadd.s32 $0xFFFFFF80  }
0x4c: {  	[tilespmem:s29], [sflag:$0x11] =	stream.linear.gather [hbm4b:s0+s19], $0x80, $0x38;
	[tilespmem:$0x1C900] =	vst v63  }
0x4d: {  	_ =	swait.ge [sflag:s31], $0x80  }
0x4e: {  	[sflag:s31] =	ssyncset.done $0x0  }
0x4f: {  	[sflag:s31] =	ssyncadd.s32 $0xFFFFFF80  }
0x50: {  	[tilespmem:s21], [sflag:$0xD] =	stream.indirect.gather [hbm4b:s4+s16], $0x80, s2, s16, $0xb8;
	[tilespmem:$0x1C900] =	vst v63  }
0x51: {  	_ =	swait.ge [sflag:s5], $0x800  }
0x52: {  	[sflag:s5] =	ssyncset.done $0x0  }
0x53: {  	[sflag:s5] =	ssyncadd.s32 $0xFFFFF800  }
0x54: {  	[spmem:s1] =	stream.indirect.scatter.add.f32 [tilespmem:s21], [sflag:$0x11], $0x80, s29, s16, $0xb8;
	[tilespmem:$0x1C900] =	vst v63  }
0x55: {  	_ =	swait.ge [sflag:s31], $0x800  }
0x56: {  	[sflag:s31] =	ssyncset.done $0x0  }
0x57: {  	[sflag:s31] =	ssyncadd.s32 $0xFFFFF800  }
0x58: {  	s2 =	stileid.u32;
	[bflag:$0x0] =	sbarrier.arrive $0xFFFF  }
0x59: {  	s0 =	sshll.u32 s2, $0x6;
	s29 =	rddreg [dreg:$0xf]  }
0x5a: {  	s0 =	sor.u32 $0x1C11, s0;
	s2 =	sshrl.u32 s29, $0x3;
	s29 =	rddreg [dreg:$0x14]  }
0x5b: {  	[hbm:s29], [sflag:s0] =	dma.local [spmem:s2], $0x2800  }
0x5c: {  	_ =	swait.ge [sflag:s31], $0x2800  }
0x5d: {  	s0 =	sld [smem:$0x7F6];
	_ =	sdelay $0x2  }
0x5e: {  	s29 =	rddreg [dreg:$0x15];
	s2 =	sadd.s32 $0x1, s0  }
0x5f: {  	p2 =	sne.s32 s2, s29  }
.Ltmp1:
0x60: {  	_ = 	snop;
	(pc) =	sbr.rel @!p2 .LBB2_10-.Ltmp1, $3  }
0x61: {  	_ =	sdelay $0x1  }
0x62: {  	[sflag:s31] =	ssyncset.done $0x0  }
0x63: {  	[sflag:s31] =	ssyncadd.s32 $0xFFFFD800  }
.LBB2_1:
0x64: {  	[smem:$0x7F6] =	sst s2  }
0x65: {  	s0 =	rddreg [dreg:$0x3]  }
0x66: {  	[tilespmem:s19], [sflag:$0x1] =	stream.linear.gather [hbm4b:s0+s19], $0x80, $0x38;
	[tilespmem:$0x1C900] =	vst v63  }
0x67: {  	s29 =	rddreg [dreg:$0x4];
	s31 =	simm.s32 $0x400  }
0x68: {  	[tilespmem:s31], [sflag:$0x7] =	stream.linear.gather [hbm4b:s29+s19], $0x80, $0x38;
	[tilespmem:$0x1C900] =	vst v63  }
0x69: {  	s2 =	rddreg [dreg:$0x5]  }
0x6a: {  	[tilespmem:s8], [sflag:$0x2] =	stream.linear.gather [hbm4b:s2+s19], $0x80, $0x38;
	[tilespmem:$0x1C900] =	vst v63  }
0x6b: {  	s29 =	rddreg [dreg:$0x6];
	s31 =	simm.s32 $0x480  }
0x6c: {  	[tilespmem:s31], [sflag:$0x8] =	stream.linear.gather [hbm4b:s29+s19], $0x80, $0x38;
	[tilespmem:$0x1C900] =	vst v63  }
0x6d: {  	s29 =	rddreg [dreg:$0x7];
	s31 =	simm.s32 $0x100  }
0x6e: {  	[tilespmem:s31], [sflag:$0x3] =	stream.linear.gather [hbm4b:s29+s19], $0x80, $0x38;
	[tilespmem:$0x1C900] =	vst v63  }
0x6f: {  	s2 =	rddreg [dreg:$0x8];
	s29 =	simm.s32 $0x500  }
0x70: {  	[tilespmem:s29], [sflag:$0x9] =	stream.linear.gather [hbm4b:s2+s19], $0x80, $0x38;
	[tilespmem:$0x1C900] =	vst v63  }
0x71: {  	s31 =	rddreg [dreg:$0x9]  }
0x72: {  	[tilespmem:s12], [sflag:$0x4] =	stream.linear.gather [hbm4b:s31+s19], $0x80, $0x38;
	[tilespmem:$0x1C900] =	vst v63  }
0x73: {  	s2 =	rddreg [dreg:$0xa]  }
0x74: {  	[tilespmem:s13], [sflag:$0xA] =	stream.linear.gather [hbm4b:s2+s19], $0x80, $0x38;
	[tilespmem:$0x1C900] =	vst v63  }
0x75: {  	s29 =	rddreg [dreg:$0xb];
	s31 =	simm.s32 $0x200  }
0x76: {  	[tilespmem:s31], [sflag:$0x5] =	stream.linear.gather [hbm4b:s29+s19], $0x80, $0x38;
	[tilespmem:$0x1C900] =	vst v63  }
0x77: {  	s29 =	rddreg [dreg:$0xc];
	s31 =	simm.s32 $0x600  }
0x78: {  	[tilespmem:s31], [sflag:$0xB] =	stream.linear.gather [hbm4b:s29+s19], $0x80, $0x38;
	[tilespmem:$0x1C900] =	vst v63  }
.Ltmp2:
0x79: {  	_ = 	snop;
	(pc) =	sbr.rel @!p0 .LBB2_2-.Ltmp2, $4  }
0x7a: {  	s2 =	rddreg [dreg:$0xd];
	s29 =	simm.s32 $0x280  }
0x7b: {  	[tilespmem:s29], [sflag:$0x6] =	stream.linear.gather [hbm4b:s2+s19], $0x80, $0x38;
	[tilespmem:$0x1C900] =	vst v63  }
0x7c: {  	s31 =	rddreg [dreg:$0xe]  }
0x7d: {  	[tilespmem:s30], [sflag:$0xC] =	stream.linear.gather [hbm4b:s31+s19], $0x80, $0x38;
	[tilespmem:$0x1C900] =	vst v63  }
0x7e: {  	s29 =	sshra.s32 s19, $0x2;
	s30 =	sadd.s32 $0x200, s19  }
.LBB2_4:
0x7f: {  	p2 =	sne.s32 s30, $0xFE00;
	[tilespmem:s29+$0x970] =	vst v0  }
0x80: {  	[tilespmem:s29+$0x900] =	vst v0  }
0x81: {  	[tilespmem:s29+$0x910] =	vst v0  }
.Ltmp3:
0x82: {  	[tilespmem:s29+$0x920] =	vst v0;
	(pc) =	sbr.rel @p2 .LBB2_4-.Ltmp3, $4  }
0x83: {  	[tilespmem:s29+$0x930] =	vst v0  }
0x84: {  	[tilespmem:s29+$0x940] =	vst v0  }
0x85: {  	[tilespmem:s29+$0x950] =	vst v0  }
0x86: {  	[tilespmem:s29+$0x960] =	vst v0;
	s29 =	sshra.s32 s30, $0x2;
	s30 =	sadd.s32 $0x200, s30  }
0x87: {  	[tilespmem:s29+$0x970] =	vst v0  }
0x88: {  	[tilespmem:s29+$0x900] =	vst v0  }
0x89: {  	[tilespmem:s29+$0x910] =	vst v0  }
0x8a: {  	[tilespmem:s29+$0x920] =	vst v0  }
0x8b: {  	[tilespmem:s29+$0x930] =	vst v0  }
0x8c: {  	[tilespmem:s29+$0x940] =	vst v0  }
0x8d: {  	[tilespmem:s29+$0x950] =	vst v0  }
0x8e: {  	[tilespmem:s29+$0x960] =	vst v0;
	s0 =	rddreg [dreg:$0xf];
	s2 =	simm.s32 $0x11  }
0x8f: {  	[spmem:s0] =	stream.linear.scatter [tilespmem:s21], [sflag:$0x11], $0x4000, $0x38;
	[tilespmem:$0x1C900] =	vst v63  }
0x90: {  	_ =	swait.ge [sflag:s2], $0x4000  }
0x91: {  	s19 =	sld [smem:$0x7FA]  }
0x92: {  	[sflag:s2] =	ssyncset.done $0x0  }
0x93: {  	[sflag:s2] =	ssyncadd.s32 $0xFFFFC000  }
0x94: {  	[spmem:s19] =	stream.linear.scatter [tilespmem:s21], [sflag:$0x11], $0x4000, $0x38;
	[tilespmem:$0x1C900] =	vst v63  }
0x95: {  	_ =	swait.ge [sflag:s2], $0x4000  }
0x96: {  	s29 =	sld [smem:$0x7FB]  }
0x97: {  	[sflag:s2] =	ssyncset.done $0x0  }
0x98: {  	[sflag:s2] =	ssyncadd.s32 $0xFFFFC000  }
0x99: {  	[spmem:s29] =	stream.linear.scatter [tilespmem:s21], [sflag:$0x11], $0x4000, $0x38;
	[tilespmem:$0x1C900] =	vst v63  }
0x9a: {  	_ =	swait.ge [sflag:s2], $0x4000  }
0x9b: {  	s30 =	sld [smem:$0x7FC]  }
0x9c: {  	[sflag:s2] =	ssyncset.done $0x0  }
0x9d: {  	[sflag:s2] =	ssyncadd.s32 $0xFFFFC000  }
0x9e: {  	[spmem:s30] =	stream.linear.scatter [tilespmem:s21], [sflag:$0x11], $0x4000, $0x38;
	[tilespmem:$0x1C900] =	vst v63  }
0x9f: {  	_ =	swait.ge [sflag:s2], $0x4000  }
0xa0: {  	s31 =	sld [smem:$0x7FD]  }
0xa1: {  	[sflag:s2] =	ssyncset.done $0x0  }
.Ltmp4:
0xa2: {  	[sflag:s2] =	ssyncadd.s32 $0xFFFFC000;
	(pc) =	sbr.rel .LBB2_6-.Ltmp4, $4  }
0xa3: {  	[spmem:s31] =	stream.linear.scatter [tilespmem:s21], [sflag:$0x11], $0x4000, $0x38;
	[tilespmem:$0x1C900] =	vst v63  }
0xa4: {  	_ =	swait.ge [sflag:s2], $0x4000  }
0xa5: {  	[sflag:s2] =	ssyncset.done $0x0  }
0xa6: {  	[sflag:s2] =	ssyncadd.s32 $0xFFFFC000  }
.LBB2_2:
0xa7: {  	s2 =	sld [smem:$0x7F8];
	_ =	sdelay $0x1  }
0xa8: {  	s29 =	simm.s32 @p1 $0x1FD1;
	s0 =	rddreg [dreg:$0x11];
	s30 =	simm.s32 @p1 $0x11  }
0xa9: {  	[spmem:s2], [sflag:s29] =	dma.local @p1 [hbm:s0], $0x1900  }
0xaa: {  	_ =	swait.ge @p1 [sflag:s30], $0x1900  }
0xab: {  	s0 =	sld [smem:$0x7F9]  }
0xac: {  	[sflag:s30] =	ssyncset.done @p1 $0x0  }
0xad: {  	[sflag:s30] =	ssyncadd.s32 @p1 $0xFFFFE700  }
0xae: {  	[spmem:s0], [sflag:s29] =	dma.local @p1 [hbm:s4], $0xF00  }
0xaf: {  	s0 =	stileid.u32  }
0xb0: {  	_ =	swait.ge @p1 [sflag:s30], $0xF00;
	s29 =	sshll.u32 @!p1 s0, $0x6  }
0xb1: {  	[sflag:s30] =	ssyncset.done @p1 $0x0;
	s29 =	sor.u32 @!p1 $0x1C11, s29;
	s0 =	rddreg [dreg:$0xf]  }
0xb2: {  	[sflag:s30] =	ssyncadd.s32 @p1 $0xFFFFF100;
	s30 =	sshrl.u32 @!p1 s0, $0x3;
	s0 =	rddreg [dreg:$0x10]  }
0xb3: {  	[spmem:s30], [sflag:s29] =	dma.local @!p1 [hbm:s0], $0x2800  }
0xb4: {  	s29 =	simm.s32 @!p1 $0x11  }
0xb5: {  	_ =	swait.ge @!p1 [sflag:s29], $0x2800  }
0xb6: {  	[sflag:s29] =	ssyncset.done @!p1 $0x0  }
0xb7: {  	[sflag:s29] =	ssyncadd.s32 @!p1 $0xFFFFD800  }
.LBB2_6:
0xb8: {  	[bflag:$0x0] =	sbarrier.arrive $0xFFFF  }
0xb9: {  	s29 =	simm.s32 $0x0;
	s30 =	rddreg [dreg:$0x1e]  }
.LBB2_7:
0xba: {  	_ =	swait.ge [sflag:s23], $0x80  }
0xbb: {  	[sflag:s23] =	ssyncset.done $0x0  }
0xbc: {  	[sflag:s23] =	ssyncadd.s32 $0xFFFFFF80  }
0xbd: {  	_ =	swait.ge [sflag:s24], $0x80  }
0xbe: {  	p2 =	sne.s32 s29, $0x0;
	[sflag:s24] =	ssyncset.done $0x0  }
0xbf: {  	s31 =	simm.s32 @p2 $0xF;
	[sflag:s24] =	ssyncadd.s32 $0xFFFFFF80  }
0xc0: {  	_ =	swait.ge @p2 [sflag:s31], $0x4000  }
0xc1: {  	s0 =	simm.s32 @p2 $0x0;
	[sflag:s31] =	ssyncset.done @p2 $0x0  }
0xc2: {  	s19 =	simm.s32 @p2 $0x900;
	[sflag:s31] =	ssyncadd.s32 @p2 $0xFFFFC000;
	s31 =	simm.s32 @p2 $0x80  }
0xc3: {  	[tilespmem:s19], [sflag:$0xD] =	stream.indirect.gather @p2 [hbm4b:s4+s31], $0x80, s0, s31, $0xb8;
	[tilespmem:$0x1C900] =	vst v63  }
0xc4: {  	s19 =	simm.s32 @p2 $0xE  }
0xc5: {  	_ =	swait.ge @p2 [sflag:s19], $0x4000  }
0xc6: {  	[sflag:s19] =	ssyncset.done @p2 $0x0  }
0xc7: {  	s2 =	simm.s32 @p2 $0x4900;
	[sflag:s19] =	ssyncadd.s32 @p2 $0xFFFFC000;
	s19 =	simm.s32 @p2 $0x680  }
0xc8: {  	[spmem:s1] =	stream.indirect.scatter.add.f32 @p2 [tilespmem:s2], [sflag:$0x10], $0x80, s19, s31, $0xb8;
	[tilespmem:$0x1C900] =	vst v63  }
0xc9: {  	s2 =	sadd.s32 @p2 s29, s7;
	s19 =	simm.s32 @p2 $0x200  }
0xca: {  	[tilespmem:s19], [sflag:$0x5] =	stream.linear.gather @p2 [hbm4b:s2+s0], $0x80, $0x38;
	[tilespmem:$0x1C900] =	vst v63  }
0xcb: {  	s2 =	sld [smem:$0x7F7];
	_ =	sdelay $0x2  }
0xcc: {  	s19 =	simm.s32 @p2 $0x600;
	s2 =	sadd.s32 @p2 s29, s2  }
0xcd: {  	[tilespmem:s19], [sflag:$0xB] =	stream.linear.gather @p2 [hbm4b:s2+s0], $0x80, $0x38;
	[tilespmem:$0x1C900] =	vst v63  }
0xce: {  	s0 =	simm.s32 @!p2 $0x80;
	s2 =	simm.s32 @!p2 $0x0;
	s19 =	simm.s32 @!p2 $0x900  }
0xcf: {  	[tilespmem:s19], [sflag:$0xD] =	stream.indirect.gather @!p2 [hbm4b:s4+s0], $0x80, s2, s0, $0xb8;
	[tilespmem:$0x1C900] =	vst v63  }
0xd0: {  	_ =	swait.ge [sflag:s20], $0x80  }
0xd1: {  	[sflag:s20] =	ssyncset.done $0x0  }
0xd2: {  	[sflag:s20] =	ssyncadd.s32 $0xFFFFFF80  }
0xd3: {  	_ =	swait.ge [sflag:s17], $0x80  }
0xd4: {  	p2 =	seq.s32 s29, $0x0;
	[sflag:s17] =	ssyncset.done $0x0  }
0xd5: {  	s0 =	simm.s32 @p2 $0x80;
	s2 =	simm.s32 @p2 $0x4900;
	[sflag:s17] =	ssyncadd.s32 $0xFFFFFF80  }
0xd6: {  	[tilespmem:s2], [sflag:$0xE] =	stream.indirect.gather @p2 [hbm4b:s4+s0], $0x80, s0, s0, $0xb8;
	[tilespmem:$0x1C900] =	vst v63  }
0xd7: {  	s2 =	simm.s32 @p2 $0xD  }
0xd8: {  	_ =	swait.ge @p2 [sflag:s2], $0x4000  }
0xd9: {  	[sflag:s2] =	ssyncset.done @p2 $0x0  }
0xda: {  	s19 =	simm.s32 @p2 $0x900;
	[sflag:s2] =	ssyncadd.s32 @p2 $0xFFFFC000;
	s2 =	simm.s32 @p2 $0x400  }
0xdb: {  	[spmem:s1] =	stream.indirect.scatter.add.f32 @p2 [tilespmem:s19], [sflag:$0xF], $0x80, s2, s0, $0xb8;
	[tilespmem:$0x1C900] =	vst v63  }
0xdc: {  	s0 =	simm.s32 @!p2 $0x10  }
0xdd: {  	_ =	swait.ge @!p2 [sflag:s0], $0x4000  }
0xde: {  	[sflag:s0] =	ssyncset.done @!p2 $0x0  }
0xdf: {  	s2 =	simm.s32 @!p2 $0x4900;
	[sflag:s0] =	ssyncadd.s32 @!p2 $0xFFFFC000;
	s0 =	simm.s32 @!p2 $0x80  }
0xe0: {  	[tilespmem:s2], [sflag:$0xE] =	stream.indirect.gather @!p2 [hbm4b:s4+s0], $0x80, s0, s0, $0xb8;
	[tilespmem:$0x1C900] =	vst v63  }
0xe1: {  	s2 =	simm.s32 @!p2 $0xD  }
0xe2: {  	_ =	swait.ge @!p2 [sflag:s2], $0x4000  }
0xe3: {  	[sflag:s2] =	ssyncset.done @!p2 $0x0  }
0xe4: {  	s19 =	simm.s32 @!p2 $0x900;
	[sflag:s2] =	ssyncadd.s32 @!p2 $0xFFFFC000;
	s2 =	simm.s32 @!p2 $0x400  }
0xe5: {  	[spmem:s1] =	stream.indirect.scatter.add.f32 @!p2 [tilespmem:s19], [sflag:$0xF], $0x80, s2, s0, $0xb8;
	[tilespmem:$0x1C900] =	vst v63  }
0xe6: {  	s0 =	rddreg [dreg:$0x1f]  }
0xe7: {  	s2 =	simm.s32 @!p2 $0x0;
	s19 =	simm.s32 @!p2 $0x280;
	s0 =	sadd.s32 @!p2 s29, s0  }
0xe8: {  	[tilespmem:s19], [sflag:$0x6] =	stream.linear.gather @!p2 [hbm4b:s0+s2], $0x80, $0x38;
	[tilespmem:$0x1C900] =	vst v63  }
0xe9: {  	s0 =	rddreg [dreg:$0x1d]  }
0xea: {  	s19 =	simm.s32 @!p2 $0x680;
	s0 =	sadd.s32 @!p2 s29, s0  }
0xeb: {  	[tilespmem:s19], [sflag:$0xC] =	stream.linear.gather @!p2 [hbm4b:s0+s2], $0x80, $0x38;
	[tilespmem:$0x1C900] =	vst v63  }
0xec: {  	_ =	swait.ge [sflag:s18], $0x80  }
0xed: {  	[sflag:s18] =	ssyncset.done $0x0  }
0xee: {  	[sflag:s18] =	ssyncadd.s32 $0xFFFFFF80  }
0xef: {  	_ =	swait.ge [sflag:s22], $0x80  }
0xf0: {  	[sflag:s22] =	ssyncset.done $0x0  }
0xf1: {  	[sflag:s22] =	ssyncadd.s32 $0xFFFFFF80  }
0xf2: {  	_ =	swait.ge [sflag:s9], $0x4000  }
0xf3: {  	[sflag:s9] =	ssyncset.done $0x0  }
0xf4: {  	s31 =	simm.s32 $0x100;
	[sflag:s9] =	ssyncadd.s32 $0xFFFFC000  }
0xf5: {  	[tilespmem:s21], [sflag:$0xD] =	stream.indirect.gather [hbm4b:s4+s8], $0x80, s31, s8, $0xb8;
	[tilespmem:$0x1C900] =	vst v63  }
0xf6: {  	_ =	swait.ge [sflag:s10], $0x4000  }
0xf7: {  	p2 =	seq.s32 s29, $0x2400;
	[sflag:s10] =	ssyncset.done $0x0  }
0xf8: {  	s2 =	simm.s32 $0x480;
	s0 =	sshrl.u32 @!p2 s30, $0x3;
	[sflag:s10] =	ssyncadd.s32 $0xFFFFC000  }
0xf9: {  	[spmem:s1] =	stream.indirect.scatter.add.f32 [tilespmem:s11], [sflag:$0x10], $0x80, s2, s8, $0xb8;
	[tilespmem:$0x1C900] =	vst v63  }
0xfa: {  	s0 =	sadd.s32 @!p2 s6, s0;
	s2 =	simm.s32 @!p2 $0x0  }
0xfb: {  	[tilespmem:s2], [sflag:$0x1] =	stream.linear.gather @!p2 [hbm4b:s0+s2], $0x80, $0x38;
	[tilespmem:$0x1C900] =	vst v63  }
0xfc: {  	s0 =	rddreg [dreg:$0x1c]  }
0xfd: {  	s19 =	simm.s32 @!p2 $0x400;
	s0 =	sadd.s32 @!p2 s29, s0  }
0xfe: {  	[tilespmem:s19], [sflag:$0x7] =	stream.linear.gather @!p2 [hbm4b:s0+s2], $0x80, $0x38;
	[tilespmem:$0x1C900] =	vst v63  }
0xff: {  	_ =	swait.ge [sflag:s14], $0x80  }
0x100: {  	[sflag:s14] =	ssyncset.done $0x0  }
0x101: {  	[sflag:s14] =	ssyncadd.s32 $0xFFFFFF80  }
0x102: {  	_ =	swait.ge [sflag:s15], $0x80  }
0x103: {  	[sflag:s15] =	ssyncset.done $0x0  }
0x104: {  	[sflag:s15] =	ssyncadd.s32 $0xFFFFFF80  }
0x105: {  	_ =	swait.ge [sflag:s16], $0x4000  }
0x106: {  	[sflag:s16] =	ssyncset.done $0x0  }
0x107: {  	[sflag:s16] =	ssyncadd.s32 $0xFFFFC000  }
0x108: {  	[tilespmem:s11], [sflag:$0xE] =	stream.indirect.gather [hbm4b:s4+s8], $0x80, s12, s8, $0xb8;
	[tilespmem:$0x1C900] =	vst v63  }
0x109: {  	_ =	swait.ge [sflag:s5], $0x4000  }
0x10a: {  	[sflag:s5] =	ssyncset.done $0x0  }
0x10b: {  	s19 =	simm.s32 $0x500;
	s0 =	rddreg [dreg:$0x1b];
	[sflag:s5] =	ssyncadd.s32 $0xFFFFC000  }
0x10c: {  	[spmem:s1] =	stream.indirect.scatter.add.f32 [tilespmem:s21], [sflag:$0xF], $0x80, s19, s8, $0xb8;
	[tilespmem:$0x1C900] =	vst v63  }
0x10d: {  	s0 =	sadd.s32 @!p2 s29, s0;
	s19 =	simm.s32 @!p2 $0x80  }
0x10e: {  	[tilespmem:s19], [sflag:$0x2] =	stream.linear.gather @!p2 [hbm4b:s0+s2], $0x80, $0x38;
	[tilespmem:$0x1C900] =	vst v63  }
0x10f: {  	s0 =	rddreg [dreg:$0x1a]  }
0x110: {  	s19 =	simm.s32 @!p2 $0x480;
	s0 =	sadd.s32 @!p2 s29, s0  }
0x111: {  	[tilespmem:s19], [sflag:$0x8] =	stream.linear.gather @!p2 [hbm4b:s0+s2], $0x80, $0x38;
	[tilespmem:$0x1C900] =	vst v63  }
0x112: {  	_ =	swait.ge [sflag:s25], $0x80  }
0x113: {  	[sflag:s25] =	ssyncset.done $0x0  }
0x114: {  	[sflag:s25] =	ssyncadd.s32 $0xFFFFFF80  }
0x115: {  	_ =	swait.ge [sflag:s26], $0x80  }
0x116: {  	[sflag:s26] =	ssyncset.done $0x0  }
0x117: {  	[sflag:s26] =	ssyncadd.s32 $0xFFFFFF80  }
0x118: {  	_ =	swait.ge [sflag:s9], $0x4000  }
0x119: {  	[sflag:s9] =	ssyncset.done $0x0  }
0x11a: {  	s31 =	simm.s32 $0x200;
	[sflag:s9] =	ssyncadd.s32 $0xFFFFC000  }
0x11b: {  	[tilespmem:s21], [sflag:$0xD] =	stream.indirect.gather [hbm4b:s4+s8], $0x80, s31, s8, $0xb8;
	[tilespmem:$0x1C900] =	vst v63  }
0x11c: {  	_ =	swait.ge [sflag:s10], $0x4000  }
0x11d: {  	[sflag:s10] =	ssyncset.done $0x0  }
0x11e: {  	s0 =	rddreg [dreg:$0x19];
	[sflag:s10] =	ssyncadd.s32 $0xFFFFC000  }
0x11f: {  	[spmem:s1] =	stream.indirect.scatter.add.f32 [tilespmem:s11], [sflag:$0x10], $0x80, s13, s8, $0xb8;
	[tilespmem:$0x1C900] =	vst v63  }
0x120: {  	s19 =	simm.s32 @!p2 $0x100;
	s0 =	sadd.s32 @!p2 s29, s0  }
0x121: {  	[tilespmem:s19], [sflag:$0x3] =	stream.linear.gather @!p2 [hbm4b:s0+s2], $0x80, $0x38;
	[tilespmem:$0x1C900] =	vst v63  }
0x122: {  	s0 =	rddreg [dreg:$0x18]  }
0x123: {  	s19 =	simm.s32 @!p2 $0x500;
	s0 =	sadd.s32 @!p2 s29, s0  }
0x124: {  	[tilespmem:s19], [sflag:$0x9] =	stream.linear.gather @!p2 [hbm4b:s0+s2], $0x80, $0x38;
	[tilespmem:$0x1C900] =	vst v63  }
0x125: {  	_ =	swait.ge [sflag:s3], $0x80  }
0x126: {  	[sflag:s3] =	ssyncset.done $0x0  }
0x127: {  	[sflag:s3] =	ssyncadd.s32 $0xFFFFFF80  }
0x128: {  	_ =	swait.ge [sflag:s28], $0x80  }
0x129: {  	[sflag:s28] =	ssyncset.done $0x0  }
0x12a: {  	[sflag:s28] =	ssyncadd.s32 $0xFFFFFF80  }
0x12b: {  	_ =	swait.ge [sflag:s16], $0x4000  }
0x12c: {  	[sflag:s16] =	ssyncset.done $0x0  }
0x12d: {  	s19 =	simm.s32 $0x280;
	[sflag:s16] =	ssyncadd.s32 $0xFFFFC000  }
0x12e: {  	[tilespmem:s11], [sflag:$0xE] =	stream.indirect.gather [hbm4b:s4+s8], $0x80, s19, s8, $0xb8;
	[tilespmem:$0x1C900] =	vst v63  }
.Ltmp5:
0x12f: {  	_ = 	snop;
	(pc) =	sbr.rel @p2 .LBB2_9-.Ltmp5, $4  }
0x130: {  	_ =	swait.ge [sflag:s5], $0x4000  }
0x131: {  	[sflag:s5] =	ssyncset.done $0x0  }
0x132: {  	s31 =	simm.s32 $0x600;
	[sflag:s5] =	ssyncadd.s32 $0xFFFFC000  }
0x133: {  	[spmem:s1] =	stream.indirect.scatter.add.f32 [tilespmem:s21], [sflag:$0xF], $0x80, s31, s8, $0xb8;
	[tilespmem:$0x1C900] =	vst v63  }
.Ltmp6:
0x134: {  	s0 =	rddreg [dreg:$0x17];
	(pc) =	sbr.rel .LBB2_7-.Ltmp6, $4  }
0x135: {  	s2 =	simm.s32 $0x0;
	s31 =	rddreg [dreg:$0x16];
	s0 =	sadd.s32 s29, s0  }
0x136: {  	[tilespmem:s12], [sflag:$0x4] =	stream.linear.gather [hbm4b:s0+s2], $0x80, $0x38;
	[tilespmem:$0x1C900] =	vst v63  }
0x137: {  	s30 =	sadd.s32 $0x1800, s30;
	s0 =	sadd.s32 s29, s31;
	s29 =	sadd.s32 $0x300, s29  }
0x138: {  	[tilespmem:s13], [sflag:$0xA] =	stream.linear.gather [hbm4b:s0+s2], $0x80, $0x38;
	[tilespmem:$0x1C900] =	vst v63  }
.LBB2_10:
0x139: {  	_ =	sfence.sel $0x180000  }
0x13a: {  	[bflag:$0x0] =	sbarrier.arrive $0xFFFF  }
0x13b: {  	_ =	strace $0x9000004A  }
0x13c: {  	s0 =	stileid.u32;
	[bflag:$0x2] =	sbarrier.arrive $0xFFFF  }
0x13d: {  	p0 =	sne.s32 s0, $0x0;
	s0 =	rddreg [dreg:$0x2]  }
0x13e: {  	s0 =	sadd.s32 @!p0 $0x100000, s0  }
0x13f: {  	[sflag:s0] =	ssyncadd.tile.s32 @!p0 $0x1;
	_ =	shalt  }
.Lfunc_end2:
_tile_overlayer_lowered:
.L_overlay_start_2:
0x140: {  	(tag) =	ssettag $0x2  }
0x141: {  	s0 =	rddreg [dreg:$0x0];
	s2 =	stileid.u32  }
0x142: {  	s1 =	rddreg [dreg:$0x1];
	p0 =	sne.s32 s2, $0x0  }
0x143: {  	s3 =	rddreg [dreg:$0x2];
	[bflag:$0x3] =	sbarrier.arrive $0xFFFF;
	s2 =	simm.s32 @!p0 $0x1C11  }
0x144: {  	[timem:s3], [sflag:s2] =	dma.local @!p0 [hbm:s0], s1  }
0x145: {  	s0 =	simm.s32 @!p0 $0x11  }
0x146: {  	_ =	swait.ge @!p0 [sflag:s0], s1  }
0x147: {  	s1 =	ssub.s32 @!p0 $0x0, s1;
	[sflag:s0] =	ssyncset.done @!p0 $0x0  }
0x148: {  	[sflag:s0] =	ssyncadd.s32 @!p0 s1  }
0x149: {  	[bflag:$0x3] =	sbarrier.arrive $0xFFFF  }
0x14a: {  	_ =	shalt  }

// kernel: kernel.15.cloned.1.call-start
scs
__scs_entry_jumppad:
0x0: {  	(pc) =	sbr.rel $0x88, $3  }
0x1: {  	(tag) =	ssettag $0x0;
	lr =	simm.s32 $0x1  }
0x2: {  	[smem:$0x3F99] =	sst lr;
	_ =	strace $0xD0000000  }
0x3: {  	_ = 	snop  }
0x4: {  	_ = 	snop  }
0x5: {  	_ = 	snop  }
0x6: {  	_ = 	snop  }
0x7: {  	_ = 	snop  }
__scs_overlays_trampoline_lowered:
0x8: {  	[smem:$0x3FA8] =	sst s0  }
0x9: {  	[smem:$0x3FA9] =	sst s1  }
0xa: {  	[smem:$0x3FAA] =	sst s2  }
0xb: {  	[smem:$0x3FAB] =	sst s3  }
0xc: {  	[smem:$0x3FAC] =	sst s4  }
0xd: {  	[smem:$0x3FAD] =	sst s5  }
0xe: {  	[smem:$0x3FAE] =	sst s6  }
0xf: {  	[smem:$0x3FAF] =	sst s7  }
0x10: {  	[smem:$0x3FB0] =	sst s8  }
0x11: {  	[smem:$0x3FB1] =	sst s9;
	s0 =	simm.s32 @!p0 $0x0  }
0x12: {  	s1 =	sld [smem:$0x3F97];
	s0 =	simm.s32 @p0 $0x1  }
0x13: {  	[smem:$0x3FB2] =	sst s0;
	s0 =	simm.s32 @!p1 $0x0  }
0x14: {  	s2 =	sld [smem:$0x3F96];
	s0 =	simm.s32 @p1 $0x1  }
0x15: {  	[smem:$0x3FB3] =	sst s0;
	s0 =	simm.s32 @!p2 $0x0  }
0x16: {  	s3 =	sld [smem:$0x3FDB];
	s0 =	simm.s32 @p2 $0x1  }
0x17: {  	s4 =	simm.s32 $0x1BF5;
	[smem:$0x3FB5] =	sst s0  }
0x18: {  	s0 =	sld [smem:$0x3F98];
	_ =	swait.ge [sflag:s4], $0x0  }
0x19: {  	s7 =	sld [smem:$0x3F99]  }
0x1a: {  	s8 =	sadd.s32 $0xFFFFE003, lr  }
0x1b: {  	s9 =	sadd.s32 $0xFFFFFEF7, lr;
	s5 =	simm.s32 $0xFFFFFFFF;
	p2 =	slt.u32 s8, $0xFFFFF086  }
0x1c: {  	p1 =	slt.u32 s9, $0xF7A;
	s5 =	simm.s32 @!p2 $0x0  }
0x1d: {  	s5 =	simm.s32 @p1 $0x1;
	p0 =	seq.s32 s7, s2  }
0x1e: {  	s7 =	smul.u32 @!p0 $0xF7A, s2;
	p2 =	seq.s32 @!p0 s5, $0x0  }
0x1f: {  	s9 =	smul.u32 $0xF7A, s1;
	s8 =	simm.s32 @!p0 $0x1BF5;
	p2 =	por !p2, p0  }
0x20: {  	[sflag:s8] =	ssyncset.s32 @!p0 $0xFFFFF086;
	s6 =	sadd.s32 @!p0 s3, s7;
	s7 =	simm.s32 @!p0 $0x108  }
0x21: {  	s3 =	sadd.s32 s3, s9;
	s6 =	sadd.s32 @!p0 $0x88, s6;
	s7 =	simm.s32 @p2 $0x1082  }
0x22: {  	[simem:s7], [sflag:s8] =	dma.local @!p0 [hbm:s6], $0xF7A  }
0x23: {  	s9 =	sor.u32 $0xD0000000, s2;
	s6 =	simm.s32 $0x108;
	_ =	swait.ge @!p0 [sflag:s8], $0x0  }
0x24: {  	s3 =	sadd.s32 $0x88, s3;
	s6 =	simm.s32 @!p1 $0x1082;
	[sflag:s4] =	ssyncset.s32 $0xFFFFF086  }
0x25: {  	[simem:s6], [sflag:s4] =	dma.local [hbm:s3], $0xF7A  }
0x26: {  	[smem:$0x3F99] =	sst s1;
	(tag) =	ssettag s2;
	_ =	strace s9  }
0x27: {  	s1 =	sld [smem:$0x3FA9]  }
0x28: {  	s2 =	sld [smem:$0x3FAA]  }
0x29: {  	s4 =	sld [smem:$0x3FAC]  }
0x2a: {  	p0 =	seq.s32 s5, $0x0;
	s5 =	sld [smem:$0x3FAD]  }
0x2b: {  	s6 =	sld [smem:$0x3FAE]  }
0x2c: {  	s7 =	sld [smem:$0x3FAF]  }
0x2d: {  	s3 =	simm.s32 $0x108;
	s8 =	sld [smem:$0x3FB0]  }
0x2e: {  	s3 =	simm.s32 @!p0 $0x1082;
	s9 =	sld [smem:$0x3FB1]  }
0x2f: {  	lr =	sadd.s32 s0, s3;
	s0 =	sld [smem:$0x3FA8]  }
0x30: {  	s3 =	sld [smem:$0x3FAB]  }
0x31: {  	[smem:$0x3FB4] =	sst s10  }
0x32: {  	s10 =	sld [smem:$0x3FB2];
	_ =	sdelay $0x3  }
0x33: {  	p0 =	seq.s32 s10, $0x1;
	s10 =	sld [smem:$0x3FB4];
	_ =	sdelay $0x3  }
0x34: {  	[smem:$0x3FB4] =	sst s10  }
0x35: {  	s10 =	sld [smem:$0x3FB3];
	_ =	sdelay $0x3  }
0x36: {  	p1 =	seq.s32 s10, $0x1;
	s10 =	sld [smem:$0x3FB4];
	_ =	sdelay $0x3  }
0x37: {  	[smem:$0x3FB4] =	sst s10  }
0x38: {  	s10 =	sld [smem:$0x3FB5]  }
0x39: {  	_ = 	snop;
	(pc) =	sbr.ind lr, $3  }
0x3a: {  	_ = 	snop  }
0x3b: {  	_ = 	snop  }
0x3c: {  	p2 =	seq.s32 s10, $0x1;
	s10 =	sld [smem:$0x3FB4]  }
0x3d: {  	_ =	shalt  }
0x3e: {  	_ =	shalt  }
0x3f: {  	_ =	shalt  }
0x40: {  	_ =	shalt  }
0x41: {  	_ =	shalt  }
0x42: {  	_ =	shalt  }
0x43: {  	_ =	shalt  }
0x44: {  	_ =	shalt  }
0x45: {  	_ =	shalt  }
0x46: {  	_ =	shalt  }
0x47: {  	_ =	shalt  }
0x48: {  	_ =	shalt  }
0x49: {  	_ =	shalt  }
0x4a: {  	_ =	shalt  }
0x4b: {  	_ =	shalt  }
0x4c: {  	_ =	shalt  }
0x4d: {  	_ =	shalt  }
0x4e: {  	_ =	shalt  }
0x4f: {  	_ =	shalt  }
0x50: {  	_ =	shalt  }
0x51: {  	_ =	shalt  }
0x52: {  	_ =	shalt  }
0x53: {  	_ =	shalt  }
0x54: {  	_ =	shalt  }
0x55: {  	_ =	shalt  }
0x56: {  	_ =	shalt  }
0x57: {  	_ =	shalt  }
0x58: {  	_ =	shalt  }
0x59: {  	_ =	shalt  }
0x5a: {  	_ =	shalt  }
0x5b: {  	_ =	shalt  }
0x5c: {  	_ =	shalt  }
0x5d: {  	_ =	shalt  }
0x5e: {  	_ =	shalt  }
0x5f: {  	_ =	shalt  }
0x60: {  	_ =	shalt  }
0x61: {  	_ =	shalt  }
0x62: {  	_ =	shalt  }
0x63: {  	_ =	shalt  }
0x64: {  	_ =	shalt  }
0x65: {  	_ =	shalt  }
0x66: {  	_ =	shalt  }
0x67: {  	_ =	shalt  }
0x68: {  	_ =	shalt  }
0x69: {  	_ =	shalt  }
0x6a: {  	_ =	shalt  }
0x6b: {  	_ =	shalt  }
0x6c: {  	_ =	shalt  }
0x6d: {  	_ =	shalt  }
0x6e: {  	_ =	shalt  }
0x6f: {  	_ =	shalt  }
0x70: {  	_ =	shalt  }
0x71: {  	_ =	shalt  }
0x72: {  	_ =	shalt  }
0x73: {  	_ =	shalt  }
0x74: {  	_ =	shalt  }
0x75: {  	_ =	shalt  }
0x76: {  	_ =	shalt  }
0x77: {  	_ =	shalt  }
0x78: {  	_ =	shalt  }
0x79: {  	_ =	shalt  }
0x7a: {  	_ =	shalt  }
0x7b: {  	_ =	shalt  }
0x7c: {  	_ =	shalt  }
0x7d: {  	_ =	shalt  }
0x7e: {  	_ =	shalt  }
0x7f: {  	_ =	shalt  }
0x80: {  	_ =	shalt  }
0x81: {  	_ =	shalt  }
0x82: {  	_ =	shalt  }
0x83: {  	_ =	shalt  }
0x84: {  	_ =	shalt  }
0x85: {  	_ =	shalt  }
0x86: {  	_ =	shalt  }
0x87: {  	_ =	shalt  }
.Lfunc_end0:
.L_simem_size_0:
called_computation.2_lowered:
.L_overlay_start_0:
0x88: {  	s2 =	sld [smem:$0x3FD9]  }
0x89: {  	s3 =	sld [smem:$0x3FFE];
	_ =	sdelay $0x1  }
0x8a: {  	s1 =	srdreg.scid  }
0x8b: {  	s0 =	sand.u32 $0x1, s1  }
0x8c: {  	s16 =	sshll.u32 s0, $0xA;
	s2 =	sadd.s32 s3, s2  }
0x8d: {  	s2 =	sadd.s32 s2, s16  }
0x8e: {  	[smem:$0x3FC0] =	sst s2  }
0x8f: {  	_ = 	snop  }
0x90: {  	(tm) =	ssettm $0x1  }
0x91: {  	s17 =	sld [smem:$0x3FFB];
	_ =	sdelay $0x3  }
0x92: {  	_ =	strace s17  }
0x93: {  	s2 =	sld [smem:$0x3FFC];
	_ =	sdelay $0x3  }
0x94: {  	_ =	strace s2  }
0x95: {  	s2 =	sld [smem:$0x3FFD];
	_ =	sdelay $0x3  }
0x96: {  	_ =	strace s2  }
0x97: {  	_ =	strace $0x8FFFFFFF  }
0x98: {  	s18 =	sld [smem:$0x3FDB];
	_ =	sdelay $0x1  }
0x99: {  	s19 =	simm.s32 $_scs_section_size  }
0x9a: {  	s4 =	simm.s32 $_size__tile_overlayer_lowered;
	s5 =	simm.s32 $_tile_overlayer_lowered  }
0x9b: {  	s22 =	simm.s32 $0x1BFF;
	s21 =	sshll.u32 s5, $0x1;
	s2 =	sadd.s32 s19, s18  }
0x9c: {  	s6 =	simm.s32 $0x0;
	s20 =	sshll.u32 s4, $0x1;
	s4 =	sadd.s32 s21, s2  }
0x9d: {  	[timem:s6], [sflag:s22] =	dma.local [hbm:s4], s20  }
0x9e: {  	_ =	swait.ge [sflag:s22], s20  }
0x9f: {  	s3 =	ssub.s32 $0x0, s20;
	[sflag:s22] =	ssyncset.done $0x0  }
0xa0: {  	[sflag:s22] =	ssyncadd.s32 s3;
	_ =	sdelay $0x1  }
0xa1: {  	s23 =	simm.s32 $0x1B8B  }
0xa2: {  	_ =	swait.ge [sflag:s23], $0x1  }
0xa3: {  	[sflag:s23] =	ssyncset.done $0x0  }
0xa4: {  	s25 =	simm.s32 $0x1B8E;
	s24 =	sld [smem:$0x3FFE];
	[sflag:s23] =	ssyncadd.s32 $0xFFFFFFFF  }
0xa5: {  	s26 =	simm.s32 $execute0_lowered;
	[smem:$0x3FD2] =	sst s25  }
0xa6: {  	s4 =	sshll.u32 s26, $0x1;
	_ =	strace $0x8000004C;
	[dreg:$0x1] =	wrdreg $0xFFFFFFFF  }
0xa7: {  	s28 =	simm.s32 $_size_execute0_lowered;
	s2 =	sadd.s32 s2, s4;
	[dreg:$0x0] =	wrdreg $0x0  }
0xa8: {  	s4 =	sshll.u32 s28, $0x1;
	[dreg:$0x2] =	wrdreg s2  }
0xa9: {  	[dreg:$0x3] =	wrdreg s4  }
0xaa: {  	[dreg:$0x4] =	wrdreg $0xC0  }
0xab: {  	_ =	task [dreg:s6], $0x5FFFF  }
0xac: {  	[dreg:$0x1] =	wrdreg $0xFFFFFFFF  }
0xad: {  	[dreg:$0x0] =	wrdreg $0x60  }
0xae: {  	[dreg:$0x2] =	wrdreg s24  }
0xaf: {  	[dreg:$0x3] =	wrdreg $0x89000  }
0xb0: {  	[dreg:$0x4] =	wrdreg $0x9  }
0xb1: {  	_ =	task.clear_ibuf [dreg:s6], $0x5FFFF;
	_ =	strace $0x9000004C  }
0xb2: {  	s29 =	simm.s32 $0x9;
	_ =	strace $0x8000004E  }
0xb3: {  	_ =	swait.ge [sflag:s29], $0x1  }
0xb4: {  	[sflag:s29] =	ssyncadd.s32 $0xFFFFFFFF  }
0xb5: {  	_ =	strace $0x9000004E  }
0xb6: {  	_ =	sfence  }
0xb7: {  	s30 =	sld [smem:$0x0];
	_ =	sdelay $0x2  }
0xb8: {  	s31 =	sshll.u32 s1, $0xD;
	s1 =	sshrl.u32 s1, $0x2  }
0xb9: {  	s3 =	sand.u32 $0x4000, s31;
	s1 =	sadd.s32 s1, s30  }
0xba: {  	s0 =	sor.u32 s3, s0;
	s1 =	sshll.u32 s1, $0x11  }
0xbb: {  	s0 =	sor.u32 s1, s0  }
0xbc: {  	s0 =	sadd.s32 $0x8F2B, s0  }
0xbd: {  	[sflag:s0] =	ssyncadd.remote.s32 $0x1  }
0xbe: {  	_ =	sfence.sel $0xFFFF  }
0xbf: {  	[dreg:$0x0] =	wrdreg $0xFFFFFFFF;
	(pc) =	sbr.abs _section_cstart, $3  }
0xc0: {  	[dreg:$0x1] =	wrdreg $0xFFFFFFFF  }
0xc1: {  	_ =	task.clear_ibuf [dreg:s6], $0x2FFFF;
	_ =	strace $0x9FFFFFFF  }
0xc2: {  	(tm) =	ssettm $0x7FFFFFFF  }
0xc3: {  	_ =	shalt  }
tec
execute0_lowered:
.L_overlay_start_1:
0x0: {  	(tag) =	ssettag $0x1  }
0x1: {  	s0 =	rddreg [dreg:$0x0]  }
0x2: {  	s1 =	rddreg [dreg:$0x1];
	s2 =	srdreg.scid;
	s19 =	simm.s32 $0x0  }
0x3: {  	s13 =	stileid.u32;
	s30 =	simm.s32 $0x680;
	s28 =	simm.s32 $0xC  }
0x4: {  	s2 =	sand.u32 $0x1, s2;
	[smem:$0x7FF] =	sst s19;
	s5 =	smul.u32 $0x14000, s13  }
0x5: {  	s4 =	sadd.s32 $0x16800, s0;
	s14 =	sadd.s32 $0x2C00, s0;
	s18 =	sshrl.u32 s13, $0x2  }
0x6: {  	s6 =	sshll.u32 s13, $0x8;
	p1 =	seq.s32 s13, $0xF;
	s3 =	smul.u32 $0x140000, s2  }
0x7: {  	_ =	strace $0x8000004D;
	s7 =	sshll.u32 s2, $0x7;
	s6 =	sand.u32 $0x300, s6  }
0x8: {  	s8 =	ssub.s32 $0x2, s2;
	p0 =	seq.s32 s2, $0x1;
	s3 =	sadd.s32 s5, s3  }
0x9: {  	s10 =	sshrl.u32 s8, $0x1;
	s5 =	smul.u32 $0x13C00, s18;
	s3 =	sshrl.u32 s3, $0x3  }
0xa: {  	s9 =	sor.u32 s7, s6;
	s8 =	ssub.s32 s8, s10;
	s3 =	sadd.s32 s3, s0  }
0xb: {  	s9 =	sor.u32 s5, s9;
	s6 =	sor.u32 s6, s5;
	s0 =	sadd.s32 $0x3C000, s0  }
0xc: {  	s20 =	sshrl.u32 s9, $0x3;
	s11 =	sadd.s32 $0x4F000, s9;
	s22 =	sadd.s32 $0x400, s9  }
0xd: {  	s24 =	sadd.s32 $0x4F400, s9;
	s26 =	sadd.s32 $0x800, s9;
	s31 =	sadd.s32 $0x4F800, s9  }
0xe: {  	s15 =	sadd.s32 $0xC00, s9;
	s17 =	sadd.s32 $0x4FC00, s9;
	[dreg:$0x11] =	wrdreg s0  }
0xf: {  	s10 =	sadd.s32 s14, s20;
	s21 =	sshrl.u32 s11, $0x3;
	s23 =	sshrl.u32 s22, $0x3  }
0x10: {  	s25 =	sshrl.u32 s24, $0x3;
	s29 =	sshrl.u32 s26, $0x3;
	s12 =	sshrl.u32 s31, $0x3  }
0x11: {  	s16 =	sshrl.u32 s15, $0x3;
	s18 =	sshrl.u32 s17, $0x3;
	s20 =	sadd.s32 $0x1000, s9  }
0x12: {  	s11 =	sadd.s32 $0x13800, s9;
	[dreg:$0x3] =	wrdreg s10;
	s10 =	sadd.s32 s14, s21  }
0x13: {  	s21 =	sshrl.u32 s20, $0x3;
	s20 =	sadd.s32 $0x3DA00, s3;
	[dreg:$0x4] =	wrdreg s10  }
0x14: {  	s15 =	sshrl.u32 s11, $0x3;
	s10 =	sadd.s32 s14, s23;
	[dreg:$0x14] =	wrdreg s20  }
0x15: {  	s22 =	sadd.s32 $0x50000, s9;
	s17 =	sadd.s32 s14, s15;
	[dreg:$0x5] =	wrdreg s10  }
0x16: {  	s24 =	sadd.s32 $0x1400, s9;
	s10 =	sadd.s32 s14, s25;
	[dreg:$0x12] =	wrdreg s17  }
0x17: {  	s25 =	smul.u32 $0x50000, s13;
	[dreg:$0x6] =	wrdreg s10;
	s10 =	sadd.s32 s14, s29  }
0x18: {  	s26 =	sshrl.u32 s24, $0x3;
	s23 =	sshrl.u32 s22, $0x3;
	[dreg:$0x7] =	wrdreg s10  }
0x19: {  	s10 =	sadd.s32 s14, s12;
	s12 =	sadd.s32 $0x50400, s9;
	s2 =	sshrl.u32 s25, $0x2  }
0x1a: {  	[dreg:$0x8] =	wrdreg s10;
	s10 =	sadd.s32 s14, s16;
	s29 =	sshrl.u32 s12, $0x3  }
0x1b: {  	s12 =	sadd.s32 $0x62800, s9;
	[dreg:$0x9] =	wrdreg s10;
	s10 =	sadd.s32 s14, s18  }
0x1c: {  	s31 =	sadd.s32 s14, s29;
	s29 =	sadd.s32 s2, s1;
	s2 =	sor.u32 s7, s6  }
0x1d: {  	s16 =	sshrl.u32 s12, $0x3;
	[dreg:$0xa] =	wrdreg s10;
	s10 =	sadd.s32 s14, s21  }
0x1e: {  	[dreg:$0xe] =	wrdreg s31;
	s18 =	sadd.s32 s14, s16;
	s21 =	sadd.s32 $0x51400, s2  }
0x1f: {  	s22 =	sadd.s32 $0x2400, s2;
	s25 =	sadd.s32 $0x51000, s2;
	s31 =	sadd.s32 $0x50C00, s2  }
0x20: {  	s9 =	sadd.s32 $0x1C00, s2;
	s11 =	sadd.s32 $0x50400, s2;
	[dreg:$0xf] =	wrdreg s29  }
0x21: {  	s17 =	sadd.s32 $0x1800, s2;
	s20 =	sadd.s32 $0x50000, s2;
	[dreg:$0xb] =	wrdreg s10  }
0x22: {  	s10 =	sadd.s32 s14, s23;
	[dreg:$0x13] =	wrdreg s18;
	s23 =	smax.u32 s8, $0x1  }
0x23: {  	s0 =	sshrl.u32 s21, $0x3;
	s3 =	sshrl.u32 s22, $0x3;
	s7 =	sshrl.u32 s31, $0x3  }
0x24: {  	s15 =	sshrl.u32 s11, $0x3;
	[dreg:$0x1e] =	wrdreg s17;
	s18 =	sadd.s32 $0x1400, s2  }
0x25: {  	s31 =	sadd.s32 $0x10000, s29;
	s17 =	simm.s32 $0x8;
	[dreg:$0xc] =	wrdreg s10  }
0x26: {  	s11 =	simm.s32 $0x4900;
	s10 =	sadd.s32 s14, s26;
	[dreg:$0x15] =	wrdreg s23  }
0x27: {  	s0 =	sadd.s32 s0, s14;
	s24 =	sadd.s32 s3, s14;
	[smem:$0x7FD] =	sst s31  }
0x28: {  	s26 =	sadd.s32 $0x2000, s2;
	s8 =	sadd.s32 s7, s14;
	[dreg:$0xd] =	wrdreg s10  }
0x29: {  	s16 =	sadd.s32 s15, s14;
	s3 =	sshrl.u32 s18, $0x3;
	[dreg:$0x16] =	wrdreg s0  }
0x2a: {  	s18 =	simm.s32 $0x3;
	s15 =	simm.s32 $0xA;
	[dreg:$0x17] =	wrdreg s24  }
0x2b: {  	s10 =	smul.u32 $0x2800, s13;
	s0 =	sshrl.u32 s25, $0x3;
	[dreg:$0x1a] =	wrdreg s8  }
0x2c: {  	s6 =	sshrl.u32 s26, $0x3;
	[dreg:$0x1d] =	wrdreg s16;
	s22 =	sadd.s32 s3, s14  }
0x2d: {  	s3 =	sadd.s32 $0x12C000, s1;
	s24 =	sadd.s32 $0x4000, s29;
	[dreg:$0x1f] =	wrdreg s22  }
0x2e: {  	s25 =	sadd.s32 $0x8000, s29;
	s26 =	sadd.s32 $0xC000, s29;
	[smem:$0x7FA] =	sst s24  }
0x2f: {  	s8 =	simm.s32 $0x80;
	s13 =	simm.s32 $0x580;
	[smem:$0x7FB] =	sst s25  }
0x30: {  	s16 =	simm.s32 $0x10;
	s0 =	sadd.s32 s0, s14;
	[smem:$0x7FC] =	sst s26  }
0x31: {  	s24 =	simm.s32 $0x7;
	s22 =	simm.s32 $0x9;
	s25 =	simm.s32 $0x5  }
0x32: {  	s26 =	simm.s32 $0xB;
	s5 =	sadd.s32 s4, s10;
	[dreg:$0x18] =	wrdreg s0  }
0x33: {  	s0 =	sadd.s32 s6, s14;
	s10 =	sadd.s32 $0x50800, s2;
	[dreg:$0x10] =	wrdreg s5  }
0x34: {  	s2 =	sadd.s32 $0x1000, s2;
	s6 =	smov.u32 s14;
	[dreg:$0x19] =	wrdreg s0  }
0x35: {  	s0 =	sshrl.u32 s9, $0x3;
	s12 =	sshrl.u32 s10, $0x3;
	s5 =	sshrl.u32 s20, $0x3  }
0x36: {  	s21 =	sshrl.u32 s2, $0x3;
	s20 =	simm.s32 $0x2;
	s9 =	simm.s32 $0xF  }
0x37: {  	s10 =	simm.s32 $0xE;
	s2 =	simm.s32 $0x0;
	s0 =	sadd.s32 s0, s14  }
0x38: {  	s23 =	sadd.s32 s5, s14;
	s7 =	sadd.s32 s21, s14;
	s5 =	sadd.s32 $0x138800, s1  }
.Ltmp0:
0x39: {  	s21 =	simm.s32 $0x900;
	[dreg:$0x1b] =	wrdreg s0;
	(pc) =	sbr.rel .LBB2_1-.Ltmp0, $4  }
0x3a: {  	s0 =	sadd.s32 s12, s14;
	[smem:$0x7F7] =	sst s23;
	s12 =	simm.s32 $0x180  }
0x3b: {  	s23 =	simm.s32 $0x1;
	[dreg:$0x1c] =	wrdreg s0;
	s0 =	sshrl.u32 @p1 s3, $0x3  }
0x3c: {  	s14 =	simm.s32 $0x4;
	[smem:$0x7F8] =	sst s0;
	s0 =	sshrl.u32 @p1 s5, $0x3  }
0x3d: {  	v0 =	vimm.f32 $0.0e+00;
	s3 =	simm.s32 $0x6;
	s5 =	simm.s32 $0xD;
	[smem:$0x7F9] =	sst s0  }
.LBB2_9:
0x3e: {  	_ =	swait.ge [sflag:s10], $0x4000  }
0x3f: {  	[sflag:s10] =	ssyncset.done $0x0  }
0x40: {  	s30 =	simm.s32 $0x680;
	[sflag:s10] =	ssyncadd.s32 $0xFFFFC000  }
0x41: {  	[spmem:s1] =	stream.indirect.scatter.add.f32 [tilespmem:s11], [sflag:$0x10], $0x80, s30, s8, $0xb8;
	[tilespmem:$0x1C900] =	vst v63  }
0x42: {  	_ =	swait.ge [sflag:s9], $0x4000  }
0x43: {  	[sflag:s9] =	ssyncset.done $0x0  }
0x44: {  	[sflag:s9] =	ssyncadd.s32 $0xFFFFC000  }
0x45: {  	_ =	swait.ge [sflag:s16], $0x4000  }
0x46: {  	s19 =	simm.s32 $0x0;
	s2 =	simm.s32 $0x800;
	[sflag:s16] =	ssyncset.done $0x0  }
0x47: {  	s31 =	simm.s32 $0x11;
	s0 =	rddreg [dreg:$0x12];
	[sflag:s16] =	ssyncadd.s32 $0xFFFFC000  }
0x48: {  	[tilespmem:s2], [sflag:$0x11] =	stream.linear.gather [hbm4b:s0+s19], $0x80, $0x38;
	[tilespmem:$0x1C900] =	vst v63  }
0x49: {  	_ =	swait.ge [sflag:s31], $0x80  }
0x4a: {  	[sflag:s31] =	ssyncset.done $0x0  }
0x4b: {  	s29 =	simm.s32 $0x880;
	s0 =	rddreg [dreg:$0x13];
	[sflag:s31] =	ssyncadd.s32 $0xFFFFFF80  }
0x4c: {  	[tilespmem:s29], [sflag:$0x11] =	stream.linear.gather [hbm4b:s0+s19], $0x80, $0x38;
	[tilespmem:$0x1C900] =	vst v63  }
0x4d: {  	_ =	swait.ge [sflag:s31], $0x80  }
0x4e: {  	[sflag:s31] =	ssyncset.done $0x0  }
0x4f: {  	[sflag:s31] =	ssyncadd.s32 $0xFFFFFF80  }
0x50: {  	[tilespmem:s21], [sflag:$0xD] =	stream.indirect.gather [hbm4b:s4+s16], $0x80, s2, s16, $0xb8;
	[tilespmem:$0x1C900] =	vst v63  }
0x51: {  	_ =	swait.ge [sflag:s5], $0x800  }
0x52: {  	[sflag:s5] =	ssyncset.done $0x0  }
0x53: {  	[sflag:s5] =	ssyncadd.s32 $0xFFFFF800  }
0x54: {  	[spmem:s1] =	stream.indirect.scatter.add.f32 [tilespmem:s21], [sflag:$0x11], $0x80, s29, s16, $0xb8;
	[tilespmem:$0x1C900] =	vst v63  }
0x55: {  	_ =	swait.ge [sflag:s31], $0x800  }
0x56: {  	[sflag:s31] =	ssyncset.done $0x0  }
0x57: {  	[sflag:s31] =	ssyncadd.s32 $0xFFFFF800  }
0x58: {  	s2 =	stileid.u32;
	[bflag:$0x0] =	sbarrier.arrive $0xFFFF  }
0x59: {  	s0 =	sshll.u32 s2, $0x6;
	s29 =	rddreg [dreg:$0xf]  }
0x5a: {  	s0 =	sor.u32 $0x1C11, s0;
	s2 =	sshrl.u32 s29, $0x3;
	s29 =	rddreg [dreg:$0x14]  }
0x5b: {  	[hbm:s29], [sflag:s0] =	dma.local [spmem:s2], $0x2800  }
0x5c: {  	_ =	swait.ge [sflag:s31], $0x2800  }
0x5d: {  	s0 =	sld [smem:$0x7F6];
	_ =	sdelay $0x2  }
0x5e: {  	s29 =	rddreg [dreg:$0x15];
	s2 =	sadd.s32 $0x1, s0  }
0x5f: {  	p2 =	sne.s32 s2, s29  }
.Ltmp1:
0x60: {  	_ = 	snop;
	(pc) =	sbr.rel @!p2 .LBB2_10-.Ltmp1, $3  }
0x61: {  	_ =	sdelay $0x1  }
0x62: {  	[sflag:s31] =	ssyncset.done $0x0  }
0x63: {  	[sflag:s31] =	ssyncadd.s32 $0xFFFFD800  }
.LBB2_1:
0x64: {  	[smem:$0x7F6] =	sst s2  }
0x65: {  	s0 =	rddreg [dreg:$0x3]  }
0x66: {  	[tilespmem:s19], [sflag:$0x1] =	stream.linear.gather [hbm4b:s0+s19], $0x80, $0x38;
	[tilespmem:$0x1C900] =	vst v63  }
0x67: {  	s29 =	rddreg [dreg:$0x4];
	s31 =	simm.s32 $0x400  }
0x68: {  	[tilespmem:s31], [sflag:$0x7] =	stream.linear.gather [hbm4b:s29+s19], $0x80, $0x38;
	[tilespmem:$0x1C900] =	vst v63  }
0x69: {  	s2 =	rddreg [dreg:$0x5]  }
0x6a: {  	[tilespmem:s8], [sflag:$0x2] =	stream.linear.gather [hbm4b:s2+s19], $0x80, $0x38;
	[tilespmem:$0x1C900] =	vst v63  }
0x6b: {  	s29 =	rddreg [dreg:$0x6];
	s31 =	simm.s32 $0x480  }
0x6c: {  	[tilespmem:s31], [sflag:$0x8] =	stream.linear.gather [hbm4b:s29+s19], $0x80, $0x38;
	[tilespmem:$0x1C900] =	vst v63  }
0x6d: {  	s29 =	rddreg [dreg:$0x7];
	s31 =	simm.s32 $0x100  }
0x6e: {  	[tilespmem:s31], [sflag:$0x3] =	stream.linear.gather [hbm4b:s29+s19], $0x80, $0x38;
	[tilespmem:$0x1C900] =	vst v63  }
0x6f: {  	s2 =	rddreg [dreg:$0x8];
	s29 =	simm.s32 $0x500  }
0x70: {  	[tilespmem:s29], [sflag:$0x9] =	stream.linear.gather [hbm4b:s2+s19], $0x80, $0x38;
	[tilespmem:$0x1C900] =	vst v63  }
0x71: {  	s31 =	rddreg [dreg:$0x9]  }
0x72: {  	[tilespmem:s12], [sflag:$0x4] =	stream.linear.gather [hbm4b:s31+s19], $0x80, $0x38;
	[tilespmem:$0x1C900] =	vst v63  }
0x73: {  	s2 =	rddreg [dreg:$0xa]  }
0x74: {  	[tilespmem:s13], [sflag:$0xA] =	stream.linear.gather [hbm4b:s2+s19], $0x80, $0x38;
	[tilespmem:$0x1C900] =	vst v63  }
0x75: {  	s29 =	rddreg [dreg:$0xb];
	s31 =	simm.s32 $0x200  }
0x76: {  	[tilespmem:s31], [sflag:$0x5] =	stream.linear.gather [hbm4b:s29+s19], $0x80, $0x38;
	[tilespmem:$0x1C900] =	vst v63  }
0x77: {  	s29 =	rddreg [dreg:$0xc];
	s31 =	simm.s32 $0x600  }
0x78: {  	[tilespmem:s31], [sflag:$0xB] =	stream.linear.gather [hbm4b:s29+s19], $0x80, $0x38;
	[tilespmem:$0x1C900] =	vst v63  }
.Ltmp2:
0x79: {  	_ = 	snop;
	(pc) =	sbr.rel @!p0 .LBB2_2-.Ltmp2, $4  }
0x7a: {  	s2 =	rddreg [dreg:$0xd];
	s29 =	simm.s32 $0x280  }
0x7b: {  	[tilespmem:s29], [sflag:$0x6] =	stream.linear.gather [hbm4b:s2+s19], $0x80, $0x38;
	[tilespmem:$0x1C900] =	vst v63  }
0x7c: {  	s31 =	rddreg [dreg:$0xe]  }
0x7d: {  	[tilespmem:s30], [sflag:$0xC] =	stream.linear.gather [hbm4b:s31+s19], $0x80, $0x38;
	[tilespmem:$0x1C900] =	vst v63  }
0x7e: {  	s29 =	sshra.s32 s19, $0x2;
	s30 =	sadd.s32 $0x200, s19  }
.LBB2_4:
0x7f: {  	p2 =	sne.s32 s30, $0xFE00;
	[tilespmem:s29+$0x970] =	vst v0  }
0x80: {  	[tilespmem:s29+$0x900] =	vst v0  }
0x81: {  	[tilespmem:s29+$0x910] =	vst v0  }
.Ltmp3:
0x82: {  	[tilespmem:s29+$0x920] =	vst v0;
	(pc) =	sbr.rel @p2 .LBB2_4-.Ltmp3, $4  }
0x83: {  	[tilespmem:s29+$0x930] =	vst v0  }
0x84: {  	[tilespmem:s29+$0x940] =	vst v0  }
0x85: {  	[tilespmem:s29+$0x950] =	vst v0  }
0x86: {  	[tilespmem:s29+$0x960] =	vst v0;
	s29 =	sshra.s32 s30, $0x2;
	s30 =	sadd.s32 $0x200, s30  }
0x87: {  	[tilespmem:s29+$0x970] =	vst v0  }
0x88: {  	[tilespmem:s29+$0x900] =	vst v0  }
0x89: {  	[tilespmem:s29+$0x910] =	vst v0  }
0x8a: {  	[tilespmem:s29+$0x920] =	vst v0  }
0x8b: {  	[tilespmem:s29+$0x930] =	vst v0  }
0x8c: {  	[tilespmem:s29+$0x940] =	vst v0  }
0x8d: {  	[tilespmem:s29+$0x950] =	vst v0  }
0x8e: {  	[tilespmem:s29+$0x960] =	vst v0;
	s0 =	rddreg [dreg:$0xf];
	s2 =	simm.s32 $0x11  }
0x8f: {  	[spmem:s0] =	stream.linear.scatter [tilespmem:s21], [sflag:$0x11], $0x4000, $0x38;
	[tilespmem:$0x1C900] =	vst v63  }
0x90: {  	_ =	swait.ge [sflag:s2], $0x4000  }
0x91: {  	s19 =	sld [smem:$0x7FA]  }
0x92: {  	[sflag:s2] =	ssyncset.done $0x0  }
0x93: {  	[sflag:s2] =	ssyncadd.s32 $0xFFFFC000  }
0x94: {  	[spmem:s19] =	stream.linear.scatter [tilespmem:s21], [sflag:$0x11], $0x4000, $0x38;
	[tilespmem:$0x1C900] =	vst v63  }
0x95: {  	_ =	swait.ge [sflag:s2], $0x4000  }
0x96: {  	s29 =	sld [smem:$0x7FB]  }
0x97: {  	[sflag:s2] =	ssyncset.done $0x0  }
0x98: {  	[sflag:s2] =	ssyncadd.s32 $0xFFFFC000  }
0x99: {  	[spmem:s29] =	stream.linear.scatter [tilespmem:s21], [sflag:$0x11], $0x4000, $0x38;
	[tilespmem:$0x1C900] =	vst v63  }
0x9a: {  	_ =	swait.ge [sflag:s2], $0x4000  }
0x9b: {  	s30 =	sld [smem:$0x7FC]  }
0x9c: {  	[sflag:s2] =	ssyncset.done $0x0  }
0x9d: {  	[sflag:s2] =	ssyncadd.s32 $0xFFFFC000  }
0x9e: {  	[spmem:s30] =	stream.linear.scatter [tilespmem:s21], [sflag:$0x11], $0x4000, $0x38;
	[tilespmem:$0x1C900] =	vst v63  }
0x9f: {  	_ =	swait.ge [sflag:s2], $0x4000  }
0xa0: {  	s31 =	sld [smem:$0x7FD]  }
0xa1: {  	[sflag:s2] =	ssyncset.done $0x0  }
.Ltmp4:
0xa2: {  	[sflag:s2] =	ssyncadd.s32 $0xFFFFC000;
	(pc) =	sbr.rel .LBB2_6-.Ltmp4, $4  }
0xa3: {  	[spmem:s31] =	stream.linear.scatter [tilespmem:s21], [sflag:$0x11], $0x4000, $0x38;
	[tilespmem:$0x1C900] =	vst v63  }
0xa4: {  	_ =	swait.ge [sflag:s2], $0x4000  }
0xa5: {  	[sflag:s2] =	ssyncset.done $0x0  }
0xa6: {  	[sflag:s2] =	ssyncadd.s32 $0xFFFFC000  }
.LBB2_2:
0xa7: {  	s2 =	sld [smem:$0x7F8];
	_ =	sdelay $0x1  }
0xa8: {  	s29 =	simm.s32 @p1 $0x1FD1;
	s0 =	rddreg [dreg:$0x11];
	s30 =	simm.s32 @p1 $0x11  }
0xa9: {  	[spmem:s2], [sflag:s29] =	dma.local @p1 [hbm:s0], $0x1900  }
0xaa: {  	_ =	swait.ge @p1 [sflag:s30], $0x1900  }
0xab: {  	s0 =	sld [smem:$0x7F9]  }
0xac: {  	[sflag:s30] =	ssyncset.done @p1 $0x0  }
0xad: {  	[sflag:s30] =	ssyncadd.s32 @p1 $0xFFFFE700  }
0xae: {  	[spmem:s0], [sflag:s29] =	dma.local @p1 [hbm:s4], $0xF00  }
0xaf: {  	s0 =	stileid.u32  }
0xb0: {  	_ =	swait.ge @p1 [sflag:s30], $0xF00;
	s29 =	sshll.u32 @!p1 s0, $0x6  }
0xb1: {  	[sflag:s30] =	ssyncset.done @p1 $0x0;
	s29 =	sor.u32 @!p1 $0x1C11, s29;
	s0 =	rddreg [dreg:$0xf]  }
0xb2: {  	[sflag:s30] =	ssyncadd.s32 @p1 $0xFFFFF100;
	s30 =	sshrl.u32 @!p1 s0, $0x3;
	s0 =	rddreg [dreg:$0x10]  }
0xb3: {  	[spmem:s30], [sflag:s29] =	dma.local @!p1 [hbm:s0], $0x2800  }
0xb4: {  	s29 =	simm.s32 @!p1 $0x11  }
0xb5: {  	_ =	swait.ge @!p1 [sflag:s29], $0x2800  }
0xb6: {  	[sflag:s29] =	ssyncset.done @!p1 $0x0  }
0xb7: {  	[sflag:s29] =	ssyncadd.s32 @!p1 $0xFFFFD800  }
.LBB2_6:
0xb8: {  	[bflag:$0x0] =	sbarrier.arrive $0xFFFF  }
0xb9: {  	s29 =	simm.s32 $0x0;
	s30 =	rddreg [dreg:$0x1e]  }
.LBB2_7:
0xba: {  	_ =	swait.ge [sflag:s23], $0x80  }
0xbb: {  	[sflag:s23] =	ssyncset.done $0x0  }
0xbc: {  	[sflag:s23] =	ssyncadd.s32 $0xFFFFFF80  }
0xbd: {  	_ =	swait.ge [sflag:s24], $0x80  }
0xbe: {  	p2 =	sne.s32 s29, $0x0;
	[sflag:s24] =	ssyncset.done $0x0  }
0xbf: {  	s31 =	simm.s32 @p2 $0xF;
	[sflag:s24] =	ssyncadd.s32 $0xFFFFFF80  }
0xc0: {  	_ =	swait.ge @p2 [sflag:s31], $0x4000  }
0xc1: {  	s0 =	simm.s32 @p2 $0x0;
	[sflag:s31] =	ssyncset.done @p2 $0x0  }
0xc2: {  	s19 =	simm.s32 @p2 $0x900;
	[sflag:s31] =	ssyncadd.s32 @p2 $0xFFFFC000;
	s31 =	simm.s32 @p2 $0x80  }
0xc3: {  	[tilespmem:s19], [sflag:$0xD] =	stream.indirect.gather @p2 [hbm4b:s4+s31], $0x80, s0, s31, $0xb8;
	[tilespmem:$0x1C900] =	vst v63  }
0xc4: {  	s19 =	simm.s32 @p2 $0xE  }
0xc5: {  	_ =	swait.ge @p2 [sflag:s19], $0x4000  }
0xc6: {  	[sflag:s19] =	ssyncset.done @p2 $0x0  }
0xc7: {  	s2 =	simm.s32 @p2 $0x4900;
	[sflag:s19] =	ssyncadd.s32 @p2 $0xFFFFC000;
	s19 =	simm.s32 @p2 $0x680  }
0xc8: {  	[spmem:s1] =	stream.indirect.scatter.add.f32 @p2 [tilespmem:s2], [sflag:$0x10], $0x80, s19, s31, $0xb8;
	[tilespmem:$0x1C900] =	vst v63  }
0xc9: {  	s2 =	sadd.s32 @p2 s29, s7;
	s19 =	simm.s32 @p2 $0x200  }
0xca: {  	[tilespmem:s19], [sflag:$0x5] =	stream.linear.gather @p2 [hbm4b:s2+s0], $0x80, $0x38;
	[tilespmem:$0x1C900] =	vst v63  }
0xcb: {  	s2 =	sld [smem:$0x7F7];
	_ =	sdelay $0x2  }
0xcc: {  	s19 =	simm.s32 @p2 $0x600;
	s2 =	sadd.s32 @p2 s29, s2  }
0xcd: {  	[tilespmem:s19], [sflag:$0xB] =	stream.linear.gather @p2 [hbm4b:s2+s0], $0x80, $0x38;
	[tilespmem:$0x1C900] =	vst v63  }
0xce: {  	s0 =	simm.s32 @!p2 $0x80;
	s2 =	simm.s32 @!p2 $0x0;
	s19 =	simm.s32 @!p2 $0x900  }
0xcf: {  	[tilespmem:s19], [sflag:$0xD] =	stream.indirect.gather @!p2 [hbm4b:s4+s0], $0x80, s2, s0, $0xb8;
	[tilespmem:$0x1C900] =	vst v63  }
0xd0: {  	_ =	swait.ge [sflag:s20], $0x80  }
0xd1: {  	[sflag:s20] =	ssyncset.done $0x0  }
0xd2: {  	[sflag:s20] =	ssyncadd.s32 $0xFFFFFF80  }
0xd3: {  	_ =	swait.ge [sflag:s17], $0x80  }
0xd4: {  	p2 =	seq.s32 s29, $0x0;
	[sflag:s17] =	ssyncset.done $0x0  }
0xd5: {  	s0 =	simm.s32 @p2 $0x80;
	s2 =	simm.s32 @p2 $0x4900;
	[sflag:s17] =	ssyncadd.s32 $0xFFFFFF80  }
0xd6: {  	[tilespmem:s2], [sflag:$0xE] =	stream.indirect.gather @p2 [hbm4b:s4+s0], $0x80, s0, s0, $0xb8;
	[tilespmem:$0x1C900] =	vst v63  }
0xd7: {  	s2 =	simm.s32 @p2 $0xD  }
0xd8: {  	_ =	swait.ge @p2 [sflag:s2], $0x4000  }
0xd9: {  	[sflag:s2] =	ssyncset.done @p2 $0x0  }
0xda: {  	s19 =	simm.s32 @p2 $0x900;
	[sflag:s2] =	ssyncadd.s32 @p2 $0xFFFFC000;
	s2 =	simm.s32 @p2 $0x400  }
0xdb: {  	[spmem:s1] =	stream.indirect.scatter.add.f32 @p2 [tilespmem:s19], [sflag:$0xF], $0x80, s2, s0, $0xb8;
	[tilespmem:$0x1C900] =	vst v63  }
0xdc: {  	s0 =	simm.s32 @!p2 $0x10  }
0xdd: {  	_ =	swait.ge @!p2 [sflag:s0], $0x4000  }
0xde: {  	[sflag:s0] =	ssyncset.done @!p2 $0x0  }
0xdf: {  	s2 =	simm.s32 @!p2 $0x4900;
	[sflag:s0] =	ssyncadd.s32 @!p2 $0xFFFFC000;
	s0 =	simm.s32 @!p2 $0x80  }
0xe0: {  	[tilespmem:s2], [sflag:$0xE] =	stream.indirect.gather @!p2 [hbm4b:s4+s0], $0x80, s0, s0, $0xb8;
	[tilespmem:$0x1C900] =	vst v63  }
0xe1: {  	s2 =	simm.s32 @!p2 $0xD  }
0xe2: {  	_ =	swait.ge @!p2 [sflag:s2], $0x4000  }
0xe3: {  	[sflag:s2] =	ssyncset.done @!p2 $0x0  }
0xe4: {  	s19 =	simm.s32 @!p2 $0x900;
	[sflag:s2] =	ssyncadd.s32 @!p2 $0xFFFFC000;
	s2 =	simm.s32 @!p2 $0x400  }
0xe5: {  	[spmem:s1] =	stream.indirect.scatter.add.f32 @!p2 [tilespmem:s19], [sflag:$0xF], $0x80, s2, s0, $0xb8;
	[tilespmem:$0x1C900] =	vst v63  }
0xe6: {  	s0 =	rddreg [dreg:$0x1f]  }
0xe7: {  	s2 =	simm.s32 @!p2 $0x0;
	s19 =	simm.s32 @!p2 $0x280;
	s0 =	sadd.s32 @!p2 s29, s0  }
0xe8: {  	[tilespmem:s19], [sflag:$0x6] =	stream.linear.gather @!p2 [hbm4b:s0+s2], $0x80, $0x38;
	[tilespmem:$0x1C900] =	vst v63  }
0xe9: {  	s0 =	rddreg [dreg:$0x1d]  }
0xea: {  	s19 =	simm.s32 @!p2 $0x680;
	s0 =	sadd.s32 @!p2 s29, s0  }
0xeb: {  	[tilespmem:s19], [sflag:$0xC] =	stream.linear.gather @!p2 [hbm4b:s0+s2], $0x80, $0x38;
	[tilespmem:$0x1C900] =	vst v63  }
0xec: {  	_ =	swait.ge [sflag:s18], $0x80  }
0xed: {  	[sflag:s18] =	ssyncset.done $0x0  }
0xee: {  	[sflag:s18] =	ssyncadd.s32 $0xFFFFFF80  }
0xef: {  	_ =	swait.ge [sflag:s22], $0x80  }
0xf0: {  	[sflag:s22] =	ssyncset.done $0x0  }
0xf1: {  	[sflag:s22] =	ssyncadd.s32 $0xFFFFFF80  }
0xf2: {  	_ =	swait.ge [sflag:s9], $0x4000  }
0xf3: {  	[sflag:s9] =	ssyncset.done $0x0  }
0xf4: {  	s31 =	simm.s32 $0x100;
	[sflag:s9] =	ssyncadd.s32 $0xFFFFC000  }
0xf5: {  	[tilespmem:s21], [sflag:$0xD] =	stream.indirect.gather [hbm4b:s4+s8], $0x80, s31, s8, $0xb8;
	[tilespmem:$0x1C900] =	vst v63  }
0xf6: {  	_ =	swait.ge [sflag:s10], $0x4000  }
0xf7: {  	p2 =	seq.s32 s29, $0x2400;
	[sflag:s10] =	ssyncset.done $0x0  }
0xf8: {  	s2 =	simm.s32 $0x480;
	s0 =	sshrl.u32 @!p2 s30, $0x3;
	[sflag:s10] =	ssyncadd.s32 $0xFFFFC000  }
0xf9: {  	[spmem:s1] =	stream.indirect.scatter.add.f32 [tilespmem:s11], [sflag:$0x10], $0x80, s2, s8, $0xb8;
	[tilespmem:$0x1C900] =	vst v63  }
0xfa: {  	s0 =	sadd.s32 @!p2 s6, s0;
	s2 =	simm.s32 @!p2 $0x0  }
0xfb: {  	[tilespmem:s2], [sflag:$0x1] =	stream.linear.gather @!p2 [hbm4b:s0+s2], $0x80, $0x38;
	[tilespmem:$0x1C900] =	vst v63  }
0xfc: {  	s0 =	rddreg [dreg:$0x1c]  }
0xfd: {  	s19 =	simm.s32 @!p2 $0x400;
	s0 =	sadd.s32 @!p2 s29, s0  }
0xfe: {  	[tilespmem:s19], [sflag:$0x7] =	stream.linear.gather @!p2 [hbm4b:s0+s2], $0x80, $0x38;
	[tilespmem:$0x1C900] =	vst v63  }
0xff: {  	_ =	swait.ge [sflag:s14], $0x80  }
0x100: {  	[sflag:s14] =	ssyncset.done $0x0  }
0x101: {  	[sflag:s14] =	ssyncadd.s32 $0xFFFFFF80  }
0x102: {  	_ =	swait.ge [sflag:s15], $0x80  }
0x103: {  	[sflag:s15] =	ssyncset.done $0x0  }
0x104: {  	[sflag:s15] =	ssyncadd.s32 $0xFFFFFF80  }
0x105: {  	_ =	swait.ge [sflag:s16], $0x4000  }
0x106: {  	[sflag:s16] =	ssyncset.done $0x0  }
0x107: {  	[sflag:s16] =	ssyncadd.s32 $0xFFFFC000  }
0x108: {  	[tilespmem:s11], [sflag:$0xE] =	stream.indirect.gather [hbm4b:s4+s8], $0x80, s12, s8, $0xb8;
	[tilespmem:$0x1C900] =	vst v63  }
0x109: {  	_ =	swait.ge [sflag:s5], $0x4000  }
0x10a: {  	[sflag:s5] =	ssyncset.done $0x0  }
0x10b: {  	s19 =	simm.s32 $0x500;
	s0 =	rddreg [dreg:$0x1b];
	[sflag:s5] =	ssyncadd.s32 $0xFFFFC000  }
0x10c: {  	[spmem:s1] =	stream.indirect.scatter.add.f32 [tilespmem:s21], [sflag:$0xF], $0x80, s19, s8, $0xb8;
	[tilespmem:$0x1C900] =	vst v63  }
0x10d: {  	s0 =	sadd.s32 @!p2 s29, s0;
	s19 =	simm.s32 @!p2 $0x80  }
0x10e: {  	[tilespmem:s19], [sflag:$0x2] =	stream.linear.gather @!p2 [hbm4b:s0+s2], $0x80, $0x38;
	[tilespmem:$0x1C900] =	vst v63  }
0x10f: {  	s0 =	rddreg [dreg:$0x1a]  }
0x110: {  	s19 =	simm.s32 @!p2 $0x480;
	s0 =	sadd.s32 @!p2 s29, s0  }
0x111: {  	[tilespmem:s19], [sflag:$0x8] =	stream.linear.gather @!p2 [hbm4b:s0+s2], $0x80, $0x38;
	[tilespmem:$0x1C900] =	vst v63  }
0x112: {  	_ =	swait.ge [sflag:s25], $0x80  }
0x113: {  	[sflag:s25] =	ssyncset.done $0x0  }
0x114: {  	[sflag:s25] =	ssyncadd.s32 $0xFFFFFF80  }
0x115: {  	_ =	swait.ge [sflag:s26], $0x80  }
0x116: {  	[sflag:s26] =	ssyncset.done $0x0  }
0x117: {  	[sflag:s26] =	ssyncadd.s32 $0xFFFFFF80  }
0x118: {  	_ =	swait.ge [sflag:s9], $0x4000  }
0x119: {  	[sflag:s9] =	ssyncset.done $0x0  }
0x11a: {  	s31 =	simm.s32 $0x200;
	[sflag:s9] =	ssyncadd.s32 $0xFFFFC000  }
0x11b: {  	[tilespmem:s21], [sflag:$0xD] =	stream.indirect.gather [hbm4b:s4+s8], $0x80, s31, s8, $0xb8;
	[tilespmem:$0x1C900] =	vst v63  }
0x11c: {  	_ =	swait.ge [sflag:s10], $0x4000  }
0x11d: {  	[sflag:s10] =	ssyncset.done $0x0  }
0x11e: {  	s0 =	rddreg [dreg:$0x19];
	[sflag:s10] =	ssyncadd.s32 $0xFFFFC000  }
0x11f: {  	[spmem:s1] =	stream.indirect.scatter.add.f32 [tilespmem:s11], [sflag:$0x10], $0x80, s13, s8, $0xb8;
	[tilespmem:$0x1C900] =	vst v63  }
0x120: {  	s19 =	simm.s32 @!p2 $0x100;
	s0 =	sadd.s32 @!p2 s29, s0  }
0x121: {  	[tilespmem:s19], [sflag:$0x3] =	stream.linear.gather @!p2 [hbm4b:s0+s2], $0x80, $0x38;
	[tilespmem:$0x1C900] =	vst v63  }
0x122: {  	s0 =	rddreg [dreg:$0x18]  }
0x123: {  	s19 =	simm.s32 @!p2 $0x500;
	s0 =	sadd.s32 @!p2 s29, s0  }
0x124: {  	[tilespmem:s19], [sflag:$0x9] =	stream.linear.gather @!p2 [hbm4b:s0+s2], $0x80, $0x38;
	[tilespmem:$0x1C900] =	vst v63  }
0x125: {  	_ =	swait.ge [sflag:s3], $0x80  }
0x126: {  	[sflag:s3] =	ssyncset.done $0x0  }
0x127: {  	[sflag:s3] =	ssyncadd.s32 $0xFFFFFF80  }
0x128: {  	_ =	swait.ge [sflag:s28], $0x80  }
0x129: {  	[sflag:s28] =	ssyncset.done $0x0  }
0x12a: {  	[sflag:s28] =	ssyncadd.s32 $0xFFFFFF80  }
0x12b: {  	_ =	swait.ge [sflag:s16], $0x4000  }
0x12c: {  	[sflag:s16] =	ssyncset.done $0x0  }
0x12d: {  	s19 =	simm.s32 $0x280;
	[sflag:s16] =	ssyncadd.s32 $0xFFFFC000  }
0x12e: {  	[tilespmem:s11], [sflag:$0xE] =	stream.indirect.gather [hbm4b:s4+s8], $0x80, s19, s8, $0xb8;
	[tilespmem:$0x1C900] =	vst v63  }
.Ltmp5:
0x12f: {  	_ = 	snop;
	(pc) =	sbr.rel @p2 .LBB2_9-.Ltmp5, $4  }
0x130: {  	_ =	swait.ge [sflag:s5], $0x4000  }
0x131: {  	[sflag:s5] =	ssyncset.done $0x0  }
0x132: {  	s31 =	simm.s32 $0x600;
	[sflag:s5] =	ssyncadd.s32 $0xFFFFC000  }
0x133: {  	[spmem:s1] =	stream.indirect.scatter.add.f32 [tilespmem:s21], [sflag:$0xF], $0x80, s31, s8, $0xb8;
	[tilespmem:$0x1C900] =	vst v63  }
.Ltmp6:
0x134: {  	s0 =	rddreg [dreg:$0x17];
	(pc) =	sbr.rel .LBB2_7-.Ltmp6, $4  }
0x135: {  	s2 =	simm.s32 $0x0;
	s31 =	rddreg [dreg:$0x16];
	s0 =	sadd.s32 s29, s0  }
0x136: {  	[tilespmem:s12], [sflag:$0x4] =	stream.linear.gather [hbm4b:s0+s2], $0x80, $0x38;
	[tilespmem:$0x1C900] =	vst v63  }
0x137: {  	s30 =	sadd.s32 $0x1800, s30;
	s0 =	sadd.s32 s29, s31;
	s29 =	sadd.s32 $0x300, s29  }
0x138: {  	[tilespmem:s13], [sflag:$0xA] =	stream.linear.gather [hbm4b:s0+s2], $0x80, $0x38;
	[tilespmem:$0x1C900] =	vst v63  }
.LBB2_10:
0x139: {  	_ =	sfence.sel $0x180000  }
0x13a: {  	[bflag:$0x0] =	sbarrier.arrive $0xFFFF  }
0x13b: {  	_ =	strace $0x9000004D  }
0x13c: {  	s0 =	stileid.u32;
	[bflag:$0x2] =	sbarrier.arrive $0xFFFF  }
0x13d: {  	p0 =	sne.s32 s0, $0x0;
	s0 =	rddreg [dreg:$0x2]  }
0x13e: {  	s0 =	sadd.s32 @!p0 $0x100000, s0  }
0x13f: {  	[sflag:s0] =	ssyncadd.tile.s32 @!p0 $0x1;
	_ =	shalt  }
.Lfunc_end2:
_tile_overlayer_lowered:
.L_overlay_start_2:
0x140: {  	(tag) =	ssettag $0x2  }
0x141: {  	s0 =	rddreg [dreg:$0x0];
	s2 =	stileid.u32  }
0x142: {  	s1 =	rddreg [dreg:$0x1];
	p0 =	sne.s32 s2, $0x0  }
0x143: {  	s3 =	rddreg [dreg:$0x2];
	[bflag:$0x3] =	sbarrier.arrive $0xFFFF;
	s2 =	simm.s32 @!p0 $0x1C11  }
0x144: {  	[timem:s3], [sflag:s2] =	dma.local @!p0 [hbm:s0], s1  }
0x145: {  	s0 =	simm.s32 @!p0 $0x11  }
0x146: {  	_ =	swait.ge @!p0 [sflag:s0], s1  }
0x147: {  	s1 =	ssub.s32 @!p0 $0x0, s1;
	[sflag:s0] =	ssyncset.done @!p0 $0x0  }
0x148: {  	[sflag:s0] =	ssyncadd.s32 @!p0 s1  }
0x149: {  	[bflag:$0x3] =	sbarrier.arrive $0xFFFF  }
0x14a: {  	_ =	shalt  }

// kernel: kernel.9.cloned.1.call-start
scs
__scs_entry_jumppad:
0x0: {  	(pc) =	sbr.rel $0x88, $3  }
0x1: {  	(tag) =	ssettag $0x0;
	lr =	simm.s32 $0x1  }
0x2: {  	[smem:$0x3F99] =	sst lr;
	_ =	strace $0xD0000000  }
0x3: {  	_ = 	snop  }
0x4: {  	_ = 	snop  }
0x5: {  	_ = 	snop  }
0x6: {  	_ = 	snop  }
0x7: {  	_ = 	snop  }
__scs_overlays_trampoline_lowered:
0x8: {  	[smem:$0x3FA8] =	sst s0  }
0x9: {  	[smem:$0x3FA9] =	sst s1  }
0xa: {  	[smem:$0x3FAA] =	sst s2  }
0xb: {  	[smem:$0x3FAB] =	sst s3  }
0xc: {  	[smem:$0x3FAC] =	sst s4  }
0xd: {  	[smem:$0x3FAD] =	sst s5  }
0xe: {  	[smem:$0x3FAE] =	sst s6  }
0xf: {  	[smem:$0x3FAF] =	sst s7  }
0x10: {  	[smem:$0x3FB0] =	sst s8  }
0x11: {  	[smem:$0x3FB1] =	sst s9;
	s0 =	simm.s32 @!p0 $0x0  }
0x12: {  	s1 =	sld [smem:$0x3F97];
	s0 =	simm.s32 @p0 $0x1  }
0x13: {  	[smem:$0x3FB2] =	sst s0;
	s0 =	simm.s32 @!p1 $0x0  }
0x14: {  	s2 =	sld [smem:$0x3F96];
	s0 =	simm.s32 @p1 $0x1  }
0x15: {  	[smem:$0x3FB3] =	sst s0;
	s0 =	simm.s32 @!p2 $0x0  }
0x16: {  	s3 =	sld [smem:$0x3FDB];
	s0 =	simm.s32 @p2 $0x1  }
0x17: {  	s4 =	simm.s32 $0x1BF5;
	[smem:$0x3FB5] =	sst s0  }
0x18: {  	s0 =	sld [smem:$0x3F98];
	_ =	swait.ge [sflag:s4], $0x0  }
0x19: {  	s7 =	sld [smem:$0x3F99]  }
0x1a: {  	s8 =	sadd.s32 $0xFFFFE003, lr  }
0x1b: {  	s9 =	sadd.s32 $0xFFFFFEF7, lr;
	s5 =	simm.s32 $0xFFFFFFFF;
	p2 =	slt.u32 s8, $0xFFFFF086  }
0x1c: {  	p1 =	slt.u32 s9, $0xF7A;
	s5 =	simm.s32 @!p2 $0x0  }
0x1d: {  	s5 =	simm.s32 @p1 $0x1;
	p0 =	seq.s32 s7, s2  }
0x1e: {  	s7 =	smul.u32 @!p0 $0xF7A, s2;
	p2 =	seq.s32 @!p0 s5, $0x0  }
0x1f: {  	s9 =	smul.u32 $0xF7A, s1;
	s8 =	simm.s32 @!p0 $0x1BF5;
	p2 =	por !p2, p0  }
0x20: {  	[sflag:s8] =	ssyncset.s32 @!p0 $0xFFFFF086;
	s6 =	sadd.s32 @!p0 s3, s7;
	s7 =	simm.s32 @!p0 $0x108  }
0x21: {  	s3 =	sadd.s32 s3, s9;
	s6 =	sadd.s32 @!p0 $0x88, s6;
	s7 =	simm.s32 @p2 $0x1082  }
0x22: {  	[simem:s7], [sflag:s8] =	dma.local @!p0 [hbm:s6], $0xF7A  }
0x23: {  	s9 =	sor.u32 $0xD0000000, s2;
	s6 =	simm.s32 $0x108;
	_ =	swait.ge @!p0 [sflag:s8], $0x0  }
0x24: {  	s3 =	sadd.s32 $0x88, s3;
	s6 =	simm.s32 @!p1 $0x1082;
	[sflag:s4] =	ssyncset.s32 $0xFFFFF086  }
0x25: {  	[simem:s6], [sflag:s4] =	dma.local [hbm:s3], $0xF7A  }
0x26: {  	[smem:$0x3F99] =	sst s1;
	(tag) =	ssettag s2;
	_ =	strace s9  }
0x27: {  	s1 =	sld [smem:$0x3FA9]  }
0x28: {  	s2 =	sld [smem:$0x3FAA]  }
0x29: {  	s4 =	sld [smem:$0x3FAC]  }
0x2a: {  	p0 =	seq.s32 s5, $0x0;
	s5 =	sld [smem:$0x3FAD]  }
0x2b: {  	s6 =	sld [smem:$0x3FAE]  }
0x2c: {  	s7 =	sld [smem:$0x3FAF]  }
0x2d: {  	s3 =	simm.s32 $0x108;
	s8 =	sld [smem:$0x3FB0]  }
0x2e: {  	s3 =	simm.s32 @!p0 $0x1082;
	s9 =	sld [smem:$0x3FB1]  }
0x2f: {  	lr =	sadd.s32 s0, s3;
	s0 =	sld [smem:$0x3FA8]  }
0x30: {  	s3 =	sld [smem:$0x3FAB]  }
0x31: {  	[smem:$0x3FB4] =	sst s10  }
0x32: {  	s10 =	sld [smem:$0x3FB2];
	_ =	sdelay $0x3  }
0x33: {  	p0 =	seq.s32 s10, $0x1;
	s10 =	sld [smem:$0x3FB4];
	_ =	sdelay $0x3  }
0x34: {  	[smem:$0x3FB4] =	sst s10  }
0x35: {  	s10 =	sld [smem:$0x3FB3];
	_ =	sdelay $0x3  }
0x36: {  	p1 =	seq.s32 s10, $0x1;
	s10 =	sld [smem:$0x3FB4];
	_ =	sdelay $0x3  }
0x37: {  	[smem:$0x3FB4] =	sst s10  }
0x38: {  	s10 =	sld [smem:$0x3FB5]  }
0x39: {  	_ = 	snop;
	(pc) =	sbr.ind lr, $3  }
0x3a: {  	_ = 	snop  }
0x3b: {  	_ = 	snop  }
0x3c: {  	p2 =	seq.s32 s10, $0x1;
	s10 =	sld [smem:$0x3FB4]  }
0x3d: {  	_ =	shalt  }
0x3e: {  	_ =	shalt  }
0x3f: {  	_ =	shalt  }
0x40: {  	_ =	shalt  }
0x41: {  	_ =	shalt  }
0x42: {  	_ =	shalt  }
0x43: {  	_ =	shalt  }
0x44: {  	_ =	shalt  }
0x45: {  	_ =	shalt  }
0x46: {  	_ =	shalt  }
0x47: {  	_ =	shalt  }
0x48: {  	_ =	shalt  }
0x49: {  	_ =	shalt  }
0x4a: {  	_ =	shalt  }
0x4b: {  	_ =	shalt  }
0x4c: {  	_ =	shalt  }
0x4d: {  	_ =	shalt  }
0x4e: {  	_ =	shalt  }
0x4f: {  	_ =	shalt  }
0x50: {  	_ =	shalt  }
0x51: {  	_ =	shalt  }
0x52: {  	_ =	shalt  }
0x53: {  	_ =	shalt  }
0x54: {  	_ =	shalt  }
0x55: {  	_ =	shalt  }
0x56: {  	_ =	shalt  }
0x57: {  	_ =	shalt  }
0x58: {  	_ =	shalt  }
0x59: {  	_ =	shalt  }
0x5a: {  	_ =	shalt  }
0x5b: {  	_ =	shalt  }
0x5c: {  	_ =	shalt  }
0x5d: {  	_ =	shalt  }
0x5e: {  	_ =	shalt  }
0x5f: {  	_ =	shalt  }
0x60: {  	_ =	shalt  }
0x61: {  	_ =	shalt  }
0x62: {  	_ =	shalt  }
0x63: {  	_ =	shalt  }
0x64: {  	_ =	shalt  }
0x65: {  	_ =	shalt  }
0x66: {  	_ =	shalt  }
0x67: {  	_ =	shalt  }
0x68: {  	_ =	shalt  }
0x69: {  	_ =	shalt  }
0x6a: {  	_ =	shalt  }
0x6b: {  	_ =	shalt  }
0x6c: {  	_ =	shalt  }
0x6d: {  	_ =	shalt  }
0x6e: {  	_ =	shalt  }
0x6f: {  	_ =	shalt  }
0x70: {  	_ =	shalt  }
0x71: {  	_ =	shalt  }
0x72: {  	_ =	shalt  }
0x73: {  	_ =	shalt  }
0x74: {  	_ =	shalt  }
0x75: {  	_ =	shalt  }
0x76: {  	_ =	shalt  }
0x77: {  	_ =	shalt  }
0x78: {  	_ =	shalt  }
0x79: {  	_ =	shalt  }
0x7a: {  	_ =	shalt  }
0x7b: {  	_ =	shalt  }
0x7c: {  	_ =	shalt  }
0x7d: {  	_ =	shalt  }
0x7e: {  	_ =	shalt  }
0x7f: {  	_ =	shalt  }
0x80: {  	_ =	shalt  }
0x81: {  	_ =	shalt  }
0x82: {  	_ =	shalt  }
0x83: {  	_ =	shalt  }
0x84: {  	_ =	shalt  }
0x85: {  	_ =	shalt  }
0x86: {  	_ =	shalt  }
0x87: {  	_ =	shalt  }
.Lfunc_end0:
.L_simem_size_0:
called_computation_lowered:
.L_overlay_start_0:
0x88: {  	s2 =	sld [smem:$0x3FD9]  }
0x89: {  	s3 =	sld [smem:$0x3FFE];
	_ =	sdelay $0x1  }
0x8a: {  	s1 =	srdreg.scid  }
0x8b: {  	s0 =	sand.u32 $0x1, s1  }
0x8c: {  	s16 =	sshll.u32 s0, $0xA;
	s2 =	sadd.s32 s3, s2  }
0x8d: {  	s2 =	sadd.s32 s2, s16  }
0x8e: {  	[smem:$0x3FC0] =	sst s2  }
0x8f: {  	_ = 	snop  }
0x90: {  	(tm) =	ssettm $0x1  }
0x91: {  	s17 =	sld [smem:$0x3FFB];
	_ =	sdelay $0x3  }
0x92: {  	_ =	strace s17  }
0x93: {  	s2 =	sld [smem:$0x3FFC];
	_ =	sdelay $0x3  }
0x94: {  	_ =	strace s2  }
0x95: {  	s2 =	sld [smem:$0x3FFD];
	_ =	sdelay $0x3  }
0x96: {  	_ =	strace s2  }
0x97: {  	_ =	strace $0x8FFFFFFF  }
0x98: {  	s18 =	sld [smem:$0x3FDB];
	_ =	sdelay $0x1  }
0x99: {  	s19 =	simm.s32 $_scs_section_size  }
0x9a: {  	s4 =	simm.s32 $_size__tile_overlayer_lowered;
	s5 =	simm.s32 $_tile_overlayer_lowered  }
0x9b: {  	s22 =	simm.s32 $0x1BFF;
	s21 =	sshll.u32 s5, $0x1;
	s2 =	sadd.s32 s19, s18  }
0x9c: {  	s6 =	simm.s32 $0x0;
	s20 =	sshll.u32 s4, $0x1;
	s4 =	sadd.s32 s21, s2  }
0x9d: {  	[timem:s6], [sflag:s22] =	dma.local [hbm:s4], s20  }
0x9e: {  	_ =	swait.ge [sflag:s22], s20  }
0x9f: {  	s3 =	ssub.s32 $0x0, s20;
	[sflag:s22] =	ssyncset.done $0x0  }
0xa0: {  	[sflag:s22] =	ssyncadd.s32 s3;
	_ =	sdelay $0x1  }
0xa1: {  	s23 =	simm.s32 $0x1B8B  }
0xa2: {  	_ =	swait.ge [sflag:s23], $0x1  }
0xa3: {  	[sflag:s23] =	ssyncset.done $0x0  }
0xa4: {  	s25 =	simm.s32 $0x1B8E;
	s24 =	sld [smem:$0x3FFE];
	[sflag:s23] =	ssyncadd.s32 $0xFFFFFFFF  }
0xa5: {  	s26 =	simm.s32 $execute0_lowered;
	[smem:$0x3FD2] =	sst s25  }
0xa6: {  	s4 =	sshll.u32 s26, $0x1;
	_ =	strace $0x80000046;
	[dreg:$0x1] =	wrdreg $0xFFFFFFFF  }
0xa7: {  	s28 =	simm.s32 $_size_execute0_lowered;
	s2 =	sadd.s32 s2, s4;
	[dreg:$0x0] =	wrdreg $0x0  }
0xa8: {  	s4 =	sshll.u32 s28, $0x1;
	[dreg:$0x2] =	wrdreg s2  }
0xa9: {  	[dreg:$0x3] =	wrdreg s4  }
0xaa: {  	[dreg:$0x4] =	wrdreg $0xC0  }
0xab: {  	_ =	task [dreg:s6], $0x5FFFF  }
0xac: {  	[dreg:$0x1] =	wrdreg $0xFFFFFFFF  }
0xad: {  	[dreg:$0x0] =	wrdreg $0x60  }
0xae: {  	[dreg:$0x2] =	wrdreg s24  }
0xaf: {  	[dreg:$0x3] =	wrdreg $0x5800  }
0xb0: {  	[dreg:$0x4] =	wrdreg $0x9  }
0xb1: {  	_ =	task.clear_ibuf [dreg:s6], $0x5FFFF;
	_ =	strace $0x90000046  }
0xb2: {  	s29 =	simm.s32 $0x9;
	_ =	strace $0x80000048  }
0xb3: {  	_ =	swait.ge [sflag:s29], $0x1  }
0xb4: {  	[sflag:s29] =	ssyncadd.s32 $0xFFFFFFFF  }
0xb5: {  	_ =	strace $0x90000048  }
0xb6: {  	_ =	sfence  }
0xb7: {  	s30 =	sld [smem:$0x0];
	_ =	sdelay $0x2  }
0xb8: {  	s31 =	sshll.u32 s1, $0xD;
	s1 =	sshrl.u32 s1, $0x2  }
0xb9: {  	s3 =	sand.u32 $0x4000, s31;
	s1 =	sadd.s32 s1, s30  }
0xba: {  	s0 =	sor.u32 s3, s0;
	s1 =	sshll.u32 s1, $0x11  }
0xbb: {  	s0 =	sor.u32 s1, s0  }
0xbc: {  	s0 =	sadd.s32 $0x8F2B, s0  }
0xbd: {  	[sflag:s0] =	ssyncadd.remote.s32 $0x1  }
0xbe: {  	_ =	sfence.sel $0xFFFF  }
0xbf: {  	[dreg:$0x0] =	wrdreg $0xFFFFFFFF;
	(pc) =	sbr.abs _section_cstart, $3  }
0xc0: {  	[dreg:$0x1] =	wrdreg $0xFFFFFFFF  }
0xc1: {  	_ =	task.clear_ibuf [dreg:s6], $0x2FFFF;
	_ =	strace $0x9FFFFFFF  }
0xc2: {  	(tm) =	ssettm $0x7FFFFFFF  }
0xc3: {  	_ =	shalt  }
tec
execute0_lowered:
.L_overlay_start_1:
0x0: {  	(tag) =	ssettag $0x1  }
0x1: {  	s4 =	rddreg [dreg:$0x0]  }
0x2: {  	s1 =	rddreg [dreg:$0x1]  }
0x3: {  	s0 =	rddreg [dreg:$0x2];
	s2 =	simm.s32 $0x0  }
0x4: {  	s5 =	srdreg.scid;
	s3 =	stileid.u32;
	s16 =	simm.s32 $0x300  }
0x5: {  	s17 =	simm.s32 $0x4;
	s18 =	simm.s32 $0x1;
	s19 =	simm.s32 $0x280  }
0x6: {  	s20 =	simm.s32 $0x2;
	s21 =	simm.s32 $0x3;
	[smem:$0x7FF] =	sst s2  }
0x7: {  	s13 =	sadd.s32 $0x2C00, s4;
	s7 =	sand.u32 $0x1, s5;
	s22 =	smul.u32 $0x500, s3  }
0x8: {  	s6 =	sshrl.u32 s3, $0x2;
	s8 =	sshll.u32 s3, $0x8;
	s26 =	smul.u32 $0xA00, s3  }
0x9: {  	_ =	strace $0x80000047;
	s9 =	sshll.u32 s7, $0x7;
	s6 =	smul.u32 $0x13C00, s6  }
0xa: {  	s8 =	sand.u32 $0x300, s8;
	s10 =	ssub.s32 $0x2, s7;
	p0 =	seq.s32 s7, $0x0  }
0xb: {  	s5 =	sor.u32 s9, s22;
	s8 =	sor.u32 s9, s8;
	s23 =	sshrl.u32 s10, $0x1  }
0xc: {  	s22 =	simm.s32 $0x200;
	s5 =	sshrl.u32 s5, $0x3;
	s11 =	sor.u32 s6, s8  }
0xd: {  	s10 =	ssub.s32 s10, s23;
	s8 =	sshrl.u32 s26, $0x2;
	s23 =	simm.s32 $0x10  }
0xe: {  	s26 =	simm.s32 $0x0;
	s12 =	sadd.s32 s5, s4;
	s24 =	sadd.s32 $0x4F000, s11  }
0xf: {  	s25 =	sadd.s32 $0x4F400, s11;
	s6 =	sadd.s32 $0x4F800, s11;
	s28 =	sadd.s32 $0x62800, s11  }
0x10: {  	s7 =	sadd.s32 s8, s1;
	s10 =	smax.u32 s10, $0x1;
	s30 =	sadd.s32 $0x50400, s11  }
0x11: {  	s14 =	sadd.s32 $0x50000, s11;
	s15 =	sadd.s32 $0x4FC00, s11;
	s4 =	sshrl.u32 s24, $0x3  }
0x12: {  	s5 =	sshrl.u32 s25, $0x3;
	s6 =	sshrl.u32 s6, $0x3;
	s24 =	simm.f32 $1.000000000e+00  }
0x13: {  	s29 =	sshrl.u32 s28, $0x3;
	s9 =	sadd.s32 $0x16800, s12;
	s12 =	sshrl.u32 s30, $0x3  }
0x14: {  	s14 =	sshrl.u32 s14, $0x3;
	s31 =	sshrl.u32 s15, $0x3;
	s15 =	simm.s32 $0x100  }
0x15: {  	s25 =	sshll.u32 s3, $0x6;
	s4 =	sadd.s32 s13, s4;
	s5 =	sadd.s32 s13, s5  }
0x16: {  	s6 =	sadd.s32 s13, s6;
	s24 =	simm.s32 @!p0 $0x0;
	s8 =	sadd.s32 s13, s29  }
0x17: {  	s11 =	sadd.s32 s12, s13;
	s12 =	sadd.s32 s14, s13;
	s13 =	sadd.s32 s31, s13  }
0x18: {  	v1 =	vimm.f32 $1.000000000e+00;
	s14 =	simm.s32 $0x80;
	v0 =	vmov s24;
	s24 =	sor.u32 $0x1C04, s25;
	s25 =	simm.s32 $0x20  }
.LBB2_1:
0x19: {  	[tilespmem:s2], [sflag:$0x1] =	stream.linear.gather [hbm4b:s4+s2], $0x80, $0x38;
	[tilespmem:$0x800] =	vst v63  }
0x1a: {  	_ = 	snop  }
0x1b: {  	[tilespmem:s14], [sflag:$0x2] =	stream.linear.gather [hbm4b:s5+s2], $0x80, $0x38;
	[tilespmem:$0x800] =	vst v63  }
0x1c: {  	_ = 	snop  }
0x1d: {  	[tilespmem:s15], [sflag:$0x3] =	stream.linear.gather [hbm4b:s6+s2], $0x80, $0x38;
	[tilespmem:$0x800] =	vst v63  }
0x1e: {  	[tilespmem:$0x280] =	vst v1  }
0x1f: {  	[tilespmem:$0x290] =	vst v1  }
0x20: {  	[tilespmem:$0x2A0] =	vst v1  }
0x21: {  	[tilespmem:$0x2B0] =	vst v1  }
0x22: {  	[tilespmem:$0x2C0] =	vst v1  }
0x23: {  	[tilespmem:$0x2D0] =	vst v1  }
0x24: {  	[tilespmem:$0x2E0] =	vst v1  }
0x25: {  	[tilespmem:$0x2F0] =	vst v1  }
0x26: {  	[tilespmem:$0x300] =	vst v0  }
0x27: {  	[tilespmem:$0x310] =	vst v0  }
0x28: {  	[tilespmem:$0x320] =	vst v0  }
0x29: {  	[tilespmem:$0x330] =	vst v0  }
0x2a: {  	[tilespmem:$0x340] =	vst v0  }
0x2b: {  	[tilespmem:$0x350] =	vst v0  }
0x2c: {  	[tilespmem:$0x360] =	vst v0  }
0x2d: {  	[tilespmem:$0x370] =	vst v0  }
0x2e: {  	[tilespmem:$0x380] =	vst v0  }
0x2f: {  	[tilespmem:$0x390] =	vst v0  }
0x30: {  	[tilespmem:$0x3A0] =	vst v0  }
0x31: {  	[tilespmem:$0x3B0] =	vst v0  }
0x32: {  	[tilespmem:$0x3C0] =	vst v0  }
0x33: {  	[tilespmem:$0x3D0] =	vst v0  }
0x34: {  	[tilespmem:$0x3E0] =	vst v0  }
0x35: {  	[tilespmem:$0x3F0] =	vst v0  }
0x36: {  	[tilespmem:$0x400] =	vst v0  }
0x37: {  	[tilespmem:$0x410] =	vst v0  }
0x38: {  	[tilespmem:$0x420] =	vst v0  }
0x39: {  	[tilespmem:$0x430] =	vst v0  }
0x3a: {  	[tilespmem:$0x440] =	vst v0  }
0x3b: {  	[tilespmem:$0x450] =	vst v0  }
0x3c: {  	[tilespmem:$0x460] =	vst v0  }
0x3d: {  	[tilespmem:$0x470] =	vst v0  }
0x3e: {  	[tilespmem:$0x480] =	vst v0  }
0x3f: {  	[tilespmem:$0x490] =	vst v0  }
0x40: {  	[tilespmem:$0x4A0] =	vst v0  }
0x41: {  	[tilespmem:$0x4B0] =	vst v0  }
0x42: {  	[tilespmem:$0x4C0] =	vst v0  }
0x43: {  	[tilespmem:$0x4D0] =	vst v0  }
0x44: {  	[tilespmem:$0x4E0] =	vst v0  }
0x45: {  	[tilespmem:$0x4F0] =	vst v0  }
0x46: {  	[tilespmem:$0x500] =	vst v0  }
0x47: {  	[tilespmem:$0x510] =	vst v0  }
0x48: {  	[tilespmem:$0x520] =	vst v0  }
0x49: {  	[tilespmem:$0x530] =	vst v0  }
0x4a: {  	[tilespmem:$0x540] =	vst v0  }
0x4b: {  	[tilespmem:$0x550] =	vst v0  }
0x4c: {  	[tilespmem:$0x560] =	vst v0  }
0x4d: {  	[tilespmem:$0x570] =	vst v0  }
0x4e: {  	[spmem:s7] =	stream.linear.scatter [tilespmem:s16], [sflag:$0x4], $0x280, $0x38;
	[tilespmem:$0x800] =	vst v63  }
0x4f: {  	_ =	swait.ge [sflag:s17], $0x280  }
0x50: {  	[sflag:s17] =	ssyncset.done $0x0  }
0x51: {  	[sflag:s17] =	ssyncadd.s32 $0xFFFFFD80  }
0x52: {  	[bflag:$0x0] =	sbarrier.arrive $0xFFFF  }
0x53: {  	_ =	swait.ge [sflag:s18], $0x80  }
0x54: {  	[sflag:s18] =	ssyncset.done $0x0  }
0x55: {  	[sflag:s18] =	ssyncadd.s32 $0xFFFFFF80  }
0x56: {  	[spmem:s1] =	stream.indirect.scatter.add.f32 [tilespmem:s19], [sflag:$0x4], $0x1, s2, s14, $0xb8;
	[tilespmem:$0x800] =	vst v63  }
0x57: {  	_ =	swait.ge [sflag:s17], $0x80  }
0x58: {  	[sflag:s17] =	ssyncset.done $0x0  }
0x59: {  	s28 =	sadd.s32 $0x0, s13;
	[sflag:s17] =	ssyncadd.s32 $0xFFFFFF80  }
0x5a: {  	[tilespmem:s2], [sflag:$0x1] =	stream.linear.gather [hbm4b:s28+s2], $0x80, $0x38;
	[tilespmem:$0x800] =	vst v63  }
0x5b: {  	_ =	swait.ge [sflag:s20], $0x80  }
0x5c: {  	[sflag:s20] =	ssyncset.done $0x0  }
0x5d: {  	[sflag:s20] =	ssyncadd.s32 $0xFFFFFF80  }
0x5e: {  	[spmem:s1] =	stream.indirect.scatter.add.f32 [tilespmem:s19], [sflag:$0x4], $0x1, s14, s14, $0xb8;
	[tilespmem:$0x800] =	vst v63  }
0x5f: {  	_ =	swait.ge [sflag:s17], $0x80  }
0x60: {  	[sflag:s17] =	ssyncset.done $0x0  }
0x61: {  	s28 =	sadd.s32 $0x0, s12;
	[sflag:s17] =	ssyncadd.s32 $0xFFFFFF80  }
0x62: {  	[tilespmem:s14], [sflag:$0x2] =	stream.linear.gather [hbm4b:s28+s2], $0x80, $0x38;
	[tilespmem:$0x800] =	vst v63  }
0x63: {  	_ =	swait.ge [sflag:s21], $0x80  }
0x64: {  	[sflag:s21] =	ssyncset.done $0x0  }
0x65: {  	[sflag:s21] =	ssyncadd.s32 $0xFFFFFF80  }
0x66: {  	[spmem:s1] =	stream.indirect.scatter.add.f32 [tilespmem:s19], [sflag:$0x4], $0x1, s15, s14, $0xb8;
	[tilespmem:$0x800] =	vst v63  }
0x67: {  	_ =	swait.ge [sflag:s17], $0x80  }
0x68: {  	[sflag:s17] =	ssyncset.done $0x0  }
0x69: {  	s29 =	sadd.s32 $0x0, s11;
	s28 =	simm.s32 $0x180;
	[sflag:s17] =	ssyncadd.s32 $0xFFFFFF80  }
.LBB2_2:
0x6a: {  	[tilespmem:s15], [sflag:$0x3] =	stream.linear.gather [hbm4b:s29+s2], $0x80, $0x38;
	[tilespmem:$0x800] =	vst v63  }
0x6b: {  	s29 =	smov.u32 s28  }
0x6c: {  	p0 =	sne.s32 s28, $0x2400;
	s28 =	sadd.s32 $0x180, s28;
	_ =	swait.ge [sflag:s18], $0x80  }
0x6d: {  	[sflag:s18] =	ssyncset.done $0x0  }
0x6e: {  	[sflag:s18] =	ssyncadd.s32 $0xFFFFFF80  }
0x6f: {  	[spmem:s1] =	stream.indirect.scatter.add.f32 [tilespmem:s19], [sflag:$0x4], $0x1, s2, s14, $0xb8;
	[tilespmem:$0x800] =	vst v63  }
0x70: {  	_ =	swait.ge [sflag:s17], $0x80  }
0x71: {  	[sflag:s17] =	ssyncset.done $0x0  }
0x72: {  	s30 =	sadd.s32 s29, s13;
	[sflag:s17] =	ssyncadd.s32 $0xFFFFFF80  }
0x73: {  	[tilespmem:s2], [sflag:$0x1] =	stream.linear.gather [hbm4b:s30+s2], $0x80, $0x38;
	[tilespmem:$0x800] =	vst v63  }
0x74: {  	_ =	swait.ge [sflag:s20], $0x80  }
0x75: {  	[sflag:s20] =	ssyncset.done $0x0  }
0x76: {  	[sflag:s20] =	ssyncadd.s32 $0xFFFFFF80  }
0x77: {  	[spmem:s1] =	stream.indirect.scatter.add.f32 [tilespmem:s19], [sflag:$0x4], $0x1, s14, s14, $0xb8;
	[tilespmem:$0x800] =	vst v63  }
0x78: {  	_ =	swait.ge [sflag:s17], $0x80  }
0x79: {  	[sflag:s17] =	ssyncset.done $0x0  }
0x7a: {  	s30 =	sadd.s32 s29, s12;
	[sflag:s17] =	ssyncadd.s32 $0xFFFFFF80  }
0x7b: {  	[tilespmem:s14], [sflag:$0x2] =	stream.linear.gather [hbm4b:s30+s2], $0x80, $0x38;
	[tilespmem:$0x800] =	vst v63  }
0x7c: {  	_ =	swait.ge [sflag:s21], $0x80  }
0x7d: {  	[sflag:s21] =	ssyncset.done $0x0  }
.Ltmp0:
0x7e: {  	[sflag:s21] =	ssyncadd.s32 $0xFFFFFF80;
	(pc) =	sbr.rel @p0 .LBB2_2-.Ltmp0, $4  }
0x7f: {  	[spmem:s1] =	stream.indirect.scatter.add.f32 [tilespmem:s19], [sflag:$0x4], $0x1, s15, s14, $0xb8;
	[tilespmem:$0x800] =	vst v63  }
0x80: {  	_ =	swait.ge [sflag:s17], $0x80  }
0x81: {  	[sflag:s17] =	ssyncset.done $0x0  }
0x82: {  	s29 =	sadd.s32 s29, s11;
	[sflag:s17] =	ssyncadd.s32 $0xFFFFFF80  }
0x83: {  	[tilespmem:s15], [sflag:$0x3] =	stream.linear.gather [hbm4b:s29+s2], $0x80, $0x38;
	[tilespmem:$0x800] =	vst v63  }
0x84: {  	_ =	swait.ge [sflag:s18], $0x80  }
0x85: {  	[sflag:s18] =	ssyncset.done $0x0  }
0x86: {  	[sflag:s18] =	ssyncadd.s32 $0xFFFFFF80  }
0x87: {  	[spmem:s1] =	stream.indirect.scatter.add.f32 [tilespmem:s19], [sflag:$0x4], $0x1, s2, s14, $0xb8;
	[tilespmem:$0x800] =	vst v63  }
0x88: {  	_ =	swait.ge [sflag:s17], $0x80  }
0x89: {  	[sflag:s17] =	ssyncset.done $0x0  }
0x8a: {  	[sflag:s17] =	ssyncadd.s32 $0xFFFFFF80  }
0x8b: {  	_ =	swait.ge [sflag:s20], $0x80  }
0x8c: {  	[sflag:s20] =	ssyncset.done $0x0  }
0x8d: {  	[sflag:s20] =	ssyncadd.s32 $0xFFFFFF80  }
0x8e: {  	[spmem:s1] =	stream.indirect.scatter.add.f32 [tilespmem:s19], [sflag:$0x4], $0x1, s14, s14, $0xb8;
	[tilespmem:$0x800] =	vst v63  }
0x8f: {  	_ =	swait.ge [sflag:s17], $0x80  }
0x90: {  	[sflag:s17] =	ssyncset.done $0x0  }
0x91: {  	[sflag:s17] =	ssyncadd.s32 $0xFFFFFF80  }
0x92: {  	_ =	swait.ge [sflag:s21], $0x80  }
0x93: {  	[sflag:s21] =	ssyncset.done $0x0  }
0x94: {  	[sflag:s21] =	ssyncadd.s32 $0xFFFFFF80  }
0x95: {  	[spmem:s1] =	stream.indirect.scatter.add.f32 [tilespmem:s19], [sflag:$0x4], $0x1, s15, s14, $0xb8;
	[tilespmem:$0x800] =	vst v63  }
0x96: {  	_ =	swait.ge [sflag:s17], $0x80  }
0x97: {  	[sflag:s17] =	ssyncset.done $0x0  }
0x98: {  	[sflag:s17] =	ssyncadd.s32 $0xFFFFFF80  }
0x99: {  	[tilespmem:s22], [sflag:$0x4] =	stream.linear.gather [hbm4b:s8+s2], $0x80, $0x38;
	[tilespmem:$0x800] =	vst v63  }
0x9a: {  	_ =	swait.ge [sflag:s17], $0x80  }
0x9b: {  	[sflag:s17] =	ssyncset.done $0x0  }
0x9c: {  	[sflag:s17] =	ssyncadd.s32 $0xFFFFFF80  }
0x9d: {  	[spmem:s1] =	stream.indirect.scatter.add.f32 [tilespmem:s19], [sflag:$0x4], $0x1, s22, s23, $0xb8;
	[tilespmem:$0x800] =	vst v63  }
0x9e: {  	_ =	swait.ge [sflag:s17], $0x10  }
0x9f: {  	s26 =	sadd.s32 $0x1, s26;
	[sflag:s17] =	ssyncset.done $0x0  }
0xa0: {  	p0 =	sne.s32 s26, s10;
	[sflag:s17] =	ssyncadd.s32 $0xFFFFFFF0  }
.Ltmp1:
0xa1: {  	s28 =	sshrl.u32 s7, $0x3;
	[bflag:$0x0] =	sbarrier.arrive $0xFFFF;
	(pc) =	sbr.rel @p0 .LBB2_1-.Ltmp1, $4  }
0xa2: {  	[hbm:s9@s25], [sflag:s24] =	dma.strided [spmem:s28@s23], $0x50, s18, $0x10   }
0xa3: {  	_ =	swait.ge [sflag:s17], $0x50  }
0xa4: {  	[sflag:s17] =	ssyncset.done $0x0  }
0xa5: {  	[sflag:s17] =	ssyncadd.s32 $0xFFFFFFB0  }
0xa6: {  	_ =	sfence.sel $0x180000  }
0xa7: {  	[bflag:$0x0] =	sbarrier.arrive $0xFFFF  }
0xa8: {  	p0 =	sne.s32 s3, $0x0;
	_ =	strace $0x90000047  }
0xa9: {  	s0 =	sadd.s32 @!p0 $0x100000, s0;
	[bflag:$0x2] =	sbarrier.arrive $0xFFFF  }
0xaa: {  	[sflag:s0] =	ssyncadd.tile.s32 @!p0 $0x1;
	_ =	shalt  }
.Lfunc_end2:
_tile_overlayer_lowered:
.L_overlay_start_2:
0xab: {  	(tag) =	ssettag $0x2  }
0xac: {  	s0 =	rddreg [dreg:$0x0];
	s2 =	stileid.u32  }
0xad: {  	s1 =	rddreg [dreg:$0x1];
	p0 =	sne.s32 s2, $0x0  }
0xae: {  	s3 =	rddreg [dreg:$0x2];
	[bflag:$0x3] =	sbarrier.arrive $0xFFFF;
	s2 =	simm.s32 @!p0 $0x1C04  }
0xaf: {  	[timem:s3], [sflag:s2] =	dma.local @!p0 [hbm:s0], s1  }
0xb0: {  	s0 =	simm.s32 @!p0 $0x4  }
0xb1: {  	_ =	swait.ge @!p0 [sflag:s0], s1  }
0xb2: {  	s1 =	ssub.s32 @!p0 $0x0, s1;
	[sflag:s0] =	ssyncset.done @!p0 $0x0  }
0xb3: {  	[sflag:s0] =	ssyncadd.s32 @!p0 s1  }
0xb4: {  	[bflag:$0x3] =	sbarrier.arrive $0xFFFF  }
0xb5: {  	_ =	shalt  }

</sc_bundles>
